<compile_context>
chip_gen: v7x
topology: tpu7x:2x2x1
jax: 0.10.2.dev20260603
libtpu: 0.0.44.dev20260713+nightly
codegen_flags: <defaults>
</compile_context>

<pallas_src>
import functools

import jax
import jax.numpy as jnp
from jax import lax
from jax.experimental import pallas as pl
from jax.experimental.pallas import tpu as pltpu
from jax.experimental.pallas import tpu_sc as plsc

EMBED = 64
PLOT_DIM = 384
HIDDEN = 128


def _sc_counts():
    try:
        info = plsc.get_sparse_core_info()
        return int(info.num_cores), int(info.num_subcores)
    except Exception:
        return 2, 16


def _make_gather(batch):
    NC, NS = _sc_counts()
    NW = NC * NS
    b_per_w = batch // NW

    mesh = plsc.VectorSubcoreMesh(core_axis_name="c", subcore_axis_name="s")

    @functools.partial(
        pl.kernel,
        out_type=jax.ShapeDtypeStruct((EMBED, batch), jnp.float32),
        mesh=mesh,
        compiler_params=pltpu.CompilerParams(needs_layout_passes=False),
        scratch_types=[
            pltpu.VMEM((b_per_w,), jnp.int32),
            pltpu.VMEM((8, EMBED, 128), jnp.float32),
            pltpu.VMEM((EMBED, 128), jnp.float32),
            pltpu.SemaphoreType.DMA,
            pltpu.SemaphoreType.DMA,
            pltpu.SemaphoreType.DMA,
            pltpu.SemaphoreType.DMA,
            pltpu.SemaphoreType.DMA,
            pltpu.SemaphoreType.DMA,
            pltpu.SemaphoreType.DMA,
            pltpu.SemaphoreType.DMA,
        ],
    )
    def gather1(idx_hbm, tT_hbm, out, idx_v, ring, stage,
                s0, s1, s2, s3, s4, s5, s6, s7):
        wid = lax.axis_index("s") * NC + lax.axis_index("c")
        base = wid * b_per_w
        i16 = lax.iota(jnp.int32, 16)
        sems = (s0, s1, s2, s3, s4, s5, s6, s7)

        pltpu.sync_copy(idx_hbm.at[pl.ds(base, b_per_w)], idx_v)

        def lane(v, j):
            return jnp.squeeze(lax.slice(v, (j,), (j + 1,)))

        def fetch(i, slot):
            q = pl.multiple_of((i >> 7) << 7, 128)
            pltpu.make_async_copy(
                tT_hbm.at[:, pl.ds(q, 128)], ring.at[slot],
                sems[slot]).start()

        v0 = idx_v[pl.ds(0, 16)]
        for j in range(8):
            fetch(lane(v0, j), j)

        @pl.loop(0, b_per_w // 16)
        def _(g):
            v = idx_v[pl.ds(g * 16, 16)]
            for j in range(16):
                r = g * 16 + j
                slot = j % 8
                if j == 8:
                    vn_off = jnp.where(g + 1 < b_per_w // 16,
                                       (g + 1) * 16, 0)
                    v = idx_v[pl.ds(vn_off, 16)]
                iv = idx_v[pl.ds(g * 16, 16)]
                i = lane(iv, j)
                pltpu.make_async_copy(
                    tT_hbm.at[:, pl.ds(0, 128)], ring.at[slot],
                    sems[slot]).wait()
                c_vec = jnp.zeros((16,), jnp.int32) + (i & 127)
                col_vec = jnp.zeros((16,), jnp.int32) + (r & 127)
                slot_vec = jnp.full((16,), slot, jnp.int32)
                for q4 in range(EMBED // 16):
                    e_vec = q4 * 16 + i16
                    vals = plsc.load_gather(
                        ring, [slot_vec, e_vec, c_vec])
                    plsc.store_scatter(stage, [e_vec, col_vec], vals)

                nxt = lane(v, j - 8 if j >= 8 else j + 8)

                @pl.when(r + 8 < b_per_w)
                def _():
                    fetch(nxt, slot)

            @pl.when((g & 7) == 7)
            def _():
                off = pl.multiple_of((g >> 3) << 7, 128)
                pltpu.sync_copy(stage, out.at[:, pl.ds(base + off, 128)])

    return gather1


def _mlp_body(ue_ref, me_ref, plot_ref, w1_ref, b1_ref, w2r_ref, b2_ref,
              out_ref):
    dn = (((0,), (0,)), ((), ()))
    x = lax.dot_general(ue_ref[...], w1_ref[0:EMBED, :], dn,
                        preferred_element_type=jnp.float32)
    x += lax.dot_general(me_ref[...], w1_ref[EMBED:2 * EMBED, :], dn,
                         preferred_element_type=jnp.float32)
    x += jnp.dot(plot_ref[...], w1_ref[2 * EMBED:, :],
                 preferred_element_type=jnp.float32)
    x = jnp.maximum(x + b1_ref[...], 0.0)
    out_ref[...] = (jnp.sum(x * w2r_ref[...], axis=1, keepdims=True)
                    + b2_ref[...])


def _make_mlp(batch, blk):
    grid = batch // blk
    in_dim = 2 * EMBED + PLOT_DIM
    return pl.pallas_call(
        _mlp_body,
        grid=(grid,),
        in_specs=[
            pl.BlockSpec((EMBED, blk), lambda i: (0, i)),
            pl.BlockSpec((EMBED, blk), lambda i: (0, i)),
            pl.BlockSpec((blk, PLOT_DIM), lambda i: (i, 0)),
            pl.BlockSpec((in_dim, HIDDEN), lambda i: (0, 0)),
            pl.BlockSpec((1, HIDDEN), lambda i: (0, 0)),
            pl.BlockSpec((1, HIDDEN), lambda i: (0, 0)),
            pl.BlockSpec((1, 1), lambda i: (0, 0)),
        ],
        out_specs=pl.BlockSpec((blk, 1), lambda i: (i, 0)),
        out_shape=jax.ShapeDtypeStruct((batch, 1), jnp.float32),
    )


@jax.jit
def kernel(users, movies, plot_embeddings, user_table, movie_table,
           W1, b1, W2, b2):
    batch = users.shape[0]
    users = users.astype(jnp.int32)
    movies = movies.astype(jnp.int32)
    gather = _make_gather(batch)
    ue = gather(users, user_table.T)
    me = gather(movies, movie_table.T)
    mlp = _make_mlp(batch, 2048)
    return mlp(ue, me, plot_embeddings,
               W1, b1.reshape(1, HIDDEN), W2.reshape(1, HIDDEN),
               b2.reshape(1, 1))

# --- scband reference (transcript-rebuilt; emitter-appended) ---
"""Pipeline reference for scband-recommender-model-42322607735003 (READ-ONLY COPY).

The authoritative reference and input builder live on the scoring server;
editing this copy changes nothing except your own understanding.
"""

import jax, jax.numpy as jnp
import numpy as np

NUM_USERS = 1000000
NUM_MOVIES = 1000000
EMBED = 64
HIDDEN = 128
BATCH = 16384
PLOT_DIM = 384


def setup_inputs(seed: int = 0) -> dict:
    key = jax.random.key(seed)
    ks = jax.random.split(key, 10)
    users = jax.random.randint(ks[0], (BATCH,), 0, NUM_USERS, dtype=jnp.int64 if jax.config.jax_enable_x64 else jnp.int32)
    movies = jax.random.randint(ks[1], (BATCH,), 0, NUM_MOVIES, dtype=jnp.int64 if jax.config.jax_enable_x64 else jnp.int32)
    plot_embeddings = jax.random.normal(ks[2], (BATCH, PLOT_DIM), dtype=jnp.float32)
    user_table = jax.random.normal(ks[3], (NUM_USERS, EMBED), dtype=jnp.float32) * 0.02
    movie_table = jax.random.normal(ks[4], (NUM_MOVIES, EMBED), dtype=jnp.float32) * 0.02
    in_dim = 2 * EMBED + PLOT_DIM
    W1 = jax.random.normal(ks[5], (in_dim, HIDDEN), dtype=jnp.float32) * (1.0 / np.sqrt(in_dim))
    b1 = jnp.zeros((HIDDEN,), dtype=jnp.float32)
    W2 = jax.random.normal(ks[6], (HIDDEN, 1), dtype=jnp.float32) * (1.0 / np.sqrt(HIDDEN))
    b2 = jnp.zeros((1,), dtype=jnp.float32)
    return {"users": users, "movies": movies, "plot_embeddings": plot_embeddings,
            "user_table": user_table, "movie_table": movie_table,
            "W1": W1, "b1": b1, "W2": W2, "b2": b2}


def reference(users, movies, plot_embeddings, user_table, movie_table, W1, b1, W2, b2):
    user_embedded = jnp.take(user_table, users, axis=0)
    movie_embedded = jnp.take(movie_table, movies, axis=0)
    movie_combined = jnp.concatenate([movie_embedded, plot_embeddings], axis=1)
    combined = jnp.concatenate([user_embedded, movie_combined], axis=1)
    x = jax.nn.relu(combined @ W1 + b1)
    # dropout is identity in eval mode
    output = x @ W2 + b2
    return output

if __name__ == "__main__":
    import jax
    _d = setup_inputs()
    print(jax.jit(kernel)(*tuple(_d.values())))

</pallas_src>

<mosaic_0001>
#map = affine_map<(d0, d1) -> (0)>
#map1 = affine_map<(d0, d1) -> (0, 0)>
module attributes {stable_mosaic.version = 14 : i64} {
  func.func @gather1(%arg0: i32, %arg1: i32, %arg2: memref<16384xi32, #tpu.memory_space<hbm>>, %arg3: memref<64x1000000xf32, #tpu.memory_space<hbm>>, %arg4: memref<64x16384xf32, #tpu.memory_space<hbm>>, %arg5: memref<512xi32, #tpu.memory_space<vmem>>, %arg6: memref<8x64x128xf32, #tpu.memory_space<vmem>>, %arg7: memref<64x128xf32, #tpu.memory_space<vmem>>, %arg8: memref<!tpu.dma_semaphore, #tpu.memory_space<semaphore_mem>>, %arg9: memref<!tpu.dma_semaphore, #tpu.memory_space<semaphore_mem>>, %arg10: memref<!tpu.dma_semaphore, #tpu.memory_space<semaphore_mem>>, %arg11: memref<!tpu.dma_semaphore, #tpu.memory_space<semaphore_mem>>, %arg12: memref<!tpu.dma_semaphore, #tpu.memory_space<semaphore_mem>>, %arg13: memref<!tpu.dma_semaphore, #tpu.memory_space<semaphore_mem>>, %arg14: memref<!tpu.dma_semaphore, #tpu.memory_space<semaphore_mem>>, %arg15: memref<!tpu.dma_semaphore, #tpu.memory_space<semaphore_mem>>) attributes {dimension_semantics = [#tpu.dimension_semantics<core_parallel>, #tpu.dimension_semantics<subcore_parallel>], iteration_bounds = array<i64: 2, 16>, scalar_prefetch = 0 : i64, scratch_operands = 11 : i64, tpu.core_type = #tpu.core_type<sc_vector_subcore>, window_params = [{transform_indices = #map}, {transform_indices = #map1}, {transform_indices = #map1}]} {
    %mul3A = arith.constant 2 : i32
    %mul3A_0 = arith.muli %arg1, %mul3A : i32
    %add3A = arith.addi %mul3A_0, %arg0 : i32
    %mul3A_1 = arith.constant 512 : i32
    %mul3A_2 = arith.muli %add3A, %mul3A_1 : i32
    %iota3A = tpu.iota {dimensions = array<i32: 0>} : vector<16xi32>
    "tpu.region"() ({
      %run_scoped3A = tpu.sem_alloc : memref<!tpu.dma_semaphore, #tpu.memory_space<semaphore_mem>>
      %dma_start3A_162 = tpu.memref_slice %arg2[%mul3A_2] : memref<16384xi32, #tpu.memory_space<hbm>> -> memref<512xi32, #tpu.memory_space<hbm>>
      %dma_start3A_163 = tpu.memref_slice %arg2[%mul3A_2] : memref<16384xi32, #tpu.memory_space<hbm>> -> memref<512xi32, #tpu.memory_space<hbm>>
      tpu.enqueue_dma source(%dma_start3A_163 : memref<512xi32, #tpu.memory_space<hbm>>) target(%arg5 : memref<512xi32, #tpu.memory_space<vmem>>) target_semaphore(%run_scoped3A : memref<!tpu.dma_semaphore, #tpu.memory_space<semaphore_mem>>)
      %dma_wait3A = tpu.memref_slice %arg2[%mul3A_2] : memref<16384xi32, #tpu.memory_space<hbm>> -> memref<512xi32, #tpu.memory_space<hbm>>
      %dma_wait3A_164 = tpu.memref_slice %arg2[%mul3A_2] : memref<16384xi32, #tpu.memory_space<hbm>> -> memref<512xi32, #tpu.memory_space<hbm>>
      tpu.wait_dma2 semaphore(%run_scoped3A : memref<!tpu.dma_semaphore, #tpu.memory_space<semaphore_mem>>) src(%dma_wait3A_164 : memref<512xi32, #tpu.memory_space<hbm>>) dst(%arg5 : memref<512xi32, #tpu.memory_space<vmem>>)
      tpu.yield
    }) : () -> ()
    %get3A = arith.constant 0 : index
    %get3A_3 = tpu.vector_load %arg5[%get3A] {strides = array<i32>} : memref<512xi32, #tpu.memory_space<vmem>>, vector<16xi32>,
    %slice3A = vector.extract_strided_slice %get3A_3 {offsets = [0], sizes = [1], strides = [1]} : vector<16xi32> to vector<1xi32>
    %squeeze3A = vector.extract %slice3A[0] : i32 from vector<1xi32>
    %shift_right_arithmetic3A = arith.constant 7 : i32
    %shift_right_arithmetic3A_4 = arith.shrsi %squeeze3A, %shift_right_arithmetic3A : i32
    %shift_left3A = arith.constant 7 : i32
    %shift_left3A_5 = arith.shli %shift_right_arithmetic3A_4, %shift_left3A : i32
    %multiple_of3A = tpu.assume_multiple %shift_left3A_5, 128 : i32
    %dma_start3A = arith.constant 0 : i32
    %dma_start3A_6 = arith.constant 0 : i32
    %dma_start3A_7 = arith.constant 0 : i32
    %dma_start3A_8 = tpu.memref_slice %arg6[%dma_start3A, %dma_start3A_6, %dma_start3A_7] : memref<8x64x128xf32, #tpu.memory_space<vmem>> -> memref<1x64x128xf32, #tpu.memory_space<vmem>>
    %dma_start3A_9 = tpu.memref_squeeze %dma_start3A_8 : memref<1x64x128xf32, #tpu.memory_space<vmem>> -> memref<64x128xf32, #tpu.memory_space<vmem>>
    %dma_start3A_10 = arith.constant 0 : i32
    %dma_start3A_11 = tpu.memref_slice %arg3[%dma_start3A_10, %multiple_of3A] : memref<64x1000000xf32, #tpu.memory_space<hbm>> -> memref<64x128xf32, #tpu.memory_space<hbm>>
    %dma_start3A_12 = arith.constant 0 : i32
    %dma_start3A_13 = arith.constant 0 : i32
    %dma_start3A_14 = tpu.memref_slice %arg6[%dma_start3A, %dma_start3A_12, %dma_start3A_13] : memref<8x64x128xf32, #tpu.memory_space<vmem>> -> memref<1x64x128xf32, #tpu.memory_space<vmem>>
    %dma_start3A_15 = tpu.memref_squeeze %dma_start3A_14 : memref<1x64x128xf32, #tpu.memory_space<vmem>> -> memref<64x128xf32, #tpu.memory_space<vmem>>
    %dma_start3A_16 = arith.constant 0 : i32
    %dma_start3A_17 = tpu.memref_slice %arg3[%dma_start3A_16, %multiple_of3A] : memref<64x1000000xf32, #tpu.memory_space<hbm>> -> memref<64x128xf32, #tpu.memory_space<hbm>>
    tpu.enqueue_dma source(%dma_start3A_17 : memref<64x128xf32, #tpu.memory_space<hbm>>) target(%dma_start3A_15 : memref<64x128xf32, #tpu.memory_space<vmem>>) target_semaphore(%arg8 : memref<!tpu.dma_semaphore, #tpu.memory_space<semaphore_mem>>)
    %slice3A_18 = vector.extract_strided_slice %get3A_3 {offsets = [1], sizes = [1], strides = [1]} : vector<16xi32> to vector<1xi32>
    %squeeze3A_19 = vector.extract %slice3A_18[0] : i32 from vector<1xi32>
    %shift_right_arithmetic3A_20 = arith.constant 7 : i32
    %shift_right_arithmetic3A_21 = arith.shrsi %squeeze3A_19, %shift_right_arithmetic3A_20 : i32
    %shift_left3A_22 = arith.constant 7 : i32
    %shift_left3A_23 = arith.shli %shift_right_arithmetic3A_21, %shift_left3A_22 : i32
    %multiple_of3A_24 = tpu.assume_multiple %shift_left3A_23, 128 : i32
    %dma_start3A_25 = arith.constant 1 : i32
    %dma_start3A_26 = arith.constant 0 : i32
    %dma_start3A_27 = arith.constant 0 : i32
    %dma_start3A_28 = tpu.memref_slice %arg6[%dma_start3A_25, %dma_start3A_26, %dma_start3A_27] : memref<8x64x128xf32, #tpu.memory_space<vmem>> -> memref<1x64x128xf32, #tpu.memory_space<vmem>>
    %dma_start3A_29 = tpu.memref_squeeze %dma_start3A_28 : memref<1x64x128xf32, #tpu.memory_space<vmem>> -> memref<64x128xf32, #tpu.memory_space<vmem>>
    %dma_start3A_30 = arith.constant 0 : i32
    %dma_start3A_31 = tpu.memref_slice %arg3[%dma_start3A_30, %multiple_of3A_24] : memref<64x1000000xf32, #tpu.memory_space<hbm>> -> memref<64x128xf32, #tpu.memory_space<hbm>>
    %dma_start3A_32 = arith.constant 0 : i32
    %dma_start3A_33 = arith.constant 0 : i32
    %dma_start3A_34 = tpu.memref_slice %arg6[%dma_start3A_25, %dma_start3A_32, %dma_start3A_33] : memref<8x64x128xf32, #tpu.memory_space<vmem>> -> memref<1x64x128xf32, #tpu.memory_space<vmem>>
    %dma_start3A_35 = tpu.memref_squeeze %dma_start3A_34 : memref<1x64x128xf32, #tpu.memory_space<vmem>> -> memref<64x128xf32, #tpu.memory_space<vmem>>
    %dma_start3A_36 = arith.constant 0 : i32
    %dma_start3A_37 = tpu.memref_slice %arg3[%dma_start3A_36, %multiple_of3A_24] : memref<64x1000000xf32, #tpu.memory_space<hbm>> -> memref<64x128xf32, #tpu.memory_space<hbm>>
    tpu.enqueue_dma source(%dma_start3A_37 : memref<64x128xf32, #tpu.memory_space<hbm>>) target(%dma_start3A_35 : memref<64x128xf32, #tpu.memory_space<vmem>>) target_semaphore(%arg9 : memref<!tpu.dma_semaphore, #tpu.memory_space<semaphore_mem>>)
    %slice3A_38 = vector.extract_strided_slice %get3A_3 {offsets = [2], sizes = [1], strides = [1]} : vector<16xi32> to vector<1xi32>
    %squeeze3A_39 = vector.extract %slice3A_38[0] : i32 from vector<1xi32>
    %shift_right_arithmetic3A_40 = arith.constant 7 : i32
    %shift_right_arithmetic3A_41 = arith.shrsi %squeeze3A_39, %shift_right_arithmetic3A_40 : i32
    %shift_left3A_42 = arith.constant 7 : i32
    %shift_left3A_43 = arith.shli %shift_right_arithmetic3A_41, %shift_left3A_42 : i32
    %multiple_of3A_44 = tpu.assume_multiple %shift_left3A_43, 128 : i32
    %dma_start3A_45 = arith.constant 2 : i32
    %dma_start3A_46 = arith.constant 0 : i32
    %dma_start3A_47 = arith.constant 0 : i32
    %dma_start3A_48 = tpu.memref_slice %arg6[%dma_start3A_45, %dma_start3A_46, %dma_start3A_47] : memref<8x64x128xf32, #tpu.memory_space<vmem>> -> memref<1x64x128xf32, #tpu.memory_space<vmem>>
    %dma_start3A_49 = tpu.memref_squeeze %dma_start3A_48 : memref<1x64x128xf32, #tpu.memory_space<vmem>> -> memref<64x128xf32, #tpu.memory_space<vmem>>
    %dma_start3A_50 = arith.constant 0 : i32
    %dma_start3A_51 = tpu.memref_slice %arg3[%dma_start3A_50, %multiple_of3A_44] : memref<64x1000000xf32, #tpu.memory_space<hbm>> -> memref<64x128xf32, #tpu.memory_space<hbm>>
    %dma_start3A_52 = arith.constant 0 : i32
    %dma_start3A_53 = arith.constant 0 : i32
    %dma_start3A_54 = tpu.memref_slice %arg6[%dma_start3A_45, %dma_start3A_52, %dma_start3A_53] : memref<8x64x128xf32, #tpu.memory_space<vmem>> -> memref<1x64x128xf32, #tpu.memory_space<vmem>>
    %dma_start3A_55 = tpu.memref_squeeze %dma_start3A_54 : memref<1x64x128xf32, #tpu.memory_space<vmem>> -> memref<64x128xf32, #tpu.memory_space<vmem>>
    %dma_start3A_56 = arith.constant 0 : i32
    %dma_start3A_57 = tpu.memref_slice %arg3[%dma_start3A_56, %multiple_of3A_44] : memref<64x1000000xf32, #tpu.memory_space<hbm>> -> memref<64x128xf32, #tpu.memory_space<hbm>>
    tpu.enqueue_dma source(%dma_start3A_57 : memref<64x128xf32, #tpu.memory_space<hbm>>) target(%dma_start3A_55 : memref<64x128xf32, #tpu.memory_space<vmem>>) target_semaphore(%arg10 : memref<!tpu.dma_semaphore, #tpu.memory_space<semaphore_mem>>)
    %slice3A_58 = vector.extract_strided_slice %get3A_3 {offsets = [3], sizes = [1], strides = [1]} : vector<16xi32> to vector<1xi32>
    %squeeze3A_59 = vector.extract %slice3A_58[0] : i32 from vector<1xi32>
    %shift_right_arithmetic3A_60 = arith.constant 7 : i32
    %shift_right_arithmetic3A_61 = arith.shrsi %squeeze3A_59, %shift_right_arithmetic3A_60 : i32
    %shift_left3A_62 = arith.constant 7 : i32
    %shift_left3A_63 = arith.shli %shift_right_arithmetic3A_61, %shift_left3A_62 : i32
    %multiple_of3A_64 = tpu.assume_multiple %shift_left3A_63, 128 : i32
    %dma_start3A_65 = arith.constant 3 : i32
    %dma_start3A_66 = arith.constant 0 : i32
    %dma_start3A_67 = arith.constant 0 : i32
    %dma_start3A_68 = tpu.memref_slice %arg6[%dma_start3A_65, %dma_start3A_66, %dma_start3A_67] : memref<8x64x128xf32, #tpu.memory_space<vmem>> -> memref<1x64x128xf32, #tpu.memory_space<vmem>>
    %dma_start3A_69 = tpu.memref_squeeze %dma_start3A_68 : memref<1x64x128xf32, #tpu.memory_space<vmem>> -> memref<64x128xf32, #tpu.memory_space<vmem>>
    %dma_start3A_70 = arith.constant 0 : i32
    %dma_start3A_71 = tpu.memref_slice %arg3[%dma_start3A_70, %multiple_of3A_64] : memref<64x1000000xf32, #tpu.memory_space<hbm>> -> memref<64x128xf32, #tpu.memory_space<hbm>>
    %dma_start3A_72 = arith.constant 0 : i32
    %dma_start3A_73 = arith.constant 0 : i32
    %dma_start3A_74 = tpu.memref_slice %arg6[%dma_start3A_65, %dma_start3A_72, %dma_start3A_73] : memref<8x64x128xf32, #tpu.memory_space<vmem>> -> memref<1x64x128xf32, #tpu.memory_space<vmem>>
    %dma_start3A_75 = tpu.memref_squeeze %dma_start3A_74 : memref<1x64x128xf32, #tpu.memory_space<vmem>> -> memref<64x128xf32, #tpu.memory_space<vmem>>
    %dma_start3A_76 = arith.constant 0 : i32
    %dma_start3A_77 = tpu.memref_slice %arg3[%dma_start3A_76, %multiple_of3A_64] : memref<64x1000000xf32, #tpu.memory_space<hbm>> -> memref<64x128xf32, #tpu.memory_space<hbm>>
    tpu.enqueue_dma source(%dma_start3A_77 : memref<64x128xf32, #tpu.memory_space<hbm>>) target(%dma_start3A_75 : memref<64x128xf32, #tpu.memory_space<vmem>>) target_semaphore(%arg11 : memref<!tpu.dma_semaphore, #tpu.memory_space<semaphore_mem>>)
    %slice3A_78 = vector.extract_strided_slice %get3A_3 {offsets = [4], sizes = [1], strides = [1]} : vector<16xi32> to vector<1xi32>
    %squeeze3A_79 = vector.extract %slice3A_78[0] : i32 from vector<1xi32>
    %shift_right_arithmetic3A_80 = arith.constant 7 : i32
    %shift_right_arithmetic3A_81 = arith.shrsi %squeeze3A_79, %shift_right_arithmetic3A_80 : i32
    %shift_left3A_82 = arith.constant 7 : i32
    %shift_left3A_83 = arith.shli %shift_right_arithmetic3A_81, %shift_left3A_82 : i32
    %multiple_of3A_84 = tpu.assume_multiple %shift_left3A_83, 128 : i32
    %dma_start3A_85 = arith.constant 4 : i32
    %dma_start3A_86 = arith.constant 0 : i32
    %dma_start3A_87 = arith.constant 0 : i32
    %dma_start3A_88 = tpu.memref_slice %arg6[%dma_start3A_85, %dma_start3A_86, %dma_start3A_87] : memref<8x64x128xf32, #tpu.memory_space<vmem>> -> memref<1x64x128xf32, #tpu.memory_space<vmem>>
    %dma_start3A_89 = tpu.memref_squeeze %dma_start3A_88 : memref<1x64x128xf32, #tpu.memory_space<vmem>> -> memref<64x128xf32, #tpu.memory_space<vmem>>
    %dma_start3A_90 = arith.constant 0 : i32
    %dma_start3A_91 = tpu.memref_slice %arg3[%dma_start3A_90, %multiple_of3A_84] : memref<64x1000000xf32, #tpu.memory_space<hbm>> -> memref<64x128xf32, #tpu.memory_space<hbm>>
    %dma_start3A_92 = arith.constant 0 : i32
    %dma_start3A_93 = arith.constant 0 : i32
    %dma_start3A_94 = tpu.memref_slice %arg6[%dma_start3A_85, %dma_start3A_92, %dma_start3A_93] : memref<8x64x128xf32, #tpu.memory_space<vmem>> -> memref<1x64x128xf32, #tpu.memory_space<vmem>>
    %dma_start3A_95 = tpu.memref_squeeze %dma_start3A_94 : memref<1x64x128xf32, #tpu.memory_space<vmem>> -> memref<64x128xf32, #tpu.memory_space<vmem>>
    %dma_start3A_96 = arith.constant 0 : i32
    %dma_start3A_97 = tpu.memref_slice %arg3[%dma_start3A_96, %multiple_of3A_84] : memref<64x1000000xf32, #tpu.memory_space<hbm>> -> memref<64x128xf32, #tpu.memory_space<hbm>>
    tpu.enqueue_dma source(%dma_start3A_97 : memref<64x128xf32, #tpu.memory_space<hbm>>) target(%dma_start3A_95 : memref<64x128xf32, #tpu.memory_space<vmem>>) target_semaphore(%arg12 : memref<!tpu.dma_semaphore, #tpu.memory_space<semaphore_mem>>)
    %slice3A_98 = vector.extract_strided_slice %get3A_3 {offsets = [5], sizes = [1], strides = [1]} : vector<16xi32> to vector<1xi32>
    %squeeze3A_99 = vector.extract %slice3A_98[0] : i32 from vector<1xi32>
    %shift_right_arithmetic3A_100 = arith.constant 7 : i32
    %shift_right_arithmetic3A_101 = arith.shrsi %squeeze3A_99, %shift_right_arithmetic3A_100 : i32
    %shift_left3A_102 = arith.constant 7 : i32
    %shift_left3A_103 = arith.shli %shift_right_arithmetic3A_101, %shift_left3A_102 : i32
    %multiple_of3A_104 = tpu.assume_multiple %shift_left3A_103, 128 : i32
    %dma_start3A_105 = arith.constant 5 : i32
    %dma_start3A_106 = arith.constant 0 : i32
    %dma_start3A_107 = arith.constant 0 : i32
    %dma_start3A_108 = tpu.memref_slice %arg6[%dma_start3A_105, %dma_start3A_106, %dma_start3A_107] : memref<8x64x128xf32, #tpu.memory_space<vmem>> -> memref<1x64x128xf32, #tpu.memory_space<vmem>>
    %dma_start3A_109 = tpu.memref_squeeze %dma_start3A_108 : memref<1x64x128xf32, #tpu.memory_space<vmem>> -> memref<64x128xf32, #tpu.memory_space<vmem>>
    %dma_start3A_110 = arith.constant 0 : i32
    %dma_start3A_111 = tpu.memref_slice %arg3[%dma_start3A_110, %multiple_of3A_104] : memref<64x1000000xf32, #tpu.memory_space<hbm>> -> memref<64x128xf32, #tpu.memory_space<hbm>>
    %dma_start3A_112 = arith.constant 0 : i32
    %dma_start3A_113 = arith.constant 0 : i32
    %dma_start3A_114 = tpu.memref_slice %arg6[%dma_start3A_105, %dma_start3A_112, %dma_start3A_113] : memref<8x64x128xf32, #tpu.memory_space<vmem>> -> memref<1x64x128xf32, #tpu.memory_space<vmem>>
    %dma_start3A_115 = tpu.memref_squeeze %dma_start3A_114 : memref<1x64x128xf32, #tpu.memory_space<vmem>> -> memref<64x128xf32, #tpu.memory_space<vmem>>
    %dma_start3A_116 = arith.constant 0 : i32
    %dma_start3A_117 = tpu.memref_slice %arg3[%dma_start3A_116, %multiple_of3A_104] : memref<64x1000000xf32, #tpu.memory_space<hbm>> -> memref<64x128xf32, #tpu.memory_space<hbm>>
    tpu.enqueue_dma source(%dma_start3A_117 : memref<64x128xf32, #tpu.memory_space<hbm>>) target(%dma_start3A_115 : memref<64x128xf32, #tpu.memory_space<vmem>>) target_semaphore(%arg13 : memref<!tpu.dma_semaphore, #tpu.memory_space<semaphore_mem>>)
    %slice3A_118 = vector.extract_strided_slice %get3A_3 {offsets = [6], sizes = [1], strides = [1]} : vector<16xi32> to vector<1xi32>
    %squeeze3A_119 = vector.extract %slice3A_118[0] : i32 from vector<1xi32>
    %shift_right_arithmetic3A_120 = arith.constant 7 : i32
    %shift_right_arithmetic3A_121 = arith.shrsi %squeeze3A_119, %shift_right_arithmetic3A_120 : i32
    %shift_left3A_122 = arith.constant 7 : i32
    %shift_left3A_123 = arith.shli %shift_right_arithmetic3A_121, %shift_left3A_122 : i32
    %multiple_of3A_124 = tpu.assume_multiple %shift_left3A_123, 128 : i32
    %dma_start3A_125 = arith.constant 6 : i32
    %dma_start3A_126 = arith.constant 0 : i32
    %dma_start3A_127 = arith.constant 0 : i32
    %dma_start3A_128 = tpu.memref_slice %arg6[%dma_start3A_125, %dma_start3A_126, %dma_start3A_127] : memref<8x64x128xf32, #tpu.memory_space<vmem>> -> memref<1x64x128xf32, #tpu.memory_space<vmem>>
    %dma_start3A_129 = tpu.memref_squeeze %dma_start3A_128 : memref<1x64x128xf32, #tpu.memory_space<vmem>> -> memref<64x128xf32, #tpu.memory_space<vmem>>
    %dma_start3A_130 = arith.constant 0 : i32
    %dma_start3A_131 = tpu.memref_slice %arg3[%dma_start3A_130, %multiple_of3A_124] : memref<64x1000000xf32, #tpu.memory_space<hbm>> -> memref<64x128xf32, #tpu.memory_space<hbm>>
    %dma_start3A_132 = arith.constant 0 : i32
    %dma_start3A_133 = arith.constant 0 : i32
    %dma_start3A_134 = tpu.memref_slice %arg6[%dma_start3A_125, %dma_start3A_132, %dma_start3A_133] : memref<8x64x128xf32, #tpu.memory_space<vmem>> -> memref<1x64x128xf32, #tpu.memory_space<vmem>>
    %dma_start3A_135 = tpu.memref_squeeze %dma_start3A_134 : memref<1x64x128xf32, #tpu.memory_space<vmem>> -> memref<64x128xf32, #tpu.memory_space<vmem>>
    %dma_start3A_136 = arith.constant 0 : i32
    %dma_start3A_137 = tpu.memref_slice %arg3[%dma_start3A_136, %multiple_of3A_124] : memref<64x1000000xf32, #tpu.memory_space<hbm>> -> memref<64x128xf32, #tpu.memory_space<hbm>>
    tpu.enqueue_dma source(%dma_start3A_137 : memref<64x128xf32, #tpu.memory_space<hbm>>) target(%dma_start3A_135 : memref<64x128xf32, #tpu.memory_space<vmem>>) target_semaphore(%arg14 : memref<!tpu.dma_semaphore, #tpu.memory_space<semaphore_mem>>)
    %slice3A_138 = vector.extract_strided_slice %get3A_3 {offsets = [7], sizes = [1], strides = [1]} : vector<16xi32> to vector<1xi32>
    %squeeze3A_139 = vector.extract %slice3A_138[0] : i32 from vector<1xi32>
    %shift_right_arithmetic3A_140 = arith.constant 7 : i32
    %shift_right_arithmetic3A_141 = arith.shrsi %squeeze3A_139, %shift_right_arithmetic3A_140 : i32
    %shift_left3A_142 = arith.constant 7 : i32
    %shift_left3A_143 = arith.shli %shift_right_arithmetic3A_141, %shift_left3A_142 : i32
    %multiple_of3A_144 = tpu.assume_multiple %shift_left3A_143, 128 : i32
    %dma_start3A_145 = arith.constant 7 : i32
    %dma_start3A_146 = arith.constant 0 : i32
    %dma_start3A_147 = arith.constant 0 : i32
    %dma_start3A_148 = tpu.memref_slice %arg6[%dma_start3A_145, %dma_start3A_146, %dma_start3A_147] : memref<8x64x128xf32, #tpu.memory_space<vmem>> -> memref<1x64x128xf32, #tpu.memory_space<vmem>>
    %dma_start3A_149 = tpu.memref_squeeze %dma_start3A_148 : memref<1x64x128xf32, #tpu.memory_space<vmem>> -> memref<64x128xf32, #tpu.memory_space<vmem>>
    %dma_start3A_150 = arith.constant 0 : i32
    %dma_start3A_151 = tpu.memref_slice %arg3[%dma_start3A_150, %multiple_of3A_144] : memref<64x1000000xf32, #tpu.memory_space<hbm>> -> memref<64x128xf32, #tpu.memory_space<hbm>>
    %dma_start3A_152 = arith.constant 0 : i32
    %dma_start3A_153 = arith.constant 0 : i32
    %dma_start3A_154 = tpu.memref_slice %arg6[%dma_start3A_145, %dma_start3A_152, %dma_start3A_153] : memref<8x64x128xf32, #tpu.memory_space<vmem>> -> memref<1x64x128xf32, #tpu.memory_space<vmem>>
    %dma_start3A_155 = tpu.memref_squeeze %dma_start3A_154 : memref<1x64x128xf32, #tpu.memory_space<vmem>> -> memref<64x128xf32, #tpu.memory_space<vmem>>
    %dma_start3A_156 = arith.constant 0 : i32
    %dma_start3A_157 = tpu.memref_slice %arg3[%dma_start3A_156, %multiple_of3A_144] : memref<64x1000000xf32, #tpu.memory_space<hbm>> -> memref<64x128xf32, #tpu.memory_space<hbm>>
    tpu.enqueue_dma source(%dma_start3A_157 : memref<64x128xf32, #tpu.memory_space<hbm>>) target(%dma_start3A_155 : memref<64x128xf32, #tpu.memory_space<vmem>>) target_semaphore(%arg15 : memref<!tpu.dma_semaphore, #tpu.memory_space<semaphore_mem>>)
    %scan3A = arith.constant 0 : i32
    %scan3A_158 = arith.constant 32 : i32
    %scan3A_159 = arith.addi %scan3A, %scan3A_158 : i32
    %scan3A_160 = arith.constant 1 : i32
    scf.for %scan3A_162 = %scan3A to %scan3A_159 step %scan3A_160  : i32 {
      %mul3A_163 = arith.constant 1 : i32
      %mul3A_164 = arith.muli %scan3A_162, %mul3A_163 : i32
      %add3A_165 = arith.constant 0 : i32
      %add3A_166 = arith.addi %add3A_165, %mul3A_164 : i32
      %mul3A_167 = arith.constant 16 : i32
      %mul3A_168 = arith.muli %add3A_166, %mul3A_167 : i32
      %get3A_169 = arith.index_cast %mul3A_168 : i32 to index
      %get3A_170 = tpu.vector_load %arg5[%get3A_169] {strides = array<i32>} : memref<512xi32, #tpu.memory_space<vmem>>, vector<16xi32>,
      %mul3A_171 = arith.constant 16 : i32
      %mul3A_172 = arith.muli %add3A_166, %mul3A_171 : i32
      %add3A_173 = arith.constant 0 : i32
      %add3A_174 = arith.addi %mul3A_172, %add3A_173 : i32
      %mul3A_175 = arith.constant 16 : i32
      %mul3A_176 = arith.muli %add3A_166, %mul3A_175 : i32
      %get3A_177 = arith.index_cast %mul3A_176 : i32 to index
      %get3A_178 = tpu.vector_load %arg5[%get3A_177] {strides = array<i32>} : memref<512xi32, #tpu.memory_space<vmem>>, vector<16xi32>,
      %slice3A_179 = vector.extract_strided_slice %get3A_178 {offsets = [0], sizes = [1], strides = [1]} : vector<16xi32> to vector<1xi32>
      %squeeze3A_180 = vector.extract %slice3A_179[0] : i32 from vector<1xi32>
      %dma_wait3A = arith.constant 0 : i32
      %dma_wait3A_181 = arith.constant 0 : i32
      %dma_wait3A_182 = arith.constant 0 : i32
      %dma_wait3A_183 = tpu.memref_slice %arg6[%dma_wait3A, %dma_wait3A_181, %dma_wait3A_182] : memref<8x64x128xf32, #tpu.memory_space<vmem>> -> memref<1x64x128xf32, #tpu.memory_space<vmem>>
      %dma_wait3A_184 = tpu.memref_squeeze %dma_wait3A_183 : memref<1x64x128xf32, #tpu.memory_space<vmem>> -> memref<64x128xf32, #tpu.memory_space<vmem>>
      %dma_wait3A_185 = arith.constant 0 : i32
      %dma_wait3A_186 = arith.constant 0 : i32
      %dma_wait3A_187 = tpu.memref_slice %arg3[%dma_wait3A_185, %dma_wait3A_186] : memref<64x1000000xf32, #tpu.memory_space<hbm>> -> memref<64x128xf32, #tpu.memory_space<hbm>>
      %dma_wait3A_188 = arith.constant 0 : i32
      %dma_wait3A_189 = arith.constant 0 : i32
      %dma_wait3A_190 = tpu.memref_slice %arg6[%dma_wait3A, %dma_wait3A_188, %dma_wait3A_189] : memref<8x64x128xf32, #tpu.memory_space<vmem>> -> memref<1x64x128xf32, #tpu.memory_space<vmem>>
      %dma_wait3A_191 = tpu.memref_squeeze %dma_wait3A_190 : memref<1x64x128xf32, #tpu.memory_space<vmem>> -> memref<64x128xf32, #tpu.memory_space<vmem>>
      %dma_wait3A_192 = arith.constant 0 : i32
      %dma_wait3A_193 = arith.constant 0 : i32
      %dma_wait3A_194 = tpu.memref_slice %arg3[%dma_wait3A_192, %dma_wait3A_193] : memref<64x1000000xf32, #tpu.memory_space<hbm>> -> memref<64x128xf32, #tpu.memory_space<hbm>>
      tpu.wait_dma2 semaphore(%arg8 : memref<!tpu.dma_semaphore, #tpu.memory_space<semaphore_mem>>) src(%dma_wait3A_194 : memref<64x128xf32, #tpu.memory_space<hbm>>) dst(%dma_wait3A_191 : memref<64x128xf32, #tpu.memory_space<vmem>>)
      %broadcast_in_dim3A = arith.constant 0 : i32
      %broadcast_in_dim3A_195 = vector.broadcast %broadcast_in_dim3A : i32 to vector<16xi32>
      %and3A = arith.constant 127 : i32
      %and3A_196 = arith.andi %squeeze3A_180, %and3A : i32
      %add3A_197 = vector.broadcast %and3A_196 : i32 to vector<16xi32>
      %add3A_198 = arith.addi %broadcast_in_dim3A_195, %add3A_197 : vector<16xi32>
      %broadcast_in_dim3A_199 = arith.constant 0 : i32
      %broadcast_in_dim3A_200 = vector.broadcast %broadcast_in_dim3A_199 : i32 to vector<16xi32>
      %and3A_201 = arith.constant 127 : i32
      %and3A_202 = arith.andi %add3A_174, %and3A_201 : i32
      %add3A_203 = vector.broadcast %and3A_202 : i32 to vector<16xi32>
      %add3A_204 = arith.addi %broadcast_in_dim3A_200, %add3A_203 : vector<16xi32>
      %broadcast_in_dim3A_205 = arith.constant 0 : i32
      %broadcast_in_dim3A_206 = vector.broadcast %broadcast_in_dim3A_205 : i32 to vector<16xi32>
      %add3A_207 = arith.constant 0 : i32
      %add3A_208 = vector.broadcast %add3A_207 : i32 to vector<16xi32>
      %add3A_209 = arith.addi %add3A_208, %iota3A : vector<16xi32>
      %gather3A = tpu.vector_load_idx %arg6[%broadcast_in_dim3A_206, %add3A_209, %add3A_198] : memref<8x64x128xf32, #tpu.memory_space<vmem>>[vector<16xi32>, vector<16xi32>, vector<16xi32>], vector<16xf32>,
      tpu.vector_store_idx %arg7[%add3A_209, %add3A_204], %gather3A : memref<64x128xf32, #tpu.memory_space<vmem>>[vector<16xi32>, vector<16xi32>], vector<16xf32>,
      %add3A_210 = arith.constant 16 : i32
      %add3A_211 = vector.broadcast %add3A_210 : i32 to vector<16xi32>
      %add3A_212 = arith.addi %add3A_211, %iota3A : vector<16xi32>
      %gather3A_213 = tpu.vector_load_idx %arg6[%broadcast_in_dim3A_206, %add3A_212, %add3A_198] : memref<8x64x128xf32, #tpu.memory_space<vmem>>[vector<16xi32>, vector<16xi32>, vector<16xi32>], vector<16xf32>,
      tpu.vector_store_idx %arg7[%add3A_212, %add3A_204], %gather3A_213 : memref<64x128xf32, #tpu.memory_space<vmem>>[vector<16xi32>, vector<16xi32>], vector<16xf32>,
      %add3A_214 = arith.constant 32 : i32
      %add3A_215 = vector.broadcast %add3A_214 : i32 to vector<16xi32>
      %add3A_216 = arith.addi %add3A_215, %iota3A : vector<16xi32>
      %gather3A_217 = tpu.vector_load_idx %arg6[%broadcast_in_dim3A_206, %add3A_216, %add3A_198] : memref<8x64x128xf32, #tpu.memory_space<vmem>>[vector<16xi32>, vector<16xi32>, vector<16xi32>], vector<16xf32>,
      tpu.vector_store_idx %arg7[%add3A_216, %add3A_204], %gather3A_217 : memref<64x128xf32, #tpu.memory_space<vmem>>[vector<16xi32>, vector<16xi32>], vector<16xf32>,
      %add3A_218 = arith.constant 48 : i32
      %add3A_219 = vector.broadcast %add3A_218 : i32 to vector<16xi32>
      %add3A_220 = arith.addi %add3A_219, %iota3A : vector<16xi32>
      %gather3A_221 = tpu.vector_load_idx %arg6[%broadcast_in_dim3A_206, %add3A_220, %add3A_198] : memref<8x64x128xf32, #tpu.memory_space<vmem>>[vector<16xi32>, vector<16xi32>, vector<16xi32>], vector<16xf32>,
      tpu.vector_store_idx %arg7[%add3A_220, %add3A_204], %gather3A_221 : memref<64x128xf32, #tpu.memory_space<vmem>>[vector<16xi32>, vector<16xi32>], vector<16xf32>,
      %slice3A_222 = vector.extract_strided_slice %get3A_170 {offsets = [8], sizes = [1], strides = [1]} : vector<16xi32> to vector<1xi32>
      %squeeze3A_223 = vector.extract %slice3A_222[0] : i32 from vector<1xi32>
      %add3A_224 = arith.constant 8 : i32
      %add3A_225 = arith.addi %add3A_174, %add3A_224 : i32
      %lt3A = arith.constant 512 : i32
      %lt3A_226 = arith.cmpi slt, %add3A_225, %lt3A : i32
      %convert_element_type3A = arith.extui %lt3A_226 : i1 to i32
      %cond3A = arith.constant 0 : i32
      %cond3A_227 = arith.cmpi ne, %convert_element_type3A, %cond3A : i32
      scf.if %cond3A_227 {
        %shift_right_arithmetic3A_1204 = arith.constant 7 : i32
        %shift_right_arithmetic3A_1205 = arith.shrsi %squeeze3A_223, %shift_right_arithmetic3A_1204 : i32
        %shift_left3A_1206 = arith.constant 7 : i32
        %shift_left3A_1207 = arith.shli %shift_right_arithmetic3A_1205, %shift_left3A_1206 : i32
        %multiple_of3A_1208 = tpu.assume_multiple %shift_left3A_1207, 128 : i32
        %dma_start3A_1209 = arith.constant 0 : i32
        %dma_start3A_1210 = arith.constant 0 : i32
        %dma_start3A_1211 = arith.constant 0 : i32
        %dma_start3A_1212 = tpu.memref_slice %arg6[%dma_start3A_1209, %dma_start3A_1210, %dma_start3A_1211] : memref<8x64x128xf32, #tpu.memory_space<vmem>> -> memref<1x64x128xf32, #tpu.memory_space<vmem>>
        %dma_start3A_1213 = tpu.memref_squeeze %dma_start3A_1212 : memref<1x64x128xf32, #tpu.memory_space<vmem>> -> memref<64x128xf32, #tpu.memory_space<vmem>>
        %dma_start3A_1214 = arith.constant 0 : i32
        %dma_start3A_1215 = tpu.memref_slice %arg3[%dma_start3A_1214, %multiple_of3A_1208] : memref<64x1000000xf32, #tpu.memory_space<hbm>> -> memref<64x128xf32, #tpu.memory_space<hbm>>
        %dma_start3A_1216 = arith.constant 0 : i32
        %dma_start3A_1217 = arith.constant 0 : i32
        %dma_start3A_1218 = tpu.memref_slice %arg6[%dma_start3A_1209, %dma_start3A_1216, %dma_start3A_1217] : memref<8x64x128xf32, #tpu.memory_space<vmem>> -> memref<1x64x128xf32, #tpu.memory_space<vmem>>
        %dma_start3A_1219 = tpu.memref_squeeze %dma_start3A_1218 : memref<1x64x128xf32, #tpu.memory_space<vmem>> -> memref<64x128xf32, #tpu.memory_space<vmem>>
        %dma_start3A_1220 = arith.constant 0 : i32
        %dma_start3A_1221 = tpu.memref_slice %arg3[%dma_start3A_1220, %multiple_of3A_1208] : memref<64x1000000xf32, #tpu.memory_space<hbm>> -> memref<64x128xf32, #tpu.memory_space<hbm>>
        tpu.enqueue_dma source(%dma_start3A_1221 : memref<64x128xf32, #tpu.memory_space<hbm>>) target(%dma_start3A_1219 : memref<64x128xf32, #tpu.memory_space<vmem>>) target_semaphore(%arg8 : memref<!tpu.dma_semaphore, #tpu.memory_space<semaphore_mem>>)
      } else {
      }
      %mul3A_228 = arith.constant 16 : i32
      %mul3A_229 = arith.muli %add3A_166, %mul3A_228 : i32
      %add3A_230 = arith.constant 1 : i32
      %add3A_231 = arith.addi %mul3A_229, %add3A_230 : i32
      %mul3A_232 = arith.constant 16 : i32
      %mul3A_233 = arith.muli %add3A_166, %mul3A_232 : i32
      %get3A_234 = arith.index_cast %mul3A_233 : i32 to index
      %get3A_235 = tpu.vector_load %arg5[%get3A_234] {strides = array<i32>} : memref<512xi32, #tpu.memory_space<vmem>>, vector<16xi32>,
      %slice3A_236 = vector.extract_strided_slice %get3A_235 {offsets = [1], sizes = [1], strides = [1]} : vector<16xi32> to vector<1xi32>
      %squeeze3A_237 = vector.extract %slice3A_236[0] : i32 from vector<1xi32>
      %dma_wait3A_238 = arith.constant 1 : i32
      %dma_wait3A_239 = arith.constant 0 : i32
      %dma_wait3A_240 = arith.constant 0 : i32
      %dma_wait3A_241 = tpu.memref_slice %arg6[%dma_wait3A_238, %dma_wait3A_239, %dma_wait3A_240] : memref<8x64x128xf32, #tpu.memory_space<vmem>> -> memref<1x64x128xf32, #tpu.memory_space<vmem>>
      %dma_wait3A_242 = tpu.memref_squeeze %dma_wait3A_241 : memref<1x64x128xf32, #tpu.memory_space<vmem>> -> memref<64x128xf32, #tpu.memory_space<vmem>>
      %dma_wait3A_243 = arith.constant 0 : i32
      %dma_wait3A_244 = arith.constant 0 : i32
      %dma_wait3A_245 = tpu.memref_slice %arg3[%dma_wait3A_243, %dma_wait3A_244] : memref<64x1000000xf32, #tpu.memory_space<hbm>> -> memref<64x128xf32, #tpu.memory_space<hbm>>
      %dma_wait3A_246 = arith.constant 0 : i32
      %dma_wait3A_247 = arith.constant 0 : i32
      %dma_wait3A_248 = tpu.memref_slice %arg6[%dma_wait3A_238, %dma_wait3A_246, %dma_wait3A_247] : memref<8x64x128xf32, #tpu.memory_space<vmem>> -> memref<1x64x128xf32, #tpu.memory_space<vmem>>
      %dma_wait3A_249 = tpu.memref_squeeze %dma_wait3A_248 : memref<1x64x128xf32, #tpu.memory_space<vmem>> -> memref<64x128xf32, #tpu.memory_space<vmem>>
      %dma_wait3A_250 = arith.constant 0 : i32
      %dma_wait3A_251 = arith.constant 0 : i32
      %dma_wait3A_252 = tpu.memref_slice %arg3[%dma_wait3A_250, %dma_wait3A_251] : memref<64x1000000xf32, #tpu.memory_space<hbm>> -> memref<64x128xf32, #tpu.memory_space<hbm>>
      tpu.wait_dma2 semaphore(%arg9 : memref<!tpu.dma_semaphore, #tpu.memory_space<semaphore_mem>>) src(%dma_wait3A_252 : memref<64x128xf32, #tpu.memory_space<hbm>>) dst(%dma_wait3A_249 : memref<64x128xf32, #tpu.memory_space<vmem>>)
      %broadcast_in_dim3A_253 = arith.constant 0 : i32
      %broadcast_in_dim3A_254 = vector.broadcast %broadcast_in_dim3A_253 : i32 to vector<16xi32>
      %and3A_255 = arith.constant 127 : i32
      %and3A_256 = arith.andi %squeeze3A_237, %and3A_255 : i32
      %add3A_257 = vector.broadcast %and3A_256 : i32 to vector<16xi32>
      %add3A_258 = arith.addi %broadcast_in_dim3A_254, %add3A_257 : vector<16xi32>
      %broadcast_in_dim3A_259 = arith.constant 0 : i32
      %broadcast_in_dim3A_260 = vector.broadcast %broadcast_in_dim3A_259 : i32 to vector<16xi32>
      %and3A_261 = arith.constant 127 : i32
      %and3A_262 = arith.andi %add3A_231, %and3A_261 : i32
      %add3A_263 = vector.broadcast %and3A_262 : i32 to vector<16xi32>
      %add3A_264 = arith.addi %broadcast_in_dim3A_260, %add3A_263 : vector<16xi32>
      %broadcast_in_dim3A_265 = arith.constant 1 : i32
      %broadcast_in_dim3A_266 = vector.broadcast %broadcast_in_dim3A_265 : i32 to vector<16xi32>
      %add3A_267 = arith.constant 0 : i32
      %add3A_268 = vector.broadcast %add3A_267 : i32 to vector<16xi32>
      %add3A_269 = arith.addi %add3A_268, %iota3A : vector<16xi32>
      %gather3A_270 = tpu.vector_load_idx %arg6[%broadcast_in_dim3A_266, %add3A_269, %add3A_258] : memref<8x64x128xf32, #tpu.memory_space<vmem>>[vector<16xi32>, vector<16xi32>, vector<16xi32>], vector<16xf32>,
      tpu.vector_store_idx %arg7[%add3A_269, %add3A_264], %gather3A_270 : memref<64x128xf32, #tpu.memory_space<vmem>>[vector<16xi32>, vector<16xi32>], vector<16xf32>,
      %add3A_271 = arith.constant 16 : i32
      %add3A_272 = vector.broadcast %add3A_271 : i32 to vector<16xi32>
      %add3A_273 = arith.addi %add3A_272, %iota3A : vector<16xi32>
      %gather3A_274 = tpu.vector_load_idx %arg6[%broadcast_in_dim3A_266, %add3A_273, %add3A_258] : memref<8x64x128xf32, #tpu.memory_space<vmem>>[vector<16xi32>, vector<16xi32>, vector<16xi32>], vector<16xf32>,
      tpu.vector_store_idx %arg7[%add3A_273, %add3A_264], %gather3A_274 : memref<64x128xf32, #tpu.memory_space<vmem>>[vector<16xi32>, vector<16xi32>], vector<16xf32>,
      %add3A_275 = arith.constant 32 : i32
      %add3A_276 = vector.broadcast %add3A_275 : i32 to vector<16xi32>
      %add3A_277 = arith.addi %add3A_276, %iota3A : vector<16xi32>
      %gather3A_278 = tpu.vector_load_idx %arg6[%broadcast_in_dim3A_266, %add3A_277, %add3A_258] : memref<8x64x128xf32, #tpu.memory_space<vmem>>[vector<16xi32>, vector<16xi32>, vector<16xi32>], vector<16xf32>,
      tpu.vector_store_idx %arg7[%add3A_277, %add3A_264], %gather3A_278 : memref<64x128xf32, #tpu.memory_space<vmem>>[vector<16xi32>, vector<16xi32>], vector<16xf32>,
      %add3A_279 = arith.constant 48 : i32
      %add3A_280 = vector.broadcast %add3A_279 : i32 to vector<16xi32>
      %add3A_281 = arith.addi %add3A_280, %iota3A : vector<16xi32>
      %gather3A_282 = tpu.vector_load_idx %arg6[%broadcast_in_dim3A_266, %add3A_281, %add3A_258] : memref<8x64x128xf32, #tpu.memory_space<vmem>>[vector<16xi32>, vector<16xi32>, vector<16xi32>], vector<16xf32>,
      tpu.vector_store_idx %arg7[%add3A_281, %add3A_264], %gather3A_282 : memref<64x128xf32, #tpu.memory_space<vmem>>[vector<16xi32>, vector<16xi32>], vector<16xf32>,
      %slice3A_283 = vector.extract_strided_slice %get3A_170 {offsets = [9], sizes = [1], strides = [1]} : vector<16xi32> to vector<1xi32>
      %squeeze3A_284 = vector.extract %slice3A_283[0] : i32 from vector<1xi32>
      %add3A_285 = arith.constant 8 : i32
      %add3A_286 = arith.addi %add3A_231, %add3A_285 : i32
      %lt3A_287 = arith.constant 512 : i32
      %lt3A_288 = arith.cmpi slt, %add3A_286, %lt3A_287 : i32
      %convert_element_type3A_289 = arith.extui %lt3A_288 : i1 to i32
      %cond3A_290 = arith.constant 0 : i32
      %cond3A_291 = arith.cmpi ne, %convert_element_type3A_289, %cond3A_290 : i32
      scf.if %cond3A_291 {
        %shift_right_arithmetic3A_1204 = arith.constant 7 : i32
        %shift_right_arithmetic3A_1205 = arith.shrsi %squeeze3A_284, %shift_right_arithmetic3A_1204 : i32
        %shift_left3A_1206 = arith.constant 7 : i32
        %shift_left3A_1207 = arith.shli %shift_right_arithmetic3A_1205, %shift_left3A_1206 : i32
        %multiple_of3A_1208 = tpu.assume_multiple %shift_left3A_1207, 128 : i32
        %dma_start3A_1209 = arith.constant 1 : i32
        %dma_start3A_1210 = arith.constant 0 : i32
        %dma_start3A_1211 = arith.constant 0 : i32
        %dma_start3A_1212 = tpu.memref_slice %arg6[%dma_start3A_1209, %dma_start3A_1210, %dma_start3A_1211] : memref<8x64x128xf32, #tpu.memory_space<vmem>> -> memref<1x64x128xf32, #tpu.memory_space<vmem>>
        %dma_start3A_1213 = tpu.memref_squeeze %dma_start3A_1212 : memref<1x64x128xf32, #tpu.memory_space<vmem>> -> memref<64x128xf32, #tpu.memory_space<vmem>>
        %dma_start3A_1214 = arith.constant 0 : i32
        %dma_start3A_1215 = tpu.memref_slice %arg3[%dma_start3A_1214, %multiple_of3A_1208] : memref<64x1000000xf32, #tpu.memory_space<hbm>> -> memref<64x128xf32, #tpu.memory_space<hbm>>
        %dma_start3A_1216 = arith.constant 0 : i32
        %dma_start3A_1217 = arith.constant 0 : i32
        %dma_start3A_1218 = tpu.memref_slice %arg6[%dma_start3A_1209, %dma_start3A_1216, %dma_start3A_1217] : memref<8x64x128xf32, #tpu.memory_space<vmem>> -> memref<1x64x128xf32, #tpu.memory_space<vmem>>
        %dma_start3A_1219 = tpu.memref_squeeze %dma_start3A_1218 : memref<1x64x128xf32, #tpu.memory_space<vmem>> -> memref<64x128xf32, #tpu.memory_space<vmem>>
        %dma_start3A_1220 = arith.constant 0 : i32
        %dma_start3A_1221 = tpu.memref_slice %arg3[%dma_start3A_1220, %multiple_of3A_1208] : memref<64x1000000xf32, #tpu.memory_space<hbm>> -> memref<64x128xf32, #tpu.memory_space<hbm>>
        tpu.enqueue_dma source(%dma_start3A_1221 : memref<64x128xf32, #tpu.memory_space<hbm>>) target(%dma_start3A_1219 : memref<64x128xf32, #tpu.memory_space<vmem>>) target_semaphore(%arg9 : memref<!tpu.dma_semaphore, #tpu.memory_space<semaphore_mem>>)
      } else {
      }
      %mul3A_292 = arith.constant 16 : i32
      %mul3A_293 = arith.muli %add3A_166, %mul3A_292 : i32
      %add3A_294 = arith.constant 2 : i32
      %add3A_295 = arith.addi %mul3A_293, %add3A_294 : i32
      %mul3A_296 = arith.constant 16 : i32
      %mul3A_297 = arith.muli %add3A_166, %mul3A_296 : i32
      %get3A_298 = arith.index_cast %mul3A_297 : i32 to index
      %get3A_299 = tpu.vector_load %arg5[%get3A_298] {strides = array<i32>} : memref<512xi32, #tpu.memory_space<vmem>>, vector<16xi32>,
      %slice3A_300 = vector.extract_strided_slice %get3A_299 {offsets = [2], sizes = [1], strides = [1]} : vector<16xi32> to vector<1xi32>
      %squeeze3A_301 = vector.extract %slice3A_300[0] : i32 from vector<1xi32>
      %dma_wait3A_302 = arith.constant 2 : i32
      %dma_wait3A_303 = arith.constant 0 : i32
      %dma_wait3A_304 = arith.constant 0 : i32
      %dma_wait3A_305 = tpu.memref_slice %arg6[%dma_wait3A_302, %dma_wait3A_303, %dma_wait3A_304] : memref<8x64x128xf32, #tpu.memory_space<vmem>> -> memref<1x64x128xf32, #tpu.memory_space<vmem>>
      %dma_wait3A_306 = tpu.memref_squeeze %dma_wait3A_305 : memref<1x64x128xf32, #tpu.memory_space<vmem>> -> memref<64x128xf32, #tpu.memory_space<vmem>>
      %dma_wait3A_307 = arith.constant 0 : i32
      %dma_wait3A_308 = arith.constant 0 : i32
      %dma_wait3A_309 = tpu.memref_slice %arg3[%dma_wait3A_307, %dma_wait3A_308] : memref<64x1000000xf32, #tpu.memory_space<hbm>> -> memref<64x128xf32, #tpu.memory_space<hbm>>
      %dma_wait3A_310 = arith.constant 0 : i32
      %dma_wait3A_311 = arith.constant 0 : i32
      %dma_wait3A_312 = tpu.memref_slice %arg6[%dma_wait3A_302, %dma_wait3A_310, %dma_wait3A_311] : memref<8x64x128xf32, #tpu.memory_space<vmem>> -> memref<1x64x128xf32, #tpu.memory_space<vmem>>
      %dma_wait3A_313 = tpu.memref_squeeze %dma_wait3A_312 : memref<1x64x128xf32, #tpu.memory_space<vmem>> -> memref<64x128xf32, #tpu.memory_space<vmem>>
      %dma_wait3A_314 = arith.constant 0 : i32
      %dma_wait3A_315 = arith.constant 0 : i32
      %dma_wait3A_316 = tpu.memref_slice %arg3[%dma_wait3A_314, %dma_wait3A_315] : memref<64x1000000xf32, #tpu.memory_space<hbm>> -> memref<64x128xf32, #tpu.memory_space<hbm>>
      tpu.wait_dma2 semaphore(%arg10 : memref<!tpu.dma_semaphore, #tpu.memory_space<semaphore_mem>>) src(%dma_wait3A_316 : memref<64x128xf32, #tpu.memory_space<hbm>>) dst(%dma_wait3A_313 : memref<64x128xf32, #tpu.memory_space<vmem>>)
      %broadcast_in_dim3A_317 = arith.constant 0 : i32
      %broadcast_in_dim3A_318 = vector.broadcast %broadcast_in_dim3A_317 : i32 to vector<16xi32>
      %and3A_319 = arith.constant 127 : i32
      %and3A_320 = arith.andi %squeeze3A_301, %and3A_319 : i32
      %add3A_321 = vector.broadcast %and3A_320 : i32 to vector<16xi32>
      %add3A_322 = arith.addi %broadcast_in_dim3A_318, %add3A_321 : vector<16xi32>
      %broadcast_in_dim3A_323 = arith.constant 0 : i32
      %broadcast_in_dim3A_324 = vector.broadcast %broadcast_in_dim3A_323 : i32 to vector<16xi32>
      %and3A_325 = arith.constant 127 : i32
      %and3A_326 = arith.andi %add3A_295, %and3A_325 : i32
      %add3A_327 = vector.broadcast %and3A_326 : i32 to vector<16xi32>
      %add3A_328 = arith.addi %broadcast_in_dim3A_324, %add3A_327 : vector<16xi32>
      %broadcast_in_dim3A_329 = arith.constant 2 : i32
      %broadcast_in_dim3A_330 = vector.broadcast %broadcast_in_dim3A_329 : i32 to vector<16xi32>
      %add3A_331 = arith.constant 0 : i32
      %add3A_332 = vector.broadcast %add3A_331 : i32 to vector<16xi32>
      %add3A_333 = arith.addi %add3A_332, %iota3A : vector<16xi32>
      %gather3A_334 = tpu.vector_load_idx %arg6[%broadcast_in_dim3A_330, %add3A_333, %add3A_322] : memref<8x64x128xf32, #tpu.memory_space<vmem>>[vector<16xi32>, vector<16xi32>, vector<16xi32>], vector<16xf32>,
      tpu.vector_store_idx %arg7[%add3A_333, %add3A_328], %gather3A_334 : memref<64x128xf32, #tpu.memory_space<vmem>>[vector<16xi32>, vector<16xi32>], vector<16xf32>,
      %add3A_335 = arith.constant 16 : i32
      %add3A_336 = vector.broadcast %add3A_335 : i32 to vector<16xi32>
      %add3A_337 = arith.addi %add3A_336, %iota3A : vector<16xi32>
      %gather3A_338 = tpu.vector_load_idx %arg6[%broadcast_in_dim3A_330, %add3A_337, %add3A_322] : memref<8x64x128xf32, #tpu.memory_space<vmem>>[vector<16xi32>, vector<16xi32>, vector<16xi32>], vector<16xf32>,
      tpu.vector_store_idx %arg7[%add3A_337, %add3A_328], %gather3A_338 : memref<64x128xf32, #tpu.memory_space<vmem>>[vector<16xi32>, vector<16xi32>], vector<16xf32>,
      %add3A_339 = arith.constant 32 : i32
      %add3A_340 = vector.broadcast %add3A_339 : i32 to vector<16xi32>
      %add3A_341 = arith.addi %add3A_340, %iota3A : vector<16xi32>
      %gather3A_342 = tpu.vector_load_idx %arg6[%broadcast_in_dim3A_330, %add3A_341, %add3A_322] : memref<8x64x128xf32, #tpu.memory_space<vmem>>[vector<16xi32>, vector<16xi32>, vector<16xi32>], vector<16xf32>,
      tpu.vector_store_idx %arg7[%add3A_341, %add3A_328], %gather3A_342 : memref<64x128xf32, #tpu.memory_space<vmem>>[vector<16xi32>, vector<16xi32>], vector<16xf32>,
      %add3A_343 = arith.constant 48 : i32
      %add3A_344 = vector.broadcast %add3A_343 : i32 to vector<16xi32>
      %add3A_345 = arith.addi %add3A_344, %iota3A : vector<16xi32>
      %gather3A_346 = tpu.vector_load_idx %arg6[%broadcast_in_dim3A_330, %add3A_345, %add3A_322] : memref<8x64x128xf32, #tpu.memory_space<vmem>>[vector<16xi32>, vector<16xi32>, vector<16xi32>], vector<16xf32>,
      tpu.vector_store_idx %arg7[%add3A_345, %add3A_328], %gather3A_346 : memref<64x128xf32, #tpu.memory_space<vmem>>[vector<16xi32>, vector<16xi32>], vector<16xf32>,
      %slice3A_347 = vector.extract_strided_slice %get3A_170 {offsets = [10], sizes = [1], strides = [1]} : vector<16xi32> to vector<1xi32>
      %squeeze3A_348 = vector.extract %slice3A_347[0] : i32 from vector<1xi32>
      %add3A_349 = arith.constant 8 : i32
      %add3A_350 = arith.addi %add3A_295, %add3A_349 : i32
      %lt3A_351 = arith.constant 512 : i32
      %lt3A_352 = arith.cmpi slt, %add3A_350, %lt3A_351 : i32
      %convert_element_type3A_353 = arith.extui %lt3A_352 : i1 to i32
      %cond3A_354 = arith.constant 0 : i32
      %cond3A_355 = arith.cmpi ne, %convert_element_type3A_353, %cond3A_354 : i32
      scf.if %cond3A_355 {
        %shift_right_arithmetic3A_1204 = arith.constant 7 : i32
        %shift_right_arithmetic3A_1205 = arith.shrsi %squeeze3A_348, %shift_right_arithmetic3A_1204 : i32
        %shift_left3A_1206 = arith.constant 7 : i32
        %shift_left3A_1207 = arith.shli %shift_right_arithmetic3A_1205, %shift_left3A_1206 : i32
        %multiple_of3A_1208 = tpu.assume_multiple %shift_left3A_1207, 128 : i32
        %dma_start3A_1209 = arith.constant 2 : i32
        %dma_start3A_1210 = arith.constant 0 : i32
        %dma_start3A_1211 = arith.constant 0 : i32
        %dma_start3A_1212 = tpu.memref_slice %arg6[%dma_start3A_1209, %dma_start3A_1210, %dma_start3A_1211] : memref<8x64x128xf32, #tpu.memory_space<vmem>> -> memref<1x64x128xf32, #tpu.memory_space<vmem>>
        %dma_start3A_1213 = tpu.memref_squeeze %dma_start3A_1212 : memref<1x64x128xf32, #tpu.memory_space<vmem>> -> memref<64x128xf32, #tpu.memory_space<vmem>>
        %dma_start3A_1214 = arith.constant 0 : i32
        %dma_start3A_1215 = tpu.memref_slice %arg3[%dma_start3A_1214, %multiple_of3A_1208] : memref<64x1000000xf32, #tpu.memory_space<hbm>> -> memref<64x128xf32, #tpu.memory_space<hbm>>
        %dma_start3A_1216 = arith.constant 0 : i32
        %dma_start3A_1217 = arith.constant 0 : i32
        %dma_start3A_1218 = tpu.memref_slice %arg6[%dma_start3A_1209, %dma_start3A_1216, %dma_start3A_1217] : memref<8x64x128xf32, #tpu.memory_space<vmem>> -> memref<1x64x128xf32, #tpu.memory_space<vmem>>
        %dma_start3A_1219 = tpu.memref_squeeze %dma_start3A_1218 : memref<1x64x128xf32, #tpu.memory_space<vmem>> -> memref<64x128xf32, #tpu.memory_space<vmem>>
        %dma_start3A_1220 = arith.constant 0 : i32
        %dma_start3A_1221 = tpu.memref_slice %arg3[%dma_start3A_1220, %multiple_of3A_1208] : memref<64x1000000xf32, #tpu.memory_space<hbm>> -> memref<64x128xf32, #tpu.memory_space<hbm>>
        tpu.enqueue_dma source(%dma_start3A_1221 : memref<64x128xf32, #tpu.memory_space<hbm>>) target(%dma_start3A_1219 : memref<64x128xf32, #tpu.memory_space<vmem>>) target_semaphore(%arg10 : memref<!tpu.dma_semaphore, #tpu.memory_space<semaphore_mem>>)
      } else {
      }
      %mul3A_356 = arith.constant 16 : i32
      %mul3A_357 = arith.muli %add3A_166, %mul3A_356 : i32
      %add3A_358 = arith.constant 3 : i32
      %add3A_359 = arith.addi %mul3A_357, %add3A_358 : i32
      %mul3A_360 = arith.constant 16 : i32
      %mul3A_361 = arith.muli %add3A_166, %mul3A_360 : i32
      %get3A_362 = arith.index_cast %mul3A_361 : i32 to index
      %get3A_363 = tpu.vector_load %arg5[%get3A_362] {strides = array<i32>} : memref<512xi32, #tpu.memory_space<vmem>>, vector<16xi32>,
      %slice3A_364 = vector.extract_strided_slice %get3A_363 {offsets = [3], sizes = [1], strides = [1]} : vector<16xi32> to vector<1xi32>
      %squeeze3A_365 = vector.extract %slice3A_364[0] : i32 from vector<1xi32>
      %dma_wait3A_366 = arith.constant 3 : i32
      %dma_wait3A_367 = arith.constant 0 : i32
      %dma_wait3A_368 = arith.constant 0 : i32
      %dma_wait3A_369 = tpu.memref_slice %arg6[%dma_wait3A_366, %dma_wait3A_367, %dma_wait3A_368] : memref<8x64x128xf32, #tpu.memory_space<vmem>> -> memref<1x64x128xf32, #tpu.memory_space<vmem>>
      %dma_wait3A_370 = tpu.memref_squeeze %dma_wait3A_369 : memref<1x64x128xf32, #tpu.memory_space<vmem>> -> memref<64x128xf32, #tpu.memory_space<vmem>>
      %dma_wait3A_371 = arith.constant 0 : i32
      %dma_wait3A_372 = arith.constant 0 : i32
      %dma_wait3A_373 = tpu.memref_slice %arg3[%dma_wait3A_371, %dma_wait3A_372] : memref<64x1000000xf32, #tpu.memory_space<hbm>> -> memref<64x128xf32, #tpu.memory_space<hbm>>
      %dma_wait3A_374 = arith.constant 0 : i32
      %dma_wait3A_375 = arith.constant 0 : i32
      %dma_wait3A_376 = tpu.memref_slice %arg6[%dma_wait3A_366, %dma_wait3A_374, %dma_wait3A_375] : memref<8x64x128xf32, #tpu.memory_space<vmem>> -> memref<1x64x128xf32, #tpu.memory_space<vmem>>
      %dma_wait3A_377 = tpu.memref_squeeze %dma_wait3A_376 : memref<1x64x128xf32, #tpu.memory_space<vmem>> -> memref<64x128xf32, #tpu.memory_space<vmem>>
      %dma_wait3A_378 = arith.constant 0 : i32
      %dma_wait3A_379 = arith.constant 0 : i32
      %dma_wait3A_380 = tpu.memref_slice %arg3[%dma_wait3A_378, %dma_wait3A_379] : memref<64x1000000xf32, #tpu.memory_space<hbm>> -> memref<64x128xf32, #tpu.memory_space<hbm>>
      tpu.wait_dma2 semaphore(%arg11 : memref<!tpu.dma_semaphore, #tpu.memory_space<semaphore_mem>>) src(%dma_wait3A_380 : memref<64x128xf32, #tpu.memory_space<hbm>>) dst(%dma_wait3A_377 : memref<64x128xf32, #tpu.memory_space<vmem>>)
      %broadcast_in_dim3A_381 = arith.constant 0 : i32
      %broadcast_in_dim3A_382 = vector.broadcast %broadcast_in_dim3A_381 : i32 to vector<16xi32>
      %and3A_383 = arith.constant 127 : i32
      %and3A_384 = arith.andi %squeeze3A_365, %and3A_383 : i32
      %add3A_385 = vector.broadcast %and3A_384 : i32 to vector<16xi32>
      %add3A_386 = arith.addi %broadcast_in_dim3A_382, %add3A_385 : vector<16xi32>
      %broadcast_in_dim3A_387 = arith.constant 0 : i32
      %broadcast_in_dim3A_388 = vector.broadcast %broadcast_in_dim3A_387 : i32 to vector<16xi32>
      %and3A_389 = arith.constant 127 : i32
      %and3A_390 = arith.andi %add3A_359, %and3A_389 : i32
      %add3A_391 = vector.broadcast %and3A_390 : i32 to vector<16xi32>
      %add3A_392 = arith.addi %broadcast_in_dim3A_388, %add3A_391 : vector<16xi32>
      %broadcast_in_dim3A_393 = arith.constant 3 : i32
      %broadcast_in_dim3A_394 = vector.broadcast %broadcast_in_dim3A_393 : i32 to vector<16xi32>
      %add3A_395 = arith.constant 0 : i32
      %add3A_396 = vector.broadcast %add3A_395 : i32 to vector<16xi32>
      %add3A_397 = arith.addi %add3A_396, %iota3A : vector<16xi32>
      %gather3A_398 = tpu.vector_load_idx %arg6[%broadcast_in_dim3A_394, %add3A_397, %add3A_386] : memref<8x64x128xf32, #tpu.memory_space<vmem>>[vector<16xi32>, vector<16xi32>, vector<16xi32>], vector<16xf32>,
      tpu.vector_store_idx %arg7[%add3A_397, %add3A_392], %gather3A_398 : memref<64x128xf32, #tpu.memory_space<vmem>>[vector<16xi32>, vector<16xi32>], vector<16xf32>,
      %add3A_399 = arith.constant 16 : i32
      %add3A_400 = vector.broadcast %add3A_399 : i32 to vector<16xi32>
      %add3A_401 = arith.addi %add3A_400, %iota3A : vector<16xi32>
      %gather3A_402 = tpu.vector_load_idx %arg6[%broadcast_in_dim3A_394, %add3A_401, %add3A_386] : memref<8x64x128xf32, #tpu.memory_space<vmem>>[vector<16xi32>, vector<16xi32>, vector<16xi32>], vector<16xf32>,
      tpu.vector_store_idx %arg7[%add3A_401, %add3A_392], %gather3A_402 : memref<64x128xf32, #tpu.memory_space<vmem>>[vector<16xi32>, vector<16xi32>], vector<16xf32>,
      %add3A_403 = arith.constant 32 : i32
      %add3A_404 = vector.broadcast %add3A_403 : i32 to vector<16xi32>
      %add3A_405 = arith.addi %add3A_404, %iota3A : vector<16xi32>
      %gather3A_406 = tpu.vector_load_idx %arg6[%broadcast_in_dim3A_394, %add3A_405, %add3A_386] : memref<8x64x128xf32, #tpu.memory_space<vmem>>[vector<16xi32>, vector<16xi32>, vector<16xi32>], vector<16xf32>,
      tpu.vector_store_idx %arg7[%add3A_405, %add3A_392], %gather3A_406 : memref<64x128xf32, #tpu.memory_space<vmem>>[vector<16xi32>, vector<16xi32>], vector<16xf32>,
      %add3A_407 = arith.constant 48 : i32
      %add3A_408 = vector.broadcast %add3A_407 : i32 to vector<16xi32>
      %add3A_409 = arith.addi %add3A_408, %iota3A : vector<16xi32>
      %gather3A_410 = tpu.vector_load_idx %arg6[%broadcast_in_dim3A_394, %add3A_409, %add3A_386] : memref<8x64x128xf32, #tpu.memory_space<vmem>>[vector<16xi32>, vector<16xi32>, vector<16xi32>], vector<16xf32>,
      tpu.vector_store_idx %arg7[%add3A_409, %add3A_392], %gather3A_410 : memref<64x128xf32, #tpu.memory_space<vmem>>[vector<16xi32>, vector<16xi32>], vector<16xf32>,
      %slice3A_411 = vector.extract_strided_slice %get3A_170 {offsets = [11], sizes = [1], strides = [1]} : vector<16xi32> to vector<1xi32>
      %squeeze3A_412 = vector.extract %slice3A_411[0] : i32 from vector<1xi32>
      %add3A_413 = arith.constant 8 : i32
      %add3A_414 = arith.addi %add3A_359, %add3A_413 : i32
      %lt3A_415 = arith.constant 512 : i32
      %lt3A_416 = arith.cmpi slt, %add3A_414, %lt3A_415 : i32
      %convert_element_type3A_417 = arith.extui %lt3A_416 : i1 to i32
      %cond3A_418 = arith.constant 0 : i32
      %cond3A_419 = arith.cmpi ne, %convert_element_type3A_417, %cond3A_418 : i32
      scf.if %cond3A_419 {
        %shift_right_arithmetic3A_1204 = arith.constant 7 : i32
        %shift_right_arithmetic3A_1205 = arith.shrsi %squeeze3A_412, %shift_right_arithmetic3A_1204 : i32
        %shift_left3A_1206 = arith.constant 7 : i32
        %shift_left3A_1207 = arith.shli %shift_right_arithmetic3A_1205, %shift_left3A_1206 : i32
        %multiple_of3A_1208 = tpu.assume_multiple %shift_left3A_1207, 128 : i32
        %dma_start3A_1209 = arith.constant 3 : i32
        %dma_start3A_1210 = arith.constant 0 : i32
        %dma_start3A_1211 = arith.constant 0 : i32
        %dma_start3A_1212 = tpu.memref_slice %arg6[%dma_start3A_1209, %dma_start3A_1210, %dma_start3A_1211] : memref<8x64x128xf32, #tpu.memory_space<vmem>> -> memref<1x64x128xf32, #tpu.memory_space<vmem>>
        %dma_start3A_1213 = tpu.memref_squeeze %dma_start3A_1212 : memref<1x64x128xf32, #tpu.memory_space<vmem>> -> memref<64x128xf32, #tpu.memory_space<vmem>>
        %dma_start3A_1214 = arith.constant 0 : i32
        %dma_start3A_1215 = tpu.memref_slice %arg3[%dma_start3A_1214, %multiple_of3A_1208] : memref<64x1000000xf32, #tpu.memory_space<hbm>> -> memref<64x128xf32, #tpu.memory_space<hbm>>
        %dma_start3A_1216 = arith.constant 0 : i32
        %dma_start3A_1217 = arith.constant 0 : i32
        %dma_start3A_1218 = tpu.memref_slice %arg6[%dma_start3A_1209, %dma_start3A_1216, %dma_start3A_1217] : memref<8x64x128xf32, #tpu.memory_space<vmem>> -> memref<1x64x128xf32, #tpu.memory_space<vmem>>
        %dma_start3A_1219 = tpu.memref_squeeze %dma_start3A_1218 : memref<1x64x128xf32, #tpu.memory_space<vmem>> -> memref<64x128xf32, #tpu.memory_space<vmem>>
        %dma_start3A_1220 = arith.constant 0 : i32
        %dma_start3A_1221 = tpu.memref_slice %arg3[%dma_start3A_1220, %multiple_of3A_1208] : memref<64x1000000xf32, #tpu.memory_space<hbm>> -> memref<64x128xf32, #tpu.memory_space<hbm>>
        tpu.enqueue_dma source(%dma_start3A_1221 : memref<64x128xf32, #tpu.memory_space<hbm>>) target(%dma_start3A_1219 : memref<64x128xf32, #tpu.memory_space<vmem>>) target_semaphore(%arg11 : memref<!tpu.dma_semaphore, #tpu.memory_space<semaphore_mem>>)
      } else {
      }
      %mul3A_420 = arith.constant 16 : i32
      %mul3A_421 = arith.muli %add3A_166, %mul3A_420 : i32
      %add3A_422 = arith.constant 4 : i32
      %add3A_423 = arith.addi %mul3A_421, %add3A_422 : i32
      %mul3A_424 = arith.constant 16 : i32
      %mul3A_425 = arith.muli %add3A_166, %mul3A_424 : i32
      %get3A_426 = arith.index_cast %mul3A_425 : i32 to index
      %get3A_427 = tpu.vector_load %arg5[%get3A_426] {strides = array<i32>} : memref<512xi32, #tpu.memory_space<vmem>>, vector<16xi32>,
      %slice3A_428 = vector.extract_strided_slice %get3A_427 {offsets = [4], sizes = [1], strides = [1]} : vector<16xi32> to vector<1xi32>
      %squeeze3A_429 = vector.extract %slice3A_428[0] : i32 from vector<1xi32>
      %dma_wait3A_430 = arith.constant 4 : i32
      %dma_wait3A_431 = arith.constant 0 : i32
      %dma_wait3A_432 = arith.constant 0 : i32
      %dma_wait3A_433 = tpu.memref_slice %arg6[%dma_wait3A_430, %dma_wait3A_431, %dma_wait3A_432] : memref<8x64x128xf32, #tpu.memory_space<vmem>> -> memref<1x64x128xf32, #tpu.memory_space<vmem>>
      %dma_wait3A_434 = tpu.memref_squeeze %dma_wait3A_433 : memref<1x64x128xf32, #tpu.memory_space<vmem>> -> memref<64x128xf32, #tpu.memory_space<vmem>>
      %dma_wait3A_435 = arith.constant 0 : i32
      %dma_wait3A_436 = arith.constant 0 : i32
      %dma_wait3A_437 = tpu.memref_slice %arg3[%dma_wait3A_435, %dma_wait3A_436] : memref<64x1000000xf32, #tpu.memory_space<hbm>> -> memref<64x128xf32, #tpu.memory_space<hbm>>
      %dma_wait3A_438 = arith.constant 0 : i32
      %dma_wait3A_439 = arith.constant 0 : i32
      %dma_wait3A_440 = tpu.memref_slice %arg6[%dma_wait3A_430, %dma_wait3A_438, %dma_wait3A_439] : memref<8x64x128xf32, #tpu.memory_space<vmem>> -> memref<1x64x128xf32, #tpu.memory_space<vmem>>
      %dma_wait3A_441 = tpu.memref_squeeze %dma_wait3A_440 : memref<1x64x128xf32, #tpu.memory_space<vmem>> -> memref<64x128xf32, #tpu.memory_space<vmem>>
      %dma_wait3A_442 = arith.constant 0 : i32
      %dma_wait3A_443 = arith.constant 0 : i32
      %dma_wait3A_444 = tpu.memref_slice %arg3[%dma_wait3A_442, %dma_wait3A_443] : memref<64x1000000xf32, #tpu.memory_space<hbm>> -> memref<64x128xf32, #tpu.memory_space<hbm>>
      tpu.wait_dma2 semaphore(%arg12 : memref<!tpu.dma_semaphore, #tpu.memory_space<semaphore_mem>>) src(%dma_wait3A_444 : memref<64x128xf32, #tpu.memory_space<hbm>>) dst(%dma_wait3A_441 : memref<64x128xf32, #tpu.memory_space<vmem>>)
      %broadcast_in_dim3A_445 = arith.constant 0 : i32
      %broadcast_in_dim3A_446 = vector.broadcast %broadcast_in_dim3A_445 : i32 to vector<16xi32>
      %and3A_447 = arith.constant 127 : i32
      %and3A_448 = arith.andi %squeeze3A_429, %and3A_447 : i32
      %add3A_449 = vector.broadcast %and3A_448 : i32 to vector<16xi32>
      %add3A_450 = arith.addi %broadcast_in_dim3A_446, %add3A_449 : vector<16xi32>
      %broadcast_in_dim3A_451 = arith.constant 0 : i32
      %broadcast_in_dim3A_452 = vector.broadcast %broadcast_in_dim3A_451 : i32 to vector<16xi32>
      %and3A_453 = arith.constant 127 : i32
      %and3A_454 = arith.andi %add3A_423, %and3A_453 : i32
      %add3A_455 = vector.broadcast %and3A_454 : i32 to vector<16xi32>
      %add3A_456 = arith.addi %broadcast_in_dim3A_452, %add3A_455 : vector<16xi32>
      %broadcast_in_dim3A_457 = arith.constant 4 : i32
      %broadcast_in_dim3A_458 = vector.broadcast %broadcast_in_dim3A_457 : i32 to vector<16xi32>
      %add3A_459 = arith.constant 0 : i32
      %add3A_460 = vector.broadcast %add3A_459 : i32 to vector<16xi32>
      %add3A_461 = arith.addi %add3A_460, %iota3A : vector<16xi32>
      %gather3A_462 = tpu.vector_load_idx %arg6[%broadcast_in_dim3A_458, %add3A_461, %add3A_450] : memref<8x64x128xf32, #tpu.memory_space<vmem>>[vector<16xi32>, vector<16xi32>, vector<16xi32>], vector<16xf32>,
      tpu.vector_store_idx %arg7[%add3A_461, %add3A_456], %gather3A_462 : memref<64x128xf32, #tpu.memory_space<vmem>>[vector<16xi32>, vector<16xi32>], vector<16xf32>,
      %add3A_463 = arith.constant 16 : i32
      %add3A_464 = vector.broadcast %add3A_463 : i32 to vector<16xi32>
      %add3A_465 = arith.addi %add3A_464, %iota3A : vector<16xi32>
      %gather3A_466 = tpu.vector_load_idx %arg6[%broadcast_in_dim3A_458, %add3A_465, %add3A_450] : memref<8x64x128xf32, #tpu.memory_space<vmem>>[vector<16xi32>, vector<16xi32>, vector<16xi32>], vector<16xf32>,
      tpu.vector_store_idx %arg7[%add3A_465, %add3A_456], %gather3A_466 : memref<64x128xf32, #tpu.memory_space<vmem>>[vector<16xi32>, vector<16xi32>], vector<16xf32>,
      %add3A_467 = arith.constant 32 : i32
      %add3A_468 = vector.broadcast %add3A_467 : i32 to vector<16xi32>
      %add3A_469 = arith.addi %add3A_468, %iota3A : vector<16xi32>
      %gather3A_470 = tpu.vector_load_idx %arg6[%broadcast_in_dim3A_458, %add3A_469, %add3A_450] : memref<8x64x128xf32, #tpu.memory_space<vmem>>[vector<16xi32>, vector<16xi32>, vector<16xi32>], vector<16xf32>,
      tpu.vector_store_idx %arg7[%add3A_469, %add3A_456], %gather3A_470 : memref<64x128xf32, #tpu.memory_space<vmem>>[vector<16xi32>, vector<16xi32>], vector<16xf32>,
      %add3A_471 = arith.constant 48 : i32
      %add3A_472 = vector.broadcast %add3A_471 : i32 to vector<16xi32>
      %add3A_473 = arith.addi %add3A_472, %iota3A : vector<16xi32>
      %gather3A_474 = tpu.vector_load_idx %arg6[%broadcast_in_dim3A_458, %add3A_473, %add3A_450] : memref<8x64x128xf32, #tpu.memory_space<vmem>>[vector<16xi32>, vector<16xi32>, vector<16xi32>], vector<16xf32>,
      tpu.vector_store_idx %arg7[%add3A_473, %add3A_456], %gather3A_474 : memref<64x128xf32, #tpu.memory_space<vmem>>[vector<16xi32>, vector<16xi32>], vector<16xf32>,
      %slice3A_475 = vector.extract_strided_slice %get3A_170 {offsets = [12], sizes = [1], strides = [1]} : vector<16xi32> to vector<1xi32>
      %squeeze3A_476 = vector.extract %slice3A_475[0] : i32 from vector<1xi32>
      %add3A_477 = arith.constant 8 : i32
      %add3A_478 = arith.addi %add3A_423, %add3A_477 : i32
      %lt3A_479 = arith.constant 512 : i32
      %lt3A_480 = arith.cmpi slt, %add3A_478, %lt3A_479 : i32
      %convert_element_type3A_481 = arith.extui %lt3A_480 : i1 to i32
      %cond3A_482 = arith.constant 0 : i32
      %cond3A_483 = arith.cmpi ne, %convert_element_type3A_481, %cond3A_482 : i32
      scf.if %cond3A_483 {
        %shift_right_arithmetic3A_1204 = arith.constant 7 : i32
        %shift_right_arithmetic3A_1205 = arith.shrsi %squeeze3A_476, %shift_right_arithmetic3A_1204 : i32
        %shift_left3A_1206 = arith.constant 7 : i32
        %shift_left3A_1207 = arith.shli %shift_right_arithmetic3A_1205, %shift_left3A_1206 : i32
        %multiple_of3A_1208 = tpu.assume_multiple %shift_left3A_1207, 128 : i32
        %dma_start3A_1209 = arith.constant 4 : i32
        %dma_start3A_1210 = arith.constant 0 : i32
        %dma_start3A_1211 = arith.constant 0 : i32
        %dma_start3A_1212 = tpu.memref_slice %arg6[%dma_start3A_1209, %dma_start3A_1210, %dma_start3A_1211] : memref<8x64x128xf32, #tpu.memory_space<vmem>> -> memref<1x64x128xf32, #tpu.memory_space<vmem>>
        %dma_start3A_1213 = tpu.memref_squeeze %dma_start3A_1212 : memref<1x64x128xf32, #tpu.memory_space<vmem>> -> memref<64x128xf32, #tpu.memory_space<vmem>>
        %dma_start3A_1214 = arith.constant 0 : i32
        %dma_start3A_1215 = tpu.memref_slice %arg3[%dma_start3A_1214, %multiple_of3A_1208] : memref<64x1000000xf32, #tpu.memory_space<hbm>> -> memref<64x128xf32, #tpu.memory_space<hbm>>
        %dma_start3A_1216 = arith.constant 0 : i32
        %dma_start3A_1217 = arith.constant 0 : i32
        %dma_start3A_1218 = tpu.memref_slice %arg6[%dma_start3A_1209, %dma_start3A_1216, %dma_start3A_1217] : memref<8x64x128xf32, #tpu.memory_space<vmem>> -> memref<1x64x128xf32, #tpu.memory_space<vmem>>
        %dma_start3A_1219 = tpu.memref_squeeze %dma_start3A_1218 : memref<1x64x128xf32, #tpu.memory_space<vmem>> -> memref<64x128xf32, #tpu.memory_space<vmem>>
        %dma_start3A_1220 = arith.constant 0 : i32
        %dma_start3A_1221 = tpu.memref_slice %arg3[%dma_start3A_1220, %multiple_of3A_1208] : memref<64x1000000xf32, #tpu.memory_space<hbm>> -> memref<64x128xf32, #tpu.memory_space<hbm>>
        tpu.enqueue_dma source(%dma_start3A_1221 : memref<64x128xf32, #tpu.memory_space<hbm>>) target(%dma_start3A_1219 : memref<64x128xf32, #tpu.memory_space<vmem>>) target_semaphore(%arg12 : memref<!tpu.dma_semaphore, #tpu.memory_space<semaphore_mem>>)
      } else {
      }
      %mul3A_484 = arith.constant 16 : i32
      %mul3A_485 = arith.muli %add3A_166, %mul3A_484 : i32
      %add3A_486 = arith.constant 5 : i32
      %add3A_487 = arith.addi %mul3A_485, %add3A_486 : i32
      %mul3A_488 = arith.constant 16 : i32
      %mul3A_489 = arith.muli %add3A_166, %mul3A_488 : i32
      %get3A_490 = arith.index_cast %mul3A_489 : i32 to index
      %get3A_491 = tpu.vector_load %arg5[%get3A_490] {strides = array<i32>} : memref<512xi32, #tpu.memory_space<vmem>>, vector<16xi32>,
      %slice3A_492 = vector.extract_strided_slice %get3A_491 {offsets = [5], sizes = [1], strides = [1]} : vector<16xi32> to vector<1xi32>
      %squeeze3A_493 = vector.extract %slice3A_492[0] : i32 from vector<1xi32>
      %dma_wait3A_494 = arith.constant 5 : i32
      %dma_wait3A_495 = arith.constant 0 : i32
      %dma_wait3A_496 = arith.constant 0 : i32
      %dma_wait3A_497 = tpu.memref_slice %arg6[%dma_wait3A_494, %dma_wait3A_495, %dma_wait3A_496] : memref<8x64x128xf32, #tpu.memory_space<vmem>> -> memref<1x64x128xf32, #tpu.memory_space<vmem>>
      %dma_wait3A_498 = tpu.memref_squeeze %dma_wait3A_497 : memref<1x64x128xf32, #tpu.memory_space<vmem>> -> memref<64x128xf32, #tpu.memory_space<vmem>>
      %dma_wait3A_499 = arith.constant 0 : i32
      %dma_wait3A_500 = arith.constant 0 : i32
      %dma_wait3A_501 = tpu.memref_slice %arg3[%dma_wait3A_499, %dma_wait3A_500] : memref<64x1000000xf32, #tpu.memory_space<hbm>> -> memref<64x128xf32, #tpu.memory_space<hbm>>
      %dma_wait3A_502 = arith.constant 0 : i32
      %dma_wait3A_503 = arith.constant 0 : i32
      %dma_wait3A_504 = tpu.memref_slice %arg6[%dma_wait3A_494, %dma_wait3A_502, %dma_wait3A_503] : memref<8x64x128xf32, #tpu.memory_space<vmem>> -> memref<1x64x128xf32, #tpu.memory_space<vmem>>
      %dma_wait3A_505 = tpu.memref_squeeze %dma_wait3A_504 : memref<1x64x128xf32, #tpu.memory_space<vmem>> -> memref<64x128xf32, #tpu.memory_space<vmem>>
      %dma_wait3A_506 = arith.constant 0 : i32
      %dma_wait3A_507 = arith.constant 0 : i32
      %dma_wait3A_508 = tpu.memref_slice %arg3[%dma_wait3A_506, %dma_wait3A_507] : memref<64x1000000xf32, #tpu.memory_space<hbm>> -> memref<64x128xf32, #tpu.memory_space<hbm>>
      tpu.wait_dma2 semaphore(%arg13 : memref<!tpu.dma_semaphore, #tpu.memory_space<semaphore_mem>>) src(%dma_wait3A_508 : memref<64x128xf32, #tpu.memory_space<hbm>>) dst(%dma_wait3A_505 : memref<64x128xf32, #tpu.memory_space<vmem>>)
      %broadcast_in_dim3A_509 = arith.constant 0 : i32
      %broadcast_in_dim3A_510 = vector.broadcast %broadcast_in_dim3A_509 : i32 to vector<16xi32>
      %and3A_511 = arith.constant 127 : i32
      %and3A_512 = arith.andi %squeeze3A_493, %and3A_511 : i32
      %add3A_513 = vector.broadcast %and3A_512 : i32 to vector<16xi32>
      %add3A_514 = arith.addi %broadcast_in_dim3A_510, %add3A_513 : vector<16xi32>
      %broadcast_in_dim3A_515 = arith.constant 0 : i32
      %broadcast_in_dim3A_516 = vector.broadcast %broadcast_in_dim3A_515 : i32 to vector<16xi32>
      %and3A_517 = arith.constant 127 : i32
      %and3A_518 = arith.andi %add3A_487, %and3A_517 : i32
      %add3A_519 = vector.broadcast %and3A_518 : i32 to vector<16xi32>
      %add3A_520 = arith.addi %broadcast_in_dim3A_516, %add3A_519 : vector<16xi32>
      %broadcast_in_dim3A_521 = arith.constant 5 : i32
      %broadcast_in_dim3A_522 = vector.broadcast %broadcast_in_dim3A_521 : i32 to vector<16xi32>
      %add3A_523 = arith.constant 0 : i32
      %add3A_524 = vector.broadcast %add3A_523 : i32 to vector<16xi32>
      %add3A_525 = arith.addi %add3A_524, %iota3A : vector<16xi32>
      %gather3A_526 = tpu.vector_load_idx %arg6[%broadcast_in_dim3A_522, %add3A_525, %add3A_514] : memref<8x64x128xf32, #tpu.memory_space<vmem>>[vector<16xi32>, vector<16xi32>, vector<16xi32>], vector<16xf32>,
      tpu.vector_store_idx %arg7[%add3A_525, %add3A_520], %gather3A_526 : memref<64x128xf32, #tpu.memory_space<vmem>>[vector<16xi32>, vector<16xi32>], vector<16xf32>,
      %add3A_527 = arith.constant 16 : i32
      %add3A_528 = vector.broadcast %add3A_527 : i32 to vector<16xi32>
      %add3A_529 = arith.addi %add3A_528, %iota3A : vector<16xi32>
      %gather3A_530 = tpu.vector_load_idx %arg6[%broadcast_in_dim3A_522, %add3A_529, %add3A_514] : memref<8x64x128xf32, #tpu.memory_space<vmem>>[vector<16xi32>, vector<16xi32>, vector<16xi32>], vector<16xf32>,
      tpu.vector_store_idx %arg7[%add3A_529, %add3A_520], %gather3A_530 : memref<64x128xf32, #tpu.memory_space<vmem>>[vector<16xi32>, vector<16xi32>], vector<16xf32>,
      %add3A_531 = arith.constant 32 : i32
      %add3A_532 = vector.broadcast %add3A_531 : i32 to vector<16xi32>
      %add3A_533 = arith.addi %add3A_532, %iota3A : vector<16xi32>
      %gather3A_534 = tpu.vector_load_idx %arg6[%broadcast_in_dim3A_522, %add3A_533, %add3A_514] : memref<8x64x128xf32, #tpu.memory_space<vmem>>[vector<16xi32>, vector<16xi32>, vector<16xi32>], vector<16xf32>,
      tpu.vector_store_idx %arg7[%add3A_533, %add3A_520], %gather3A_534 : memref<64x128xf32, #tpu.memory_space<vmem>>[vector<16xi32>, vector<16xi32>], vector<16xf32>,
      %add3A_535 = arith.constant 48 : i32
      %add3A_536 = vector.broadcast %add3A_535 : i32 to vector<16xi32>
      %add3A_537 = arith.addi %add3A_536, %iota3A : vector<16xi32>
      %gather3A_538 = tpu.vector_load_idx %arg6[%broadcast_in_dim3A_522, %add3A_537, %add3A_514] : memref<8x64x128xf32, #tpu.memory_space<vmem>>[vector<16xi32>, vector<16xi32>, vector<16xi32>], vector<16xf32>,
      tpu.vector_store_idx %arg7[%add3A_537, %add3A_520], %gather3A_538 : memref<64x128xf32, #tpu.memory_space<vmem>>[vector<16xi32>, vector<16xi32>], vector<16xf32>,
      %slice3A_539 = vector.extract_strided_slice %get3A_170 {offsets = [13], sizes = [1], strides = [1]} : vector<16xi32> to vector<1xi32>
      %squeeze3A_540 = vector.extract %slice3A_539[0] : i32 from vector<1xi32>
      %add3A_541 = arith.constant 8 : i32
      %add3A_542 = arith.addi %add3A_487, %add3A_541 : i32
      %lt3A_543 = arith.constant 512 : i32
      %lt3A_544 = arith.cmpi slt, %add3A_542, %lt3A_543 : i32
      %convert_element_type3A_545 = arith.extui %lt3A_544 : i1 to i32
      %cond3A_546 = arith.constant 0 : i32
      %cond3A_547 = arith.cmpi ne, %convert_element_type3A_545, %cond3A_546 : i32
      scf.if %cond3A_547 {
        %shift_right_arithmetic3A_1204 = arith.constant 7 : i32
        %shift_right_arithmetic3A_1205 = arith.shrsi %squeeze3A_540, %shift_right_arithmetic3A_1204 : i32
        %shift_left3A_1206 = arith.constant 7 : i32
        %shift_left3A_1207 = arith.shli %shift_right_arithmetic3A_1205, %shift_left3A_1206 : i32
        %multiple_of3A_1208 = tpu.assume_multiple %shift_left3A_1207, 128 : i32
        %dma_start3A_1209 = arith.constant 5 : i32
        %dma_start3A_1210 = arith.constant 0 : i32
        %dma_start3A_1211 = arith.constant 0 : i32
        %dma_start3A_1212 = tpu.memref_slice %arg6[%dma_start3A_1209, %dma_start3A_1210, %dma_start3A_1211] : memref<8x64x128xf32, #tpu.memory_space<vmem>> -> memref<1x64x128xf32, #tpu.memory_space<vmem>>
        %dma_start3A_1213 = tpu.memref_squeeze %dma_start3A_1212 : memref<1x64x128xf32, #tpu.memory_space<vmem>> -> memref<64x128xf32, #tpu.memory_space<vmem>>
        %dma_start3A_1214 = arith.constant 0 : i32
        %dma_start3A_1215 = tpu.memref_slice %arg3[%dma_start3A_1214, %multiple_of3A_1208] : memref<64x1000000xf32, #tpu.memory_space<hbm>> -> memref<64x128xf32, #tpu.memory_space<hbm>>
        %dma_start3A_1216 = arith.constant 0 : i32
        %dma_start3A_1217 = arith.constant 0 : i32
        %dma_start3A_1218 = tpu.memref_slice %arg6[%dma_start3A_1209, %dma_start3A_1216, %dma_start3A_1217] : memref<8x64x128xf32, #tpu.memory_space<vmem>> -> memref<1x64x128xf32, #tpu.memory_space<vmem>>
        %dma_start3A_1219 = tpu.memref_squeeze %dma_start3A_1218 : memref<1x64x128xf32, #tpu.memory_space<vmem>> -> memref<64x128xf32, #tpu.memory_space<vmem>>
        %dma_start3A_1220 = arith.constant 0 : i32
        %dma_start3A_1221 = tpu.memref_slice %arg3[%dma_start3A_1220, %multiple_of3A_1208] : memref<64x1000000xf32, #tpu.memory_space<hbm>> -> memref<64x128xf32, #tpu.memory_space<hbm>>
        tpu.enqueue_dma source(%dma_start3A_1221 : memref<64x128xf32, #tpu.memory_space<hbm>>) target(%dma_start3A_1219 : memref<64x128xf32, #tpu.memory_space<vmem>>) target_semaphore(%arg13 : memref<!tpu.dma_semaphore, #tpu.memory_space<semaphore_mem>>)
      } else {
      }
      %mul3A_548 = arith.constant 16 : i32
      %mul3A_549 = arith.muli %add3A_166, %mul3A_548 : i32
      %add3A_550 = arith.constant 6 : i32
      %add3A_551 = arith.addi %mul3A_549, %add3A_550 : i32
      %mul3A_552 = arith.constant 16 : i32
      %mul3A_553 = arith.muli %add3A_166, %mul3A_552 : i32
      %get3A_554 = arith.index_cast %mul3A_553 : i32 to index
      %get3A_555 = tpu.vector_load %arg5[%get3A_554] {strides = array<i32>} : memref<512xi32, #tpu.memory_space<vmem>>, vector<16xi32>,
      %slice3A_556 = vector.extract_strided_slice %get3A_555 {offsets = [6], sizes = [1], strides = [1]} : vector<16xi32> to vector<1xi32>
      %squeeze3A_557 = vector.extract %slice3A_556[0] : i32 from vector<1xi32>
      %dma_wait3A_558 = arith.constant 6 : i32
      %dma_wait3A_559 = arith.constant 0 : i32
      %dma_wait3A_560 = arith.constant 0 : i32
      %dma_wait3A_561 = tpu.memref_slice %arg6[%dma_wait3A_558, %dma_wait3A_559, %dma_wait3A_560] : memref<8x64x128xf32, #tpu.memory_space<vmem>> -> memref<1x64x128xf32, #tpu.memory_space<vmem>>
      %dma_wait3A_562 = tpu.memref_squeeze %dma_wait3A_561 : memref<1x64x128xf32, #tpu.memory_space<vmem>> -> memref<64x128xf32, #tpu.memory_space<vmem>>
      %dma_wait3A_563 = arith.constant 0 : i32
      %dma_wait3A_564 = arith.constant 0 : i32
      %dma_wait3A_565 = tpu.memref_slice %arg3[%dma_wait3A_563, %dma_wait3A_564] : memref<64x1000000xf32, #tpu.memory_space<hbm>> -> memref<64x128xf32, #tpu.memory_space<hbm>>
      %dma_wait3A_566 = arith.constant 0 : i32
      %dma_wait3A_567 = arith.constant 0 : i32
      %dma_wait3A_568 = tpu.memref_slice %arg6[%dma_wait3A_558, %dma_wait3A_566, %dma_wait3A_567] : memref<8x64x128xf32, #tpu.memory_space<vmem>> -> memref<1x64x128xf32, #tpu.memory_space<vmem>>
      %dma_wait3A_569 = tpu.memref_squeeze %dma_wait3A_568 : memref<1x64x128xf32, #tpu.memory_space<vmem>> -> memref<64x128xf32, #tpu.memory_space<vmem>>
      %dma_wait3A_570 = arith.constant 0 : i32
      %dma_wait3A_571 = arith.constant 0 : i32
      %dma_wait3A_572 = tpu.memref_slice %arg3[%dma_wait3A_570, %dma_wait3A_571] : memref<64x1000000xf32, #tpu.memory_space<hbm>> -> memref<64x128xf32, #tpu.memory_space<hbm>>
      tpu.wait_dma2 semaphore(%arg14 : memref<!tpu.dma_semaphore, #tpu.memory_space<semaphore_mem>>) src(%dma_wait3A_572 : memref<64x128xf32, #tpu.memory_space<hbm>>) dst(%dma_wait3A_569 : memref<64x128xf32, #tpu.memory_space<vmem>>)
      %broadcast_in_dim3A_573 = arith.constant 0 : i32
      %broadcast_in_dim3A_574 = vector.broadcast %broadcast_in_dim3A_573 : i32 to vector<16xi32>
      %and3A_575 = arith.constant 127 : i32
      %and3A_576 = arith.andi %squeeze3A_557, %and3A_575 : i32
      %add3A_577 = vector.broadcast %and3A_576 : i32 to vector<16xi32>
      %add3A_578 = arith.addi %broadcast_in_dim3A_574, %add3A_577 : vector<16xi32>
      %broadcast_in_dim3A_579 = arith.constant 0 : i32
      %broadcast_in_dim3A_580 = vector.broadcast %broadcast_in_dim3A_579 : i32 to vector<16xi32>
      %and3A_581 = arith.constant 127 : i32
      %and3A_582 = arith.andi %add3A_551, %and3A_581 : i32
      %add3A_583 = vector.broadcast %and3A_582 : i32 to vector<16xi32>
      %add3A_584 = arith.addi %broadcast_in_dim3A_580, %add3A_583 : vector<16xi32>
      %broadcast_in_dim3A_585 = arith.constant 6 : i32
      %broadcast_in_dim3A_586 = vector.broadcast %broadcast_in_dim3A_585 : i32 to vector<16xi32>
      %add3A_587 = arith.constant 0 : i32
      %add3A_588 = vector.broadcast %add3A_587 : i32 to vector<16xi32>
      %add3A_589 = arith.addi %add3A_588, %iota3A : vector<16xi32>
      %gather3A_590 = tpu.vector_load_idx %arg6[%broadcast_in_dim3A_586, %add3A_589, %add3A_578] : memref<8x64x128xf32, #tpu.memory_space<vmem>>[vector<16xi32>, vector<16xi32>, vector<16xi32>], vector<16xf32>,
      tpu.vector_store_idx %arg7[%add3A_589, %add3A_584], %gather3A_590 : memref<64x128xf32, #tpu.memory_space<vmem>>[vector<16xi32>, vector<16xi32>], vector<16xf32>,
      %add3A_591 = arith.constant 16 : i32
      %add3A_592 = vector.broadcast %add3A_591 : i32 to vector<16xi32>
      %add3A_593 = arith.addi %add3A_592, %iota3A : vector<16xi32>
      %gather3A_594 = tpu.vector_load_idx %arg6[%broadcast_in_dim3A_586, %add3A_593, %add3A_578] : memref<8x64x128xf32, #tpu.memory_space<vmem>>[vector<16xi32>, vector<16xi32>, vector<16xi32>], vector<16xf32>,
      tpu.vector_store_idx %arg7[%add3A_593, %add3A_584], %gather3A_594 : memref<64x128xf32, #tpu.memory_space<vmem>>[vector<16xi32>, vector<16xi32>], vector<16xf32>,
      %add3A_595 = arith.constant 32 : i32
      %add3A_596 = vector.broadcast %add3A_595 : i32 to vector<16xi32>
      %add3A_597 = arith.addi %add3A_596, %iota3A : vector<16xi32>
      %gather3A_598 = tpu.vector_load_idx %arg6[%broadcast_in_dim3A_586, %add3A_597, %add3A_578] : memref<8x64x128xf32, #tpu.memory_space<vmem>>[vector<16xi32>, vector<16xi32>, vector<16xi32>], vector<16xf32>,
      tpu.vector_store_idx %arg7[%add3A_597, %add3A_584], %gather3A_598 : memref<64x128xf32, #tpu.memory_space<vmem>>[vector<16xi32>, vector<16xi32>], vector<16xf32>,
      %add3A_599 = arith.constant 48 : i32
      %add3A_600 = vector.broadcast %add3A_599 : i32 to vector<16xi32>
      %add3A_601 = arith.addi %add3A_600, %iota3A : vector<16xi32>
      %gather3A_602 = tpu.vector_load_idx %arg6[%broadcast_in_dim3A_586, %add3A_601, %add3A_578] : memref<8x64x128xf32, #tpu.memory_space<vmem>>[vector<16xi32>, vector<16xi32>, vector<16xi32>], vector<16xf32>,
      tpu.vector_store_idx %arg7[%add3A_601, %add3A_584], %gather3A_602 : memref<64x128xf32, #tpu.memory_space<vmem>>[vector<16xi32>, vector<16xi32>], vector<16xf32>,
      %slice3A_603 = vector.extract_strided_slice %get3A_170 {offsets = [14], sizes = [1], strides = [1]} : vector<16xi32> to vector<1xi32>
      %squeeze3A_604 = vector.extract %slice3A_603[0] : i32 from vector<1xi32>
      %add3A_605 = arith.constant 8 : i32
      %add3A_606 = arith.addi %add3A_551, %add3A_605 : i32
      %lt3A_607 = arith.constant 512 : i32
      %lt3A_608 = arith.cmpi slt, %add3A_606, %lt3A_607 : i32
      %convert_element_type3A_609 = arith.extui %lt3A_608 : i1 to i32
      %cond3A_610 = arith.constant 0 : i32
      %cond3A_611 = arith.cmpi ne, %convert_element_type3A_609, %cond3A_610 : i32
      scf.if %cond3A_611 {
        %shift_right_arithmetic3A_1204 = arith.constant 7 : i32
        %shift_right_arithmetic3A_1205 = arith.shrsi %squeeze3A_604, %shift_right_arithmetic3A_1204 : i32
        %shift_left3A_1206 = arith.constant 7 : i32
        %shift_left3A_1207 = arith.shli %shift_right_arithmetic3A_1205, %shift_left3A_1206 : i32
        %multiple_of3A_1208 = tpu.assume_multiple %shift_left3A_1207, 128 : i32
        %dma_start3A_1209 = arith.constant 6 : i32
        %dma_start3A_1210 = arith.constant 0 : i32
        %dma_start3A_1211 = arith.constant 0 : i32
        %dma_start3A_1212 = tpu.memref_slice %arg6[%dma_start3A_1209, %dma_start3A_1210, %dma_start3A_1211] : memref<8x64x128xf32, #tpu.memory_space<vmem>> -> memref<1x64x128xf32, #tpu.memory_space<vmem>>
        %dma_start3A_1213 = tpu.memref_squeeze %dma_start3A_1212 : memref<1x64x128xf32, #tpu.memory_space<vmem>> -> memref<64x128xf32, #tpu.memory_space<vmem>>
        %dma_start3A_1214 = arith.constant 0 : i32
        %dma_start3A_1215 = tpu.memref_slice %arg3[%dma_start3A_1214, %multiple_of3A_1208] : memref<64x1000000xf32, #tpu.memory_space<hbm>> -> memref<64x128xf32, #tpu.memory_space<hbm>>
        %dma_start3A_1216 = arith.constant 0 : i32
        %dma_start3A_1217 = arith.constant 0 : i32
        %dma_start3A_1218 = tpu.memref_slice %arg6[%dma_start3A_1209, %dma_start3A_1216, %dma_start3A_1217] : memref<8x64x128xf32, #tpu.memory_space<vmem>> -> memref<1x64x128xf32, #tpu.memory_space<vmem>>
        %dma_start3A_1219 = tpu.memref_squeeze %dma_start3A_1218 : memref<1x64x128xf32, #tpu.memory_space<vmem>> -> memref<64x128xf32, #tpu.memory_space<vmem>>
        %dma_start3A_1220 = arith.constant 0 : i32
        %dma_start3A_1221 = tpu.memref_slice %arg3[%dma_start3A_1220, %multiple_of3A_1208] : memref<64x1000000xf32, #tpu.memory_space<hbm>> -> memref<64x128xf32, #tpu.memory_space<hbm>>
        tpu.enqueue_dma source(%dma_start3A_1221 : memref<64x128xf32, #tpu.memory_space<hbm>>) target(%dma_start3A_1219 : memref<64x128xf32, #tpu.memory_space<vmem>>) target_semaphore(%arg14 : memref<!tpu.dma_semaphore, #tpu.memory_space<semaphore_mem>>)
      } else {
      }
      %mul3A_612 = arith.constant 16 : i32
      %mul3A_613 = arith.muli %add3A_166, %mul3A_612 : i32
      %add3A_614 = arith.constant 7 : i32
      %add3A_615 = arith.addi %mul3A_613, %add3A_614 : i32
      %mul3A_616 = arith.constant 16 : i32
      %mul3A_617 = arith.muli %add3A_166, %mul3A_616 : i32
      %get3A_618 = arith.index_cast %mul3A_617 : i32 to index
      %get3A_619 = tpu.vector_load %arg5[%get3A_618] {strides = array<i32>} : memref<512xi32, #tpu.memory_space<vmem>>, vector<16xi32>,
      %slice3A_620 = vector.extract_strided_slice %get3A_619 {offsets = [7], sizes = [1], strides = [1]} : vector<16xi32> to vector<1xi32>
      %squeeze3A_621 = vector.extract %slice3A_620[0] : i32 from vector<1xi32>
      %dma_wait3A_622 = arith.constant 7 : i32
      %dma_wait3A_623 = arith.constant 0 : i32
      %dma_wait3A_624 = arith.constant 0 : i32
      %dma_wait3A_625 = tpu.memref_slice %arg6[%dma_wait3A_622, %dma_wait3A_623, %dma_wait3A_624] : memref<8x64x128xf32, #tpu.memory_space<vmem>> -> memref<1x64x128xf32, #tpu.memory_space<vmem>>
      %dma_wait3A_626 = tpu.memref_squeeze %dma_wait3A_625 : memref<1x64x128xf32, #tpu.memory_space<vmem>> -> memref<64x128xf32, #tpu.memory_space<vmem>>
      %dma_wait3A_627 = arith.constant 0 : i32
      %dma_wait3A_628 = arith.constant 0 : i32
      %dma_wait3A_629 = tpu.memref_slice %arg3[%dma_wait3A_627, %dma_wait3A_628] : memref<64x1000000xf32, #tpu.memory_space<hbm>> -> memref<64x128xf32, #tpu.memory_space<hbm>>
      %dma_wait3A_630 = arith.constant 0 : i32
      %dma_wait3A_631 = arith.constant 0 : i32
      %dma_wait3A_632 = tpu.memref_slice %arg6[%dma_wait3A_622, %dma_wait3A_630, %dma_wait3A_631] : memref<8x64x128xf32, #tpu.memory_space<vmem>> -> memref<1x64x128xf32, #tpu.memory_space<vmem>>
      %dma_wait3A_633 = tpu.memref_squeeze %dma_wait3A_632 : memref<1x64x128xf32, #tpu.memory_space<vmem>> -> memref<64x128xf32, #tpu.memory_space<vmem>>
      %dma_wait3A_634 = arith.constant 0 : i32
      %dma_wait3A_635 = arith.constant 0 : i32
      %dma_wait3A_636 = tpu.memref_slice %arg3[%dma_wait3A_634, %dma_wait3A_635] : memref<64x1000000xf32, #tpu.memory_space<hbm>> -> memref<64x128xf32, #tpu.memory_space<hbm>>
      tpu.wait_dma2 semaphore(%arg15 : memref<!tpu.dma_semaphore, #tpu.memory_space<semaphore_mem>>) src(%dma_wait3A_636 : memref<64x128xf32, #tpu.memory_space<hbm>>) dst(%dma_wait3A_633 : memref<64x128xf32, #tpu.memory_space<vmem>>)
      %broadcast_in_dim3A_637 = arith.constant 0 : i32
      %broadcast_in_dim3A_638 = vector.broadcast %broadcast_in_dim3A_637 : i32 to vector<16xi32>
      %and3A_639 = arith.constant 127 : i32
      %and3A_640 = arith.andi %squeeze3A_621, %and3A_639 : i32
      %add3A_641 = vector.broadcast %and3A_640 : i32 to vector<16xi32>
      %add3A_642 = arith.addi %broadcast_in_dim3A_638, %add3A_641 : vector<16xi32>
      %broadcast_in_dim3A_643 = arith.constant 0 : i32
      %broadcast_in_dim3A_644 = vector.broadcast %broadcast_in_dim3A_643 : i32 to vector<16xi32>
      %and3A_645 = arith.constant 127 : i32
      %and3A_646 = arith.andi %add3A_615, %and3A_645 : i32
      %add3A_647 = vector.broadcast %and3A_646 : i32 to vector<16xi32>
      %add3A_648 = arith.addi %broadcast_in_dim3A_644, %add3A_647 : vector<16xi32>
      %broadcast_in_dim3A_649 = arith.constant 7 : i32
      %broadcast_in_dim3A_650 = vector.broadcast %broadcast_in_dim3A_649 : i32 to vector<16xi32>
      %add3A_651 = arith.constant 0 : i32
      %add3A_652 = vector.broadcast %add3A_651 : i32 to vector<16xi32>
      %add3A_653 = arith.addi %add3A_652, %iota3A : vector<16xi32>
      %gather3A_654 = tpu.vector_load_idx %arg6[%broadcast_in_dim3A_650, %add3A_653, %add3A_642] : memref<8x64x128xf32, #tpu.memory_space<vmem>>[vector<16xi32>, vector<16xi32>, vector<16xi32>], vector<16xf32>,
      tpu.vector_store_idx %arg7[%add3A_653, %add3A_648], %gather3A_654 : memref<64x128xf32, #tpu.memory_space<vmem>>[vector<16xi32>, vector<16xi32>], vector<16xf32>,
      %add3A_655 = arith.constant 16 : i32
      %add3A_656 = vector.broadcast %add3A_655 : i32 to vector<16xi32>
      %add3A_657 = arith.addi %add3A_656, %iota3A : vector<16xi32>
      %gather3A_658 = tpu.vector_load_idx %arg6[%broadcast_in_dim3A_650, %add3A_657, %add3A_642] : memref<8x64x128xf32, #tpu.memory_space<vmem>>[vector<16xi32>, vector<16xi32>, vector<16xi32>], vector<16xf32>,
      tpu.vector_store_idx %arg7[%add3A_657, %add3A_648], %gather3A_658 : memref<64x128xf32, #tpu.memory_space<vmem>>[vector<16xi32>, vector<16xi32>], vector<16xf32>,
      %add3A_659 = arith.constant 32 : i32
      %add3A_660 = vector.broadcast %add3A_659 : i32 to vector<16xi32>
      %add3A_661 = arith.addi %add3A_660, %iota3A : vector<16xi32>
      %gather3A_662 = tpu.vector_load_idx %arg6[%broadcast_in_dim3A_650, %add3A_661, %add3A_642] : memref<8x64x128xf32, #tpu.memory_space<vmem>>[vector<16xi32>, vector<16xi32>, vector<16xi32>], vector<16xf32>,
      tpu.vector_store_idx %arg7[%add3A_661, %add3A_648], %gather3A_662 : memref<64x128xf32, #tpu.memory_space<vmem>>[vector<16xi32>, vector<16xi32>], vector<16xf32>,
      %add3A_663 = arith.constant 48 : i32
      %add3A_664 = vector.broadcast %add3A_663 : i32 to vector<16xi32>
      %add3A_665 = arith.addi %add3A_664, %iota3A : vector<16xi32>
      %gather3A_666 = tpu.vector_load_idx %arg6[%broadcast_in_dim3A_650, %add3A_665, %add3A_642] : memref<8x64x128xf32, #tpu.memory_space<vmem>>[vector<16xi32>, vector<16xi32>, vector<16xi32>], vector<16xf32>,
      tpu.vector_store_idx %arg7[%add3A_665, %add3A_648], %gather3A_666 : memref<64x128xf32, #tpu.memory_space<vmem>>[vector<16xi32>, vector<16xi32>], vector<16xf32>,
      %slice3A_667 = vector.extract_strided_slice %get3A_170 {offsets = [15], sizes = [1], strides = [1]} : vector<16xi32> to vector<1xi32>
      %squeeze3A_668 = vector.extract %slice3A_667[0] : i32 from vector<1xi32>
      %add3A_669 = arith.constant 8 : i32
      %add3A_670 = arith.addi %add3A_615, %add3A_669 : i32
      %lt3A_671 = arith.constant 512 : i32
      %lt3A_672 = arith.cmpi slt, %add3A_670, %lt3A_671 : i32
      %convert_element_type3A_673 = arith.extui %lt3A_672 : i1 to i32
      %cond3A_674 = arith.constant 0 : i32
      %cond3A_675 = arith.cmpi ne, %convert_element_type3A_673, %cond3A_674 : i32
      scf.if %cond3A_675 {
        %shift_right_arithmetic3A_1204 = arith.constant 7 : i32
        %shift_right_arithmetic3A_1205 = arith.shrsi %squeeze3A_668, %shift_right_arithmetic3A_1204 : i32
        %shift_left3A_1206 = arith.constant 7 : i32
        %shift_left3A_1207 = arith.shli %shift_right_arithmetic3A_1205, %shift_left3A_1206 : i32
        %multiple_of3A_1208 = tpu.assume_multiple %shift_left3A_1207, 128 : i32
        %dma_start3A_1209 = arith.constant 7 : i32
        %dma_start3A_1210 = arith.constant 0 : i32
        %dma_start3A_1211 = arith.constant 0 : i32
        %dma_start3A_1212 = tpu.memref_slice %arg6[%dma_start3A_1209, %dma_start3A_1210, %dma_start3A_1211] : memref<8x64x128xf32, #tpu.memory_space<vmem>> -> memref<1x64x128xf32, #tpu.memory_space<vmem>>
        %dma_start3A_1213 = tpu.memref_squeeze %dma_start3A_1212 : memref<1x64x128xf32, #tpu.memory_space<vmem>> -> memref<64x128xf32, #tpu.memory_space<vmem>>
        %dma_start3A_1214 = arith.constant 0 : i32
        %dma_start3A_1215 = tpu.memref_slice %arg3[%dma_start3A_1214, %multiple_of3A_1208] : memref<64x1000000xf32, #tpu.memory_space<hbm>> -> memref<64x128xf32, #tpu.memory_space<hbm>>
        %dma_start3A_1216 = arith.constant 0 : i32
        %dma_start3A_1217 = arith.constant 0 : i32
        %dma_start3A_1218 = tpu.memref_slice %arg6[%dma_start3A_1209, %dma_start3A_1216, %dma_start3A_1217] : memref<8x64x128xf32, #tpu.memory_space<vmem>> -> memref<1x64x128xf32, #tpu.memory_space<vmem>>
        %dma_start3A_1219 = tpu.memref_squeeze %dma_start3A_1218 : memref<1x64x128xf32, #tpu.memory_space<vmem>> -> memref<64x128xf32, #tpu.memory_space<vmem>>
        %dma_start3A_1220 = arith.constant 0 : i32
        %dma_start3A_1221 = tpu.memref_slice %arg3[%dma_start3A_1220, %multiple_of3A_1208] : memref<64x1000000xf32, #tpu.memory_space<hbm>> -> memref<64x128xf32, #tpu.memory_space<hbm>>
        tpu.enqueue_dma source(%dma_start3A_1221 : memref<64x128xf32, #tpu.memory_space<hbm>>) target(%dma_start3A_1219 : memref<64x128xf32, #tpu.memory_space<vmem>>) target_semaphore(%arg15 : memref<!tpu.dma_semaphore, #tpu.memory_space<semaphore_mem>>)
      } else {
      }
      %mul3A_676 = arith.constant 16 : i32
      %mul3A_677 = arith.muli %add3A_166, %mul3A_676 : i32
      %add3A_678 = arith.constant 8 : i32
      %add3A_679 = arith.addi %mul3A_677, %add3A_678 : i32
      %add3A_680 = arith.constant 1 : i32
      %add3A_681 = arith.addi %add3A_166, %add3A_680 : i32
      %lt3A_682 = arith.constant 32 : i32
      %lt3A_683 = arith.cmpi slt, %add3A_681, %lt3A_682 : i32
      %add3A_684 = arith.constant 1 : i32
      %add3A_685 = arith.addi %add3A_166, %add3A_684 : i32
      %mul3A_686 = arith.constant 16 : i32
      %mul3A_687 = arith.muli %add3A_685, %mul3A_686 : i32
      %jit3A = arith.constant 0 : i32
      %select_n3A = arith.select %lt3A_683, %mul3A_687, %jit3A : i32
      %get3A_688 = arith.index_cast %select_n3A : i32 to index
      %get3A_689 = tpu.vector_load %arg5[%get3A_688] {strides = array<i32>} : memref<512xi32, #tpu.memory_space<vmem>>, vector<16xi32>,
      %mul3A_690 = arith.constant 16 : i32
      %mul3A_691 = arith.muli %add3A_166, %mul3A_690 : i32
      %get3A_692 = arith.index_cast %mul3A_691 : i32 to index
      %get3A_693 = tpu.vector_load %arg5[%get3A_692] {strides = array<i32>} : memref<512xi32, #tpu.memory_space<vmem>>, vector<16xi32>,
      %slice3A_694 = vector.extract_strided_slice %get3A_693 {offsets = [8], sizes = [1], strides = [1]} : vector<16xi32> to vector<1xi32>
      %squeeze3A_695 = vector.extract %slice3A_694[0] : i32 from vector<1xi32>
      %dma_wait3A_696 = arith.constant 0 : i32
      %dma_wait3A_697 = arith.constant 0 : i32
      %dma_wait3A_698 = arith.constant 0 : i32
      %dma_wait3A_699 = tpu.memref_slice %arg6[%dma_wait3A_696, %dma_wait3A_697, %dma_wait3A_698] : memref<8x64x128xf32, #tpu.memory_space<vmem>> -> memref<1x64x128xf32, #tpu.memory_space<vmem>>
      %dma_wait3A_700 = tpu.memref_squeeze %dma_wait3A_699 : memref<1x64x128xf32, #tpu.memory_space<vmem>> -> memref<64x128xf32, #tpu.memory_space<vmem>>
      %dma_wait3A_701 = arith.constant 0 : i32
      %dma_wait3A_702 = arith.constant 0 : i32
      %dma_wait3A_703 = tpu.memref_slice %arg3[%dma_wait3A_701, %dma_wait3A_702] : memref<64x1000000xf32, #tpu.memory_space<hbm>> -> memref<64x128xf32, #tpu.memory_space<hbm>>
      %dma_wait3A_704 = arith.constant 0 : i32
      %dma_wait3A_705 = arith.constant 0 : i32
      %dma_wait3A_706 = tpu.memref_slice %arg6[%dma_wait3A_696, %dma_wait3A_704, %dma_wait3A_705] : memref<8x64x128xf32, #tpu.memory_space<vmem>> -> memref<1x64x128xf32, #tpu.memory_space<vmem>>
      %dma_wait3A_707 = tpu.memref_squeeze %dma_wait3A_706 : memref<1x64x128xf32, #tpu.memory_space<vmem>> -> memref<64x128xf32, #tpu.memory_space<vmem>>
      %dma_wait3A_708 = arith.constant 0 : i32
      %dma_wait3A_709 = arith.constant 0 : i32
      %dma_wait3A_710 = tpu.memref_slice %arg3[%dma_wait3A_708, %dma_wait3A_709] : memref<64x1000000xf32, #tpu.memory_space<hbm>> -> memref<64x128xf32, #tpu.memory_space<hbm>>
      tpu.wait_dma2 semaphore(%arg8 : memref<!tpu.dma_semaphore, #tpu.memory_space<semaphore_mem>>) src(%dma_wait3A_710 : memref<64x128xf32, #tpu.memory_space<hbm>>) dst(%dma_wait3A_707 : memref<64x128xf32, #tpu.memory_space<vmem>>)
      %broadcast_in_dim3A_711 = arith.constant 0 : i32
      %broadcast_in_dim3A_712 = vector.broadcast %broadcast_in_dim3A_711 : i32 to vector<16xi32>
      %and3A_713 = arith.constant 127 : i32
      %and3A_714 = arith.andi %squeeze3A_695, %and3A_713 : i32
      %add3A_715 = vector.broadcast %and3A_714 : i32 to vector<16xi32>
      %add3A_716 = arith.addi %broadcast_in_dim3A_712, %add3A_715 : vector<16xi32>
      %broadcast_in_dim3A_717 = arith.constant 0 : i32
      %broadcast_in_dim3A_718 = vector.broadcast %broadcast_in_dim3A_717 : i32 to vector<16xi32>
      %and3A_719 = arith.constant 127 : i32
      %and3A_720 = arith.andi %add3A_679, %and3A_719 : i32
      %add3A_721 = vector.broadcast %and3A_720 : i32 to vector<16xi32>
      %add3A_722 = arith.addi %broadcast_in_dim3A_718, %add3A_721 : vector<16xi32>
      %broadcast_in_dim3A_723 = arith.constant 0 : i32
      %broadcast_in_dim3A_724 = vector.broadcast %broadcast_in_dim3A_723 : i32 to vector<16xi32>
      %add3A_725 = arith.constant 0 : i32
      %add3A_726 = vector.broadcast %add3A_725 : i32 to vector<16xi32>
      %add3A_727 = arith.addi %add3A_726, %iota3A : vector<16xi32>
      %gather3A_728 = tpu.vector_load_idx %arg6[%broadcast_in_dim3A_724, %add3A_727, %add3A_716] : memref<8x64x128xf32, #tpu.memory_space<vmem>>[vector<16xi32>, vector<16xi32>, vector<16xi32>], vector<16xf32>,
      tpu.vector_store_idx %arg7[%add3A_727, %add3A_722], %gather3A_728 : memref<64x128xf32, #tpu.memory_space<vmem>>[vector<16xi32>, vector<16xi32>], vector<16xf32>,
      %add3A_729 = arith.constant 16 : i32
      %add3A_730 = vector.broadcast %add3A_729 : i32 to vector<16xi32>
      %add3A_731 = arith.addi %add3A_730, %iota3A : vector<16xi32>
      %gather3A_732 = tpu.vector_load_idx %arg6[%broadcast_in_dim3A_724, %add3A_731, %add3A_716] : memref<8x64x128xf32, #tpu.memory_space<vmem>>[vector<16xi32>, vector<16xi32>, vector<16xi32>], vector<16xf32>,
      tpu.vector_store_idx %arg7[%add3A_731, %add3A_722], %gather3A_732 : memref<64x128xf32, #tpu.memory_space<vmem>>[vector<16xi32>, vector<16xi32>], vector<16xf32>,
      %add3A_733 = arith.constant 32 : i32
      %add3A_734 = vector.broadcast %add3A_733 : i32 to vector<16xi32>
      %add3A_735 = arith.addi %add3A_734, %iota3A : vector<16xi32>
      %gather3A_736 = tpu.vector_load_idx %arg6[%broadcast_in_dim3A_724, %add3A_735, %add3A_716] : memref<8x64x128xf32, #tpu.memory_space<vmem>>[vector<16xi32>, vector<16xi32>, vector<16xi32>], vector<16xf32>,
      tpu.vector_store_idx %arg7[%add3A_735, %add3A_722], %gather3A_736 : memref<64x128xf32, #tpu.memory_space<vmem>>[vector<16xi32>, vector<16xi32>], vector<16xf32>,
      %add3A_737 = arith.constant 48 : i32
      %add3A_738 = vector.broadcast %add3A_737 : i32 to vector<16xi32>
      %add3A_739 = arith.addi %add3A_738, %iota3A : vector<16xi32>
      %gather3A_740 = tpu.vector_load_idx %arg6[%broadcast_in_dim3A_724, %add3A_739, %add3A_716] : memref<8x64x128xf32, #tpu.memory_space<vmem>>[vector<16xi32>, vector<16xi32>, vector<16xi32>], vector<16xf32>,
      tpu.vector_store_idx %arg7[%add3A_739, %add3A_722], %gather3A_740 : memref<64x128xf32, #tpu.memory_space<vmem>>[vector<16xi32>, vector<16xi32>], vector<16xf32>,
      %slice3A_741 = vector.extract_strided_slice %get3A_689 {offsets = [0], sizes = [1], strides = [1]} : vector<16xi32> to vector<1xi32>
      %squeeze3A_742 = vector.extract %slice3A_741[0] : i32 from vector<1xi32>
      %add3A_743 = arith.constant 8 : i32
      %add3A_744 = arith.addi %add3A_679, %add3A_743 : i32
      %lt3A_745 = arith.constant 512 : i32
      %lt3A_746 = arith.cmpi slt, %add3A_744, %lt3A_745 : i32
      %convert_element_type3A_747 = arith.extui %lt3A_746 : i1 to i32
      %cond3A_748 = arith.constant 0 : i32
      %cond3A_749 = arith.cmpi ne, %convert_element_type3A_747, %cond3A_748 : i32
      scf.if %cond3A_749 {
        %shift_right_arithmetic3A_1204 = arith.constant 7 : i32
        %shift_right_arithmetic3A_1205 = arith.shrsi %squeeze3A_742, %shift_right_arithmetic3A_1204 : i32
        %shift_left3A_1206 = arith.constant 7 : i32
        %shift_left3A_1207 = arith.shli %shift_right_arithmetic3A_1205, %shift_left3A_1206 : i32
        %multiple_of3A_1208 = tpu.assume_multiple %shift_left3A_1207, 128 : i32
        %dma_start3A_1209 = arith.constant 0 : i32
        %dma_start3A_1210 = arith.constant 0 : i32
        %dma_start3A_1211 = arith.constant 0 : i32
        %dma_start3A_1212 = tpu.memref_slice %arg6[%dma_start3A_1209, %dma_start3A_1210, %dma_start3A_1211] : memref<8x64x128xf32, #tpu.memory_space<vmem>> -> memref<1x64x128xf32, #tpu.memory_space<vmem>>
        %dma_start3A_1213 = tpu.memref_squeeze %dma_start3A_1212 : memref<1x64x128xf32, #tpu.memory_space<vmem>> -> memref<64x128xf32, #tpu.memory_space<vmem>>
        %dma_start3A_1214 = arith.constant 0 : i32
        %dma_start3A_1215 = tpu.memref_slice %arg3[%dma_start3A_1214, %multiple_of3A_1208] : memref<64x1000000xf32, #tpu.memory_space<hbm>> -> memref<64x128xf32, #tpu.memory_space<hbm>>
        %dma_start3A_1216 = arith.constant 0 : i32
        %dma_start3A_1217 = arith.constant 0 : i32
        %dma_start3A_1218 = tpu.memref_slice %arg6[%dma_start3A_1209, %dma_start3A_1216, %dma_start3A_1217] : memref<8x64x128xf32, #tpu.memory_space<vmem>> -> memref<1x64x128xf32, #tpu.memory_space<vmem>>
        %dma_start3A_1219 = tpu.memref_squeeze %dma_start3A_1218 : memref<1x64x128xf32, #tpu.memory_space<vmem>> -> memref<64x128xf32, #tpu.memory_space<vmem>>
        %dma_start3A_1220 = arith.constant 0 : i32
        %dma_start3A_1221 = tpu.memref_slice %arg3[%dma_start3A_1220, %multiple_of3A_1208] : memref<64x1000000xf32, #tpu.memory_space<hbm>> -> memref<64x128xf32, #tpu.memory_space<hbm>>
        tpu.enqueue_dma source(%dma_start3A_1221 : memref<64x128xf32, #tpu.memory_space<hbm>>) target(%dma_start3A_1219 : memref<64x128xf32, #tpu.memory_space<vmem>>) target_semaphore(%arg8 : memref<!tpu.dma_semaphore, #tpu.memory_space<semaphore_mem>>)
      } else {
      }
      %mul3A_750 = arith.constant 16 : i32
      %mul3A_751 = arith.muli %add3A_166, %mul3A_750 : i32
      %add3A_752 = arith.constant 9 : i32
      %add3A_753 = arith.addi %mul3A_751, %add3A_752 : i32
      %mul3A_754 = arith.constant 16 : i32
      %mul3A_755 = arith.muli %add3A_166, %mul3A_754 : i32
      %get3A_756 = arith.index_cast %mul3A_755 : i32 to index
      %get3A_757 = tpu.vector_load %arg5[%get3A_756] {strides = array<i32>} : memref<512xi32, #tpu.memory_space<vmem>>, vector<16xi32>,
      %slice3A_758 = vector.extract_strided_slice %get3A_757 {offsets = [9], sizes = [1], strides = [1]} : vector<16xi32> to vector<1xi32>
      %squeeze3A_759 = vector.extract %slice3A_758[0] : i32 from vector<1xi32>
      %dma_wait3A_760 = arith.constant 1 : i32
      %dma_wait3A_761 = arith.constant 0 : i32
      %dma_wait3A_762 = arith.constant 0 : i32
      %dma_wait3A_763 = tpu.memref_slice %arg6[%dma_wait3A_760, %dma_wait3A_761, %dma_wait3A_762] : memref<8x64x128xf32, #tpu.memory_space<vmem>> -> memref<1x64x128xf32, #tpu.memory_space<vmem>>
      %dma_wait3A_764 = tpu.memref_squeeze %dma_wait3A_763 : memref<1x64x128xf32, #tpu.memory_space<vmem>> -> memref<64x128xf32, #tpu.memory_space<vmem>>
      %dma_wait3A_765 = arith.constant 0 : i32
      %dma_wait3A_766 = arith.constant 0 : i32
      %dma_wait3A_767 = tpu.memref_slice %arg3[%dma_wait3A_765, %dma_wait3A_766] : memref<64x1000000xf32, #tpu.memory_space<hbm>> -> memref<64x128xf32, #tpu.memory_space<hbm>>
      %dma_wait3A_768 = arith.constant 0 : i32
      %dma_wait3A_769 = arith.constant 0 : i32
      %dma_wait3A_770 = tpu.memref_slice %arg6[%dma_wait3A_760, %dma_wait3A_768, %dma_wait3A_769] : memref<8x64x128xf32, #tpu.memory_space<vmem>> -> memref<1x64x128xf32, #tpu.memory_space<vmem>>
      %dma_wait3A_771 = tpu.memref_squeeze %dma_wait3A_770 : memref<1x64x128xf32, #tpu.memory_space<vmem>> -> memref<64x128xf32, #tpu.memory_space<vmem>>
      %dma_wait3A_772 = arith.constant 0 : i32
      %dma_wait3A_773 = arith.constant 0 : i32
      %dma_wait3A_774 = tpu.memref_slice %arg3[%dma_wait3A_772, %dma_wait3A_773] : memref<64x1000000xf32, #tpu.memory_space<hbm>> -> memref<64x128xf32, #tpu.memory_space<hbm>>
      tpu.wait_dma2 semaphore(%arg9 : memref<!tpu.dma_semaphore, #tpu.memory_space<semaphore_mem>>) src(%dma_wait3A_774 : memref<64x128xf32, #tpu.memory_space<hbm>>) dst(%dma_wait3A_771 : memref<64x128xf32, #tpu.memory_space<vmem>>)
      %broadcast_in_dim3A_775 = arith.constant 0 : i32
      %broadcast_in_dim3A_776 = vector.broadcast %broadcast_in_dim3A_775 : i32 to vector<16xi32>
      %and3A_777 = arith.constant 127 : i32
      %and3A_778 = arith.andi %squeeze3A_759, %and3A_777 : i32
      %add3A_779 = vector.broadcast %and3A_778 : i32 to vector<16xi32>
      %add3A_780 = arith.addi %broadcast_in_dim3A_776, %add3A_779 : vector<16xi32>
      %broadcast_in_dim3A_781 = arith.constant 0 : i32
      %broadcast_in_dim3A_782 = vector.broadcast %broadcast_in_dim3A_781 : i32 to vector<16xi32>
      %and3A_783 = arith.constant 127 : i32
      %and3A_784 = arith.andi %add3A_753, %and3A_783 : i32
      %add3A_785 = vector.broadcast %and3A_784 : i32 to vector<16xi32>
      %add3A_786 = arith.addi %broadcast_in_dim3A_782, %add3A_785 : vector<16xi32>
      %broadcast_in_dim3A_787 = arith.constant 1 : i32
      %broadcast_in_dim3A_788 = vector.broadcast %broadcast_in_dim3A_787 : i32 to vector<16xi32>
      %add3A_789 = arith.constant 0 : i32
      %add3A_790 = vector.broadcast %add3A_789 : i32 to vector<16xi32>
      %add3A_791 = arith.addi %add3A_790, %iota3A : vector<16xi32>
      %gather3A_792 = tpu.vector_load_idx %arg6[%broadcast_in_dim3A_788, %add3A_791, %add3A_780] : memref<8x64x128xf32, #tpu.memory_space<vmem>>[vector<16xi32>, vector<16xi32>, vector<16xi32>], vector<16xf32>,
      tpu.vector_store_idx %arg7[%add3A_791, %add3A_786], %gather3A_792 : memref<64x128xf32, #tpu.memory_space<vmem>>[vector<16xi32>, vector<16xi32>], vector<16xf32>,
      %add3A_793 = arith.constant 16 : i32
      %add3A_794 = vector.broadcast %add3A_793 : i32 to vector<16xi32>
      %add3A_795 = arith.addi %add3A_794, %iota3A : vector<16xi32>
      %gather3A_796 = tpu.vector_load_idx %arg6[%broadcast_in_dim3A_788, %add3A_795, %add3A_780] : memref<8x64x128xf32, #tpu.memory_space<vmem>>[vector<16xi32>, vector<16xi32>, vector<16xi32>], vector<16xf32>,
      tpu.vector_store_idx %arg7[%add3A_795, %add3A_786], %gather3A_796 : memref<64x128xf32, #tpu.memory_space<vmem>>[vector<16xi32>, vector<16xi32>], vector<16xf32>,
      %add3A_797 = arith.constant 32 : i32
      %add3A_798 = vector.broadcast %add3A_797 : i32 to vector<16xi32>
      %add3A_799 = arith.addi %add3A_798, %iota3A : vector<16xi32>
      %gather3A_800 = tpu.vector_load_idx %arg6[%broadcast_in_dim3A_788, %add3A_799, %add3A_780] : memref<8x64x128xf32, #tpu.memory_space<vmem>>[vector<16xi32>, vector<16xi32>, vector<16xi32>], vector<16xf32>,
      tpu.vector_store_idx %arg7[%add3A_799, %add3A_786], %gather3A_800 : memref<64x128xf32, #tpu.memory_space<vmem>>[vector<16xi32>, vector<16xi32>], vector<16xf32>,
      %add3A_801 = arith.constant 48 : i32
      %add3A_802 = vector.broadcast %add3A_801 : i32 to vector<16xi32>
      %add3A_803 = arith.addi %add3A_802, %iota3A : vector<16xi32>
      %gather3A_804 = tpu.vector_load_idx %arg6[%broadcast_in_dim3A_788, %add3A_803, %add3A_780] : memref<8x64x128xf32, #tpu.memory_space<vmem>>[vector<16xi32>, vector<16xi32>, vector<16xi32>], vector<16xf32>,
      tpu.vector_store_idx %arg7[%add3A_803, %add3A_786], %gather3A_804 : memref<64x128xf32, #tpu.memory_space<vmem>>[vector<16xi32>, vector<16xi32>], vector<16xf32>,
      %slice3A_805 = vector.extract_strided_slice %get3A_689 {offsets = [1], sizes = [1], strides = [1]} : vector<16xi32> to vector<1xi32>
      %squeeze3A_806 = vector.extract %slice3A_805[0] : i32 from vector<1xi32>
      %add3A_807 = arith.constant 8 : i32
      %add3A_808 = arith.addi %add3A_753, %add3A_807 : i32
      %lt3A_809 = arith.constant 512 : i32
      %lt3A_810 = arith.cmpi slt, %add3A_808, %lt3A_809 : i32
      %convert_element_type3A_811 = arith.extui %lt3A_810 : i1 to i32
      %cond3A_812 = arith.constant 0 : i32
      %cond3A_813 = arith.cmpi ne, %convert_element_type3A_811, %cond3A_812 : i32
      scf.if %cond3A_813 {
        %shift_right_arithmetic3A_1204 = arith.constant 7 : i32
        %shift_right_arithmetic3A_1205 = arith.shrsi %squeeze3A_806, %shift_right_arithmetic3A_1204 : i32
        %shift_left3A_1206 = arith.constant 7 : i32
        %shift_left3A_1207 = arith.shli %shift_right_arithmetic3A_1205, %shift_left3A_1206 : i32
        %multiple_of3A_1208 = tpu.assume_multiple %shift_left3A_1207, 128 : i32
        %dma_start3A_1209 = arith.constant 1 : i32
        %dma_start3A_1210 = arith.constant 0 : i32
        %dma_start3A_1211 = arith.constant 0 : i32
        %dma_start3A_1212 = tpu.memref_slice %arg6[%dma_start3A_1209, %dma_start3A_1210, %dma_start3A_1211] : memref<8x64x128xf32, #tpu.memory_space<vmem>> -> memref<1x64x128xf32, #tpu.memory_space<vmem>>
        %dma_start3A_1213 = tpu.memref_squeeze %dma_start3A_1212 : memref<1x64x128xf32, #tpu.memory_space<vmem>> -> memref<64x128xf32, #tpu.memory_space<vmem>>
        %dma_start3A_1214 = arith.constant 0 : i32
        %dma_start3A_1215 = tpu.memref_slice %arg3[%dma_start3A_1214, %multiple_of3A_1208] : memref<64x1000000xf32, #tpu.memory_space<hbm>> -> memref<64x128xf32, #tpu.memory_space<hbm>>
        %dma_start3A_1216 = arith.constant 0 : i32
        %dma_start3A_1217 = arith.constant 0 : i32
        %dma_start3A_1218 = tpu.memref_slice %arg6[%dma_start3A_1209, %dma_start3A_1216, %dma_start3A_1217] : memref<8x64x128xf32, #tpu.memory_space<vmem>> -> memref<1x64x128xf32, #tpu.memory_space<vmem>>
        %dma_start3A_1219 = tpu.memref_squeeze %dma_start3A_1218 : memref<1x64x128xf32, #tpu.memory_space<vmem>> -> memref<64x128xf32, #tpu.memory_space<vmem>>
        %dma_start3A_1220 = arith.constant 0 : i32
        %dma_start3A_1221 = tpu.memref_slice %arg3[%dma_start3A_1220, %multiple_of3A_1208] : memref<64x1000000xf32, #tpu.memory_space<hbm>> -> memref<64x128xf32, #tpu.memory_space<hbm>>
        tpu.enqueue_dma source(%dma_start3A_1221 : memref<64x128xf32, #tpu.memory_space<hbm>>) target(%dma_start3A_1219 : memref<64x128xf32, #tpu.memory_space<vmem>>) target_semaphore(%arg9 : memref<!tpu.dma_semaphore, #tpu.memory_space<semaphore_mem>>)
      } else {
      }
      %mul3A_814 = arith.constant 16 : i32
      %mul3A_815 = arith.muli %add3A_166, %mul3A_814 : i32
      %add3A_816 = arith.constant 10 : i32
      %add3A_817 = arith.addi %mul3A_815, %add3A_816 : i32
      %mul3A_818 = arith.constant 16 : i32
      %mul3A_819 = arith.muli %add3A_166, %mul3A_818 : i32
      %get3A_820 = arith.index_cast %mul3A_819 : i32 to index
      %get3A_821 = tpu.vector_load %arg5[%get3A_820] {strides = array<i32>} : memref<512xi32, #tpu.memory_space<vmem>>, vector<16xi32>,
      %slice3A_822 = vector.extract_strided_slice %get3A_821 {offsets = [10], sizes = [1], strides = [1]} : vector<16xi32> to vector<1xi32>
      %squeeze3A_823 = vector.extract %slice3A_822[0] : i32 from vector<1xi32>
      %dma_wait3A_824 = arith.constant 2 : i32
      %dma_wait3A_825 = arith.constant 0 : i32
      %dma_wait3A_826 = arith.constant 0 : i32
      %dma_wait3A_827 = tpu.memref_slice %arg6[%dma_wait3A_824, %dma_wait3A_825, %dma_wait3A_826] : memref<8x64x128xf32, #tpu.memory_space<vmem>> -> memref<1x64x128xf32, #tpu.memory_space<vmem>>
      %dma_wait3A_828 = tpu.memref_squeeze %dma_wait3A_827 : memref<1x64x128xf32, #tpu.memory_space<vmem>> -> memref<64x128xf32, #tpu.memory_space<vmem>>
      %dma_wait3A_829 = arith.constant 0 : i32
      %dma_wait3A_830 = arith.constant 0 : i32
      %dma_wait3A_831 = tpu.memref_slice %arg3[%dma_wait3A_829, %dma_wait3A_830] : memref<64x1000000xf32, #tpu.memory_space<hbm>> -> memref<64x128xf32, #tpu.memory_space<hbm>>
      %dma_wait3A_832 = arith.constant 0 : i32
      %dma_wait3A_833 = arith.constant 0 : i32
      %dma_wait3A_834 = tpu.memref_slice %arg6[%dma_wait3A_824, %dma_wait3A_832, %dma_wait3A_833] : memref<8x64x128xf32, #tpu.memory_space<vmem>> -> memref<1x64x128xf32, #tpu.memory_space<vmem>>
      %dma_wait3A_835 = tpu.memref_squeeze %dma_wait3A_834 : memref<1x64x128xf32, #tpu.memory_space<vmem>> -> memref<64x128xf32, #tpu.memory_space<vmem>>
      %dma_wait3A_836 = arith.constant 0 : i32
      %dma_wait3A_837 = arith.constant 0 : i32
      %dma_wait3A_838 = tpu.memref_slice %arg3[%dma_wait3A_836, %dma_wait3A_837] : memref<64x1000000xf32, #tpu.memory_space<hbm>> -> memref<64x128xf32, #tpu.memory_space<hbm>>
      tpu.wait_dma2 semaphore(%arg10 : memref<!tpu.dma_semaphore, #tpu.memory_space<semaphore_mem>>) src(%dma_wait3A_838 : memref<64x128xf32, #tpu.memory_space<hbm>>) dst(%dma_wait3A_835 : memref<64x128xf32, #tpu.memory_space<vmem>>)
      %broadcast_in_dim3A_839 = arith.constant 0 : i32
      %broadcast_in_dim3A_840 = vector.broadcast %broadcast_in_dim3A_839 : i32 to vector<16xi32>
      %and3A_841 = arith.constant 127 : i32
      %and3A_842 = arith.andi %squeeze3A_823, %and3A_841 : i32
      %add3A_843 = vector.broadcast %and3A_842 : i32 to vector<16xi32>
      %add3A_844 = arith.addi %broadcast_in_dim3A_840, %add3A_843 : vector<16xi32>
      %broadcast_in_dim3A_845 = arith.constant 0 : i32
      %broadcast_in_dim3A_846 = vector.broadcast %broadcast_in_dim3A_845 : i32 to vector<16xi32>
      %and3A_847 = arith.constant 127 : i32
      %and3A_848 = arith.andi %add3A_817, %and3A_847 : i32
      %add3A_849 = vector.broadcast %and3A_848 : i32 to vector<16xi32>
      %add3A_850 = arith.addi %broadcast_in_dim3A_846, %add3A_849 : vector<16xi32>
      %broadcast_in_dim3A_851 = arith.constant 2 : i32
      %broadcast_in_dim3A_852 = vector.broadcast %broadcast_in_dim3A_851 : i32 to vector<16xi32>
      %add3A_853 = arith.constant 0 : i32
      %add3A_854 = vector.broadcast %add3A_853 : i32 to vector<16xi32>
      %add3A_855 = arith.addi %add3A_854, %iota3A : vector<16xi32>
      %gather3A_856 = tpu.vector_load_idx %arg6[%broadcast_in_dim3A_852, %add3A_855, %add3A_844] : memref<8x64x128xf32, #tpu.memory_space<vmem>>[vector<16xi32>, vector<16xi32>, vector<16xi32>], vector<16xf32>,
      tpu.vector_store_idx %arg7[%add3A_855, %add3A_850], %gather3A_856 : memref<64x128xf32, #tpu.memory_space<vmem>>[vector<16xi32>, vector<16xi32>], vector<16xf32>,
      %add3A_857 = arith.constant 16 : i32
      %add3A_858 = vector.broadcast %add3A_857 : i32 to vector<16xi32>
      %add3A_859 = arith.addi %add3A_858, %iota3A : vector<16xi32>
      %gather3A_860 = tpu.vector_load_idx %arg6[%broadcast_in_dim3A_852, %add3A_859, %add3A_844] : memref<8x64x128xf32, #tpu.memory_space<vmem>>[vector<16xi32>, vector<16xi32>, vector<16xi32>], vector<16xf32>,
      tpu.vector_store_idx %arg7[%add3A_859, %add3A_850], %gather3A_860 : memref<64x128xf32, #tpu.memory_space<vmem>>[vector<16xi32>, vector<16xi32>], vector<16xf32>,
      %add3A_861 = arith.constant 32 : i32
      %add3A_862 = vector.broadcast %add3A_861 : i32 to vector<16xi32>
      %add3A_863 = arith.addi %add3A_862, %iota3A : vector<16xi32>
      %gather3A_864 = tpu.vector_load_idx %arg6[%broadcast_in_dim3A_852, %add3A_863, %add3A_844] : memref<8x64x128xf32, #tpu.memory_space<vmem>>[vector<16xi32>, vector<16xi32>, vector<16xi32>], vector<16xf32>,
      tpu.vector_store_idx %arg7[%add3A_863, %add3A_850], %gather3A_864 : memref<64x128xf32, #tpu.memory_space<vmem>>[vector<16xi32>, vector<16xi32>], vector<16xf32>,
      %add3A_865 = arith.constant 48 : i32
      %add3A_866 = vector.broadcast %add3A_865 : i32 to vector<16xi32>
      %add3A_867 = arith.addi %add3A_866, %iota3A : vector<16xi32>
      %gather3A_868 = tpu.vector_load_idx %arg6[%broadcast_in_dim3A_852, %add3A_867, %add3A_844] : memref<8x64x128xf32, #tpu.memory_space<vmem>>[vector<16xi32>, vector<16xi32>, vector<16xi32>], vector<16xf32>,
      tpu.vector_store_idx %arg7[%add3A_867, %add3A_850], %gather3A_868 : memref<64x128xf32, #tpu.memory_space<vmem>>[vector<16xi32>, vector<16xi32>], vector<16xf32>,
      %slice3A_869 = vector.extract_strided_slice %get3A_689 {offsets = [2], sizes = [1], strides = [1]} : vector<16xi32> to vector<1xi32>
      %squeeze3A_870 = vector.extract %slice3A_869[0] : i32 from vector<1xi32>
      %add3A_871 = arith.constant 8 : i32
      %add3A_872 = arith.addi %add3A_817, %add3A_871 : i32
      %lt3A_873 = arith.constant 512 : i32
      %lt3A_874 = arith.cmpi slt, %add3A_872, %lt3A_873 : i32
      %convert_element_type3A_875 = arith.extui %lt3A_874 : i1 to i32
      %cond3A_876 = arith.constant 0 : i32
      %cond3A_877 = arith.cmpi ne, %convert_element_type3A_875, %cond3A_876 : i32
      scf.if %cond3A_877 {
        %shift_right_arithmetic3A_1204 = arith.constant 7 : i32
        %shift_right_arithmetic3A_1205 = arith.shrsi %squeeze3A_870, %shift_right_arithmetic3A_1204 : i32
        %shift_left3A_1206 = arith.constant 7 : i32
        %shift_left3A_1207 = arith.shli %shift_right_arithmetic3A_1205, %shift_left3A_1206 : i32
        %multiple_of3A_1208 = tpu.assume_multiple %shift_left3A_1207, 128 : i32
        %dma_start3A_1209 = arith.constant 2 : i32
        %dma_start3A_1210 = arith.constant 0 : i32
        %dma_start3A_1211 = arith.constant 0 : i32
        %dma_start3A_1212 = tpu.memref_slice %arg6[%dma_start3A_1209, %dma_start3A_1210, %dma_start3A_1211] : memref<8x64x128xf32, #tpu.memory_space<vmem>> -> memref<1x64x128xf32, #tpu.memory_space<vmem>>
        %dma_start3A_1213 = tpu.memref_squeeze %dma_start3A_1212 : memref<1x64x128xf32, #tpu.memory_space<vmem>> -> memref<64x128xf32, #tpu.memory_space<vmem>>
        %dma_start3A_1214 = arith.constant 0 : i32
        %dma_start3A_1215 = tpu.memref_slice %arg3[%dma_start3A_1214, %multiple_of3A_1208] : memref<64x1000000xf32, #tpu.memory_space<hbm>> -> memref<64x128xf32, #tpu.memory_space<hbm>>
        %dma_start3A_1216 = arith.constant 0 : i32
        %dma_start3A_1217 = arith.constant 0 : i32
        %dma_start3A_1218 = tpu.memref_slice %arg6[%dma_start3A_1209, %dma_start3A_1216, %dma_start3A_1217] : memref<8x64x128xf32, #tpu.memory_space<vmem>> -> memref<1x64x128xf32, #tpu.memory_space<vmem>>
        %dma_start3A_1219 = tpu.memref_squeeze %dma_start3A_1218 : memref<1x64x128xf32, #tpu.memory_space<vmem>> -> memref<64x128xf32, #tpu.memory_space<vmem>>
        %dma_start3A_1220 = arith.constant 0 : i32
        %dma_start3A_1221 = tpu.memref_slice %arg3[%dma_start3A_1220, %multiple_of3A_1208] : memref<64x1000000xf32, #tpu.memory_space<hbm>> -> memref<64x128xf32, #tpu.memory_space<hbm>>
        tpu.enqueue_dma source(%dma_start3A_1221 : memref<64x128xf32, #tpu.memory_space<hbm>>) target(%dma_start3A_1219 : memref<64x128xf32, #tpu.memory_space<vmem>>) target_semaphore(%arg10 : memref<!tpu.dma_semaphore, #tpu.memory_space<semaphore_mem>>)
      } else {
      }
      %mul3A_878 = arith.constant 16 : i32
      %mul3A_879 = arith.muli %add3A_166, %mul3A_878 : i32
      %add3A_880 = arith.constant 11 : i32
      %add3A_881 = arith.addi %mul3A_879, %add3A_880 : i32
      %mul3A_882 = arith.constant 16 : i32
      %mul3A_883 = arith.muli %add3A_166, %mul3A_882 : i32
      %get3A_884 = arith.index_cast %mul3A_883 : i32 to index
      %get3A_885 = tpu.vector_load %arg5[%get3A_884] {strides = array<i32>} : memref<512xi32, #tpu.memory_space<vmem>>, vector<16xi32>,
      %slice3A_886 = vector.extract_strided_slice %get3A_885 {offsets = [11], sizes = [1], strides = [1]} : vector<16xi32> to vector<1xi32>
      %squeeze3A_887 = vector.extract %slice3A_886[0] : i32 from vector<1xi32>
      %dma_wait3A_888 = arith.constant 3 : i32
      %dma_wait3A_889 = arith.constant 0 : i32
      %dma_wait3A_890 = arith.constant 0 : i32
      %dma_wait3A_891 = tpu.memref_slice %arg6[%dma_wait3A_888, %dma_wait3A_889, %dma_wait3A_890] : memref<8x64x128xf32, #tpu.memory_space<vmem>> -> memref<1x64x128xf32, #tpu.memory_space<vmem>>
      %dma_wait3A_892 = tpu.memref_squeeze %dma_wait3A_891 : memref<1x64x128xf32, #tpu.memory_space<vmem>> -> memref<64x128xf32, #tpu.memory_space<vmem>>
      %dma_wait3A_893 = arith.constant 0 : i32
      %dma_wait3A_894 = arith.constant 0 : i32
      %dma_wait3A_895 = tpu.memref_slice %arg3[%dma_wait3A_893, %dma_wait3A_894] : memref<64x1000000xf32, #tpu.memory_space<hbm>> -> memref<64x128xf32, #tpu.memory_space<hbm>>
      %dma_wait3A_896 = arith.constant 0 : i32
      %dma_wait3A_897 = arith.constant 0 : i32
      %dma_wait3A_898 = tpu.memref_slice %arg6[%dma_wait3A_888, %dma_wait3A_896, %dma_wait3A_897] : memref<8x64x128xf32, #tpu.memory_space<vmem>> -> memref<1x64x128xf32, #tpu.memory_space<vmem>>
      %dma_wait3A_899 = tpu.memref_squeeze %dma_wait3A_898 : memref<1x64x128xf32, #tpu.memory_space<vmem>> -> memref<64x128xf32, #tpu.memory_space<vmem>>
      %dma_wait3A_900 = arith.constant 0 : i32
      %dma_wait3A_901 = arith.constant 0 : i32
      %dma_wait3A_902 = tpu.memref_slice %arg3[%dma_wait3A_900, %dma_wait3A_901] : memref<64x1000000xf32, #tpu.memory_space<hbm>> -> memref<64x128xf32, #tpu.memory_space<hbm>>
      tpu.wait_dma2 semaphore(%arg11 : memref<!tpu.dma_semaphore, #tpu.memory_space<semaphore_mem>>) src(%dma_wait3A_902 : memref<64x128xf32, #tpu.memory_space<hbm>>) dst(%dma_wait3A_899 : memref<64x128xf32, #tpu.memory_space<vmem>>)
      %broadcast_in_dim3A_903 = arith.constant 0 : i32
      %broadcast_in_dim3A_904 = vector.broadcast %broadcast_in_dim3A_903 : i32 to vector<16xi32>
      %and3A_905 = arith.constant 127 : i32
      %and3A_906 = arith.andi %squeeze3A_887, %and3A_905 : i32
      %add3A_907 = vector.broadcast %and3A_906 : i32 to vector<16xi32>
      %add3A_908 = arith.addi %broadcast_in_dim3A_904, %add3A_907 : vector<16xi32>
      %broadcast_in_dim3A_909 = arith.constant 0 : i32
      %broadcast_in_dim3A_910 = vector.broadcast %broadcast_in_dim3A_909 : i32 to vector<16xi32>
      %and3A_911 = arith.constant 127 : i32
      %and3A_912 = arith.andi %add3A_881, %and3A_911 : i32
      %add3A_913 = vector.broadcast %and3A_912 : i32 to vector<16xi32>
      %add3A_914 = arith.addi %broadcast_in_dim3A_910, %add3A_913 : vector<16xi32>
      %broadcast_in_dim3A_915 = arith.constant 3 : i32
      %broadcast_in_dim3A_916 = vector.broadcast %broadcast_in_dim3A_915 : i32 to vector<16xi32>
      %add3A_917 = arith.constant 0 : i32
      %add3A_918 = vector.broadcast %add3A_917 : i32 to vector<16xi32>
      %add3A_919 = arith.addi %add3A_918, %iota3A : vector<16xi32>
      %gather3A_920 = tpu.vector_load_idx %arg6[%broadcast_in_dim3A_916, %add3A_919, %add3A_908] : memref<8x64x128xf32, #tpu.memory_space<vmem>>[vector<16xi32>, vector<16xi32>, vector<16xi32>], vector<16xf32>,
      tpu.vector_store_idx %arg7[%add3A_919, %add3A_914], %gather3A_920 : memref<64x128xf32, #tpu.memory_space<vmem>>[vector<16xi32>, vector<16xi32>], vector<16xf32>,
      %add3A_921 = arith.constant 16 : i32
      %add3A_922 = vector.broadcast %add3A_921 : i32 to vector<16xi32>
      %add3A_923 = arith.addi %add3A_922, %iota3A : vector<16xi32>
      %gather3A_924 = tpu.vector_load_idx %arg6[%broadcast_in_dim3A_916, %add3A_923, %add3A_908] : memref<8x64x128xf32, #tpu.memory_space<vmem>>[vector<16xi32>, vector<16xi32>, vector<16xi32>], vector<16xf32>,
      tpu.vector_store_idx %arg7[%add3A_923, %add3A_914], %gather3A_924 : memref<64x128xf32, #tpu.memory_space<vmem>>[vector<16xi32>, vector<16xi32>], vector<16xf32>,
      %add3A_925 = arith.constant 32 : i32
      %add3A_926 = vector.broadcast %add3A_925 : i32 to vector<16xi32>
      %add3A_927 = arith.addi %add3A_926, %iota3A : vector<16xi32>
      %gather3A_928 = tpu.vector_load_idx %arg6[%broadcast_in_dim3A_916, %add3A_927, %add3A_908] : memref<8x64x128xf32, #tpu.memory_space<vmem>>[vector<16xi32>, vector<16xi32>, vector<16xi32>], vector<16xf32>,
      tpu.vector_store_idx %arg7[%add3A_927, %add3A_914], %gather3A_928 : memref<64x128xf32, #tpu.memory_space<vmem>>[vector<16xi32>, vector<16xi32>], vector<16xf32>,
      %add3A_929 = arith.constant 48 : i32
      %add3A_930 = vector.broadcast %add3A_929 : i32 to vector<16xi32>
      %add3A_931 = arith.addi %add3A_930, %iota3A : vector<16xi32>
      %gather3A_932 = tpu.vector_load_idx %arg6[%broadcast_in_dim3A_916, %add3A_931, %add3A_908] : memref<8x64x128xf32, #tpu.memory_space<vmem>>[vector<16xi32>, vector<16xi32>, vector<16xi32>], vector<16xf32>,
      tpu.vector_store_idx %arg7[%add3A_931, %add3A_914], %gather3A_932 : memref<64x128xf32, #tpu.memory_space<vmem>>[vector<16xi32>, vector<16xi32>], vector<16xf32>,
      %slice3A_933 = vector.extract_strided_slice %get3A_689 {offsets = [3], sizes = [1], strides = [1]} : vector<16xi32> to vector<1xi32>
      %squeeze3A_934 = vector.extract %slice3A_933[0] : i32 from vector<1xi32>
      %add3A_935 = arith.constant 8 : i32
      %add3A_936 = arith.addi %add3A_881, %add3A_935 : i32
      %lt3A_937 = arith.constant 512 : i32
      %lt3A_938 = arith.cmpi slt, %add3A_936, %lt3A_937 : i32
      %convert_element_type3A_939 = arith.extui %lt3A_938 : i1 to i32
      %cond3A_940 = arith.constant 0 : i32
      %cond3A_941 = arith.cmpi ne, %convert_element_type3A_939, %cond3A_940 : i32
      scf.if %cond3A_941 {
        %shift_right_arithmetic3A_1204 = arith.constant 7 : i32
        %shift_right_arithmetic3A_1205 = arith.shrsi %squeeze3A_934, %shift_right_arithmetic3A_1204 : i32
        %shift_left3A_1206 = arith.constant 7 : i32
        %shift_left3A_1207 = arith.shli %shift_right_arithmetic3A_1205, %shift_left3A_1206 : i32
        %multiple_of3A_1208 = tpu.assume_multiple %shift_left3A_1207, 128 : i32
        %dma_start3A_1209 = arith.constant 3 : i32
        %dma_start3A_1210 = arith.constant 0 : i32
        %dma_start3A_1211 = arith.constant 0 : i32
        %dma_start3A_1212 = tpu.memref_slice %arg6[%dma_start3A_1209, %dma_start3A_1210, %dma_start3A_1211] : memref<8x64x128xf32, #tpu.memory_space<vmem>> -> memref<1x64x128xf32, #tpu.memory_space<vmem>>
        %dma_start3A_1213 = tpu.memref_squeeze %dma_start3A_1212 : memref<1x64x128xf32, #tpu.memory_space<vmem>> -> memref<64x128xf32, #tpu.memory_space<vmem>>
        %dma_start3A_1214 = arith.constant 0 : i32
        %dma_start3A_1215 = tpu.memref_slice %arg3[%dma_start3A_1214, %multiple_of3A_1208] : memref<64x1000000xf32, #tpu.memory_space<hbm>> -> memref<64x128xf32, #tpu.memory_space<hbm>>
        %dma_start3A_1216 = arith.constant 0 : i32
        %dma_start3A_1217 = arith.constant 0 : i32
        %dma_start3A_1218 = tpu.memref_slice %arg6[%dma_start3A_1209, %dma_start3A_1216, %dma_start3A_1217] : memref<8x64x128xf32, #tpu.memory_space<vmem>> -> memref<1x64x128xf32, #tpu.memory_space<vmem>>
        %dma_start3A_1219 = tpu.memref_squeeze %dma_start3A_1218 : memref<1x64x128xf32, #tpu.memory_space<vmem>> -> memref<64x128xf32, #tpu.memory_space<vmem>>
        %dma_start3A_1220 = arith.constant 0 : i32
        %dma_start3A_1221 = tpu.memref_slice %arg3[%dma_start3A_1220, %multiple_of3A_1208] : memref<64x1000000xf32, #tpu.memory_space<hbm>> -> memref<64x128xf32, #tpu.memory_space<hbm>>
        tpu.enqueue_dma source(%dma_start3A_1221 : memref<64x128xf32, #tpu.memory_space<hbm>>) target(%dma_start3A_1219 : memref<64x128xf32, #tpu.memory_space<vmem>>) target_semaphore(%arg11 : memref<!tpu.dma_semaphore, #tpu.memory_space<semaphore_mem>>)
      } else {
      }
      %mul3A_942 = arith.constant 16 : i32
      %mul3A_943 = arith.muli %add3A_166, %mul3A_942 : i32
      %add3A_944 = arith.constant 12 : i32
      %add3A_945 = arith.addi %mul3A_943, %add3A_944 : i32
      %mul3A_946 = arith.constant 16 : i32
      %mul3A_947 = arith.muli %add3A_166, %mul3A_946 : i32
      %get3A_948 = arith.index_cast %mul3A_947 : i32 to index
      %get3A_949 = tpu.vector_load %arg5[%get3A_948] {strides = array<i32>} : memref<512xi32, #tpu.memory_space<vmem>>, vector<16xi32>,
      %slice3A_950 = vector.extract_strided_slice %get3A_949 {offsets = [12], sizes = [1], strides = [1]} : vector<16xi32> to vector<1xi32>
      %squeeze3A_951 = vector.extract %slice3A_950[0] : i32 from vector<1xi32>
      %dma_wait3A_952 = arith.constant 4 : i32
      %dma_wait3A_953 = arith.constant 0 : i32
      %dma_wait3A_954 = arith.constant 0 : i32
      %dma_wait3A_955 = tpu.memref_slice %arg6[%dma_wait3A_952, %dma_wait3A_953, %dma_wait3A_954] : memref<8x64x128xf32, #tpu.memory_space<vmem>> -> memref<1x64x128xf32, #tpu.memory_space<vmem>>
      %dma_wait3A_956 = tpu.memref_squeeze %dma_wait3A_955 : memref<1x64x128xf32, #tpu.memory_space<vmem>> -> memref<64x128xf32, #tpu.memory_space<vmem>>
      %dma_wait3A_957 = arith.constant 0 : i32
      %dma_wait3A_958 = arith.constant 0 : i32
      %dma_wait3A_959 = tpu.memref_slice %arg3[%dma_wait3A_957, %dma_wait3A_958] : memref<64x1000000xf32, #tpu.memory_space<hbm>> -> memref<64x128xf32, #tpu.memory_space<hbm>>
      %dma_wait3A_960 = arith.constant 0 : i32
      %dma_wait3A_961 = arith.constant 0 : i32
      %dma_wait3A_962 = tpu.memref_slice %arg6[%dma_wait3A_952, %dma_wait3A_960, %dma_wait3A_961] : memref<8x64x128xf32, #tpu.memory_space<vmem>> -> memref<1x64x128xf32, #tpu.memory_space<vmem>>
      %dma_wait3A_963 = tpu.memref_squeeze %dma_wait3A_962 : memref<1x64x128xf32, #tpu.memory_space<vmem>> -> memref<64x128xf32, #tpu.memory_space<vmem>>
      %dma_wait3A_964 = arith.constant 0 : i32
      %dma_wait3A_965 = arith.constant 0 : i32
      %dma_wait3A_966 = tpu.memref_slice %arg3[%dma_wait3A_964, %dma_wait3A_965] : memref<64x1000000xf32, #tpu.memory_space<hbm>> -> memref<64x128xf32, #tpu.memory_space<hbm>>
      tpu.wait_dma2 semaphore(%arg12 : memref<!tpu.dma_semaphore, #tpu.memory_space<semaphore_mem>>) src(%dma_wait3A_966 : memref<64x128xf32, #tpu.memory_space<hbm>>) dst(%dma_wait3A_963 : memref<64x128xf32, #tpu.memory_space<vmem>>)
      %broadcast_in_dim3A_967 = arith.constant 0 : i32
      %broadcast_in_dim3A_968 = vector.broadcast %broadcast_in_dim3A_967 : i32 to vector<16xi32>
      %and3A_969 = arith.constant 127 : i32
      %and3A_970 = arith.andi %squeeze3A_951, %and3A_969 : i32
      %add3A_971 = vector.broadcast %and3A_970 : i32 to vector<16xi32>
      %add3A_972 = arith.addi %broadcast_in_dim3A_968, %add3A_971 : vector<16xi32>
      %broadcast_in_dim3A_973 = arith.constant 0 : i32
      %broadcast_in_dim3A_974 = vector.broadcast %broadcast_in_dim3A_973 : i32 to vector<16xi32>
      %and3A_975 = arith.constant 127 : i32
      %and3A_976 = arith.andi %add3A_945, %and3A_975 : i32
      %add3A_977 = vector.broadcast %and3A_976 : i32 to vector<16xi32>
      %add3A_978 = arith.addi %broadcast_in_dim3A_974, %add3A_977 : vector<16xi32>
      %broadcast_in_dim3A_979 = arith.constant 4 : i32
      %broadcast_in_dim3A_980 = vector.broadcast %broadcast_in_dim3A_979 : i32 to vector<16xi32>
      %add3A_981 = arith.constant 0 : i32
      %add3A_982 = vector.broadcast %add3A_981 : i32 to vector<16xi32>
      %add3A_983 = arith.addi %add3A_982, %iota3A : vector<16xi32>
      %gather3A_984 = tpu.vector_load_idx %arg6[%broadcast_in_dim3A_980, %add3A_983, %add3A_972] : memref<8x64x128xf32, #tpu.memory_space<vmem>>[vector<16xi32>, vector<16xi32>, vector<16xi32>], vector<16xf32>,
      tpu.vector_store_idx %arg7[%add3A_983, %add3A_978], %gather3A_984 : memref<64x128xf32, #tpu.memory_space<vmem>>[vector<16xi32>, vector<16xi32>], vector<16xf32>,
      %add3A_985 = arith.constant 16 : i32
      %add3A_986 = vector.broadcast %add3A_985 : i32 to vector<16xi32>
      %add3A_987 = arith.addi %add3A_986, %iota3A : vector<16xi32>
      %gather3A_988 = tpu.vector_load_idx %arg6[%broadcast_in_dim3A_980, %add3A_987, %add3A_972] : memref<8x64x128xf32, #tpu.memory_space<vmem>>[vector<16xi32>, vector<16xi32>, vector<16xi32>], vector<16xf32>,
      tpu.vector_store_idx %arg7[%add3A_987, %add3A_978], %gather3A_988 : memref<64x128xf32, #tpu.memory_space<vmem>>[vector<16xi32>, vector<16xi32>], vector<16xf32>,
      %add3A_989 = arith.constant 32 : i32
      %add3A_990 = vector.broadcast %add3A_989 : i32 to vector<16xi32>
      %add3A_991 = arith.addi %add3A_990, %iota3A : vector<16xi32>
      %gather3A_992 = tpu.vector_load_idx %arg6[%broadcast_in_dim3A_980, %add3A_991, %add3A_972] : memref<8x64x128xf32, #tpu.memory_space<vmem>>[vector<16xi32>, vector<16xi32>, vector<16xi32>], vector<16xf32>,
      tpu.vector_store_idx %arg7[%add3A_991, %add3A_978], %gather3A_992 : memref<64x128xf32, #tpu.memory_space<vmem>>[vector<16xi32>, vector<16xi32>], vector<16xf32>,
      %add3A_993 = arith.constant 48 : i32
      %add3A_994 = vector.broadcast %add3A_993 : i32 to vector<16xi32>
      %add3A_995 = arith.addi %add3A_994, %iota3A : vector<16xi32>
      %gather3A_996 = tpu.vector_load_idx %arg6[%broadcast_in_dim3A_980, %add3A_995, %add3A_972] : memref<8x64x128xf32, #tpu.memory_space<vmem>>[vector<16xi32>, vector<16xi32>, vector<16xi32>], vector<16xf32>,
      tpu.vector_store_idx %arg7[%add3A_995, %add3A_978], %gather3A_996 : memref<64x128xf32, #tpu.memory_space<vmem>>[vector<16xi32>, vector<16xi32>], vector<16xf32>,
      %slice3A_997 = vector.extract_strided_slice %get3A_689 {offsets = [4], sizes = [1], strides = [1]} : vector<16xi32> to vector<1xi32>
      %squeeze3A_998 = vector.extract %slice3A_997[0] : i32 from vector<1xi32>
      %add3A_999 = arith.constant 8 : i32
      %add3A_1000 = arith.addi %add3A_945, %add3A_999 : i32
      %lt3A_1001 = arith.constant 512 : i32
      %lt3A_1002 = arith.cmpi slt, %add3A_1000, %lt3A_1001 : i32
      %convert_element_type3A_1003 = arith.extui %lt3A_1002 : i1 to i32
      %cond3A_1004 = arith.constant 0 : i32
      %cond3A_1005 = arith.cmpi ne, %convert_element_type3A_1003, %cond3A_1004 : i32
      scf.if %cond3A_1005 {
        %shift_right_arithmetic3A_1204 = arith.constant 7 : i32
        %shift_right_arithmetic3A_1205 = arith.shrsi %squeeze3A_998, %shift_right_arithmetic3A_1204 : i32
        %shift_left3A_1206 = arith.constant 7 : i32
        %shift_left3A_1207 = arith.shli %shift_right_arithmetic3A_1205, %shift_left3A_1206 : i32
        %multiple_of3A_1208 = tpu.assume_multiple %shift_left3A_1207, 128 : i32
        %dma_start3A_1209 = arith.constant 4 : i32
        %dma_start3A_1210 = arith.constant 0 : i32
        %dma_start3A_1211 = arith.constant 0 : i32
        %dma_start3A_1212 = tpu.memref_slice %arg6[%dma_start3A_1209, %dma_start3A_1210, %dma_start3A_1211] : memref<8x64x128xf32, #tpu.memory_space<vmem>> -> memref<1x64x128xf32, #tpu.memory_space<vmem>>
        %dma_start3A_1213 = tpu.memref_squeeze %dma_start3A_1212 : memref<1x64x128xf32, #tpu.memory_space<vmem>> -> memref<64x128xf32, #tpu.memory_space<vmem>>
        %dma_start3A_1214 = arith.constant 0 : i32
        %dma_start3A_1215 = tpu.memref_slice %arg3[%dma_start3A_1214, %multiple_of3A_1208] : memref<64x1000000xf32, #tpu.memory_space<hbm>> -> memref<64x128xf32, #tpu.memory_space<hbm>>
        %dma_start3A_1216 = arith.constant 0 : i32
        %dma_start3A_1217 = arith.constant 0 : i32
        %dma_start3A_1218 = tpu.memref_slice %arg6[%dma_start3A_1209, %dma_start3A_1216, %dma_start3A_1217] : memref<8x64x128xf32, #tpu.memory_space<vmem>> -> memref<1x64x128xf32, #tpu.memory_space<vmem>>
        %dma_start3A_1219 = tpu.memref_squeeze %dma_start3A_1218 : memref<1x64x128xf32, #tpu.memory_space<vmem>> -> memref<64x128xf32, #tpu.memory_space<vmem>>
        %dma_start3A_1220 = arith.constant 0 : i32
        %dma_start3A_1221 = tpu.memref_slice %arg3[%dma_start3A_1220, %multiple_of3A_1208] : memref<64x1000000xf32, #tpu.memory_space<hbm>> -> memref<64x128xf32, #tpu.memory_space<hbm>>
        tpu.enqueue_dma source(%dma_start3A_1221 : memref<64x128xf32, #tpu.memory_space<hbm>>) target(%dma_start3A_1219 : memref<64x128xf32, #tpu.memory_space<vmem>>) target_semaphore(%arg12 : memref<!tpu.dma_semaphore, #tpu.memory_space<semaphore_mem>>)
      } else {
      }
      %mul3A_1006 = arith.constant 16 : i32
      %mul3A_1007 = arith.muli %add3A_166, %mul3A_1006 : i32
      %add3A_1008 = arith.constant 13 : i32
      %add3A_1009 = arith.addi %mul3A_1007, %add3A_1008 : i32
      %mul3A_1010 = arith.constant 16 : i32
      %mul3A_1011 = arith.muli %add3A_166, %mul3A_1010 : i32
      %get3A_1012 = arith.index_cast %mul3A_1011 : i32 to index
      %get3A_1013 = tpu.vector_load %arg5[%get3A_1012] {strides = array<i32>} : memref<512xi32, #tpu.memory_space<vmem>>, vector<16xi32>,
      %slice3A_1014 = vector.extract_strided_slice %get3A_1013 {offsets = [13], sizes = [1], strides = [1]} : vector<16xi32> to vector<1xi32>
      %squeeze3A_1015 = vector.extract %slice3A_1014[0] : i32 from vector<1xi32>
      %dma_wait3A_1016 = arith.constant 5 : i32
      %dma_wait3A_1017 = arith.constant 0 : i32
      %dma_wait3A_1018 = arith.constant 0 : i32
      %dma_wait3A_1019 = tpu.memref_slice %arg6[%dma_wait3A_1016, %dma_wait3A_1017, %dma_wait3A_1018] : memref<8x64x128xf32, #tpu.memory_space<vmem>> -> memref<1x64x128xf32, #tpu.memory_space<vmem>>
      %dma_wait3A_1020 = tpu.memref_squeeze %dma_wait3A_1019 : memref<1x64x128xf32, #tpu.memory_space<vmem>> -> memref<64x128xf32, #tpu.memory_space<vmem>>
      %dma_wait3A_1021 = arith.constant 0 : i32
      %dma_wait3A_1022 = arith.constant 0 : i32
      %dma_wait3A_1023 = tpu.memref_slice %arg3[%dma_wait3A_1021, %dma_wait3A_1022] : memref<64x1000000xf32, #tpu.memory_space<hbm>> -> memref<64x128xf32, #tpu.memory_space<hbm>>
      %dma_wait3A_1024 = arith.constant 0 : i32
      %dma_wait3A_1025 = arith.constant 0 : i32
      %dma_wait3A_1026 = tpu.memref_slice %arg6[%dma_wait3A_1016, %dma_wait3A_1024, %dma_wait3A_1025] : memref<8x64x128xf32, #tpu.memory_space<vmem>> -> memref<1x64x128xf32, #tpu.memory_space<vmem>>
      %dma_wait3A_1027 = tpu.memref_squeeze %dma_wait3A_1026 : memref<1x64x128xf32, #tpu.memory_space<vmem>> -> memref<64x128xf32, #tpu.memory_space<vmem>>
      %dma_wait3A_1028 = arith.constant 0 : i32
      %dma_wait3A_1029 = arith.constant 0 : i32
      %dma_wait3A_1030 = tpu.memref_slice %arg3[%dma_wait3A_1028, %dma_wait3A_1029] : memref<64x1000000xf32, #tpu.memory_space<hbm>> -> memref<64x128xf32, #tpu.memory_space<hbm>>
      tpu.wait_dma2 semaphore(%arg13 : memref<!tpu.dma_semaphore, #tpu.memory_space<semaphore_mem>>) src(%dma_wait3A_1030 : memref<64x128xf32, #tpu.memory_space<hbm>>) dst(%dma_wait3A_1027 : memref<64x128xf32, #tpu.memory_space<vmem>>)
      %broadcast_in_dim3A_1031 = arith.constant 0 : i32
      %broadcast_in_dim3A_1032 = vector.broadcast %broadcast_in_dim3A_1031 : i32 to vector<16xi32>
      %and3A_1033 = arith.constant 127 : i32
      %and3A_1034 = arith.andi %squeeze3A_1015, %and3A_1033 : i32
      %add3A_1035 = vector.broadcast %and3A_1034 : i32 to vector<16xi32>
      %add3A_1036 = arith.addi %broadcast_in_dim3A_1032, %add3A_1035 : vector<16xi32>
      %broadcast_in_dim3A_1037 = arith.constant 0 : i32
      %broadcast_in_dim3A_1038 = vector.broadcast %broadcast_in_dim3A_1037 : i32 to vector<16xi32>
      %and3A_1039 = arith.constant 127 : i32
      %and3A_1040 = arith.andi %add3A_1009, %and3A_1039 : i32
      %add3A_1041 = vector.broadcast %and3A_1040 : i32 to vector<16xi32>
      %add3A_1042 = arith.addi %broadcast_in_dim3A_1038, %add3A_1041 : vector<16xi32>
      %broadcast_in_dim3A_1043 = arith.constant 5 : i32
      %broadcast_in_dim3A_1044 = vector.broadcast %broadcast_in_dim3A_1043 : i32 to vector<16xi32>
      %add3A_1045 = arith.constant 0 : i32
      %add3A_1046 = vector.broadcast %add3A_1045 : i32 to vector<16xi32>
      %add3A_1047 = arith.addi %add3A_1046, %iota3A : vector<16xi32>
      %gather3A_1048 = tpu.vector_load_idx %arg6[%broadcast_in_dim3A_1044, %add3A_1047, %add3A_1036] : memref<8x64x128xf32, #tpu.memory_space<vmem>>[vector<16xi32>, vector<16xi32>, vector<16xi32>], vector<16xf32>,
      tpu.vector_store_idx %arg7[%add3A_1047, %add3A_1042], %gather3A_1048 : memref<64x128xf32, #tpu.memory_space<vmem>>[vector<16xi32>, vector<16xi32>], vector<16xf32>,
      %add3A_1049 = arith.constant 16 : i32
      %add3A_1050 = vector.broadcast %add3A_1049 : i32 to vector<16xi32>
      %add3A_1051 = arith.addi %add3A_1050, %iota3A : vector<16xi32>
      %gather3A_1052 = tpu.vector_load_idx %arg6[%broadcast_in_dim3A_1044, %add3A_1051, %add3A_1036] : memref<8x64x128xf32, #tpu.memory_space<vmem>>[vector<16xi32>, vector<16xi32>, vector<16xi32>], vector<16xf32>,
      tpu.vector_store_idx %arg7[%add3A_1051, %add3A_1042], %gather3A_1052 : memref<64x128xf32, #tpu.memory_space<vmem>>[vector<16xi32>, vector<16xi32>], vector<16xf32>,
      %add3A_1053 = arith.constant 32 : i32
      %add3A_1054 = vector.broadcast %add3A_1053 : i32 to vector<16xi32>
      %add3A_1055 = arith.addi %add3A_1054, %iota3A : vector<16xi32>
      %gather3A_1056 = tpu.vector_load_idx %arg6[%broadcast_in_dim3A_1044, %add3A_1055, %add3A_1036] : memref<8x64x128xf32, #tpu.memory_space<vmem>>[vector<16xi32>, vector<16xi32>, vector<16xi32>], vector<16xf32>,
      tpu.vector_store_idx %arg7[%add3A_1055, %add3A_1042], %gather3A_1056 : memref<64x128xf32, #tpu.memory_space<vmem>>[vector<16xi32>, vector<16xi32>], vector<16xf32>,
      %add3A_1057 = arith.constant 48 : i32
      %add3A_1058 = vector.broadcast %add3A_1057 : i32 to vector<16xi32>
      %add3A_1059 = arith.addi %add3A_1058, %iota3A : vector<16xi32>
      %gather3A_1060 = tpu.vector_load_idx %arg6[%broadcast_in_dim3A_1044, %add3A_1059, %add3A_1036] : memref<8x64x128xf32, #tpu.memory_space<vmem>>[vector<16xi32>, vector<16xi32>, vector<16xi32>], vector<16xf32>,
      tpu.vector_store_idx %arg7[%add3A_1059, %add3A_1042], %gather3A_1060 : memref<64x128xf32, #tpu.memory_space<vmem>>[vector<16xi32>, vector<16xi32>], vector<16xf32>,
      %slice3A_1061 = vector.extract_strided_slice %get3A_689 {offsets = [5], sizes = [1], strides = [1]} : vector<16xi32> to vector<1xi32>
      %squeeze3A_1062 = vector.extract %slice3A_1061[0] : i32 from vector<1xi32>
      %add3A_1063 = arith.constant 8 : i32
      %add3A_1064 = arith.addi %add3A_1009, %add3A_1063 : i32
      %lt3A_1065 = arith.constant 512 : i32
      %lt3A_1066 = arith.cmpi slt, %add3A_1064, %lt3A_1065 : i32
      %convert_element_type3A_1067 = arith.extui %lt3A_1066 : i1 to i32
      %cond3A_1068 = arith.constant 0 : i32
      %cond3A_1069 = arith.cmpi ne, %convert_element_type3A_1067, %cond3A_1068 : i32
      scf.if %cond3A_1069 {
        %shift_right_arithmetic3A_1204 = arith.constant 7 : i32
        %shift_right_arithmetic3A_1205 = arith.shrsi %squeeze3A_1062, %shift_right_arithmetic3A_1204 : i32
        %shift_left3A_1206 = arith.constant 7 : i32
        %shift_left3A_1207 = arith.shli %shift_right_arithmetic3A_1205, %shift_left3A_1206 : i32
        %multiple_of3A_1208 = tpu.assume_multiple %shift_left3A_1207, 128 : i32
        %dma_start3A_1209 = arith.constant 5 : i32
        %dma_start3A_1210 = arith.constant 0 : i32
        %dma_start3A_1211 = arith.constant 0 : i32
        %dma_start3A_1212 = tpu.memref_slice %arg6[%dma_start3A_1209, %dma_start3A_1210, %dma_start3A_1211] : memref<8x64x128xf32, #tpu.memory_space<vmem>> -> memref<1x64x128xf32, #tpu.memory_space<vmem>>
        %dma_start3A_1213 = tpu.memref_squeeze %dma_start3A_1212 : memref<1x64x128xf32, #tpu.memory_space<vmem>> -> memref<64x128xf32, #tpu.memory_space<vmem>>
        %dma_start3A_1214 = arith.constant 0 : i32
        %dma_start3A_1215 = tpu.memref_slice %arg3[%dma_start3A_1214, %multiple_of3A_1208] : memref<64x1000000xf32, #tpu.memory_space<hbm>> -> memref<64x128xf32, #tpu.memory_space<hbm>>
        %dma_start3A_1216 = arith.constant 0 : i32
        %dma_start3A_1217 = arith.constant 0 : i32
        %dma_start3A_1218 = tpu.memref_slice %arg6[%dma_start3A_1209, %dma_start3A_1216, %dma_start3A_1217] : memref<8x64x128xf32, #tpu.memory_space<vmem>> -> memref<1x64x128xf32, #tpu.memory_space<vmem>>
        %dma_start3A_1219 = tpu.memref_squeeze %dma_start3A_1218 : memref<1x64x128xf32, #tpu.memory_space<vmem>> -> memref<64x128xf32, #tpu.memory_space<vmem>>
        %dma_start3A_1220 = arith.constant 0 : i32
        %dma_start3A_1221 = tpu.memref_slice %arg3[%dma_start3A_1220, %multiple_of3A_1208] : memref<64x1000000xf32, #tpu.memory_space<hbm>> -> memref<64x128xf32, #tpu.memory_space<hbm>>
        tpu.enqueue_dma source(%dma_start3A_1221 : memref<64x128xf32, #tpu.memory_space<hbm>>) target(%dma_start3A_1219 : memref<64x128xf32, #tpu.memory_space<vmem>>) target_semaphore(%arg13 : memref<!tpu.dma_semaphore, #tpu.memory_space<semaphore_mem>>)
      } else {
      }
      %mul3A_1070 = arith.constant 16 : i32
      %mul3A_1071 = arith.muli %add3A_166, %mul3A_1070 : i32
      %add3A_1072 = arith.constant 14 : i32
      %add3A_1073 = arith.addi %mul3A_1071, %add3A_1072 : i32
      %mul3A_1074 = arith.constant 16 : i32
      %mul3A_1075 = arith.muli %add3A_166, %mul3A_1074 : i32
      %get3A_1076 = arith.index_cast %mul3A_1075 : i32 to index
      %get3A_1077 = tpu.vector_load %arg5[%get3A_1076] {strides = array<i32>} : memref<512xi32, #tpu.memory_space<vmem>>, vector<16xi32>,
      %slice3A_1078 = vector.extract_strided_slice %get3A_1077 {offsets = [14], sizes = [1], strides = [1]} : vector<16xi32> to vector<1xi32>
      %squeeze3A_1079 = vector.extract %slice3A_1078[0] : i32 from vector<1xi32>
      %dma_wait3A_1080 = arith.constant 6 : i32
      %dma_wait3A_1081 = arith.constant 0 : i32
      %dma_wait3A_1082 = arith.constant 0 : i32
      %dma_wait3A_1083 = tpu.memref_slice %arg6[%dma_wait3A_1080, %dma_wait3A_1081, %dma_wait3A_1082] : memref<8x64x128xf32, #tpu.memory_space<vmem>> -> memref<1x64x128xf32, #tpu.memory_space<vmem>>
      %dma_wait3A_1084 = tpu.memref_squeeze %dma_wait3A_1083 : memref<1x64x128xf32, #tpu.memory_space<vmem>> -> memref<64x128xf32, #tpu.memory_space<vmem>>
      %dma_wait3A_1085 = arith.constant 0 : i32
      %dma_wait3A_1086 = arith.constant 0 : i32
      %dma_wait3A_1087 = tpu.memref_slice %arg3[%dma_wait3A_1085, %dma_wait3A_1086] : memref<64x1000000xf32, #tpu.memory_space<hbm>> -> memref<64x128xf32, #tpu.memory_space<hbm>>
      %dma_wait3A_1088 = arith.constant 0 : i32
      %dma_wait3A_1089 = arith.constant 0 : i32
      %dma_wait3A_1090 = tpu.memref_slice %arg6[%dma_wait3A_1080, %dma_wait3A_1088, %dma_wait3A_1089] : memref<8x64x128xf32, #tpu.memory_space<vmem>> -> memref<1x64x128xf32, #tpu.memory_space<vmem>>
      %dma_wait3A_1091 = tpu.memref_squeeze %dma_wait3A_1090 : memref<1x64x128xf32, #tpu.memory_space<vmem>> -> memref<64x128xf32, #tpu.memory_space<vmem>>
      %dma_wait3A_1092 = arith.constant 0 : i32
      %dma_wait3A_1093 = arith.constant 0 : i32
      %dma_wait3A_1094 = tpu.memref_slice %arg3[%dma_wait3A_1092, %dma_wait3A_1093] : memref<64x1000000xf32, #tpu.memory_space<hbm>> -> memref<64x128xf32, #tpu.memory_space<hbm>>
      tpu.wait_dma2 semaphore(%arg14 : memref<!tpu.dma_semaphore, #tpu.memory_space<semaphore_mem>>) src(%dma_wait3A_1094 : memref<64x128xf32, #tpu.memory_space<hbm>>) dst(%dma_wait3A_1091 : memref<64x128xf32, #tpu.memory_space<vmem>>)
      %broadcast_in_dim3A_1095 = arith.constant 0 : i32
      %broadcast_in_dim3A_1096 = vector.broadcast %broadcast_in_dim3A_1095 : i32 to vector<16xi32>
      %and3A_1097 = arith.constant 127 : i32
      %and3A_1098 = arith.andi %squeeze3A_1079, %and3A_1097 : i32
      %add3A_1099 = vector.broadcast %and3A_1098 : i32 to vector<16xi32>
      %add3A_1100 = arith.addi %broadcast_in_dim3A_1096, %add3A_1099 : vector<16xi32>
      %broadcast_in_dim3A_1101 = arith.constant 0 : i32
      %broadcast_in_dim3A_1102 = vector.broadcast %broadcast_in_dim3A_1101 : i32 to vector<16xi32>
      %and3A_1103 = arith.constant 127 : i32
      %and3A_1104 = arith.andi %add3A_1073, %and3A_1103 : i32
      %add3A_1105 = vector.broadcast %and3A_1104 : i32 to vector<16xi32>
      %add3A_1106 = arith.addi %broadcast_in_dim3A_1102, %add3A_1105 : vector<16xi32>
      %broadcast_in_dim3A_1107 = arith.constant 6 : i32
      %broadcast_in_dim3A_1108 = vector.broadcast %broadcast_in_dim3A_1107 : i32 to vector<16xi32>
      %add3A_1109 = arith.constant 0 : i32
      %add3A_1110 = vector.broadcast %add3A_1109 : i32 to vector<16xi32>
      %add3A_1111 = arith.addi %add3A_1110, %iota3A : vector<16xi32>
      %gather3A_1112 = tpu.vector_load_idx %arg6[%broadcast_in_dim3A_1108, %add3A_1111, %add3A_1100] : memref<8x64x128xf32, #tpu.memory_space<vmem>>[vector<16xi32>, vector<16xi32>, vector<16xi32>], vector<16xf32>,
      tpu.vector_store_idx %arg7[%add3A_1111, %add3A_1106], %gather3A_1112 : memref<64x128xf32, #tpu.memory_space<vmem>>[vector<16xi32>, vector<16xi32>], vector<16xf32>,
      %add3A_1113 = arith.constant 16 : i32
      %add3A_1114 = vector.broadcast %add3A_1113 : i32 to vector<16xi32>
      %add3A_1115 = arith.addi %add3A_1114, %iota3A : vector<16xi32>
      %gather3A_1116 = tpu.vector_load_idx %arg6[%broadcast_in_dim3A_1108, %add3A_1115, %add3A_1100] : memref<8x64x128xf32, #tpu.memory_space<vmem>>[vector<16xi32>, vector<16xi32>, vector<16xi32>], vector<16xf32>,
      tpu.vector_store_idx %arg7[%add3A_1115, %add3A_1106], %gather3A_1116 : memref<64x128xf32, #tpu.memory_space<vmem>>[vector<16xi32>, vector<16xi32>], vector<16xf32>,
      %add3A_1117 = arith.constant 32 : i32
      %add3A_1118 = vector.broadcast %add3A_1117 : i32 to vector<16xi32>
      %add3A_1119 = arith.addi %add3A_1118, %iota3A : vector<16xi32>
      %gather3A_1120 = tpu.vector_load_idx %arg6[%broadcast_in_dim3A_1108, %add3A_1119, %add3A_1100] : memref<8x64x128xf32, #tpu.memory_space<vmem>>[vector<16xi32>, vector<16xi32>, vector<16xi32>], vector<16xf32>,
      tpu.vector_store_idx %arg7[%add3A_1119, %add3A_1106], %gather3A_1120 : memref<64x128xf32, #tpu.memory_space<vmem>>[vector<16xi32>, vector<16xi32>], vector<16xf32>,
      %add3A_1121 = arith.constant 48 : i32
      %add3A_1122 = vector.broadcast %add3A_1121 : i32 to vector<16xi32>
      %add3A_1123 = arith.addi %add3A_1122, %iota3A : vector<16xi32>
      %gather3A_1124 = tpu.vector_load_idx %arg6[%broadcast_in_dim3A_1108, %add3A_1123, %add3A_1100] : memref<8x64x128xf32, #tpu.memory_space<vmem>>[vector<16xi32>, vector<16xi32>, vector<16xi32>], vector<16xf32>,
      tpu.vector_store_idx %arg7[%add3A_1123, %add3A_1106], %gather3A_1124 : memref<64x128xf32, #tpu.memory_space<vmem>>[vector<16xi32>, vector<16xi32>], vector<16xf32>,
      %slice3A_1125 = vector.extract_strided_slice %get3A_689 {offsets = [6], sizes = [1], strides = [1]} : vector<16xi32> to vector<1xi32>
      %squeeze3A_1126 = vector.extract %slice3A_1125[0] : i32 from vector<1xi32>
      %add3A_1127 = arith.constant 8 : i32
      %add3A_1128 = arith.addi %add3A_1073, %add3A_1127 : i32
      %lt3A_1129 = arith.constant 512 : i32
      %lt3A_1130 = arith.cmpi slt, %add3A_1128, %lt3A_1129 : i32
      %convert_element_type3A_1131 = arith.extui %lt3A_1130 : i1 to i32
      %cond3A_1132 = arith.constant 0 : i32
      %cond3A_1133 = arith.cmpi ne, %convert_element_type3A_1131, %cond3A_1132 : i32
      scf.if %cond3A_1133 {
        %shift_right_arithmetic3A_1204 = arith.constant 7 : i32
        %shift_right_arithmetic3A_1205 = arith.shrsi %squeeze3A_1126, %shift_right_arithmetic3A_1204 : i32
        %shift_left3A_1206 = arith.constant 7 : i32
        %shift_left3A_1207 = arith.shli %shift_right_arithmetic3A_1205, %shift_left3A_1206 : i32
        %multiple_of3A_1208 = tpu.assume_multiple %shift_left3A_1207, 128 : i32
        %dma_start3A_1209 = arith.constant 6 : i32
        %dma_start3A_1210 = arith.constant 0 : i32
        %dma_start3A_1211 = arith.constant 0 : i32
        %dma_start3A_1212 = tpu.memref_slice %arg6[%dma_start3A_1209, %dma_start3A_1210, %dma_start3A_1211] : memref<8x64x128xf32, #tpu.memory_space<vmem>> -> memref<1x64x128xf32, #tpu.memory_space<vmem>>
        %dma_start3A_1213 = tpu.memref_squeeze %dma_start3A_1212 : memref<1x64x128xf32, #tpu.memory_space<vmem>> -> memref<64x128xf32, #tpu.memory_space<vmem>>
        %dma_start3A_1214 = arith.constant 0 : i32
        %dma_start3A_1215 = tpu.memref_slice %arg3[%dma_start3A_1214, %multiple_of3A_1208] : memref<64x1000000xf32, #tpu.memory_space<hbm>> -> memref<64x128xf32, #tpu.memory_space<hbm>>
        %dma_start3A_1216 = arith.constant 0 : i32
        %dma_start3A_1217 = arith.constant 0 : i32
        %dma_start3A_1218 = tpu.memref_slice %arg6[%dma_start3A_1209, %dma_start3A_1216, %dma_start3A_1217] : memref<8x64x128xf32, #tpu.memory_space<vmem>> -> memref<1x64x128xf32, #tpu.memory_space<vmem>>
        %dma_start3A_1219 = tpu.memref_squeeze %dma_start3A_1218 : memref<1x64x128xf32, #tpu.memory_space<vmem>> -> memref<64x128xf32, #tpu.memory_space<vmem>>
        %dma_start3A_1220 = arith.constant 0 : i32
        %dma_start3A_1221 = tpu.memref_slice %arg3[%dma_start3A_1220, %multiple_of3A_1208] : memref<64x1000000xf32, #tpu.memory_space<hbm>> -> memref<64x128xf32, #tpu.memory_space<hbm>>
        tpu.enqueue_dma source(%dma_start3A_1221 : memref<64x128xf32, #tpu.memory_space<hbm>>) target(%dma_start3A_1219 : memref<64x128xf32, #tpu.memory_space<vmem>>) target_semaphore(%arg14 : memref<!tpu.dma_semaphore, #tpu.memory_space<semaphore_mem>>)
      } else {
      }
      %mul3A_1134 = arith.constant 16 : i32
      %mul3A_1135 = arith.muli %add3A_166, %mul3A_1134 : i32
      %add3A_1136 = arith.constant 15 : i32
      %add3A_1137 = arith.addi %mul3A_1135, %add3A_1136 : i32
      %mul3A_1138 = arith.constant 16 : i32
      %mul3A_1139 = arith.muli %add3A_166, %mul3A_1138 : i32
      %get3A_1140 = arith.index_cast %mul3A_1139 : i32 to index
      %get3A_1141 = tpu.vector_load %arg5[%get3A_1140] {strides = array<i32>} : memref<512xi32, #tpu.memory_space<vmem>>, vector<16xi32>,
      %slice3A_1142 = vector.extract_strided_slice %get3A_1141 {offsets = [15], sizes = [1], strides = [1]} : vector<16xi32> to vector<1xi32>
      %squeeze3A_1143 = vector.extract %slice3A_1142[0] : i32 from vector<1xi32>
      %dma_wait3A_1144 = arith.constant 7 : i32
      %dma_wait3A_1145 = arith.constant 0 : i32
      %dma_wait3A_1146 = arith.constant 0 : i32
      %dma_wait3A_1147 = tpu.memref_slice %arg6[%dma_wait3A_1144, %dma_wait3A_1145, %dma_wait3A_1146] : memref<8x64x128xf32, #tpu.memory_space<vmem>> -> memref<1x64x128xf32, #tpu.memory_space<vmem>>
      %dma_wait3A_1148 = tpu.memref_squeeze %dma_wait3A_1147 : memref<1x64x128xf32, #tpu.memory_space<vmem>> -> memref<64x128xf32, #tpu.memory_space<vmem>>
      %dma_wait3A_1149 = arith.constant 0 : i32
      %dma_wait3A_1150 = arith.constant 0 : i32
      %dma_wait3A_1151 = tpu.memref_slice %arg3[%dma_wait3A_1149, %dma_wait3A_1150] : memref<64x1000000xf32, #tpu.memory_space<hbm>> -> memref<64x128xf32, #tpu.memory_space<hbm>>
      %dma_wait3A_1152 = arith.constant 0 : i32
      %dma_wait3A_1153 = arith.constant 0 : i32
      %dma_wait3A_1154 = tpu.memref_slice %arg6[%dma_wait3A_1144, %dma_wait3A_1152, %dma_wait3A_1153] : memref<8x64x128xf32, #tpu.memory_space<vmem>> -> memref<1x64x128xf32, #tpu.memory_space<vmem>>
      %dma_wait3A_1155 = tpu.memref_squeeze %dma_wait3A_1154 : memref<1x64x128xf32, #tpu.memory_space<vmem>> -> memref<64x128xf32, #tpu.memory_space<vmem>>
      %dma_wait3A_1156 = arith.constant 0 : i32
      %dma_wait3A_1157 = arith.constant 0 : i32
      %dma_wait3A_1158 = tpu.memref_slice %arg3[%dma_wait3A_1156, %dma_wait3A_1157] : memref<64x1000000xf32, #tpu.memory_space<hbm>> -> memref<64x128xf32, #tpu.memory_space<hbm>>
      tpu.wait_dma2 semaphore(%arg15 : memref<!tpu.dma_semaphore, #tpu.memory_space<semaphore_mem>>) src(%dma_wait3A_1158 : memref<64x128xf32, #tpu.memory_space<hbm>>) dst(%dma_wait3A_1155 : memref<64x128xf32, #tpu.memory_space<vmem>>)
      %broadcast_in_dim3A_1159 = arith.constant 0 : i32
      %broadcast_in_dim3A_1160 = vector.broadcast %broadcast_in_dim3A_1159 : i32 to vector<16xi32>
      %and3A_1161 = arith.constant 127 : i32
      %and3A_1162 = arith.andi %squeeze3A_1143, %and3A_1161 : i32
      %add3A_1163 = vector.broadcast %and3A_1162 : i32 to vector<16xi32>
      %add3A_1164 = arith.addi %broadcast_in_dim3A_1160, %add3A_1163 : vector<16xi32>
      %broadcast_in_dim3A_1165 = arith.constant 0 : i32
      %broadcast_in_dim3A_1166 = vector.broadcast %broadcast_in_dim3A_1165 : i32 to vector<16xi32>
      %and3A_1167 = arith.constant 127 : i32
      %and3A_1168 = arith.andi %add3A_1137, %and3A_1167 : i32
      %add3A_1169 = vector.broadcast %and3A_1168 : i32 to vector<16xi32>
      %add3A_1170 = arith.addi %broadcast_in_dim3A_1166, %add3A_1169 : vector<16xi32>
      %broadcast_in_dim3A_1171 = arith.constant 7 : i32
      %broadcast_in_dim3A_1172 = vector.broadcast %broadcast_in_dim3A_1171 : i32 to vector<16xi32>
      %add3A_1173 = arith.constant 0 : i32
      %add3A_1174 = vector.broadcast %add3A_1173 : i32 to vector<16xi32>
      %add3A_1175 = arith.addi %add3A_1174, %iota3A : vector<16xi32>
      %gather3A_1176 = tpu.vector_load_idx %arg6[%broadcast_in_dim3A_1172, %add3A_1175, %add3A_1164] : memref<8x64x128xf32, #tpu.memory_space<vmem>>[vector<16xi32>, vector<16xi32>, vector<16xi32>], vector<16xf32>,
      tpu.vector_store_idx %arg7[%add3A_1175, %add3A_1170], %gather3A_1176 : memref<64x128xf32, #tpu.memory_space<vmem>>[vector<16xi32>, vector<16xi32>], vector<16xf32>,
      %add3A_1177 = arith.constant 16 : i32
      %add3A_1178 = vector.broadcast %add3A_1177 : i32 to vector<16xi32>
      %add3A_1179 = arith.addi %add3A_1178, %iota3A : vector<16xi32>
      %gather3A_1180 = tpu.vector_load_idx %arg6[%broadcast_in_dim3A_1172, %add3A_1179, %add3A_1164] : memref<8x64x128xf32, #tpu.memory_space<vmem>>[vector<16xi32>, vector<16xi32>, vector<16xi32>], vector<16xf32>,
      tpu.vector_store_idx %arg7[%add3A_1179, %add3A_1170], %gather3A_1180 : memref<64x128xf32, #tpu.memory_space<vmem>>[vector<16xi32>, vector<16xi32>], vector<16xf32>,
      %add3A_1181 = arith.constant 32 : i32
      %add3A_1182 = vector.broadcast %add3A_1181 : i32 to vector<16xi32>
      %add3A_1183 = arith.addi %add3A_1182, %iota3A : vector<16xi32>
      %gather3A_1184 = tpu.vector_load_idx %arg6[%broadcast_in_dim3A_1172, %add3A_1183, %add3A_1164] : memref<8x64x128xf32, #tpu.memory_space<vmem>>[vector<16xi32>, vector<16xi32>, vector<16xi32>], vector<16xf32>,
      tpu.vector_store_idx %arg7[%add3A_1183, %add3A_1170], %gather3A_1184 : memref<64x128xf32, #tpu.memory_space<vmem>>[vector<16xi32>, vector<16xi32>], vector<16xf32>,
      %add3A_1185 = arith.constant 48 : i32
      %add3A_1186 = vector.broadcast %add3A_1185 : i32 to vector<16xi32>
      %add3A_1187 = arith.addi %add3A_1186, %iota3A : vector<16xi32>
      %gather3A_1188 = tpu.vector_load_idx %arg6[%broadcast_in_dim3A_1172, %add3A_1187, %add3A_1164] : memref<8x64x128xf32, #tpu.memory_space<vmem>>[vector<16xi32>, vector<16xi32>, vector<16xi32>], vector<16xf32>,
      tpu.vector_store_idx %arg7[%add3A_1187, %add3A_1170], %gather3A_1188 : memref<64x128xf32, #tpu.memory_space<vmem>>[vector<16xi32>, vector<16xi32>], vector<16xf32>,
      %slice3A_1189 = vector.extract_strided_slice %get3A_689 {offsets = [7], sizes = [1], strides = [1]} : vector<16xi32> to vector<1xi32>
      %squeeze3A_1190 = vector.extract %slice3A_1189[0] : i32 from vector<1xi32>
      %add3A_1191 = arith.constant 8 : i32
      %add3A_1192 = arith.addi %add3A_1137, %add3A_1191 : i32
      %lt3A_1193 = arith.constant 512 : i32
      %lt3A_1194 = arith.cmpi slt, %add3A_1192, %lt3A_1193 : i32
      %convert_element_type3A_1195 = arith.extui %lt3A_1194 : i1 to i32
      %cond3A_1196 = arith.constant 0 : i32
      %cond3A_1197 = arith.cmpi ne, %convert_element_type3A_1195, %cond3A_1196 : i32
      scf.if %cond3A_1197 {
        %shift_right_arithmetic3A_1204 = arith.constant 7 : i32
        %shift_right_arithmetic3A_1205 = arith.shrsi %squeeze3A_1190, %shift_right_arithmetic3A_1204 : i32
        %shift_left3A_1206 = arith.constant 7 : i32
        %shift_left3A_1207 = arith.shli %shift_right_arithmetic3A_1205, %shift_left3A_1206 : i32
        %multiple_of3A_1208 = tpu.assume_multiple %shift_left3A_1207, 128 : i32
        %dma_start3A_1209 = arith.constant 7 : i32
        %dma_start3A_1210 = arith.constant 0 : i32
        %dma_start3A_1211 = arith.constant 0 : i32
        %dma_start3A_1212 = tpu.memref_slice %arg6[%dma_start3A_1209, %dma_start3A_1210, %dma_start3A_1211] : memref<8x64x128xf32, #tpu.memory_space<vmem>> -> memref<1x64x128xf32, #tpu.memory_space<vmem>>
        %dma_start3A_1213 = tpu.memref_squeeze %dma_start3A_1212 : memref<1x64x128xf32, #tpu.memory_space<vmem>> -> memref<64x128xf32, #tpu.memory_space<vmem>>
        %dma_start3A_1214 = arith.constant 0 : i32
        %dma_start3A_1215 = tpu.memref_slice %arg3[%dma_start3A_1214, %multiple_of3A_1208] : memref<64x1000000xf32, #tpu.memory_space<hbm>> -> memref<64x128xf32, #tpu.memory_space<hbm>>
        %dma_start3A_1216 = arith.constant 0 : i32
        %dma_start3A_1217 = arith.constant 0 : i32
        %dma_start3A_1218 = tpu.memref_slice %arg6[%dma_start3A_1209, %dma_start3A_1216, %dma_start3A_1217] : memref<8x64x128xf32, #tpu.memory_space<vmem>> -> memref<1x64x128xf32, #tpu.memory_space<vmem>>
        %dma_start3A_1219 = tpu.memref_squeeze %dma_start3A_1218 : memref<1x64x128xf32, #tpu.memory_space<vmem>> -> memref<64x128xf32, #tpu.memory_space<vmem>>
        %dma_start3A_1220 = arith.constant 0 : i32
        %dma_start3A_1221 = tpu.memref_slice %arg3[%dma_start3A_1220, %multiple_of3A_1208] : memref<64x1000000xf32, #tpu.memory_space<hbm>> -> memref<64x128xf32, #tpu.memory_space<hbm>>
        tpu.enqueue_dma source(%dma_start3A_1221 : memref<64x128xf32, #tpu.memory_space<hbm>>) target(%dma_start3A_1219 : memref<64x128xf32, #tpu.memory_space<vmem>>) target_semaphore(%arg15 : memref<!tpu.dma_semaphore, #tpu.memory_space<semaphore_mem>>)
      } else {
      }
      %and3A_1198 = arith.constant 7 : i32
      %and3A_1199 = arith.andi %add3A_166, %and3A_1198 : i32
      %eq3A = arith.constant 7 : i32
      %eq3A_1200 = arith.cmpi eq, %and3A_1199, %eq3A : i32
      %convert_element_type3A_1201 = arith.extui %eq3A_1200 : i1 to i32
      %cond3A_1202 = arith.constant 0 : i32
      %cond3A_1203 = arith.cmpi ne, %convert_element_type3A_1201, %cond3A_1202 : i32
      scf.if %cond3A_1203 {
        %shift_right_arithmetic3A_1204 = arith.constant 3 : i32
        %shift_right_arithmetic3A_1205 = arith.shrsi %add3A_166, %shift_right_arithmetic3A_1204 : i32
        %shift_left3A_1206 = arith.constant 7 : i32
        %shift_left3A_1207 = arith.shli %shift_right_arithmetic3A_1205, %shift_left3A_1206 : i32
        %multiple_of3A_1208 = tpu.assume_multiple %shift_left3A_1207, 128 : i32
        %add3A_1209 = arith.addi %mul3A_2, %multiple_of3A_1208 : i32
        "tpu.region"() ({
          %run_scoped3A = tpu.sem_alloc : memref<!tpu.dma_semaphore, #tpu.memory_space<semaphore_mem>>
          %dma_start3A_1210 = arith.constant 0 : i32
          %dma_start3A_1211 = tpu.memref_slice %arg4[%dma_start3A_1210, %add3A_1209] : memref<64x16384xf32, #tpu.memory_space<hbm>> -> memref<64x128xf32, #tpu.memory_space<hbm>>
          %dma_start3A_1212 = arith.constant 0 : i32
          %dma_start3A_1213 = tpu.memref_slice %arg4[%dma_start3A_1212, %add3A_1209] : memref<64x16384xf32, #tpu.memory_space<hbm>> -> memref<64x128xf32, #tpu.memory_space<hbm>>
          tpu.enqueue_dma source(%arg7 : memref<64x128xf32, #tpu.memory_space<vmem>>) target(%dma_start3A_1213 : memref<64x128xf32, #tpu.memory_space<hbm>>) target_semaphore(%run_scoped3A : memref<!tpu.dma_semaphore, #tpu.memory_space<semaphore_mem>>)
          %dma_wait3A_1214 = arith.constant 0 : i32
          %dma_wait3A_1215 = tpu.memref_slice %arg4[%dma_wait3A_1214, %add3A_1209] : memref<64x16384xf32, #tpu.memory_space<hbm>> -> memref<64x128xf32, #tpu.memory_space<hbm>>
          %dma_wait3A_1216 = arith.constant 0 : i32
          %dma_wait3A_1217 = tpu.memref_slice %arg4[%dma_wait3A_1216, %add3A_1209] : memref<64x16384xf32, #tpu.memory_space<hbm>> -> memref<64x128xf32, #tpu.memory_space<hbm>>
          tpu.wait_dma2 semaphore(%run_scoped3A : memref<!tpu.dma_semaphore, #tpu.memory_space<semaphore_mem>>) src(%arg7 : memref<64x128xf32, #tpu.memory_space<vmem>>) dst(%dma_wait3A_1217 : memref<64x128xf32, #tpu.memory_space<hbm>>)
          tpu.yield
        }) : () -> ()
      } else {
      }
    }
    %scan3A_161 = arith.constant 32 : i32
    return
  }
}

#map = affine_map<(d0, d1) -> (0)>
#map1 = affine_map<(d0, d1) -> (0, 0)>
module attributes {stable_mosaic.version = 14 : i64} {
  func.func @gather1(%arg0: i32, %arg1: i32, %arg2: memref<16384xi32, #tpu.memory_space<hbm>>, %arg3: memref<64x1000000xf32, #tpu.memory_space<hbm>>, %arg4: memref<64x16384xf32, #tpu.memory_space<hbm>>, %arg5: memref<512xi32, #tpu.memory_space<vmem>>, %arg6: memref<8x64x128xf32, #tpu.memory_space<vmem>>, %arg7: memref<64x128xf32, #tpu.memory_space<vmem>>, %arg8: memref<!tpu.dma_semaphore, #tpu.memory_space<semaphore_mem>>, %arg9: memref<!tpu.dma_semaphore, #tpu.memory_space<semaphore_mem>>, %arg10: memref<!tpu.dma_semaphore, #tpu.memory_space<semaphore_mem>>, %arg11: memref<!tpu.dma_semaphore, #tpu.memory_space<semaphore_mem>>, %arg12: memref<!tpu.dma_semaphore, #tpu.memory_space<semaphore_mem>>, %arg13: memref<!tpu.dma_semaphore, #tpu.memory_space<semaphore_mem>>, %arg14: memref<!tpu.dma_semaphore, #tpu.memory_space<semaphore_mem>>, %arg15: memref<!tpu.dma_semaphore, #tpu.memory_space<semaphore_mem>>) attributes {dimension_semantics = [#tpu.dimension_semantics<core_parallel>, #tpu.dimension_semantics<subcore_parallel>], iteration_bounds = array<i64: 2, 16>, scalar_prefetch = 0 : i64, scratch_operands = 11 : i64, tpu.core_type = #tpu.core_type<sc_vector_subcore>, window_params = [{transform_indices = #map}, {transform_indices = #map1}, {transform_indices = #map1}]} {
    %mul3A = arith.constant 2 : i32
    %mul3A_0 = arith.muli %arg1, %mul3A : i32
    %add3A = arith.addi %mul3A_0, %arg0 : i32
    %mul3A_1 = arith.constant 512 : i32
    %mul3A_2 = arith.muli %add3A, %mul3A_1 : i32
    %iota3A = tpu.iota {dimensions = array<i32: 0>} : vector<16xi32>
    "tpu.region"() ({
      %run_scoped3A = tpu.sem_alloc : memref<!tpu.dma_semaphore, #tpu.memory_space<semaphore_mem>>
      %dma_start3A_162 = tpu.memref_slice %arg2[%mul3A_2] : memref<16384xi32, #tpu.memory_space<hbm>> -> memref<512xi32, #tpu.memory_space<hbm>>
      %dma_start3A_163 = tpu.memref_slice %arg2[%mul3A_2] : memref<16384xi32, #tpu.memory_space<hbm>> -> memref<512xi32, #tpu.memory_space<hbm>>
      tpu.enqueue_dma source(%dma_start3A_163 : memref<512xi32, #tpu.memory_space<hbm>>) target(%arg5 : memref<512xi32, #tpu.memory_space<vmem>>) target_semaphore(%run_scoped3A : memref<!tpu.dma_semaphore, #tpu.memory_space<semaphore_mem>>)
      %dma_wait3A = tpu.memref_slice %arg2[%mul3A_2] : memref<16384xi32, #tpu.memory_space<hbm>> -> memref<512xi32, #tpu.memory_space<hbm>>
      %dma_wait3A_164 = tpu.memref_slice %arg2[%mul3A_2] : memref<16384xi32, #tpu.memory_space<hbm>> -> memref<512xi32, #tpu.memory_space<hbm>>
      tpu.wait_dma2 semaphore(%run_scoped3A : memref<!tpu.dma_semaphore, #tpu.memory_space<semaphore_mem>>) src(%dma_wait3A_164 : memref<512xi32, #tpu.memory_space<hbm>>) dst(%arg5 : memref<512xi32, #tpu.memory_space<vmem>>)
      tpu.yield
    }) : () -> ()
    %get3A = arith.constant 0 : index
    %get3A_3 = tpu.vector_load %arg5[%get3A] {strides = array<i32>} : memref<512xi32, #tpu.memory_space<vmem>>, vector<16xi32>,
    %slice3A = vector.extract_strided_slice %get3A_3 {offsets = [0], sizes = [1], strides = [1]} : vector<16xi32> to vector<1xi32>
    %squeeze3A = vector.extract %slice3A[0] : i32 from vector<1xi32>
    %shift_right_arithmetic3A = arith.constant 7 : i32
    %shift_right_arithmetic3A_4 = arith.shrsi %squeeze3A, %shift_right_arithmetic3A : i32
    %shift_left3A = arith.constant 7 : i32
    %shift_left3A_5 = arith.shli %shift_right_arithmetic3A_4, %shift_left3A : i32
    %multiple_of3A = tpu.assume_multiple %shift_left3A_5, 128 : i32
    %dma_start3A = arith.constant 0 : i32
    %dma_start3A_6 = arith.constant 0 : i32
    %dma_start3A_7 = arith.constant 0 : i32
    %dma_start3A_8 = tpu.memref_slice %arg6[%dma_start3A, %dma_start3A_6, %dma_start3A_7] : memref<8x64x128xf32, #tpu.memory_space<vmem>> -> memref<1x64x128xf32, #tpu.memory_space<vmem>>
    %dma_start3A_9 = tpu.memref_squeeze %dma_start3A_8 : memref<1x64x128xf32, #tpu.memory_space<vmem>> -> memref<64x128xf32, #tpu.memory_space<vmem>>
    %dma_start3A_10 = arith.constant 0 : i32
    %dma_start3A_11 = tpu.memref_slice %arg3[%dma_start3A_10, %multiple_of3A] : memref<64x1000000xf32, #tpu.memory_space<hbm>> -> memref<64x128xf32, #tpu.memory_space<hbm>>
    %dma_start3A_12 = arith.constant 0 : i32
    %dma_start3A_13 = arith.constant 0 : i32
    %dma_start3A_14 = tpu.memref_slice %arg6[%dma_start3A, %dma_start3A_12, %dma_start3A_13] : memref<8x64x128xf32, #tpu.memory_space<vmem>> -> memref<1x64x128xf32, #tpu.memory_space<vmem>>
    %dma_start3A_15 = tpu.memref_squeeze %dma_start3A_14 : memref<1x64x128xf32, #tpu.memory_space<vmem>> -> memref<64x128xf32, #tpu.memory_space<vmem>>
    %dma_start3A_16 = arith.constant 0 : i32
    %dma_start3A_17 = tpu.memref_slice %arg3[%dma_start3A_16, %multiple_of3A] : memref<64x1000000xf32, #tpu.memory_space<hbm>> -> memref<64x128xf32, #tpu.memory_space<hbm>>
    tpu.enqueue_dma source(%dma_start3A_17 : memref<64x128xf32, #tpu.memory_space<hbm>>) target(%dma_start3A_15 : memref<64x128xf32, #tpu.memory_space<vmem>>) target_semaphore(%arg8 : memref<!tpu.dma_semaphore, #tpu.memory_space<semaphore_mem>>)
    %slice3A_18 = vector.extract_strided_slice %get3A_3 {offsets = [1], sizes = [1], strides = [1]} : vector<16xi32> to vector<1xi32>
    %squeeze3A_19 = vector.extract %slice3A_18[0] : i32 from vector<1xi32>
    %shift_right_arithmetic3A_20 = arith.constant 7 : i32
    %shift_right_arithmetic3A_21 = arith.shrsi %squeeze3A_19, %shift_right_arithmetic3A_20 : i32
    %shift_left3A_22 = arith.constant 7 : i32
    %shift_left3A_23 = arith.shli %shift_right_arithmetic3A_21, %shift_left3A_22 : i32
    %multiple_of3A_24 = tpu.assume_multiple %shift_left3A_23, 128 : i32
    %dma_start3A_25 = arith.constant 1 : i32
    %dma_start3A_26 = arith.constant 0 : i32
    %dma_start3A_27 = arith.constant 0 : i32
    %dma_start3A_28 = tpu.memref_slice %arg6[%dma_start3A_25, %dma_start3A_26, %dma_start3A_27] : memref<8x64x128xf32, #tpu.memory_space<vmem>> -> memref<1x64x128xf32, #tpu.memory_space<vmem>>
    %dma_start3A_29 = tpu.memref_squeeze %dma_start3A_28 : memref<1x64x128xf32, #tpu.memory_space<vmem>> -> memref<64x128xf32, #tpu.memory_space<vmem>>
    %dma_start3A_30 = arith.constant 0 : i32
    %dma_start3A_31 = tpu.memref_slice %arg3[%dma_start3A_30, %multiple_of3A_24] : memref<64x1000000xf32, #tpu.memory_space<hbm>> -> memref<64x128xf32, #tpu.memory_space<hbm>>
    %dma_start3A_32 = arith.constant 0 : i32
    %dma_start3A_33 = arith.constant 0 : i32
    %dma_start3A_34 = tpu.memref_slice %arg6[%dma_start3A_25, %dma_start3A_32, %dma_start3A_33] : memref<8x64x128xf32, #tpu.memory_space<vmem>> -> memref<1x64x128xf32, #tpu.memory_space<vmem>>
    %dma_start3A_35 = tpu.memref_squeeze %dma_start3A_34 : memref<1x64x128xf32, #tpu.memory_space<vmem>> -> memref<64x128xf32, #tpu.memory_space<vmem>>
    %dma_start3A_36 = arith.constant 0 : i32
    %dma_start3A_37 = tpu.memref_slice %arg3[%dma_start3A_36, %multiple_of3A_24] : memref<64x1000000xf32, #tpu.memory_space<hbm>> -> memref<64x128xf32, #tpu.memory_space<hbm>>
    tpu.enqueue_dma source(%dma_start3A_37 : memref<64x128xf32, #tpu.memory_space<hbm>>) target(%dma_start3A_35 : memref<64x128xf32, #tpu.memory_space<vmem>>) target_semaphore(%arg9 : memref<!tpu.dma_semaphore, #tpu.memory_space<semaphore_mem>>)
    %slice3A_38 = vector.extract_strided_slice %get3A_3 {offsets = [2], sizes = [1], strides = [1]} : vector<16xi32> to vector<1xi32>
    %squeeze3A_39 = vector.extract %slice3A_38[0] : i32 from vector<1xi32>
    %shift_right_arithmetic3A_40 = arith.constant 7 : i32
    %shift_right_arithmetic3A_41 = arith.shrsi %squeeze3A_39, %shift_right_arithmetic3A_40 : i32
    %shift_left3A_42 = arith.constant 7 : i32
    %shift_left3A_43 = arith.shli %shift_right_arithmetic3A_41, %shift_left3A_42 : i32
    %multiple_of3A_44 = tpu.assume_multiple %shift_left3A_43, 128 : i32
    %dma_start3A_45 = arith.constant 2 : i32
    %dma_start3A_46 = arith.constant 0 : i32
    %dma_start3A_47 = arith.constant 0 : i32
    %dma_start3A_48 = tpu.memref_slice %arg6[%dma_start3A_45, %dma_start3A_46, %dma_start3A_47] : memref<8x64x128xf32, #tpu.memory_space<vmem>> -> memref<1x64x128xf32, #tpu.memory_space<vmem>>
    %dma_start3A_49 = tpu.memref_squeeze %dma_start3A_48 : memref<1x64x128xf32, #tpu.memory_space<vmem>> -> memref<64x128xf32, #tpu.memory_space<vmem>>
    %dma_start3A_50 = arith.constant 0 : i32
    %dma_start3A_51 = tpu.memref_slice %arg3[%dma_start3A_50, %multiple_of3A_44] : memref<64x1000000xf32, #tpu.memory_space<hbm>> -> memref<64x128xf32, #tpu.memory_space<hbm>>
    %dma_start3A_52 = arith.constant 0 : i32
    %dma_start3A_53 = arith.constant 0 : i32
    %dma_start3A_54 = tpu.memref_slice %arg6[%dma_start3A_45, %dma_start3A_52, %dma_start3A_53] : memref<8x64x128xf32, #tpu.memory_space<vmem>> -> memref<1x64x128xf32, #tpu.memory_space<vmem>>
    %dma_start3A_55 = tpu.memref_squeeze %dma_start3A_54 : memref<1x64x128xf32, #tpu.memory_space<vmem>> -> memref<64x128xf32, #tpu.memory_space<vmem>>
    %dma_start3A_56 = arith.constant 0 : i32
    %dma_start3A_57 = tpu.memref_slice %arg3[%dma_start3A_56, %multiple_of3A_44] : memref<64x1000000xf32, #tpu.memory_space<hbm>> -> memref<64x128xf32, #tpu.memory_space<hbm>>
    tpu.enqueue_dma source(%dma_start3A_57 : memref<64x128xf32, #tpu.memory_space<hbm>>) target(%dma_start3A_55 : memref<64x128xf32, #tpu.memory_space<vmem>>) target_semaphore(%arg10 : memref<!tpu.dma_semaphore, #tpu.memory_space<semaphore_mem>>)
    %slice3A_58 = vector.extract_strided_slice %get3A_3 {offsets = [3], sizes = [1], strides = [1]} : vector<16xi32> to vector<1xi32>
    %squeeze3A_59 = vector.extract %slice3A_58[0] : i32 from vector<1xi32>
    %shift_right_arithmetic3A_60 = arith.constant 7 : i32
    %shift_right_arithmetic3A_61 = arith.shrsi %squeeze3A_59, %shift_right_arithmetic3A_60 : i32
    %shift_left3A_62 = arith.constant 7 : i32
    %shift_left3A_63 = arith.shli %shift_right_arithmetic3A_61, %shift_left3A_62 : i32
    %multiple_of3A_64 = tpu.assume_multiple %shift_left3A_63, 128 : i32
    %dma_start3A_65 = arith.constant 3 : i32
    %dma_start3A_66 = arith.constant 0 : i32
    %dma_start3A_67 = arith.constant 0 : i32
    %dma_start3A_68 = tpu.memref_slice %arg6[%dma_start3A_65, %dma_start3A_66, %dma_start3A_67] : memref<8x64x128xf32, #tpu.memory_space<vmem>> -> memref<1x64x128xf32, #tpu.memory_space<vmem>>
    %dma_start3A_69 = tpu.memref_squeeze %dma_start3A_68 : memref<1x64x128xf32, #tpu.memory_space<vmem>> -> memref<64x128xf32, #tpu.memory_space<vmem>>
    %dma_start3A_70 = arith.constant 0 : i32
    %dma_start3A_71 = tpu.memref_slice %arg3[%dma_start3A_70, %multiple_of3A_64] : memref<64x1000000xf32, #tpu.memory_space<hbm>> -> memref<64x128xf32, #tpu.memory_space<hbm>>
    %dma_start3A_72 = arith.constant 0 : i32
    %dma_start3A_73 = arith.constant 0 : i32
    %dma_start3A_74 = tpu.memref_slice %arg6[%dma_start3A_65, %dma_start3A_72, %dma_start3A_73] : memref<8x64x128xf32, #tpu.memory_space<vmem>> -> memref<1x64x128xf32, #tpu.memory_space<vmem>>
    %dma_start3A_75 = tpu.memref_squeeze %dma_start3A_74 : memref<1x64x128xf32, #tpu.memory_space<vmem>> -> memref<64x128xf32, #tpu.memory_space<vmem>>
    %dma_start3A_76 = arith.constant 0 : i32
    %dma_start3A_77 = tpu.memref_slice %arg3[%dma_start3A_76, %multiple_of3A_64] : memref<64x1000000xf32, #tpu.memory_space<hbm>> -> memref<64x128xf32, #tpu.memory_space<hbm>>
    tpu.enqueue_dma source(%dma_start3A_77 : memref<64x128xf32, #tpu.memory_space<hbm>>) target(%dma_start3A_75 : memref<64x128xf32, #tpu.memory_space<vmem>>) target_semaphore(%arg11 : memref<!tpu.dma_semaphore, #tpu.memory_space<semaphore_mem>>)
    %slice3A_78 = vector.extract_strided_slice %get3A_3 {offsets = [4], sizes = [1], strides = [1]} : vector<16xi32> to vector<1xi32>
    %squeeze3A_79 = vector.extract %slice3A_78[0] : i32 from vector<1xi32>
    %shift_right_arithmetic3A_80 = arith.constant 7 : i32
    %shift_right_arithmetic3A_81 = arith.shrsi %squeeze3A_79, %shift_right_arithmetic3A_80 : i32
    %shift_left3A_82 = arith.constant 7 : i32
    %shift_left3A_83 = arith.shli %shift_right_arithmetic3A_81, %shift_left3A_82 : i32
    %multiple_of3A_84 = tpu.assume_multiple %shift_left3A_83, 128 : i32
    %dma_start3A_85 = arith.constant 4 : i32
    %dma_start3A_86 = arith.constant 0 : i32
    %dma_start3A_87 = arith.constant 0 : i32
    %dma_start3A_88 = tpu.memref_slice %arg6[%dma_start3A_85, %dma_start3A_86, %dma_start3A_87] : memref<8x64x128xf32, #tpu.memory_space<vmem>> -> memref<1x64x128xf32, #tpu.memory_space<vmem>>
    %dma_start3A_89 = tpu.memref_squeeze %dma_start3A_88 : memref<1x64x128xf32, #tpu.memory_space<vmem>> -> memref<64x128xf32, #tpu.memory_space<vmem>>
    %dma_start3A_90 = arith.constant 0 : i32
    %dma_start3A_91 = tpu.memref_slice %arg3[%dma_start3A_90, %multiple_of3A_84] : memref<64x1000000xf32, #tpu.memory_space<hbm>> -> memref<64x128xf32, #tpu.memory_space<hbm>>
    %dma_start3A_92 = arith.constant 0 : i32
    %dma_start3A_93 = arith.constant 0 : i32
    %dma_start3A_94 = tpu.memref_slice %arg6[%dma_start3A_85, %dma_start3A_92, %dma_start3A_93] : memref<8x64x128xf32, #tpu.memory_space<vmem>> -> memref<1x64x128xf32, #tpu.memory_space<vmem>>
    %dma_start3A_95 = tpu.memref_squeeze %dma_start3A_94 : memref<1x64x128xf32, #tpu.memory_space<vmem>> -> memref<64x128xf32, #tpu.memory_space<vmem>>
    %dma_start3A_96 = arith.constant 0 : i32
    %dma_start3A_97 = tpu.memref_slice %arg3[%dma_start3A_96, %multiple_of3A_84] : memref<64x1000000xf32, #tpu.memory_space<hbm>> -> memref<64x128xf32, #tpu.memory_space<hbm>>
    tpu.enqueue_dma source(%dma_start3A_97 : memref<64x128xf32, #tpu.memory_space<hbm>>) target(%dma_start3A_95 : memref<64x128xf32, #tpu.memory_space<vmem>>) target_semaphore(%arg12 : memref<!tpu.dma_semaphore, #tpu.memory_space<semaphore_mem>>)
    %slice3A_98 = vector.extract_strided_slice %get3A_3 {offsets = [5], sizes = [1], strides = [1]} : vector<16xi32> to vector<1xi32>
    %squeeze3A_99 = vector.extract %slice3A_98[0] : i32 from vector<1xi32>
    %shift_right_arithmetic3A_100 = arith.constant 7 : i32
    %shift_right_arithmetic3A_101 = arith.shrsi %squeeze3A_99, %shift_right_arithmetic3A_100 : i32
    %shift_left3A_102 = arith.constant 7 : i32
    %shift_left3A_103 = arith.shli %shift_right_arithmetic3A_101, %shift_left3A_102 : i32
    %multiple_of3A_104 = tpu.assume_multiple %shift_left3A_103, 128 : i32
    %dma_start3A_105 = arith.constant 5 : i32
    %dma_start3A_106 = arith.constant 0 : i32
    %dma_start3A_107 = arith.constant 0 : i32
    %dma_start3A_108 = tpu.memref_slice %arg6[%dma_start3A_105, %dma_start3A_106, %dma_start3A_107] : memref<8x64x128xf32, #tpu.memory_space<vmem>> -> memref<1x64x128xf32, #tpu.memory_space<vmem>>
    %dma_start3A_109 = tpu.memref_squeeze %dma_start3A_108 : memref<1x64x128xf32, #tpu.memory_space<vmem>> -> memref<64x128xf32, #tpu.memory_space<vmem>>
    %dma_start3A_110 = arith.constant 0 : i32
    %dma_start3A_111 = tpu.memref_slice %arg3[%dma_start3A_110, %multiple_of3A_104] : memref<64x1000000xf32, #tpu.memory_space<hbm>> -> memref<64x128xf32, #tpu.memory_space<hbm>>
    %dma_start3A_112 = arith.constant 0 : i32
    %dma_start3A_113 = arith.constant 0 : i32
    %dma_start3A_114 = tpu.memref_slice %arg6[%dma_start3A_105, %dma_start3A_112, %dma_start3A_113] : memref<8x64x128xf32, #tpu.memory_space<vmem>> -> memref<1x64x128xf32, #tpu.memory_space<vmem>>
    %dma_start3A_115 = tpu.memref_squeeze %dma_start3A_114 : memref<1x64x128xf32, #tpu.memory_space<vmem>> -> memref<64x128xf32, #tpu.memory_space<vmem>>
    %dma_start3A_116 = arith.constant 0 : i32
    %dma_start3A_117 = tpu.memref_slice %arg3[%dma_start3A_116, %multiple_of3A_104] : memref<64x1000000xf32, #tpu.memory_space<hbm>> -> memref<64x128xf32, #tpu.memory_space<hbm>>
    tpu.enqueue_dma source(%dma_start3A_117 : memref<64x128xf32, #tpu.memory_space<hbm>>) target(%dma_start3A_115 : memref<64x128xf32, #tpu.memory_space<vmem>>) target_semaphore(%arg13 : memref<!tpu.dma_semaphore, #tpu.memory_space<semaphore_mem>>)
    %slice3A_118 = vector.extract_strided_slice %get3A_3 {offsets = [6], sizes = [1], strides = [1]} : vector<16xi32> to vector<1xi32>
    %squeeze3A_119 = vector.extract %slice3A_118[0] : i32 from vector<1xi32>
    %shift_right_arithmetic3A_120 = arith.constant 7 : i32
    %shift_right_arithmetic3A_121 = arith.shrsi %squeeze3A_119, %shift_right_arithmetic3A_120 : i32
    %shift_left3A_122 = arith.constant 7 : i32
    %shift_left3A_123 = arith.shli %shift_right_arithmetic3A_121, %shift_left3A_122 : i32
    %multiple_of3A_124 = tpu.assume_multiple %shift_left3A_123, 128 : i32
    %dma_start3A_125 = arith.constant 6 : i32
    %dma_start3A_126 = arith.constant 0 : i32
    %dma_start3A_127 = arith.constant 0 : i32
    %dma_start3A_128 = tpu.memref_slice %arg6[%dma_start3A_125, %dma_start3A_126, %dma_start3A_127] : memref<8x64x128xf32, #tpu.memory_space<vmem>> -> memref<1x64x128xf32, #tpu.memory_space<vmem>>
    %dma_start3A_129 = tpu.memref_squeeze %dma_start3A_128 : memref<1x64x128xf32, #tpu.memory_space<vmem>> -> memref<64x128xf32, #tpu.memory_space<vmem>>
    %dma_start3A_130 = arith.constant 0 : i32
    %dma_start3A_131 = tpu.memref_slice %arg3[%dma_start3A_130, %multiple_of3A_124] : memref<64x1000000xf32, #tpu.memory_space<hbm>> -> memref<64x128xf32, #tpu.memory_space<hbm>>
    %dma_start3A_132 = arith.constant 0 : i32
    %dma_start3A_133 = arith.constant 0 : i32
    %dma_start3A_134 = tpu.memref_slice %arg6[%dma_start3A_125, %dma_start3A_132, %dma_start3A_133] : memref<8x64x128xf32, #tpu.memory_space<vmem>> -> memref<1x64x128xf32, #tpu.memory_space<vmem>>
    %dma_start3A_135 = tpu.memref_squeeze %dma_start3A_134 : memref<1x64x128xf32, #tpu.memory_space<vmem>> -> memref<64x128xf32, #tpu.memory_space<vmem>>
    %dma_start3A_136 = arith.constant 0 : i32
    %dma_start3A_137 = tpu.memref_slice %arg3[%dma_start3A_136, %multiple_of3A_124] : memref<64x1000000xf32, #tpu.memory_space<hbm>> -> memref<64x128xf32, #tpu.memory_space<hbm>>
    tpu.enqueue_dma source(%dma_start3A_137 : memref<64x128xf32, #tpu.memory_space<hbm>>) target(%dma_start3A_135 : memref<64x128xf32, #tpu.memory_space<vmem>>) target_semaphore(%arg14 : memref<!tpu.dma_semaphore, #tpu.memory_space<semaphore_mem>>)
    %slice3A_138 = vector.extract_strided_slice %get3A_3 {offsets = [7], sizes = [1], strides = [1]} : vector<16xi32> to vector<1xi32>
    %squeeze3A_139 = vector.extract %slice3A_138[0] : i32 from vector<1xi32>
    %shift_right_arithmetic3A_140 = arith.constant 7 : i32
    %shift_right_arithmetic3A_141 = arith.shrsi %squeeze3A_139, %shift_right_arithmetic3A_140 : i32
    %shift_left3A_142 = arith.constant 7 : i32
    %shift_left3A_143 = arith.shli %shift_right_arithmetic3A_141, %shift_left3A_142 : i32
    %multiple_of3A_144 = tpu.assume_multiple %shift_left3A_143, 128 : i32
    %dma_start3A_145 = arith.constant 7 : i32
    %dma_start3A_146 = arith.constant 0 : i32
    %dma_start3A_147 = arith.constant 0 : i32
    %dma_start3A_148 = tpu.memref_slice %arg6[%dma_start3A_145, %dma_start3A_146, %dma_start3A_147] : memref<8x64x128xf32, #tpu.memory_space<vmem>> -> memref<1x64x128xf32, #tpu.memory_space<vmem>>
    %dma_start3A_149 = tpu.memref_squeeze %dma_start3A_148 : memref<1x64x128xf32, #tpu.memory_space<vmem>> -> memref<64x128xf32, #tpu.memory_space<vmem>>
    %dma_start3A_150 = arith.constant 0 : i32
    %dma_start3A_151 = tpu.memref_slice %arg3[%dma_start3A_150, %multiple_of3A_144] : memref<64x1000000xf32, #tpu.memory_space<hbm>> -> memref<64x128xf32, #tpu.memory_space<hbm>>
    %dma_start3A_152 = arith.constant 0 : i32
    %dma_start3A_153 = arith.constant 0 : i32
    %dma_start3A_154 = tpu.memref_slice %arg6[%dma_start3A_145, %dma_start3A_152, %dma_start3A_153] : memref<8x64x128xf32, #tpu.memory_space<vmem>> -> memref<1x64x128xf32, #tpu.memory_space<vmem>>
    %dma_start3A_155 = tpu.memref_squeeze %dma_start3A_154 : memref<1x64x128xf32, #tpu.memory_space<vmem>> -> memref<64x128xf32, #tpu.memory_space<vmem>>
    %dma_start3A_156 = arith.constant 0 : i32
    %dma_start3A_157 = tpu.memref_slice %arg3[%dma_start3A_156, %multiple_of3A_144] : memref<64x1000000xf32, #tpu.memory_space<hbm>> -> memref<64x128xf32, #tpu.memory_space<hbm>>
    tpu.enqueue_dma source(%dma_start3A_157 : memref<64x128xf32, #tpu.memory_space<hbm>>) target(%dma_start3A_155 : memref<64x128xf32, #tpu.memory_space<vmem>>) target_semaphore(%arg15 : memref<!tpu.dma_semaphore, #tpu.memory_space<semaphore_mem>>)
    %scan3A = arith.constant 0 : i32
    %scan3A_158 = arith.constant 32 : i32
    %scan3A_159 = arith.addi %scan3A, %scan3A_158 : i32
    %scan3A_160 = arith.constant 1 : i32
    scf.for %scan3A_162 = %scan3A to %scan3A_159 step %scan3A_160  : i32 {
      %mul3A_163 = arith.constant 1 : i32
      %mul3A_164 = arith.muli %scan3A_162, %mul3A_163 : i32
      %add3A_165 = arith.constant 0 : i32
      %add3A_166 = arith.addi %add3A_165, %mul3A_164 : i32
      %mul3A_167 = arith.constant 16 : i32
      %mul3A_168 = arith.muli %add3A_166, %mul3A_167 : i32
      %get3A_169 = arith.index_cast %mul3A_168 : i32 to index
      %get3A_170 = tpu.vector_load %arg5[%get3A_169] {strides = array<i32>} : memref<512xi32, #tpu.memory_space<vmem>>, vector<16xi32>,
      %mul3A_171 = arith.constant 16 : i32
      %mul3A_172 = arith.muli %add3A_166, %mul3A_171 : i32
      %add3A_173 = arith.constant 0 : i32
      %add3A_174 = arith.addi %mul3A_172, %add3A_173 : i32
      %mul3A_175 = arith.constant 16 : i32
      %mul3A_176 = arith.muli %add3A_166, %mul3A_175 : i32
      %get3A_177 = arith.index_cast %mul3A_176 : i32 to index
      %get3A_178 = tpu.vector_load %arg5[%get3A_177] {strides = array<i32>} : memref<512xi32, #tpu.memory_space<vmem>>, vector<16xi32>,
      %slice3A_179 = vector.extract_strided_slice %get3A_178 {offsets = [0], sizes = [1], strides = [1]} : vector<16xi32> to vector<1xi32>
      %squeeze3A_180 = vector.extract %slice3A_179[0] : i32 from vector<1xi32>
      %dma_wait3A = arith.constant 0 : i32
      %dma_wait3A_181 = arith.constant 0 : i32
      %dma_wait3A_182 = arith.constant 0 : i32
      %dma_wait3A_183 = tpu.memref_slice %arg6[%dma_wait3A, %dma_wait3A_181, %dma_wait3A_182] : memref<8x64x128xf32, #tpu.memory_space<vmem>> -> memref<1x64x128xf32, #tpu.memory_space<vmem>>
      %dma_wait3A_184 = tpu.memref_squeeze %dma_wait3A_183 : memref<1x64x128xf32, #tpu.memory_space<vmem>> -> memref<64x128xf32, #tpu.memory_space<vmem>>
      %dma_wait3A_185 = arith.constant 0 : i32
      %dma_wait3A_186 = arith.constant 0 : i32
      %dma_wait3A_187 = tpu.memref_slice %arg3[%dma_wait3A_185, %dma_wait3A_186] : memref<64x1000000xf32, #tpu.memory_space<hbm>> -> memref<64x128xf32, #tpu.memory_space<hbm>>
      %dma_wait3A_188 = arith.constant 0 : i32
      %dma_wait3A_189 = arith.constant 0 : i32
      %dma_wait3A_190 = tpu.memref_slice %arg6[%dma_wait3A, %dma_wait3A_188, %dma_wait3A_189] : memref<8x64x128xf32, #tpu.memory_space<vmem>> -> memref<1x64x128xf32, #tpu.memory_space<vmem>>
      %dma_wait3A_191 = tpu.memref_squeeze %dma_wait3A_190 : memref<1x64x128xf32, #tpu.memory_space<vmem>> -> memref<64x128xf32, #tpu.memory_space<vmem>>
      %dma_wait3A_192 = arith.constant 0 : i32
      %dma_wait3A_193 = arith.constant 0 : i32
      %dma_wait3A_194 = tpu.memref_slice %arg3[%dma_wait3A_192, %dma_wait3A_193] : memref<64x1000000xf32, #tpu.memory_space<hbm>> -> memref<64x128xf32, #tpu.memory_space<hbm>>
      tpu.wait_dma2 semaphore(%arg8 : memref<!tpu.dma_semaphore, #tpu.memory_space<semaphore_mem>>) src(%dma_wait3A_194 : memref<64x128xf32, #tpu.memory_space<hbm>>) dst(%dma_wait3A_191 : memref<64x128xf32, #tpu.memory_space<vmem>>)
      %broadcast_in_dim3A = arith.constant 0 : i32
      %broadcast_in_dim3A_195 = vector.broadcast %broadcast_in_dim3A : i32 to vector<16xi32>
      %and3A = arith.constant 127 : i32
      %and3A_196 = arith.andi %squeeze3A_180, %and3A : i32
      %add3A_197 = vector.broadcast %and3A_196 : i32 to vector<16xi32>
      %add3A_198 = arith.addi %broadcast_in_dim3A_195, %add3A_197 : vector<16xi32>
      %broadcast_in_dim3A_199 = arith.constant 0 : i32
      %broadcast_in_dim3A_200 = vector.broadcast %broadcast_in_dim3A_199 : i32 to vector<16xi32>
      %and3A_201 = arith.constant 127 : i32
      %and3A_202 = arith.andi %add3A_174, %and3A_201 : i32
      %add3A_203 = vector.broadcast %and3A_202 : i32 to vector<16xi32>
      %add3A_204 = arith.addi %broadcast_in_dim3A_200, %add3A_203 : vector<16xi32>
      %broadcast_in_dim3A_205 = arith.constant 0 : i32
      %broadcast_in_dim3A_206 = vector.broadcast %broadcast_in_dim3A_205 : i32 to vector<16xi32>
      %add3A_207 = arith.constant 0 : i32
      %add3A_208 = vector.broadcast %add3A_207 : i32 to vector<16xi32>
      %add3A_209 = arith.addi %add3A_208, %iota3A : vector<16xi32>
      %gather3A = tpu.vector_load_idx %arg6[%broadcast_in_dim3A_206, %add3A_209, %add3A_198] : memref<8x64x128xf32, #tpu.memory_space<vmem>>[vector<16xi32>, vector<16xi32>, vector<16xi32>], vector<16xf32>,
      tpu.vector_store_idx %arg7[%add3A_209, %add3A_204], %gather3A : memref<64x128xf32, #tpu.memory_space<vmem>>[vector<16xi32>, vector<16xi32>], vector<16xf32>,
      %add3A_210 = arith.constant 16 : i32
      %add3A_211 = vector.broadcast %add3A_210 : i32 to vector<16xi32>
      %add3A_212 = arith.addi %add3A_211, %iota3A : vector<16xi32>
      %gather3A_213 = tpu.vector_load_idx %arg6[%broadcast_in_dim3A_206, %add3A_212, %add3A_198] : memref<8x64x128xf32, #tpu.memory_space<vmem>>[vector<16xi32>, vector<16xi32>, vector<16xi32>], vector<16xf32>,
      tpu.vector_store_idx %arg7[%add3A_212, %add3A_204], %gather3A_213 : memref<64x128xf32, #tpu.memory_space<vmem>>[vector<16xi32>, vector<16xi32>], vector<16xf32>,
      %add3A_214 = arith.constant 32 : i32
      %add3A_215 = vector.broadcast %add3A_214 : i32 to vector<16xi32>
      %add3A_216 = arith.addi %add3A_215, %iota3A : vector<16xi32>
      %gather3A_217 = tpu.vector_load_idx %arg6[%broadcast_in_dim3A_206, %add3A_216, %add3A_198] : memref<8x64x128xf32, #tpu.memory_space<vmem>>[vector<16xi32>, vector<16xi32>, vector<16xi32>], vector<16xf32>,
      tpu.vector_store_idx %arg7[%add3A_216, %add3A_204], %gather3A_217 : memref<64x128xf32, #tpu.memory_space<vmem>>[vector<16xi32>, vector<16xi32>], vector<16xf32>,
      %add3A_218 = arith.constant 48 : i32
      %add3A_219 = vector.broadcast %add3A_218 : i32 to vector<16xi32>
      %add3A_220 = arith.addi %add3A_219, %iota3A : vector<16xi32>
      %gather3A_221 = tpu.vector_load_idx %arg6[%broadcast_in_dim3A_206, %add3A_220, %add3A_198] : memref<8x64x128xf32, #tpu.memory_space<vmem>>[vector<16xi32>, vector<16xi32>, vector<16xi32>], vector<16xf32>,
      tpu.vector_store_idx %arg7[%add3A_220, %add3A_204], %gather3A_221 : memref<64x128xf32, #tpu.memory_space<vmem>>[vector<16xi32>, vector<16xi32>], vector<16xf32>,
      %slice3A_222 = vector.extract_strided_slice %get3A_170 {offsets = [8], sizes = [1], strides = [1]} : vector<16xi32> to vector<1xi32>
      %squeeze3A_223 = vector.extract %slice3A_222[0] : i32 from vector<1xi32>
      %add3A_224 = arith.constant 8 : i32
      %add3A_225 = arith.addi %add3A_174, %add3A_224 : i32
      %lt3A = arith.constant 512 : i32
      %lt3A_226 = arith.cmpi slt, %add3A_225, %lt3A : i32
      %convert_element_type3A = arith.extui %lt3A_226 : i1 to i32
      %cond3A = arith.constant 0 : i32
      %cond3A_227 = arith.cmpi ne, %convert_element_type3A, %cond3A : i32
      scf.if %cond3A_227 {
        %shift_right_arithmetic3A_1204 = arith.constant 7 : i32
        %shift_right_arithmetic3A_1205 = arith.shrsi %squeeze3A_223, %shift_right_arithmetic3A_1204 : i32
        %shift_left3A_1206 = arith.constant 7 : i32
        %shift_left3A_1207 = arith.shli %shift_right_arithmetic3A_1205, %shift_left3A_1206 : i32
        %multiple_of3A_1208 = tpu.assume_multiple %shift_left3A_1207, 128 : i32
        %dma_start3A_1209 = arith.constant 0 : i32
        %dma_start3A_1210 = arith.constant 0 : i32
        %dma_start3A_1211 = arith.constant 0 : i32
        %dma_start3A_1212 = tpu.memref_slice %arg6[%dma_start3A_1209, %dma_start3A_1210, %dma_start3A_1211] : memref<8x64x128xf32, #tpu.memory_space<vmem>> -> memref<1x64x128xf32, #tpu.memory_space<vmem>>
        %dma_start3A_1213 = tpu.memref_squeeze %dma_start3A_1212 : memref<1x64x128xf32, #tpu.memory_space<vmem>> -> memref<64x128xf32, #tpu.memory_space<vmem>>
        %dma_start3A_1214 = arith.constant 0 : i32
        %dma_start3A_1215 = tpu.memref_slice %arg3[%dma_start3A_1214, %multiple_of3A_1208] : memref<64x1000000xf32, #tpu.memory_space<hbm>> -> memref<64x128xf32, #tpu.memory_space<hbm>>
        %dma_start3A_1216 = arith.constant 0 : i32
        %dma_start3A_1217 = arith.constant 0 : i32
        %dma_start3A_1218 = tpu.memref_slice %arg6[%dma_start3A_1209, %dma_start3A_1216, %dma_start3A_1217] : memref<8x64x128xf32, #tpu.memory_space<vmem>> -> memref<1x64x128xf32, #tpu.memory_space<vmem>>
        %dma_start3A_1219 = tpu.memref_squeeze %dma_start3A_1218 : memref<1x64x128xf32, #tpu.memory_space<vmem>> -> memref<64x128xf32, #tpu.memory_space<vmem>>
        %dma_start3A_1220 = arith.constant 0 : i32
        %dma_start3A_1221 = tpu.memref_slice %arg3[%dma_start3A_1220, %multiple_of3A_1208] : memref<64x1000000xf32, #tpu.memory_space<hbm>> -> memref<64x128xf32, #tpu.memory_space<hbm>>
        tpu.enqueue_dma source(%dma_start3A_1221 : memref<64x128xf32, #tpu.memory_space<hbm>>) target(%dma_start3A_1219 : memref<64x128xf32, #tpu.memory_space<vmem>>) target_semaphore(%arg8 : memref<!tpu.dma_semaphore, #tpu.memory_space<semaphore_mem>>)
      } else {
      }
      %mul3A_228 = arith.constant 16 : i32
      %mul3A_229 = arith.muli %add3A_166, %mul3A_228 : i32
      %add3A_230 = arith.constant 1 : i32
      %add3A_231 = arith.addi %mul3A_229, %add3A_230 : i32
      %mul3A_232 = arith.constant 16 : i32
      %mul3A_233 = arith.muli %add3A_166, %mul3A_232 : i32
      %get3A_234 = arith.index_cast %mul3A_233 : i32 to index
      %get3A_235 = tpu.vector_load %arg5[%get3A_234] {strides = array<i32>} : memref<512xi32, #tpu.memory_space<vmem>>, vector<16xi32>,
      %slice3A_236 = vector.extract_strided_slice %get3A_235 {offsets = [1], sizes = [1], strides = [1]} : vector<16xi32> to vector<1xi32>
      %squeeze3A_237 = vector.extract %slice3A_236[0] : i32 from vector<1xi32>
      %dma_wait3A_238 = arith.constant 1 : i32
      %dma_wait3A_239 = arith.constant 0 : i32
      %dma_wait3A_240 = arith.constant 0 : i32
      %dma_wait3A_241 = tpu.memref_slice %arg6[%dma_wait3A_238, %dma_wait3A_239, %dma_wait3A_240] : memref<8x64x128xf32, #tpu.memory_space<vmem>> -> memref<1x64x128xf32, #tpu.memory_space<vmem>>
      %dma_wait3A_242 = tpu.memref_squeeze %dma_wait3A_241 : memref<1x64x128xf32, #tpu.memory_space<vmem>> -> memref<64x128xf32, #tpu.memory_space<vmem>>
      %dma_wait3A_243 = arith.constant 0 : i32
      %dma_wait3A_244 = arith.constant 0 : i32
      %dma_wait3A_245 = tpu.memref_slice %arg3[%dma_wait3A_243, %dma_wait3A_244] : memref<64x1000000xf32, #tpu.memory_space<hbm>> -> memref<64x128xf32, #tpu.memory_space<hbm>>
      %dma_wait3A_246 = arith.constant 0 : i32
      %dma_wait3A_247 = arith.constant 0 : i32
      %dma_wait3A_248 = tpu.memref_slice %arg6[%dma_wait3A_238, %dma_wait3A_246, %dma_wait3A_247] : memref<8x64x128xf32, #tpu.memory_space<vmem>> -> memref<1x64x128xf32, #tpu.memory_space<vmem>>
      %dma_wait3A_249 = tpu.memref_squeeze %dma_wait3A_248 : memref<1x64x128xf32, #tpu.memory_space<vmem>> -> memref<64x128xf32, #tpu.memory_space<vmem>>
      %dma_wait3A_250 = arith.constant 0 : i32
      %dma_wait3A_251 = arith.constant 0 : i32
      %dma_wait3A_252 = tpu.memref_slice %arg3[%dma_wait3A_250, %dma_wait3A_251] : memref<64x1000000xf32, #tpu.memory_space<hbm>> -> memref<64x128xf32, #tpu.memory_space<hbm>>
      tpu.wait_dma2 semaphore(%arg9 : memref<!tpu.dma_semaphore, #tpu.memory_space<semaphore_mem>>) src(%dma_wait3A_252 : memref<64x128xf32, #tpu.memory_space<hbm>>) dst(%dma_wait3A_249 : memref<64x128xf32, #tpu.memory_space<vmem>>)
      %broadcast_in_dim3A_253 = arith.constant 0 : i32
      %broadcast_in_dim3A_254 = vector.broadcast %broadcast_in_dim3A_253 : i32 to vector<16xi32>
      %and3A_255 = arith.constant 127 : i32
      %and3A_256 = arith.andi %squeeze3A_237, %and3A_255 : i32
      %add3A_257 = vector.broadcast %and3A_256 : i32 to vector<16xi32>
      %add3A_258 = arith.addi %broadcast_in_dim3A_254, %add3A_257 : vector<16xi32>
      %broadcast_in_dim3A_259 = arith.constant 0 : i32
      %broadcast_in_dim3A_260 = vector.broadcast %broadcast_in_dim3A_259 : i32 to vector<16xi32>
      %and3A_261 = arith.constant 127 : i32
      %and3A_262 = arith.andi %add3A_231, %and3A_261 : i32
      %add3A_263 = vector.broadcast %and3A_262 : i32 to vector<16xi32>
      %add3A_264 = arith.addi %broadcast_in_dim3A_260, %add3A_263 : vector<16xi32>
      %broadcast_in_dim3A_265 = arith.constant 1 : i32
      %broadcast_in_dim3A_266 = vector.broadcast %broadcast_in_dim3A_265 : i32 to vector<16xi32>
      %add3A_267 = arith.constant 0 : i32
      %add3A_268 = vector.broadcast %add3A_267 : i32 to vector<16xi32>
      %add3A_269 = arith.addi %add3A_268, %iota3A : vector<16xi32>
      %gather3A_270 = tpu.vector_load_idx %arg6[%broadcast_in_dim3A_266, %add3A_269, %add3A_258] : memref<8x64x128xf32, #tpu.memory_space<vmem>>[vector<16xi32>, vector<16xi32>, vector<16xi32>], vector<16xf32>,
      tpu.vector_store_idx %arg7[%add3A_269, %add3A_264], %gather3A_270 : memref<64x128xf32, #tpu.memory_space<vmem>>[vector<16xi32>, vector<16xi32>], vector<16xf32>,
      %add3A_271 = arith.constant 16 : i32
      %add3A_272 = vector.broadcast %add3A_271 : i32 to vector<16xi32>
      %add3A_273 = arith.addi %add3A_272, %iota3A : vector<16xi32>
      %gather3A_274 = tpu.vector_load_idx %arg6[%broadcast_in_dim3A_266, %add3A_273, %add3A_258] : memref<8x64x128xf32, #tpu.memory_space<vmem>>[vector<16xi32>, vector<16xi32>, vector<16xi32>], vector<16xf32>,
      tpu.vector_store_idx %arg7[%add3A_273, %add3A_264], %gather3A_274 : memref<64x128xf32, #tpu.memory_space<vmem>>[vector<16xi32>, vector<16xi32>], vector<16xf32>,
      %add3A_275 = arith.constant 32 : i32
      %add3A_276 = vector.broadcast %add3A_275 : i32 to vector<16xi32>
      %add3A_277 = arith.addi %add3A_276, %iota3A : vector<16xi32>
      %gather3A_278 = tpu.vector_load_idx %arg6[%broadcast_in_dim3A_266, %add3A_277, %add3A_258] : memref<8x64x128xf32, #tpu.memory_space<vmem>>[vector<16xi32>, vector<16xi32>, vector<16xi32>], vector<16xf32>,
      tpu.vector_store_idx %arg7[%add3A_277, %add3A_264], %gather3A_278 : memref<64x128xf32, #tpu.memory_space<vmem>>[vector<16xi32>, vector<16xi32>], vector<16xf32>,
      %add3A_279 = arith.constant 48 : i32
      %add3A_280 = vector.broadcast %add3A_279 : i32 to vector<16xi32>
      %add3A_281 = arith.addi %add3A_280, %iota3A : vector<16xi32>
      %gather3A_282 = tpu.vector_load_idx %arg6[%broadcast_in_dim3A_266, %add3A_281, %add3A_258] : memref<8x64x128xf32, #tpu.memory_space<vmem>>[vector<16xi32>, vector<16xi32>, vector<16xi32>], vector<16xf32>,
      tpu.vector_store_idx %arg7[%add3A_281, %add3A_264], %gather3A_282 : memref<64x128xf32, #tpu.memory_space<vmem>>[vector<16xi32>, vector<16xi32>], vector<16xf32>,
      %slice3A_283 = vector.extract_strided_slice %get3A_170 {offsets = [9], sizes = [1], strides = [1]} : vector<16xi32> to vector<1xi32>
      %squeeze3A_284 = vector.extract %slice3A_283[0] : i32 from vector<1xi32>
      %add3A_285 = arith.constant 8 : i32
      %add3A_286 = arith.addi %add3A_231, %add3A_285 : i32
      %lt3A_287 = arith.constant 512 : i32
      %lt3A_288 = arith.cmpi slt, %add3A_286, %lt3A_287 : i32
      %convert_element_type3A_289 = arith.extui %lt3A_288 : i1 to i32
      %cond3A_290 = arith.constant 0 : i32
      %cond3A_291 = arith.cmpi ne, %convert_element_type3A_289, %cond3A_290 : i32
      scf.if %cond3A_291 {
        %shift_right_arithmetic3A_1204 = arith.constant 7 : i32
        %shift_right_arithmetic3A_1205 = arith.shrsi %squeeze3A_284, %shift_right_arithmetic3A_1204 : i32
        %shift_left3A_1206 = arith.constant 7 : i32
        %shift_left3A_1207 = arith.shli %shift_right_arithmetic3A_1205, %shift_left3A_1206 : i32
        %multiple_of3A_1208 = tpu.assume_multiple %shift_left3A_1207, 128 : i32
        %dma_start3A_1209 = arith.constant 1 : i32
        %dma_start3A_1210 = arith.constant 0 : i32
        %dma_start3A_1211 = arith.constant 0 : i32
        %dma_start3A_1212 = tpu.memref_slice %arg6[%dma_start3A_1209, %dma_start3A_1210, %dma_start3A_1211] : memref<8x64x128xf32, #tpu.memory_space<vmem>> -> memref<1x64x128xf32, #tpu.memory_space<vmem>>
        %dma_start3A_1213 = tpu.memref_squeeze %dma_start3A_1212 : memref<1x64x128xf32, #tpu.memory_space<vmem>> -> memref<64x128xf32, #tpu.memory_space<vmem>>
        %dma_start3A_1214 = arith.constant 0 : i32
        %dma_start3A_1215 = tpu.memref_slice %arg3[%dma_start3A_1214, %multiple_of3A_1208] : memref<64x1000000xf32, #tpu.memory_space<hbm>> -> memref<64x128xf32, #tpu.memory_space<hbm>>
        %dma_start3A_1216 = arith.constant 0 : i32
        %dma_start3A_1217 = arith.constant 0 : i32
        %dma_start3A_1218 = tpu.memref_slice %arg6[%dma_start3A_1209, %dma_start3A_1216, %dma_start3A_1217] : memref<8x64x128xf32, #tpu.memory_space<vmem>> -> memref<1x64x128xf32, #tpu.memory_space<vmem>>
        %dma_start3A_1219 = tpu.memref_squeeze %dma_start3A_1218 : memref<1x64x128xf32, #tpu.memory_space<vmem>> -> memref<64x128xf32, #tpu.memory_space<vmem>>
        %dma_start3A_1220 = arith.constant 0 : i32
        %dma_start3A_1221 = tpu.memref_slice %arg3[%dma_start3A_1220, %multiple_of3A_1208] : memref<64x1000000xf32, #tpu.memory_space<hbm>> -> memref<64x128xf32, #tpu.memory_space<hbm>>
        tpu.enqueue_dma source(%dma_start3A_1221 : memref<64x128xf32, #tpu.memory_space<hbm>>) target(%dma_start3A_1219 : memref<64x128xf32, #tpu.memory_space<vmem>>) target_semaphore(%arg9 : memref<!tpu.dma_semaphore, #tpu.memory_space<semaphore_mem>>)
      } else {
      }
      %mul3A_292 = arith.constant 16 : i32
      %mul3A_293 = arith.muli %add3A_166, %mul3A_292 : i32
      %add3A_294 = arith.constant 2 : i32
      %add3A_295 = arith.addi %mul3A_293, %add3A_294 : i32
      %mul3A_296 = arith.constant 16 : i32
      %mul3A_297 = arith.muli %add3A_166, %mul3A_296 : i32
      %get3A_298 = arith.index_cast %mul3A_297 : i32 to index
      %get3A_299 = tpu.vector_load %arg5[%get3A_298] {strides = array<i32>} : memref<512xi32, #tpu.memory_space<vmem>>, vector<16xi32>,
      %slice3A_300 = vector.extract_strided_slice %get3A_299 {offsets = [2], sizes = [1], strides = [1]} : vector<16xi32> to vector<1xi32>
      %squeeze3A_301 = vector.extract %slice3A_300[0] : i32 from vector<1xi32>
      %dma_wait3A_302 = arith.constant 2 : i32
      %dma_wait3A_303 = arith.constant 0 : i32
      %dma_wait3A_304 = arith.constant 0 : i32
      %dma_wait3A_305 = tpu.memref_slice %arg6[%dma_wait3A_302, %dma_wait3A_303, %dma_wait3A_304] : memref<8x64x128xf32, #tpu.memory_space<vmem>> -> memref<1x64x128xf32, #tpu.memory_space<vmem>>
      %dma_wait3A_306 = tpu.memref_squeeze %dma_wait3A_305 : memref<1x64x128xf32, #tpu.memory_space<vmem>> -> memref<64x128xf32, #tpu.memory_space<vmem>>
      %dma_wait3A_307 = arith.constant 0 : i32
      %dma_wait3A_308 = arith.constant 0 : i32
      %dma_wait3A_309 = tpu.memref_slice %arg3[%dma_wait3A_307, %dma_wait3A_308] : memref<64x1000000xf32, #tpu.memory_space<hbm>> -> memref<64x128xf32, #tpu.memory_space<hbm>>
      %dma_wait3A_310 = arith.constant 0 : i32
      %dma_wait3A_311 = arith.constant 0 : i32
      %dma_wait3A_312 = tpu.memref_slice %arg6[%dma_wait3A_302, %dma_wait3A_310, %dma_wait3A_311] : memref<8x64x128xf32, #tpu.memory_space<vmem>> -> memref<1x64x128xf32, #tpu.memory_space<vmem>>
      %dma_wait3A_313 = tpu.memref_squeeze %dma_wait3A_312 : memref<1x64x128xf32, #tpu.memory_space<vmem>> -> memref<64x128xf32, #tpu.memory_space<vmem>>
      %dma_wait3A_314 = arith.constant 0 : i32
      %dma_wait3A_315 = arith.constant 0 : i32
      %dma_wait3A_316 = tpu.memref_slice %arg3[%dma_wait3A_314, %dma_wait3A_315] : memref<64x1000000xf32, #tpu.memory_space<hbm>> -> memref<64x128xf32, #tpu.memory_space<hbm>>
      tpu.wait_dma2 semaphore(%arg10 : memref<!tpu.dma_semaphore, #tpu.memory_space<semaphore_mem>>) src(%dma_wait3A_316 : memref<64x128xf32, #tpu.memory_space<hbm>>) dst(%dma_wait3A_313 : memref<64x128xf32, #tpu.memory_space<vmem>>)
      %broadcast_in_dim3A_317 = arith.constant 0 : i32
      %broadcast_in_dim3A_318 = vector.broadcast %broadcast_in_dim3A_317 : i32 to vector<16xi32>
      %and3A_319 = arith.constant 127 : i32
      %and3A_320 = arith.andi %squeeze3A_301, %and3A_319 : i32
      %add3A_321 = vector.broadcast %and3A_320 : i32 to vector<16xi32>
      %add3A_322 = arith.addi %broadcast_in_dim3A_318, %add3A_321 : vector<16xi32>
      %broadcast_in_dim3A_323 = arith.constant 0 : i32
      %broadcast_in_dim3A_324 = vector.broadcast %broadcast_in_dim3A_323 : i32 to vector<16xi32>
      %and3A_325 = arith.constant 127 : i32
      %and3A_326 = arith.andi %add3A_295, %and3A_325 : i32
      %add3A_327 = vector.broadcast %and3A_326 : i32 to vector<16xi32>
      %add3A_328 = arith.addi %broadcast_in_dim3A_324, %add3A_327 : vector<16xi32>
      %broadcast_in_dim3A_329 = arith.constant 2 : i32
      %broadcast_in_dim3A_330 = vector.broadcast %broadcast_in_dim3A_329 : i32 to vector<16xi32>
      %add3A_331 = arith.constant 0 : i32
      %add3A_332 = vector.broadcast %add3A_331 : i32 to vector<16xi32>
      %add3A_333 = arith.addi %add3A_332, %iota3A : vector<16xi32>
      %gather3A_334 = tpu.vector_load_idx %arg6[%broadcast_in_dim3A_330, %add3A_333, %add3A_322] : memref<8x64x128xf32, #tpu.memory_space<vmem>>[vector<16xi32>, vector<16xi32>, vector<16xi32>], vector<16xf32>,
      tpu.vector_store_idx %arg7[%add3A_333, %add3A_328], %gather3A_334 : memref<64x128xf32, #tpu.memory_space<vmem>>[vector<16xi32>, vector<16xi32>], vector<16xf32>,
      %add3A_335 = arith.constant 16 : i32
      %add3A_336 = vector.broadcast %add3A_335 : i32 to vector<16xi32>
      %add3A_337 = arith.addi %add3A_336, %iota3A : vector<16xi32>
      %gather3A_338 = tpu.vector_load_idx %arg6[%broadcast_in_dim3A_330, %add3A_337, %add3A_322] : memref<8x64x128xf32, #tpu.memory_space<vmem>>[vector<16xi32>, vector<16xi32>, vector<16xi32>], vector<16xf32>,
      tpu.vector_store_idx %arg7[%add3A_337, %add3A_328], %gather3A_338 : memref<64x128xf32, #tpu.memory_space<vmem>>[vector<16xi32>, vector<16xi32>], vector<16xf32>,
      %add3A_339 = arith.constant 32 : i32
      %add3A_340 = vector.broadcast %add3A_339 : i32 to vector<16xi32>
      %add3A_341 = arith.addi %add3A_340, %iota3A : vector<16xi32>
      %gather3A_342 = tpu.vector_load_idx %arg6[%broadcast_in_dim3A_330, %add3A_341, %add3A_322] : memref<8x64x128xf32, #tpu.memory_space<vmem>>[vector<16xi32>, vector<16xi32>, vector<16xi32>], vector<16xf32>,
      tpu.vector_store_idx %arg7[%add3A_341, %add3A_328], %gather3A_342 : memref<64x128xf32, #tpu.memory_space<vmem>>[vector<16xi32>, vector<16xi32>], vector<16xf32>,
      %add3A_343 = arith.constant 48 : i32
      %add3A_344 = vector.broadcast %add3A_343 : i32 to vector<16xi32>
      %add3A_345 = arith.addi %add3A_344, %iota3A : vector<16xi32>
      %gather3A_346 = tpu.vector_load_idx %arg6[%broadcast_in_dim3A_330, %add3A_345, %add3A_322] : memref<8x64x128xf32, #tpu.memory_space<vmem>>[vector<16xi32>, vector<16xi32>, vector<16xi32>], vector<16xf32>,
      tpu.vector_store_idx %arg7[%add3A_345, %add3A_328], %gather3A_346 : memref<64x128xf32, #tpu.memory_space<vmem>>[vector<16xi32>, vector<16xi32>], vector<16xf32>,
      %slice3A_347 = vector.extract_strided_slice %get3A_170 {offsets = [10], sizes = [1], strides = [1]} : vector<16xi32> to vector<1xi32>
      %squeeze3A_348 = vector.extract %slice3A_347[0] : i32 from vector<1xi32>
      %add3A_349 = arith.constant 8 : i32
      %add3A_350 = arith.addi %add3A_295, %add3A_349 : i32
      %lt3A_351 = arith.constant 512 : i32
      %lt3A_352 = arith.cmpi slt, %add3A_350, %lt3A_351 : i32
      %convert_element_type3A_353 = arith.extui %lt3A_352 : i1 to i32
      %cond3A_354 = arith.constant 0 : i32
      %cond3A_355 = arith.cmpi ne, %convert_element_type3A_353, %cond3A_354 : i32
      scf.if %cond3A_355 {
        %shift_right_arithmetic3A_1204 = arith.constant 7 : i32
        %shift_right_arithmetic3A_1205 = arith.shrsi %squeeze3A_348, %shift_right_arithmetic3A_1204 : i32
        %shift_left3A_1206 = arith.constant 7 : i32
        %shift_left3A_1207 = arith.shli %shift_right_arithmetic3A_1205, %shift_left3A_1206 : i32
        %multiple_of3A_1208 = tpu.assume_multiple %shift_left3A_1207, 128 : i32
        %dma_start3A_1209 = arith.constant 2 : i32
        %dma_start3A_1210 = arith.constant 0 : i32
        %dma_start3A_1211 = arith.constant 0 : i32
        %dma_start3A_1212 = tpu.memref_slice %arg6[%dma_start3A_1209, %dma_start3A_1210, %dma_start3A_1211] : memref<8x64x128xf32, #tpu.memory_space<vmem>> -> memref<1x64x128xf32, #tpu.memory_space<vmem>>
        %dma_start3A_1213 = tpu.memref_squeeze %dma_start3A_1212 : memref<1x64x128xf32, #tpu.memory_space<vmem>> -> memref<64x128xf32, #tpu.memory_space<vmem>>
        %dma_start3A_1214 = arith.constant 0 : i32
        %dma_start3A_1215 = tpu.memref_slice %arg3[%dma_start3A_1214, %multiple_of3A_1208] : memref<64x1000000xf32, #tpu.memory_space<hbm>> -> memref<64x128xf32, #tpu.memory_space<hbm>>
        %dma_start3A_1216 = arith.constant 0 : i32
        %dma_start3A_1217 = arith.constant 0 : i32
        %dma_start3A_1218 = tpu.memref_slice %arg6[%dma_start3A_1209, %dma_start3A_1216, %dma_start3A_1217] : memref<8x64x128xf32, #tpu.memory_space<vmem>> -> memref<1x64x128xf32, #tpu.memory_space<vmem>>
        %dma_start3A_1219 = tpu.memref_squeeze %dma_start3A_1218 : memref<1x64x128xf32, #tpu.memory_space<vmem>> -> memref<64x128xf32, #tpu.memory_space<vmem>>
        %dma_start3A_1220 = arith.constant 0 : i32
        %dma_start3A_1221 = tpu.memref_slice %arg3[%dma_start3A_1220, %multiple_of3A_1208] : memref<64x1000000xf32, #tpu.memory_space<hbm>> -> memref<64x128xf32, #tpu.memory_space<hbm>>
        tpu.enqueue_dma source(%dma_start3A_1221 : memref<64x128xf32, #tpu.memory_space<hbm>>) target(%dma_start3A_1219 : memref<64x128xf32, #tpu.memory_space<vmem>>) target_semaphore(%arg10 : memref<!tpu.dma_semaphore, #tpu.memory_space<semaphore_mem>>)
      } else {
      }
      %mul3A_356 = arith.constant 16 : i32
      %mul3A_357 = arith.muli %add3A_166, %mul3A_356 : i32
      %add3A_358 = arith.constant 3 : i32
      %add3A_359 = arith.addi %mul3A_357, %add3A_358 : i32
      %mul3A_360 = arith.constant 16 : i32
      %mul3A_361 = arith.muli %add3A_166, %mul3A_360 : i32
      %get3A_362 = arith.index_cast %mul3A_361 : i32 to index
      %get3A_363 = tpu.vector_load %arg5[%get3A_362] {strides = array<i32>} : memref<512xi32, #tpu.memory_space<vmem>>, vector<16xi32>,
      %slice3A_364 = vector.extract_strided_slice %get3A_363 {offsets = [3], sizes = [1], strides = [1]} : vector<16xi32> to vector<1xi32>
      %squeeze3A_365 = vector.extract %slice3A_364[0] : i32 from vector<1xi32>
      %dma_wait3A_366 = arith.constant 3 : i32
      %dma_wait3A_367 = arith.constant 0 : i32
      %dma_wait3A_368 = arith.constant 0 : i32
      %dma_wait3A_369 = tpu.memref_slice %arg6[%dma_wait3A_366, %dma_wait3A_367, %dma_wait3A_368] : memref<8x64x128xf32, #tpu.memory_space<vmem>> -> memref<1x64x128xf32, #tpu.memory_space<vmem>>
      %dma_wait3A_370 = tpu.memref_squeeze %dma_wait3A_369 : memref<1x64x128xf32, #tpu.memory_space<vmem>> -> memref<64x128xf32, #tpu.memory_space<vmem>>
      %dma_wait3A_371 = arith.constant 0 : i32
      %dma_wait3A_372 = arith.constant 0 : i32
      %dma_wait3A_373 = tpu.memref_slice %arg3[%dma_wait3A_371, %dma_wait3A_372] : memref<64x1000000xf32, #tpu.memory_space<hbm>> -> memref<64x128xf32, #tpu.memory_space<hbm>>
      %dma_wait3A_374 = arith.constant 0 : i32
      %dma_wait3A_375 = arith.constant 0 : i32
      %dma_wait3A_376 = tpu.memref_slice %arg6[%dma_wait3A_366, %dma_wait3A_374, %dma_wait3A_375] : memref<8x64x128xf32, #tpu.memory_space<vmem>> -> memref<1x64x128xf32, #tpu.memory_space<vmem>>
      %dma_wait3A_377 = tpu.memref_squeeze %dma_wait3A_376 : memref<1x64x128xf32, #tpu.memory_space<vmem>> -> memref<64x128xf32, #tpu.memory_space<vmem>>
      %dma_wait3A_378 = arith.constant 0 : i32
      %dma_wait3A_379 = arith.constant 0 : i32
      %dma_wait3A_380 = tpu.memref_slice %arg3[%dma_wait3A_378, %dma_wait3A_379] : memref<64x1000000xf32, #tpu.memory_space<hbm>> -> memref<64x128xf32, #tpu.memory_space<hbm>>
      tpu.wait_dma2 semaphore(%arg11 : memref<!tpu.dma_semaphore, #tpu.memory_space<semaphore_mem>>) src(%dma_wait3A_380 : memref<64x128xf32, #tpu.memory_space<hbm>>) dst(%dma_wait3A_377 : memref<64x128xf32, #tpu.memory_space<vmem>>)
      %broadcast_in_dim3A_381 = arith.constant 0 : i32
      %broadcast_in_dim3A_382 = vector.broadcast %broadcast_in_dim3A_381 : i32 to vector<16xi32>
      %and3A_383 = arith.constant 127 : i32
      %and3A_384 = arith.andi %squeeze3A_365, %and3A_383 : i32
      %add3A_385 = vector.broadcast %and3A_384 : i32 to vector<16xi32>
      %add3A_386 = arith.addi %broadcast_in_dim3A_382, %add3A_385 : vector<16xi32>
      %broadcast_in_dim3A_387 = arith.constant 0 : i32
      %broadcast_in_dim3A_388 = vector.broadcast %broadcast_in_dim3A_387 : i32 to vector<16xi32>
      %and3A_389 = arith.constant 127 : i32
      %and3A_390 = arith.andi %add3A_359, %and3A_389 : i32
      %add3A_391 = vector.broadcast %and3A_390 : i32 to vector<16xi32>
      %add3A_392 = arith.addi %broadcast_in_dim3A_388, %add3A_391 : vector<16xi32>
      %broadcast_in_dim3A_393 = arith.constant 3 : i32
      %broadcast_in_dim3A_394 = vector.broadcast %broadcast_in_dim3A_393 : i32 to vector<16xi32>
      %add3A_395 = arith.constant 0 : i32
      %add3A_396 = vector.broadcast %add3A_395 : i32 to vector<16xi32>
      %add3A_397 = arith.addi %add3A_396, %iota3A : vector<16xi32>
      %gather3A_398 = tpu.vector_load_idx %arg6[%broadcast_in_dim3A_394, %add3A_397, %add3A_386] : memref<8x64x128xf32, #tpu.memory_space<vmem>>[vector<16xi32>, vector<16xi32>, vector<16xi32>], vector<16xf32>,
      tpu.vector_store_idx %arg7[%add3A_397, %add3A_392], %gather3A_398 : memref<64x128xf32, #tpu.memory_space<vmem>>[vector<16xi32>, vector<16xi32>], vector<16xf32>,
      %add3A_399 = arith.constant 16 : i32
      %add3A_400 = vector.broadcast %add3A_399 : i32 to vector<16xi32>
      %add3A_401 = arith.addi %add3A_400, %iota3A : vector<16xi32>
      %gather3A_402 = tpu.vector_load_idx %arg6[%broadcast_in_dim3A_394, %add3A_401, %add3A_386] : memref<8x64x128xf32, #tpu.memory_space<vmem>>[vector<16xi32>, vector<16xi32>, vector<16xi32>], vector<16xf32>,
      tpu.vector_store_idx %arg7[%add3A_401, %add3A_392], %gather3A_402 : memref<64x128xf32, #tpu.memory_space<vmem>>[vector<16xi32>, vector<16xi32>], vector<16xf32>,
      %add3A_403 = arith.constant 32 : i32
      %add3A_404 = vector.broadcast %add3A_403 : i32 to vector<16xi32>
      %add3A_405 = arith.addi %add3A_404, %iota3A : vector<16xi32>
      %gather3A_406 = tpu.vector_load_idx %arg6[%broadcast_in_dim3A_394, %add3A_405, %add3A_386] : memref<8x64x128xf32, #tpu.memory_space<vmem>>[vector<16xi32>, vector<16xi32>, vector<16xi32>], vector<16xf32>,
      tpu.vector_store_idx %arg7[%add3A_405, %add3A_392], %gather3A_406 : memref<64x128xf32, #tpu.memory_space<vmem>>[vector<16xi32>, vector<16xi32>], vector<16xf32>,
      %add3A_407 = arith.constant 48 : i32
      %add3A_408 = vector.broadcast %add3A_407 : i32 to vector<16xi32>
      %add3A_409 = arith.addi %add3A_408, %iota3A : vector<16xi32>
      %gather3A_410 = tpu.vector_load_idx %arg6[%broadcast_in_dim3A_394, %add3A_409, %add3A_386] : memref<8x64x128xf32, #tpu.memory_space<vmem>>[vector<16xi32>, vector<16xi32>, vector<16xi32>], vector<16xf32>,
      tpu.vector_store_idx %arg7[%add3A_409, %add3A_392], %gather3A_410 : memref<64x128xf32, #tpu.memory_space<vmem>>[vector<16xi32>, vector<16xi32>], vector<16xf32>,
      %slice3A_411 = vector.extract_strided_slice %get3A_170 {offsets = [11], sizes = [1], strides = [1]} : vector<16xi32> to vector<1xi32>
      %squeeze3A_412 = vector.extract %slice3A_411[0] : i32 from vector<1xi32>
      %add3A_413 = arith.constant 8 : i32
      %add3A_414 = arith.addi %add3A_359, %add3A_413 : i32
      %lt3A_415 = arith.constant 512 : i32
      %lt3A_416 = arith.cmpi slt, %add3A_414, %lt3A_415 : i32
      %convert_element_type3A_417 = arith.extui %lt3A_416 : i1 to i32
      %cond3A_418 = arith.constant 0 : i32
      %cond3A_419 = arith.cmpi ne, %convert_element_type3A_417, %cond3A_418 : i32
      scf.if %cond3A_419 {
        %shift_right_arithmetic3A_1204 = arith.constant 7 : i32
        %shift_right_arithmetic3A_1205 = arith.shrsi %squeeze3A_412, %shift_right_arithmetic3A_1204 : i32
        %shift_left3A_1206 = arith.constant 7 : i32
        %shift_left3A_1207 = arith.shli %shift_right_arithmetic3A_1205, %shift_left3A_1206 : i32
        %multiple_of3A_1208 = tpu.assume_multiple %shift_left3A_1207, 128 : i32
        %dma_start3A_1209 = arith.constant 3 : i32
        %dma_start3A_1210 = arith.constant 0 : i32
        %dma_start3A_1211 = arith.constant 0 : i32
        %dma_start3A_1212 = tpu.memref_slice %arg6[%dma_start3A_1209, %dma_start3A_1210, %dma_start3A_1211] : memref<8x64x128xf32, #tpu.memory_space<vmem>> -> memref<1x64x128xf32, #tpu.memory_space<vmem>>
        %dma_start3A_1213 = tpu.memref_squeeze %dma_start3A_1212 : memref<1x64x128xf32, #tpu.memory_space<vmem>> -> memref<64x128xf32, #tpu.memory_space<vmem>>
        %dma_start3A_1214 = arith.constant 0 : i32
        %dma_start3A_1215 = tpu.memref_slice %arg3[%dma_start3A_1214, %multiple_of3A_1208] : memref<64x1000000xf32, #tpu.memory_space<hbm>> -> memref<64x128xf32, #tpu.memory_space<hbm>>
        %dma_start3A_1216 = arith.constant 0 : i32
        %dma_start3A_1217 = arith.constant 0 : i32
        %dma_start3A_1218 = tpu.memref_slice %arg6[%dma_start3A_1209, %dma_start3A_1216, %dma_start3A_1217] : memref<8x64x128xf32, #tpu.memory_space<vmem>> -> memref<1x64x128xf32, #tpu.memory_space<vmem>>
        %dma_start3A_1219 = tpu.memref_squeeze %dma_start3A_1218 : memref<1x64x128xf32, #tpu.memory_space<vmem>> -> memref<64x128xf32, #tpu.memory_space<vmem>>
        %dma_start3A_1220 = arith.constant 0 : i32
        %dma_start3A_1221 = tpu.memref_slice %arg3[%dma_start3A_1220, %multiple_of3A_1208] : memref<64x1000000xf32, #tpu.memory_space<hbm>> -> memref<64x128xf32, #tpu.memory_space<hbm>>
        tpu.enqueue_dma source(%dma_start3A_1221 : memref<64x128xf32, #tpu.memory_space<hbm>>) target(%dma_start3A_1219 : memref<64x128xf32, #tpu.memory_space<vmem>>) target_semaphore(%arg11 : memref<!tpu.dma_semaphore, #tpu.memory_space<semaphore_mem>>)
      } else {
      }
      %mul3A_420 = arith.constant 16 : i32
      %mul3A_421 = arith.muli %add3A_166, %mul3A_420 : i32
      %add3A_422 = arith.constant 4 : i32
      %add3A_423 = arith.addi %mul3A_421, %add3A_422 : i32
      %mul3A_424 = arith.constant 16 : i32
      %mul3A_425 = arith.muli %add3A_166, %mul3A_424 : i32
      %get3A_426 = arith.index_cast %mul3A_425 : i32 to index
      %get3A_427 = tpu.vector_load %arg5[%get3A_426] {strides = array<i32>} : memref<512xi32, #tpu.memory_space<vmem>>, vector<16xi32>,
      %slice3A_428 = vector.extract_strided_slice %get3A_427 {offsets = [4], sizes = [1], strides = [1]} : vector<16xi32> to vector<1xi32>
      %squeeze3A_429 = vector.extract %slice3A_428[0] : i32 from vector<1xi32>
      %dma_wait3A_430 = arith.constant 4 : i32
      %dma_wait3A_431 = arith.constant 0 : i32
      %dma_wait3A_432 = arith.constant 0 : i32
      %dma_wait3A_433 = tpu.memref_slice %arg6[%dma_wait3A_430, %dma_wait3A_431, %dma_wait3A_432] : memref<8x64x128xf32, #tpu.memory_space<vmem>> -> memref<1x64x128xf32, #tpu.memory_space<vmem>>
      %dma_wait3A_434 = tpu.memref_squeeze %dma_wait3A_433 : memref<1x64x128xf32, #tpu.memory_space<vmem>> -> memref<64x128xf32, #tpu.memory_space<vmem>>
      %dma_wait3A_435 = arith.constant 0 : i32
      %dma_wait3A_436 = arith.constant 0 : i32
      %dma_wait3A_437 = tpu.memref_slice %arg3[%dma_wait3A_435, %dma_wait3A_436] : memref<64x1000000xf32, #tpu.memory_space<hbm>> -> memref<64x128xf32, #tpu.memory_space<hbm>>
      %dma_wait3A_438 = arith.constant 0 : i32
      %dma_wait3A_439 = arith.constant 0 : i32
      %dma_wait3A_440 = tpu.memref_slice %arg6[%dma_wait3A_430, %dma_wait3A_438, %dma_wait3A_439] : memref<8x64x128xf32, #tpu.memory_space<vmem>> -> memref<1x64x128xf32, #tpu.memory_space<vmem>>
      %dma_wait3A_441 = tpu.memref_squeeze %dma_wait3A_440 : memref<1x64x128xf32, #tpu.memory_space<vmem>> -> memref<64x128xf32, #tpu.memory_space<vmem>>
      %dma_wait3A_442 = arith.constant 0 : i32
      %dma_wait3A_443 = arith.constant 0 : i32
      %dma_wait3A_444 = tpu.memref_slice %arg3[%dma_wait3A_442, %dma_wait3A_443] : memref<64x1000000xf32, #tpu.memory_space<hbm>> -> memref<64x128xf32, #tpu.memory_space<hbm>>
      tpu.wait_dma2 semaphore(%arg12 : memref<!tpu.dma_semaphore, #tpu.memory_space<semaphore_mem>>) src(%dma_wait3A_444 : memref<64x128xf32, #tpu.memory_space<hbm>>) dst(%dma_wait3A_441 : memref<64x128xf32, #tpu.memory_space<vmem>>)
      %broadcast_in_dim3A_445 = arith.constant 0 : i32
      %broadcast_in_dim3A_446 = vector.broadcast %broadcast_in_dim3A_445 : i32 to vector<16xi32>
      %and3A_447 = arith.constant 127 : i32
      %and3A_448 = arith.andi %squeeze3A_429, %and3A_447 : i32
      %add3A_449 = vector.broadcast %and3A_448 : i32 to vector<16xi32>
      %add3A_450 = arith.addi %broadcast_in_dim3A_446, %add3A_449 : vector<16xi32>
      %broadcast_in_dim3A_451 = arith.constant 0 : i32
      %broadcast_in_dim3A_452 = vector.broadcast %broadcast_in_dim3A_451 : i32 to vector<16xi32>
      %and3A_453 = arith.constant 127 : i32
      %and3A_454 = arith.andi %add3A_423, %and3A_453 : i32
      %add3A_455 = vector.broadcast %and3A_454 : i32 to vector<16xi32>
      %add3A_456 = arith.addi %broadcast_in_dim3A_452, %add3A_455 : vector<16xi32>
      %broadcast_in_dim3A_457 = arith.constant 4 : i32
      %broadcast_in_dim3A_458 = vector.broadcast %broadcast_in_dim3A_457 : i32 to vector<16xi32>
      %add3A_459 = arith.constant 0 : i32
      %add3A_460 = vector.broadcast %add3A_459 : i32 to vector<16xi32>
      %add3A_461 = arith.addi %add3A_460, %iota3A : vector<16xi32>
      %gather3A_462 = tpu.vector_load_idx %arg6[%broadcast_in_dim3A_458, %add3A_461, %add3A_450] : memref<8x64x128xf32, #tpu.memory_space<vmem>>[vector<16xi32>, vector<16xi32>, vector<16xi32>], vector<16xf32>,
      tpu.vector_store_idx %arg7[%add3A_461, %add3A_456], %gather3A_462 : memref<64x128xf32, #tpu.memory_space<vmem>>[vector<16xi32>, vector<16xi32>], vector<16xf32>,
      %add3A_463 = arith.constant 16 : i32
      %add3A_464 = vector.broadcast %add3A_463 : i32 to vector<16xi32>
      %add3A_465 = arith.addi %add3A_464, %iota3A : vector<16xi32>
      %gather3A_466 = tpu.vector_load_idx %arg6[%broadcast_in_dim3A_458, %add3A_465, %add3A_450] : memref<8x64x128xf32, #tpu.memory_space<vmem>>[vector<16xi32>, vector<16xi32>, vector<16xi32>], vector<16xf32>,
      tpu.vector_store_idx %arg7[%add3A_465, %add3A_456], %gather3A_466 : memref<64x128xf32, #tpu.memory_space<vmem>>[vector<16xi32>, vector<16xi32>], vector<16xf32>,
      %add3A_467 = arith.constant 32 : i32
      %add3A_468 = vector.broadcast %add3A_467 : i32 to vector<16xi32>
      %add3A_469 = arith.addi %add3A_468, %iota3A : vector<16xi32>
      %gather3A_470 = tpu.vector_load_idx %arg6[%broadcast_in_dim3A_458, %add3A_469, %add3A_450] : memref<8x64x128xf32, #tpu.memory_space<vmem>>[vector<16xi32>, vector<16xi32>, vector<16xi32>], vector<16xf32>,
      tpu.vector_store_idx %arg7[%add3A_469, %add3A_456], %gather3A_470 : memref<64x128xf32, #tpu.memory_space<vmem>>[vector<16xi32>, vector<16xi32>], vector<16xf32>,
      %add3A_471 = arith.constant 48 : i32
      %add3A_472 = vector.broadcast %add3A_471 : i32 to vector<16xi32>
      %add3A_473 = arith.addi %add3A_472, %iota3A : vector<16xi32>
      %gather3A_474 = tpu.vector_load_idx %arg6[%broadcast_in_dim3A_458, %add3A_473, %add3A_450] : memref<8x64x128xf32, #tpu.memory_space<vmem>>[vector<16xi32>, vector<16xi32>, vector<16xi32>], vector<16xf32>,
      tpu.vector_store_idx %arg7[%add3A_473, %add3A_456], %gather3A_474 : memref<64x128xf32, #tpu.memory_space<vmem>>[vector<16xi32>, vector<16xi32>], vector<16xf32>,
      %slice3A_475 = vector.extract_strided_slice %get3A_170 {offsets = [12], sizes = [1], strides = [1]} : vector<16xi32> to vector<1xi32>
      %squeeze3A_476 = vector.extract %slice3A_475[0] : i32 from vector<1xi32>
      %add3A_477 = arith.constant 8 : i32
      %add3A_478 = arith.addi %add3A_423, %add3A_477 : i32
      %lt3A_479 = arith.constant 512 : i32
      %lt3A_480 = arith.cmpi slt, %add3A_478, %lt3A_479 : i32
      %convert_element_type3A_481 = arith.extui %lt3A_480 : i1 to i32
      %cond3A_482 = arith.constant 0 : i32
      %cond3A_483 = arith.cmpi ne, %convert_element_type3A_481, %cond3A_482 : i32
      scf.if %cond3A_483 {
        %shift_right_arithmetic3A_1204 = arith.constant 7 : i32
        %shift_right_arithmetic3A_1205 = arith.shrsi %squeeze3A_476, %shift_right_arithmetic3A_1204 : i32
        %shift_left3A_1206 = arith.constant 7 : i32
        %shift_left3A_1207 = arith.shli %shift_right_arithmetic3A_1205, %shift_left3A_1206 : i32
        %multiple_of3A_1208 = tpu.assume_multiple %shift_left3A_1207, 128 : i32
        %dma_start3A_1209 = arith.constant 4 : i32
        %dma_start3A_1210 = arith.constant 0 : i32
        %dma_start3A_1211 = arith.constant 0 : i32
        %dma_start3A_1212 = tpu.memref_slice %arg6[%dma_start3A_1209, %dma_start3A_1210, %dma_start3A_1211] : memref<8x64x128xf32, #tpu.memory_space<vmem>> -> memref<1x64x128xf32, #tpu.memory_space<vmem>>
        %dma_start3A_1213 = tpu.memref_squeeze %dma_start3A_1212 : memref<1x64x128xf32, #tpu.memory_space<vmem>> -> memref<64x128xf32, #tpu.memory_space<vmem>>
        %dma_start3A_1214 = arith.constant 0 : i32
        %dma_start3A_1215 = tpu.memref_slice %arg3[%dma_start3A_1214, %multiple_of3A_1208] : memref<64x1000000xf32, #tpu.memory_space<hbm>> -> memref<64x128xf32, #tpu.memory_space<hbm>>
        %dma_start3A_1216 = arith.constant 0 : i32
        %dma_start3A_1217 = arith.constant 0 : i32
        %dma_start3A_1218 = tpu.memref_slice %arg6[%dma_start3A_1209, %dma_start3A_1216, %dma_start3A_1217] : memref<8x64x128xf32, #tpu.memory_space<vmem>> -> memref<1x64x128xf32, #tpu.memory_space<vmem>>
        %dma_start3A_1219 = tpu.memref_squeeze %dma_start3A_1218 : memref<1x64x128xf32, #tpu.memory_space<vmem>> -> memref<64x128xf32, #tpu.memory_space<vmem>>
        %dma_start3A_1220 = arith.constant 0 : i32
        %dma_start3A_1221 = tpu.memref_slice %arg3[%dma_start3A_1220, %multiple_of3A_1208] : memref<64x1000000xf32, #tpu.memory_space<hbm>> -> memref<64x128xf32, #tpu.memory_space<hbm>>
        tpu.enqueue_dma source(%dma_start3A_1221 : memref<64x128xf32, #tpu.memory_space<hbm>>) target(%dma_start3A_1219 : memref<64x128xf32, #tpu.memory_space<vmem>>) target_semaphore(%arg12 : memref<!tpu.dma_semaphore, #tpu.memory_space<semaphore_mem>>)
      } else {
      }
      %mul3A_484 = arith.constant 16 : i32
      %mul3A_485 = arith.muli %add3A_166, %mul3A_484 : i32
      %add3A_486 = arith.constant 5 : i32
      %add3A_487 = arith.addi %mul3A_485, %add3A_486 : i32
      %mul3A_488 = arith.constant 16 : i32
      %mul3A_489 = arith.muli %add3A_166, %mul3A_488 : i32
      %get3A_490 = arith.index_cast %mul3A_489 : i32 to index
      %get3A_491 = tpu.vector_load %arg5[%get3A_490] {strides = array<i32>} : memref<512xi32, #tpu.memory_space<vmem>>, vector<16xi32>,
      %slice3A_492 = vector.extract_strided_slice %get3A_491 {offsets = [5], sizes = [1], strides = [1]} : vector<16xi32> to vector<1xi32>
      %squeeze3A_493 = vector.extract %slice3A_492[0] : i32 from vector<1xi32>
      %dma_wait3A_494 = arith.constant 5 : i32
      %dma_wait3A_495 = arith.constant 0 : i32
      %dma_wait3A_496 = arith.constant 0 : i32
      %dma_wait3A_497 = tpu.memref_slice %arg6[%dma_wait3A_494, %dma_wait3A_495, %dma_wait3A_496] : memref<8x64x128xf32, #tpu.memory_space<vmem>> -> memref<1x64x128xf32, #tpu.memory_space<vmem>>
      %dma_wait3A_498 = tpu.memref_squeeze %dma_wait3A_497 : memref<1x64x128xf32, #tpu.memory_space<vmem>> -> memref<64x128xf32, #tpu.memory_space<vmem>>
      %dma_wait3A_499 = arith.constant 0 : i32
      %dma_wait3A_500 = arith.constant 0 : i32
      %dma_wait3A_501 = tpu.memref_slice %arg3[%dma_wait3A_499, %dma_wait3A_500] : memref<64x1000000xf32, #tpu.memory_space<hbm>> -> memref<64x128xf32, #tpu.memory_space<hbm>>
      %dma_wait3A_502 = arith.constant 0 : i32
      %dma_wait3A_503 = arith.constant 0 : i32
      %dma_wait3A_504 = tpu.memref_slice %arg6[%dma_wait3A_494, %dma_wait3A_502, %dma_wait3A_503] : memref<8x64x128xf32, #tpu.memory_space<vmem>> -> memref<1x64x128xf32, #tpu.memory_space<vmem>>
      %dma_wait3A_505 = tpu.memref_squeeze %dma_wait3A_504 : memref<1x64x128xf32, #tpu.memory_space<vmem>> -> memref<64x128xf32, #tpu.memory_space<vmem>>
      %dma_wait3A_506 = arith.constant 0 : i32
      %dma_wait3A_507 = arith.constant 0 : i32
      %dma_wait3A_508 = tpu.memref_slice %arg3[%dma_wait3A_506, %dma_wait3A_507] : memref<64x1000000xf32, #tpu.memory_space<hbm>> -> memref<64x128xf32, #tpu.memory_space<hbm>>
      tpu.wait_dma2 semaphore(%arg13 : memref<!tpu.dma_semaphore, #tpu.memory_space<semaphore_mem>>) src(%dma_wait3A_508 : memref<64x128xf32, #tpu.memory_space<hbm>>) dst(%dma_wait3A_505 : memref<64x128xf32, #tpu.memory_space<vmem>>)
      %broadcast_in_dim3A_509 = arith.constant 0 : i32
      %broadcast_in_dim3A_510 = vector.broadcast %broadcast_in_dim3A_509 : i32 to vector<16xi32>
      %and3A_511 = arith.constant 127 : i32
      %and3A_512 = arith.andi %squeeze3A_493, %and3A_511 : i32
      %add3A_513 = vector.broadcast %and3A_512 : i32 to vector<16xi32>
      %add3A_514 = arith.addi %broadcast_in_dim3A_510, %add3A_513 : vector<16xi32>
      %broadcast_in_dim3A_515 = arith.constant 0 : i32
      %broadcast_in_dim3A_516 = vector.broadcast %broadcast_in_dim3A_515 : i32 to vector<16xi32>
      %and3A_517 = arith.constant 127 : i32
      %and3A_518 = arith.andi %add3A_487, %and3A_517 : i32
      %add3A_519 = vector.broadcast %and3A_518 : i32 to vector<16xi32>
      %add3A_520 = arith.addi %broadcast_in_dim3A_516, %add3A_519 : vector<16xi32>
      %broadcast_in_dim3A_521 = arith.constant 5 : i32
      %broadcast_in_dim3A_522 = vector.broadcast %broadcast_in_dim3A_521 : i32 to vector<16xi32>
      %add3A_523 = arith.constant 0 : i32
      %add3A_524 = vector.broadcast %add3A_523 : i32 to vector<16xi32>
      %add3A_525 = arith.addi %add3A_524, %iota3A : vector<16xi32>
      %gather3A_526 = tpu.vector_load_idx %arg6[%broadcast_in_dim3A_522, %add3A_525, %add3A_514] : memref<8x64x128xf32, #tpu.memory_space<vmem>>[vector<16xi32>, vector<16xi32>, vector<16xi32>], vector<16xf32>,
      tpu.vector_store_idx %arg7[%add3A_525, %add3A_520], %gather3A_526 : memref<64x128xf32, #tpu.memory_space<vmem>>[vector<16xi32>, vector<16xi32>], vector<16xf32>,
      %add3A_527 = arith.constant 16 : i32
      %add3A_528 = vector.broadcast %add3A_527 : i32 to vector<16xi32>
      %add3A_529 = arith.addi %add3A_528, %iota3A : vector<16xi32>
      %gather3A_530 = tpu.vector_load_idx %arg6[%broadcast_in_dim3A_522, %add3A_529, %add3A_514] : memref<8x64x128xf32, #tpu.memory_space<vmem>>[vector<16xi32>, vector<16xi32>, vector<16xi32>], vector<16xf32>,
      tpu.vector_store_idx %arg7[%add3A_529, %add3A_520], %gather3A_530 : memref<64x128xf32, #tpu.memory_space<vmem>>[vector<16xi32>, vector<16xi32>], vector<16xf32>,
      %add3A_531 = arith.constant 32 : i32
      %add3A_532 = vector.broadcast %add3A_531 : i32 to vector<16xi32>
      %add3A_533 = arith.addi %add3A_532, %iota3A : vector<16xi32>
      %gather3A_534 = tpu.vector_load_idx %arg6[%broadcast_in_dim3A_522, %add3A_533, %add3A_514] : memref<8x64x128xf32, #tpu.memory_space<vmem>>[vector<16xi32>, vector<16xi32>, vector<16xi32>], vector<16xf32>,
      tpu.vector_store_idx %arg7[%add3A_533, %add3A_520], %gather3A_534 : memref<64x128xf32, #tpu.memory_space<vmem>>[vector<16xi32>, vector<16xi32>], vector<16xf32>,
      %add3A_535 = arith.constant 48 : i32
      %add3A_536 = vector.broadcast %add3A_535 : i32 to vector<16xi32>
      %add3A_537 = arith.addi %add3A_536, %iota3A : vector<16xi32>
      %gather3A_538 = tpu.vector_load_idx %arg6[%broadcast_in_dim3A_522, %add3A_537, %add3A_514] : memref<8x64x128xf32, #tpu.memory_space<vmem>>[vector<16xi32>, vector<16xi32>, vector<16xi32>], vector<16xf32>,
      tpu.vector_store_idx %arg7[%add3A_537, %add3A_520], %gather3A_538 : memref<64x128xf32, #tpu.memory_space<vmem>>[vector<16xi32>, vector<16xi32>], vector<16xf32>,
      %slice3A_539 = vector.extract_strided_slice %get3A_170 {offsets = [13], sizes = [1], strides = [1]} : vector<16xi32> to vector<1xi32>
      %squeeze3A_540 = vector.extract %slice3A_539[0] : i32 from vector<1xi32>
      %add3A_541 = arith.constant 8 : i32
      %add3A_542 = arith.addi %add3A_487, %add3A_541 : i32
      %lt3A_543 = arith.constant 512 : i32
      %lt3A_544 = arith.cmpi slt, %add3A_542, %lt3A_543 : i32
      %convert_element_type3A_545 = arith.extui %lt3A_544 : i1 to i32
      %cond3A_546 = arith.constant 0 : i32
      %cond3A_547 = arith.cmpi ne, %convert_element_type3A_545, %cond3A_546 : i32
      scf.if %cond3A_547 {
        %shift_right_arithmetic3A_1204 = arith.constant 7 : i32
        %shift_right_arithmetic3A_1205 = arith.shrsi %squeeze3A_540, %shift_right_arithmetic3A_1204 : i32
        %shift_left3A_1206 = arith.constant 7 : i32
        %shift_left3A_1207 = arith.shli %shift_right_arithmetic3A_1205, %shift_left3A_1206 : i32
        %multiple_of3A_1208 = tpu.assume_multiple %shift_left3A_1207, 128 : i32
        %dma_start3A_1209 = arith.constant 5 : i32
        %dma_start3A_1210 = arith.constant 0 : i32
        %dma_start3A_1211 = arith.constant 0 : i32
        %dma_start3A_1212 = tpu.memref_slice %arg6[%dma_start3A_1209, %dma_start3A_1210, %dma_start3A_1211] : memref<8x64x128xf32, #tpu.memory_space<vmem>> -> memref<1x64x128xf32, #tpu.memory_space<vmem>>
        %dma_start3A_1213 = tpu.memref_squeeze %dma_start3A_1212 : memref<1x64x128xf32, #tpu.memory_space<vmem>> -> memref<64x128xf32, #tpu.memory_space<vmem>>
        %dma_start3A_1214 = arith.constant 0 : i32
        %dma_start3A_1215 = tpu.memref_slice %arg3[%dma_start3A_1214, %multiple_of3A_1208] : memref<64x1000000xf32, #tpu.memory_space<hbm>> -> memref<64x128xf32, #tpu.memory_space<hbm>>
        %dma_start3A_1216 = arith.constant 0 : i32
        %dma_start3A_1217 = arith.constant 0 : i32
        %dma_start3A_1218 = tpu.memref_slice %arg6[%dma_start3A_1209, %dma_start3A_1216, %dma_start3A_1217] : memref<8x64x128xf32, #tpu.memory_space<vmem>> -> memref<1x64x128xf32, #tpu.memory_space<vmem>>
        %dma_start3A_1219 = tpu.memref_squeeze %dma_start3A_1218 : memref<1x64x128xf32, #tpu.memory_space<vmem>> -> memref<64x128xf32, #tpu.memory_space<vmem>>
        %dma_start3A_1220 = arith.constant 0 : i32
        %dma_start3A_1221 = tpu.memref_slice %arg3[%dma_start3A_1220, %multiple_of3A_1208] : memref<64x1000000xf32, #tpu.memory_space<hbm>> -> memref<64x128xf32, #tpu.memory_space<hbm>>
        tpu.enqueue_dma source(%dma_start3A_1221 : memref<64x128xf32, #tpu.memory_space<hbm>>) target(%dma_start3A_1219 : memref<64x128xf32, #tpu.memory_space<vmem>>) target_semaphore(%arg13 : memref<!tpu.dma_semaphore, #tpu.memory_space<semaphore_mem>>)
      } else {
      }
      %mul3A_548 = arith.constant 16 : i32
      %mul3A_549 = arith.muli %add3A_166, %mul3A_548 : i32
      %add3A_550 = arith.constant 6 : i32
      %add3A_551 = arith.addi %mul3A_549, %add3A_550 : i32
      %mul3A_552 = arith.constant 16 : i32
      %mul3A_553 = arith.muli %add3A_166, %mul3A_552 : i32
      %get3A_554 = arith.index_cast %mul3A_553 : i32 to index
      %get3A_555 = tpu.vector_load %arg5[%get3A_554] {strides = array<i32>} : memref<512xi32, #tpu.memory_space<vmem>>, vector<16xi32>,
      %slice3A_556 = vector.extract_strided_slice %get3A_555 {offsets = [6], sizes = [1], strides = [1]} : vector<16xi32> to vector<1xi32>
      %squeeze3A_557 = vector.extract %slice3A_556[0] : i32 from vector<1xi32>
      %dma_wait3A_558 = arith.constant 6 : i32
      %dma_wait3A_559 = arith.constant 0 : i32
      %dma_wait3A_560 = arith.constant 0 : i32
      %dma_wait3A_561 = tpu.memref_slice %arg6[%dma_wait3A_558, %dma_wait3A_559, %dma_wait3A_560] : memref<8x64x128xf32, #tpu.memory_space<vmem>> -> memref<1x64x128xf32, #tpu.memory_space<vmem>>
      %dma_wait3A_562 = tpu.memref_squeeze %dma_wait3A_561 : memref<1x64x128xf32, #tpu.memory_space<vmem>> -> memref<64x128xf32, #tpu.memory_space<vmem>>
      %dma_wait3A_563 = arith.constant 0 : i32
      %dma_wait3A_564 = arith.constant 0 : i32
      %dma_wait3A_565 = tpu.memref_slice %arg3[%dma_wait3A_563, %dma_wait3A_564] : memref<64x1000000xf32, #tpu.memory_space<hbm>> -> memref<64x128xf32, #tpu.memory_space<hbm>>
      %dma_wait3A_566 = arith.constant 0 : i32
      %dma_wait3A_567 = arith.constant 0 : i32
      %dma_wait3A_568 = tpu.memref_slice %arg6[%dma_wait3A_558, %dma_wait3A_566, %dma_wait3A_567] : memref<8x64x128xf32, #tpu.memory_space<vmem>> -> memref<1x64x128xf32, #tpu.memory_space<vmem>>
      %dma_wait3A_569 = tpu.memref_squeeze %dma_wait3A_568 : memref<1x64x128xf32, #tpu.memory_space<vmem>> -> memref<64x128xf32, #tpu.memory_space<vmem>>
      %dma_wait3A_570 = arith.constant 0 : i32
      %dma_wait3A_571 = arith.constant 0 : i32
      %dma_wait3A_572 = tpu.memref_slice %arg3[%dma_wait3A_570, %dma_wait3A_571] : memref<64x1000000xf32, #tpu.memory_space<hbm>> -> memref<64x128xf32, #tpu.memory_space<hbm>>
      tpu.wait_dma2 semaphore(%arg14 : memref<!tpu.dma_semaphore, #tpu.memory_space<semaphore_mem>>) src(%dma_wait3A_572 : memref<64x128xf32, #tpu.memory_space<hbm>>) dst(%dma_wait3A_569 : memref<64x128xf32, #tpu.memory_space<vmem>>)
      %broadcast_in_dim3A_573 = arith.constant 0 : i32
      %broadcast_in_dim3A_574 = vector.broadcast %broadcast_in_dim3A_573 : i32 to vector<16xi32>
      %and3A_575 = arith.constant 127 : i32
      %and3A_576 = arith.andi %squeeze3A_557, %and3A_575 : i32
      %add3A_577 = vector.broadcast %and3A_576 : i32 to vector<16xi32>
      %add3A_578 = arith.addi %broadcast_in_dim3A_574, %add3A_577 : vector<16xi32>
      %broadcast_in_dim3A_579 = arith.constant 0 : i32
      %broadcast_in_dim3A_580 = vector.broadcast %broadcast_in_dim3A_579 : i32 to vector<16xi32>
      %and3A_581 = arith.constant 127 : i32
      %and3A_582 = arith.andi %add3A_551, %and3A_581 : i32
      %add3A_583 = vector.broadcast %and3A_582 : i32 to vector<16xi32>
      %add3A_584 = arith.addi %broadcast_in_dim3A_580, %add3A_583 : vector<16xi32>
      %broadcast_in_dim3A_585 = arith.constant 6 : i32
      %broadcast_in_dim3A_586 = vector.broadcast %broadcast_in_dim3A_585 : i32 to vector<16xi32>
      %add3A_587 = arith.constant 0 : i32
      %add3A_588 = vector.broadcast %add3A_587 : i32 to vector<16xi32>
      %add3A_589 = arith.addi %add3A_588, %iota3A : vector<16xi32>
      %gather3A_590 = tpu.vector_load_idx %arg6[%broadcast_in_dim3A_586, %add3A_589, %add3A_578] : memref<8x64x128xf32, #tpu.memory_space<vmem>>[vector<16xi32>, vector<16xi32>, vector<16xi32>], vector<16xf32>,
      tpu.vector_store_idx %arg7[%add3A_589, %add3A_584], %gather3A_590 : memref<64x128xf32, #tpu.memory_space<vmem>>[vector<16xi32>, vector<16xi32>], vector<16xf32>,
      %add3A_591 = arith.constant 16 : i32
      %add3A_592 = vector.broadcast %add3A_591 : i32 to vector<16xi32>
      %add3A_593 = arith.addi %add3A_592, %iota3A : vector<16xi32>
      %gather3A_594 = tpu.vector_load_idx %arg6[%broadcast_in_dim3A_586, %add3A_593, %add3A_578] : memref<8x64x128xf32, #tpu.memory_space<vmem>>[vector<16xi32>, vector<16xi32>, vector<16xi32>], vector<16xf32>,
      tpu.vector_store_idx %arg7[%add3A_593, %add3A_584], %gather3A_594 : memref<64x128xf32, #tpu.memory_space<vmem>>[vector<16xi32>, vector<16xi32>], vector<16xf32>,
      %add3A_595 = arith.constant 32 : i32
      %add3A_596 = vector.broadcast %add3A_595 : i32 to vector<16xi32>
      %add3A_597 = arith.addi %add3A_596, %iota3A : vector<16xi32>
      %gather3A_598 = tpu.vector_load_idx %arg6[%broadcast_in_dim3A_586, %add3A_597, %add3A_578] : memref<8x64x128xf32, #tpu.memory_space<vmem>>[vector<16xi32>, vector<16xi32>, vector<16xi32>], vector<16xf32>,
      tpu.vector_store_idx %arg7[%add3A_597, %add3A_584], %gather3A_598 : memref<64x128xf32, #tpu.memory_space<vmem>>[vector<16xi32>, vector<16xi32>], vector<16xf32>,
      %add3A_599 = arith.constant 48 : i32
      %add3A_600 = vector.broadcast %add3A_599 : i32 to vector<16xi32>
      %add3A_601 = arith.addi %add3A_600, %iota3A : vector<16xi32>
      %gather3A_602 = tpu.vector_load_idx %arg6[%broadcast_in_dim3A_586, %add3A_601, %add3A_578] : memref<8x64x128xf32, #tpu.memory_space<vmem>>[vector<16xi32>, vector<16xi32>, vector<16xi32>], vector<16xf32>,
      tpu.vector_store_idx %arg7[%add3A_601, %add3A_584], %gather3A_602 : memref<64x128xf32, #tpu.memory_space<vmem>>[vector<16xi32>, vector<16xi32>], vector<16xf32>,
      %slice3A_603 = vector.extract_strided_slice %get3A_170 {offsets = [14], sizes = [1], strides = [1]} : vector<16xi32> to vector<1xi32>
      %squeeze3A_604 = vector.extract %slice3A_603[0] : i32 from vector<1xi32>
      %add3A_605 = arith.constant 8 : i32
      %add3A_606 = arith.addi %add3A_551, %add3A_605 : i32
      %lt3A_607 = arith.constant 512 : i32
      %lt3A_608 = arith.cmpi slt, %add3A_606, %lt3A_607 : i32
      %convert_element_type3A_609 = arith.extui %lt3A_608 : i1 to i32
      %cond3A_610 = arith.constant 0 : i32
      %cond3A_611 = arith.cmpi ne, %convert_element_type3A_609, %cond3A_610 : i32
      scf.if %cond3A_611 {
        %shift_right_arithmetic3A_1204 = arith.constant 7 : i32
        %shift_right_arithmetic3A_1205 = arith.shrsi %squeeze3A_604, %shift_right_arithmetic3A_1204 : i32
        %shift_left3A_1206 = arith.constant 7 : i32
        %shift_left3A_1207 = arith.shli %shift_right_arithmetic3A_1205, %shift_left3A_1206 : i32
        %multiple_of3A_1208 = tpu.assume_multiple %shift_left3A_1207, 128 : i32
        %dma_start3A_1209 = arith.constant 6 : i32
        %dma_start3A_1210 = arith.constant 0 : i32
        %dma_start3A_1211 = arith.constant 0 : i32
        %dma_start3A_1212 = tpu.memref_slice %arg6[%dma_start3A_1209, %dma_start3A_1210, %dma_start3A_1211] : memref<8x64x128xf32, #tpu.memory_space<vmem>> -> memref<1x64x128xf32, #tpu.memory_space<vmem>>
        %dma_start3A_1213 = tpu.memref_squeeze %dma_start3A_1212 : memref<1x64x128xf32, #tpu.memory_space<vmem>> -> memref<64x128xf32, #tpu.memory_space<vmem>>
        %dma_start3A_1214 = arith.constant 0 : i32
        %dma_start3A_1215 = tpu.memref_slice %arg3[%dma_start3A_1214, %multiple_of3A_1208] : memref<64x1000000xf32, #tpu.memory_space<hbm>> -> memref<64x128xf32, #tpu.memory_space<hbm>>
        %dma_start3A_1216 = arith.constant 0 : i32
        %dma_start3A_1217 = arith.constant 0 : i32
        %dma_start3A_1218 = tpu.memref_slice %arg6[%dma_start3A_1209, %dma_start3A_1216, %dma_start3A_1217] : memref<8x64x128xf32, #tpu.memory_space<vmem>> -> memref<1x64x128xf32, #tpu.memory_space<vmem>>
        %dma_start3A_1219 = tpu.memref_squeeze %dma_start3A_1218 : memref<1x64x128xf32, #tpu.memory_space<vmem>> -> memref<64x128xf32, #tpu.memory_space<vmem>>
        %dma_start3A_1220 = arith.constant 0 : i32
        %dma_start3A_1221 = tpu.memref_slice %arg3[%dma_start3A_1220, %multiple_of3A_1208] : memref<64x1000000xf32, #tpu.memory_space<hbm>> -> memref<64x128xf32, #tpu.memory_space<hbm>>
        tpu.enqueue_dma source(%dma_start3A_1221 : memref<64x128xf32, #tpu.memory_space<hbm>>) target(%dma_start3A_1219 : memref<64x128xf32, #tpu.memory_space<vmem>>) target_semaphore(%arg14 : memref<!tpu.dma_semaphore, #tpu.memory_space<semaphore_mem>>)
      } else {
      }
      %mul3A_612 = arith.constant 16 : i32
      %mul3A_613 = arith.muli %add3A_166, %mul3A_612 : i32
      %add3A_614 = arith.constant 7 : i32
      %add3A_615 = arith.addi %mul3A_613, %add3A_614 : i32
      %mul3A_616 = arith.constant 16 : i32
      %mul3A_617 = arith.muli %add3A_166, %mul3A_616 : i32
      %get3A_618 = arith.index_cast %mul3A_617 : i32 to index
      %get3A_619 = tpu.vector_load %arg5[%get3A_618] {strides = array<i32>} : memref<512xi32, #tpu.memory_space<vmem>>, vector<16xi32>,
      %slice3A_620 = vector.extract_strided_slice %get3A_619 {offsets = [7], sizes = [1], strides = [1]} : vector<16xi32> to vector<1xi32>
      %squeeze3A_621 = vector.extract %slice3A_620[0] : i32 from vector<1xi32>
      %dma_wait3A_622 = arith.constant 7 : i32
      %dma_wait3A_623 = arith.constant 0 : i32
      %dma_wait3A_624 = arith.constant 0 : i32
      %dma_wait3A_625 = tpu.memref_slice %arg6[%dma_wait3A_622, %dma_wait3A_623, %dma_wait3A_624] : memref<8x64x128xf32, #tpu.memory_space<vmem>> -> memref<1x64x128xf32, #tpu.memory_space<vmem>>
      %dma_wait3A_626 = tpu.memref_squeeze %dma_wait3A_625 : memref<1x64x128xf32, #tpu.memory_space<vmem>> -> memref<64x128xf32, #tpu.memory_space<vmem>>
      %dma_wait3A_627 = arith.constant 0 : i32
      %dma_wait3A_628 = arith.constant 0 : i32
      %dma_wait3A_629 = tpu.memref_slice %arg3[%dma_wait3A_627, %dma_wait3A_628] : memref<64x1000000xf32, #tpu.memory_space<hbm>> -> memref<64x128xf32, #tpu.memory_space<hbm>>
      %dma_wait3A_630 = arith.constant 0 : i32
      %dma_wait3A_631 = arith.constant 0 : i32
      %dma_wait3A_632 = tpu.memref_slice %arg6[%dma_wait3A_622, %dma_wait3A_630, %dma_wait3A_631] : memref<8x64x128xf32, #tpu.memory_space<vmem>> -> memref<1x64x128xf32, #tpu.memory_space<vmem>>
      %dma_wait3A_633 = tpu.memref_squeeze %dma_wait3A_632 : memref<1x64x128xf32, #tpu.memory_space<vmem>> -> memref<64x128xf32, #tpu.memory_space<vmem>>
      %dma_wait3A_634 = arith.constant 0 : i32
      %dma_wait3A_635 = arith.constant 0 : i32
      %dma_wait3A_636 = tpu.memref_slice %arg3[%dma_wait3A_634, %dma_wait3A_635] : memref<64x1000000xf32, #tpu.memory_space<hbm>> -> memref<64x128xf32, #tpu.memory_space<hbm>>
      tpu.wait_dma2 semaphore(%arg15 : memref<!tpu.dma_semaphore, #tpu.memory_space<semaphore_mem>>) src(%dma_wait3A_636 : memref<64x128xf32, #tpu.memory_space<hbm>>) dst(%dma_wait3A_633 : memref<64x128xf32, #tpu.memory_space<vmem>>)
      %broadcast_in_dim3A_637 = arith.constant 0 : i32
      %broadcast_in_dim3A_638 = vector.broadcast %broadcast_in_dim3A_637 : i32 to vector<16xi32>
      %and3A_639 = arith.constant 127 : i32
      %and3A_640 = arith.andi %squeeze3A_621, %and3A_639 : i32
      %add3A_641 = vector.broadcast %and3A_640 : i32 to vector<16xi32>
      %add3A_642 = arith.addi %broadcast_in_dim3A_638, %add3A_641 : vector<16xi32>
      %broadcast_in_dim3A_643 = arith.constant 0 : i32
      %broadcast_in_dim3A_644 = vector.broadcast %broadcast_in_dim3A_643 : i32 to vector<16xi32>
      %and3A_645 = arith.constant 127 : i32
      %and3A_646 = arith.andi %add3A_615, %and3A_645 : i32
      %add3A_647 = vector.broadcast %and3A_646 : i32 to vector<16xi32>
      %add3A_648 = arith.addi %broadcast_in_dim3A_644, %add3A_647 : vector<16xi32>
      %broadcast_in_dim3A_649 = arith.constant 7 : i32
      %broadcast_in_dim3A_650 = vector.broadcast %broadcast_in_dim3A_649 : i32 to vector<16xi32>
      %add3A_651 = arith.constant 0 : i32
      %add3A_652 = vector.broadcast %add3A_651 : i32 to vector<16xi32>
      %add3A_653 = arith.addi %add3A_652, %iota3A : vector<16xi32>
      %gather3A_654 = tpu.vector_load_idx %arg6[%broadcast_in_dim3A_650, %add3A_653, %add3A_642] : memref<8x64x128xf32, #tpu.memory_space<vmem>>[vector<16xi32>, vector<16xi32>, vector<16xi32>], vector<16xf32>,
      tpu.vector_store_idx %arg7[%add3A_653, %add3A_648], %gather3A_654 : memref<64x128xf32, #tpu.memory_space<vmem>>[vector<16xi32>, vector<16xi32>], vector<16xf32>,
      %add3A_655 = arith.constant 16 : i32
      %add3A_656 = vector.broadcast %add3A_655 : i32 to vector<16xi32>
      %add3A_657 = arith.addi %add3A_656, %iota3A : vector<16xi32>
      %gather3A_658 = tpu.vector_load_idx %arg6[%broadcast_in_dim3A_650, %add3A_657, %add3A_642] : memref<8x64x128xf32, #tpu.memory_space<vmem>>[vector<16xi32>, vector<16xi32>, vector<16xi32>], vector<16xf32>,
      tpu.vector_store_idx %arg7[%add3A_657, %add3A_648], %gather3A_658 : memref<64x128xf32, #tpu.memory_space<vmem>>[vector<16xi32>, vector<16xi32>], vector<16xf32>,
      %add3A_659 = arith.constant 32 : i32
      %add3A_660 = vector.broadcast %add3A_659 : i32 to vector<16xi32>
      %add3A_661 = arith.addi %add3A_660, %iota3A : vector<16xi32>
      %gather3A_662 = tpu.vector_load_idx %arg6[%broadcast_in_dim3A_650, %add3A_661, %add3A_642] : memref<8x64x128xf32, #tpu.memory_space<vmem>>[vector<16xi32>, vector<16xi32>, vector<16xi32>], vector<16xf32>,
      tpu.vector_store_idx %arg7[%add3A_661, %add3A_648], %gather3A_662 : memref<64x128xf32, #tpu.memory_space<vmem>>[vector<16xi32>, vector<16xi32>], vector<16xf32>,
      %add3A_663 = arith.constant 48 : i32
      %add3A_664 = vector.broadcast %add3A_663 : i32 to vector<16xi32>
      %add3A_665 = arith.addi %add3A_664, %iota3A : vector<16xi32>
      %gather3A_666 = tpu.vector_load_idx %arg6[%broadcast_in_dim3A_650, %add3A_665, %add3A_642] : memref<8x64x128xf32, #tpu.memory_space<vmem>>[vector<16xi32>, vector<16xi32>, vector<16xi32>], vector<16xf32>,
      tpu.vector_store_idx %arg7[%add3A_665, %add3A_648], %gather3A_666 : memref<64x128xf32, #tpu.memory_space<vmem>>[vector<16xi32>, vector<16xi32>], vector<16xf32>,
      %slice3A_667 = vector.extract_strided_slice %get3A_170 {offsets = [15], sizes = [1], strides = [1]} : vector<16xi32> to vector<1xi32>
      %squeeze3A_668 = vector.extract %slice3A_667[0] : i32 from vector<1xi32>
      %add3A_669 = arith.constant 8 : i32
      %add3A_670 = arith.addi %add3A_615, %add3A_669 : i32
      %lt3A_671 = arith.constant 512 : i32
      %lt3A_672 = arith.cmpi slt, %add3A_670, %lt3A_671 : i32
      %convert_element_type3A_673 = arith.extui %lt3A_672 : i1 to i32
      %cond3A_674 = arith.constant 0 : i32
      %cond3A_675 = arith.cmpi ne, %convert_element_type3A_673, %cond3A_674 : i32
      scf.if %cond3A_675 {
        %shift_right_arithmetic3A_1204 = arith.constant 7 : i32
        %shift_right_arithmetic3A_1205 = arith.shrsi %squeeze3A_668, %shift_right_arithmetic3A_1204 : i32
        %shift_left3A_1206 = arith.constant 7 : i32
        %shift_left3A_1207 = arith.shli %shift_right_arithmetic3A_1205, %shift_left3A_1206 : i32
        %multiple_of3A_1208 = tpu.assume_multiple %shift_left3A_1207, 128 : i32
        %dma_start3A_1209 = arith.constant 7 : i32
        %dma_start3A_1210 = arith.constant 0 : i32
        %dma_start3A_1211 = arith.constant 0 : i32
        %dma_start3A_1212 = tpu.memref_slice %arg6[%dma_start3A_1209, %dma_start3A_1210, %dma_start3A_1211] : memref<8x64x128xf32, #tpu.memory_space<vmem>> -> memref<1x64x128xf32, #tpu.memory_space<vmem>>
        %dma_start3A_1213 = tpu.memref_squeeze %dma_start3A_1212 : memref<1x64x128xf32, #tpu.memory_space<vmem>> -> memref<64x128xf32, #tpu.memory_space<vmem>>
        %dma_start3A_1214 = arith.constant 0 : i32
        %dma_start3A_1215 = tpu.memref_slice %arg3[%dma_start3A_1214, %multiple_of3A_1208] : memref<64x1000000xf32, #tpu.memory_space<hbm>> -> memref<64x128xf32, #tpu.memory_space<hbm>>
        %dma_start3A_1216 = arith.constant 0 : i32
        %dma_start3A_1217 = arith.constant 0 : i32
        %dma_start3A_1218 = tpu.memref_slice %arg6[%dma_start3A_1209, %dma_start3A_1216, %dma_start3A_1217] : memref<8x64x128xf32, #tpu.memory_space<vmem>> -> memref<1x64x128xf32, #tpu.memory_space<vmem>>
        %dma_start3A_1219 = tpu.memref_squeeze %dma_start3A_1218 : memref<1x64x128xf32, #tpu.memory_space<vmem>> -> memref<64x128xf32, #tpu.memory_space<vmem>>
        %dma_start3A_1220 = arith.constant 0 : i32
        %dma_start3A_1221 = tpu.memref_slice %arg3[%dma_start3A_1220, %multiple_of3A_1208] : memref<64x1000000xf32, #tpu.memory_space<hbm>> -> memref<64x128xf32, #tpu.memory_space<hbm>>
        tpu.enqueue_dma source(%dma_start3A_1221 : memref<64x128xf32, #tpu.memory_space<hbm>>) target(%dma_start3A_1219 : memref<64x128xf32, #tpu.memory_space<vmem>>) target_semaphore(%arg15 : memref<!tpu.dma_semaphore, #tpu.memory_space<semaphore_mem>>)
      } else {
      }
      %mul3A_676 = arith.constant 16 : i32
      %mul3A_677 = arith.muli %add3A_166, %mul3A_676 : i32
      %add3A_678 = arith.constant 8 : i32
      %add3A_679 = arith.addi %mul3A_677, %add3A_678 : i32
      %add3A_680 = arith.constant 1 : i32
      %add3A_681 = arith.addi %add3A_166, %add3A_680 : i32
      %lt3A_682 = arith.constant 32 : i32
      %lt3A_683 = arith.cmpi slt, %add3A_681, %lt3A_682 : i32
      %add3A_684 = arith.constant 1 : i32
      %add3A_685 = arith.addi %add3A_166, %add3A_684 : i32
      %mul3A_686 = arith.constant 16 : i32
      %mul3A_687 = arith.muli %add3A_685, %mul3A_686 : i32
      %jit3A = arith.constant 0 : i32
      %select_n3A = arith.select %lt3A_683, %mul3A_687, %jit3A : i32
      %get3A_688 = arith.index_cast %select_n3A : i32 to index
      %get3A_689 = tpu.vector_load %arg5[%get3A_688] {strides = array<i32>} : memref<512xi32, #tpu.memory_space<vmem>>, vector<16xi32>,
      %mul3A_690 = arith.constant 16 : i32
      %mul3A_691 = arith.muli %add3A_166, %mul3A_690 : i32
      %get3A_692 = arith.index_cast %mul3A_691 : i32 to index
      %get3A_693 = tpu.vector_load %arg5[%get3A_692] {strides = array<i32>} : memref<512xi32, #tpu.memory_space<vmem>>, vector<16xi32>,
      %slice3A_694 = vector.extract_strided_slice %get3A_693 {offsets = [8], sizes = [1], strides = [1]} : vector<16xi32> to vector<1xi32>
      %squeeze3A_695 = vector.extract %slice3A_694[0] : i32 from vector<1xi32>
      %dma_wait3A_696 = arith.constant 0 : i32
      %dma_wait3A_697 = arith.constant 0 : i32
      %dma_wait3A_698 = arith.constant 0 : i32
      %dma_wait3A_699 = tpu.memref_slice %arg6[%dma_wait3A_696, %dma_wait3A_697, %dma_wait3A_698] : memref<8x64x128xf32, #tpu.memory_space<vmem>> -> memref<1x64x128xf32, #tpu.memory_space<vmem>>
      %dma_wait3A_700 = tpu.memref_squeeze %dma_wait3A_699 : memref<1x64x128xf32, #tpu.memory_space<vmem>> -> memref<64x128xf32, #tpu.memory_space<vmem>>
      %dma_wait3A_701 = arith.constant 0 : i32
      %dma_wait3A_702 = arith.constant 0 : i32
      %dma_wait3A_703 = tpu.memref_slice %arg3[%dma_wait3A_701, %dma_wait3A_702] : memref<64x1000000xf32, #tpu.memory_space<hbm>> -> memref<64x128xf32, #tpu.memory_space<hbm>>
      %dma_wait3A_704 = arith.constant 0 : i32
      %dma_wait3A_705 = arith.constant 0 : i32
      %dma_wait3A_706 = tpu.memref_slice %arg6[%dma_wait3A_696, %dma_wait3A_704, %dma_wait3A_705] : memref<8x64x128xf32, #tpu.memory_space<vmem>> -> memref<1x64x128xf32, #tpu.memory_space<vmem>>
      %dma_wait3A_707 = tpu.memref_squeeze %dma_wait3A_706 : memref<1x64x128xf32, #tpu.memory_space<vmem>> -> memref<64x128xf32, #tpu.memory_space<vmem>>
      %dma_wait3A_708 = arith.constant 0 : i32
      %dma_wait3A_709 = arith.constant 0 : i32
      %dma_wait3A_710 = tpu.memref_slice %arg3[%dma_wait3A_708, %dma_wait3A_709] : memref<64x1000000xf32, #tpu.memory_space<hbm>> -> memref<64x128xf32, #tpu.memory_space<hbm>>
      tpu.wait_dma2 semaphore(%arg8 : memref<!tpu.dma_semaphore, #tpu.memory_space<semaphore_mem>>) src(%dma_wait3A_710 : memref<64x128xf32, #tpu.memory_space<hbm>>) dst(%dma_wait3A_707 : memref<64x128xf32, #tpu.memory_space<vmem>>)
      %broadcast_in_dim3A_711 = arith.constant 0 : i32
      %broadcast_in_dim3A_712 = vector.broadcast %broadcast_in_dim3A_711 : i32 to vector<16xi32>
      %and3A_713 = arith.constant 127 : i32
      %and3A_714 = arith.andi %squeeze3A_695, %and3A_713 : i32
      %add3A_715 = vector.broadcast %and3A_714 : i32 to vector<16xi32>
      %add3A_716 = arith.addi %broadcast_in_dim3A_712, %add3A_715 : vector<16xi32>
      %broadcast_in_dim3A_717 = arith.constant 0 : i32
      %broadcast_in_dim3A_718 = vector.broadcast %broadcast_in_dim3A_717 : i32 to vector<16xi32>
      %and3A_719 = arith.constant 127 : i32
      %and3A_720 = arith.andi %add3A_679, %and3A_719 : i32
      %add3A_721 = vector.broadcast %and3A_720 : i32 to vector<16xi32>
      %add3A_722 = arith.addi %broadcast_in_dim3A_718, %add3A_721 : vector<16xi32>
      %broadcast_in_dim3A_723 = arith.constant 0 : i32
      %broadcast_in_dim3A_724 = vector.broadcast %broadcast_in_dim3A_723 : i32 to vector<16xi32>
      %add3A_725 = arith.constant 0 : i32
      %add3A_726 = vector.broadcast %add3A_725 : i32 to vector<16xi32>
      %add3A_727 = arith.addi %add3A_726, %iota3A : vector<16xi32>
      %gather3A_728 = tpu.vector_load_idx %arg6[%broadcast_in_dim3A_724, %add3A_727, %add3A_716] : memref<8x64x128xf32, #tpu.memory_space<vmem>>[vector<16xi32>, vector<16xi32>, vector<16xi32>], vector<16xf32>,
      tpu.vector_store_idx %arg7[%add3A_727, %add3A_722], %gather3A_728 : memref<64x128xf32, #tpu.memory_space<vmem>>[vector<16xi32>, vector<16xi32>], vector<16xf32>,
      %add3A_729 = arith.constant 16 : i32
      %add3A_730 = vector.broadcast %add3A_729 : i32 to vector<16xi32>
      %add3A_731 = arith.addi %add3A_730, %iota3A : vector<16xi32>
      %gather3A_732 = tpu.vector_load_idx %arg6[%broadcast_in_dim3A_724, %add3A_731, %add3A_716] : memref<8x64x128xf32, #tpu.memory_space<vmem>>[vector<16xi32>, vector<16xi32>, vector<16xi32>], vector<16xf32>,
      tpu.vector_store_idx %arg7[%add3A_731, %add3A_722], %gather3A_732 : memref<64x128xf32, #tpu.memory_space<vmem>>[vector<16xi32>, vector<16xi32>], vector<16xf32>,
      %add3A_733 = arith.constant 32 : i32
      %add3A_734 = vector.broadcast %add3A_733 : i32 to vector<16xi32>
      %add3A_735 = arith.addi %add3A_734, %iota3A : vector<16xi32>
      %gather3A_736 = tpu.vector_load_idx %arg6[%broadcast_in_dim3A_724, %add3A_735, %add3A_716] : memref<8x64x128xf32, #tpu.memory_space<vmem>>[vector<16xi32>, vector<16xi32>, vector<16xi32>], vector<16xf32>,
      tpu.vector_store_idx %arg7[%add3A_735, %add3A_722], %gather3A_736 : memref<64x128xf32, #tpu.memory_space<vmem>>[vector<16xi32>, vector<16xi32>], vector<16xf32>,
      %add3A_737 = arith.constant 48 : i32
      %add3A_738 = vector.broadcast %add3A_737 : i32 to vector<16xi32>
      %add3A_739 = arith.addi %add3A_738, %iota3A : vector<16xi32>
      %gather3A_740 = tpu.vector_load_idx %arg6[%broadcast_in_dim3A_724, %add3A_739, %add3A_716] : memref<8x64x128xf32, #tpu.memory_space<vmem>>[vector<16xi32>, vector<16xi32>, vector<16xi32>], vector<16xf32>,
      tpu.vector_store_idx %arg7[%add3A_739, %add3A_722], %gather3A_740 : memref<64x128xf32, #tpu.memory_space<vmem>>[vector<16xi32>, vector<16xi32>], vector<16xf32>,
      %slice3A_741 = vector.extract_strided_slice %get3A_689 {offsets = [0], sizes = [1], strides = [1]} : vector<16xi32> to vector<1xi32>
      %squeeze3A_742 = vector.extract %slice3A_741[0] : i32 from vector<1xi32>
      %add3A_743 = arith.constant 8 : i32
      %add3A_744 = arith.addi %add3A_679, %add3A_743 : i32
      %lt3A_745 = arith.constant 512 : i32
      %lt3A_746 = arith.cmpi slt, %add3A_744, %lt3A_745 : i32
      %convert_element_type3A_747 = arith.extui %lt3A_746 : i1 to i32
      %cond3A_748 = arith.constant 0 : i32
      %cond3A_749 = arith.cmpi ne, %convert_element_type3A_747, %cond3A_748 : i32
      scf.if %cond3A_749 {
        %shift_right_arithmetic3A_1204 = arith.constant 7 : i32
        %shift_right_arithmetic3A_1205 = arith.shrsi %squeeze3A_742, %shift_right_arithmetic3A_1204 : i32
        %shift_left3A_1206 = arith.constant 7 : i32
        %shift_left3A_1207 = arith.shli %shift_right_arithmetic3A_1205, %shift_left3A_1206 : i32
        %multiple_of3A_1208 = tpu.assume_multiple %shift_left3A_1207, 128 : i32
        %dma_start3A_1209 = arith.constant 0 : i32
        %dma_start3A_1210 = arith.constant 0 : i32
        %dma_start3A_1211 = arith.constant 0 : i32
        %dma_start3A_1212 = tpu.memref_slice %arg6[%dma_start3A_1209, %dma_start3A_1210, %dma_start3A_1211] : memref<8x64x128xf32, #tpu.memory_space<vmem>> -> memref<1x64x128xf32, #tpu.memory_space<vmem>>
        %dma_start3A_1213 = tpu.memref_squeeze %dma_start3A_1212 : memref<1x64x128xf32, #tpu.memory_space<vmem>> -> memref<64x128xf32, #tpu.memory_space<vmem>>
        %dma_start3A_1214 = arith.constant 0 : i32
        %dma_start3A_1215 = tpu.memref_slice %arg3[%dma_start3A_1214, %multiple_of3A_1208] : memref<64x1000000xf32, #tpu.memory_space<hbm>> -> memref<64x128xf32, #tpu.memory_space<hbm>>
        %dma_start3A_1216 = arith.constant 0 : i32
        %dma_start3A_1217 = arith.constant 0 : i32
        %dma_start3A_1218 = tpu.memref_slice %arg6[%dma_start3A_1209, %dma_start3A_1216, %dma_start3A_1217] : memref<8x64x128xf32, #tpu.memory_space<vmem>> -> memref<1x64x128xf32, #tpu.memory_space<vmem>>
        %dma_start3A_1219 = tpu.memref_squeeze %dma_start3A_1218 : memref<1x64x128xf32, #tpu.memory_space<vmem>> -> memref<64x128xf32, #tpu.memory_space<vmem>>
        %dma_start3A_1220 = arith.constant 0 : i32
        %dma_start3A_1221 = tpu.memref_slice %arg3[%dma_start3A_1220, %multiple_of3A_1208] : memref<64x1000000xf32, #tpu.memory_space<hbm>> -> memref<64x128xf32, #tpu.memory_space<hbm>>
        tpu.enqueue_dma source(%dma_start3A_1221 : memref<64x128xf32, #tpu.memory_space<hbm>>) target(%dma_start3A_1219 : memref<64x128xf32, #tpu.memory_space<vmem>>) target_semaphore(%arg8 : memref<!tpu.dma_semaphore, #tpu.memory_space<semaphore_mem>>)
      } else {
      }
      %mul3A_750 = arith.constant 16 : i32
      %mul3A_751 = arith.muli %add3A_166, %mul3A_750 : i32
      %add3A_752 = arith.constant 9 : i32
      %add3A_753 = arith.addi %mul3A_751, %add3A_752 : i32
      %mul3A_754 = arith.constant 16 : i32
      %mul3A_755 = arith.muli %add3A_166, %mul3A_754 : i32
      %get3A_756 = arith.index_cast %mul3A_755 : i32 to index
      %get3A_757 = tpu.vector_load %arg5[%get3A_756] {strides = array<i32>} : memref<512xi32, #tpu.memory_space<vmem>>, vector<16xi32>,
      %slice3A_758 = vector.extract_strided_slice %get3A_757 {offsets = [9], sizes = [1], strides = [1]} : vector<16xi32> to vector<1xi32>
      %squeeze3A_759 = vector.extract %slice3A_758[0] : i32 from vector<1xi32>
      %dma_wait3A_760 = arith.constant 1 : i32
      %dma_wait3A_761 = arith.constant 0 : i32
      %dma_wait3A_762 = arith.constant 0 : i32
      %dma_wait3A_763 = tpu.memref_slice %arg6[%dma_wait3A_760, %dma_wait3A_761, %dma_wait3A_762] : memref<8x64x128xf32, #tpu.memory_space<vmem>> -> memref<1x64x128xf32, #tpu.memory_space<vmem>>
      %dma_wait3A_764 = tpu.memref_squeeze %dma_wait3A_763 : memref<1x64x128xf32, #tpu.memory_space<vmem>> -> memref<64x128xf32, #tpu.memory_space<vmem>>
      %dma_wait3A_765 = arith.constant 0 : i32
      %dma_wait3A_766 = arith.constant 0 : i32
      %dma_wait3A_767 = tpu.memref_slice %arg3[%dma_wait3A_765, %dma_wait3A_766] : memref<64x1000000xf32, #tpu.memory_space<hbm>> -> memref<64x128xf32, #tpu.memory_space<hbm>>
      %dma_wait3A_768 = arith.constant 0 : i32
      %dma_wait3A_769 = arith.constant 0 : i32
      %dma_wait3A_770 = tpu.memref_slice %arg6[%dma_wait3A_760, %dma_wait3A_768, %dma_wait3A_769] : memref<8x64x128xf32, #tpu.memory_space<vmem>> -> memref<1x64x128xf32, #tpu.memory_space<vmem>>
      %dma_wait3A_771 = tpu.memref_squeeze %dma_wait3A_770 : memref<1x64x128xf32, #tpu.memory_space<vmem>> -> memref<64x128xf32, #tpu.memory_space<vmem>>
      %dma_wait3A_772 = arith.constant 0 : i32
      %dma_wait3A_773 = arith.constant 0 : i32
      %dma_wait3A_774 = tpu.memref_slice %arg3[%dma_wait3A_772, %dma_wait3A_773] : memref<64x1000000xf32, #tpu.memory_space<hbm>> -> memref<64x128xf32, #tpu.memory_space<hbm>>
      tpu.wait_dma2 semaphore(%arg9 : memref<!tpu.dma_semaphore, #tpu.memory_space<semaphore_mem>>) src(%dma_wait3A_774 : memref<64x128xf32, #tpu.memory_space<hbm>>) dst(%dma_wait3A_771 : memref<64x128xf32, #tpu.memory_space<vmem>>)
      %broadcast_in_dim3A_775 = arith.constant 0 : i32
      %broadcast_in_dim3A_776 = vector.broadcast %broadcast_in_dim3A_775 : i32 to vector<16xi32>
      %and3A_777 = arith.constant 127 : i32
      %and3A_778 = arith.andi %squeeze3A_759, %and3A_777 : i32
      %add3A_779 = vector.broadcast %and3A_778 : i32 to vector<16xi32>
      %add3A_780 = arith.addi %broadcast_in_dim3A_776, %add3A_779 : vector<16xi32>
      %broadcast_in_dim3A_781 = arith.constant 0 : i32
      %broadcast_in_dim3A_782 = vector.broadcast %broadcast_in_dim3A_781 : i32 to vector<16xi32>
      %and3A_783 = arith.constant 127 : i32
      %and3A_784 = arith.andi %add3A_753, %and3A_783 : i32
      %add3A_785 = vector.broadcast %and3A_784 : i32 to vector<16xi32>
      %add3A_786 = arith.addi %broadcast_in_dim3A_782, %add3A_785 : vector<16xi32>
      %broadcast_in_dim3A_787 = arith.constant 1 : i32
      %broadcast_in_dim3A_788 = vector.broadcast %broadcast_in_dim3A_787 : i32 to vector<16xi32>
      %add3A_789 = arith.constant 0 : i32
      %add3A_790 = vector.broadcast %add3A_789 : i32 to vector<16xi32>
      %add3A_791 = arith.addi %add3A_790, %iota3A : vector<16xi32>
      %gather3A_792 = tpu.vector_load_idx %arg6[%broadcast_in_dim3A_788, %add3A_791, %add3A_780] : memref<8x64x128xf32, #tpu.memory_space<vmem>>[vector<16xi32>, vector<16xi32>, vector<16xi32>], vector<16xf32>,
      tpu.vector_store_idx %arg7[%add3A_791, %add3A_786], %gather3A_792 : memref<64x128xf32, #tpu.memory_space<vmem>>[vector<16xi32>, vector<16xi32>], vector<16xf32>,
      %add3A_793 = arith.constant 16 : i32
      %add3A_794 = vector.broadcast %add3A_793 : i32 to vector<16xi32>
      %add3A_795 = arith.addi %add3A_794, %iota3A : vector<16xi32>
      %gather3A_796 = tpu.vector_load_idx %arg6[%broadcast_in_dim3A_788, %add3A_795, %add3A_780] : memref<8x64x128xf32, #tpu.memory_space<vmem>>[vector<16xi32>, vector<16xi32>, vector<16xi32>], vector<16xf32>,
      tpu.vector_store_idx %arg7[%add3A_795, %add3A_786], %gather3A_796 : memref<64x128xf32, #tpu.memory_space<vmem>>[vector<16xi32>, vector<16xi32>], vector<16xf32>,
      %add3A_797 = arith.constant 32 : i32
      %add3A_798 = vector.broadcast %add3A_797 : i32 to vector<16xi32>
      %add3A_799 = arith.addi %add3A_798, %iota3A : vector<16xi32>
      %gather3A_800 = tpu.vector_load_idx %arg6[%broadcast_in_dim3A_788, %add3A_799, %add3A_780] : memref<8x64x128xf32, #tpu.memory_space<vmem>>[vector<16xi32>, vector<16xi32>, vector<16xi32>], vector<16xf32>,
      tpu.vector_store_idx %arg7[%add3A_799, %add3A_786], %gather3A_800 : memref<64x128xf32, #tpu.memory_space<vmem>>[vector<16xi32>, vector<16xi32>], vector<16xf32>,
      %add3A_801 = arith.constant 48 : i32
      %add3A_802 = vector.broadcast %add3A_801 : i32 to vector<16xi32>
      %add3A_803 = arith.addi %add3A_802, %iota3A : vector<16xi32>
      %gather3A_804 = tpu.vector_load_idx %arg6[%broadcast_in_dim3A_788, %add3A_803, %add3A_780] : memref<8x64x128xf32, #tpu.memory_space<vmem>>[vector<16xi32>, vector<16xi32>, vector<16xi32>], vector<16xf32>,
      tpu.vector_store_idx %arg7[%add3A_803, %add3A_786], %gather3A_804 : memref<64x128xf32, #tpu.memory_space<vmem>>[vector<16xi32>, vector<16xi32>], vector<16xf32>,
      %slice3A_805 = vector.extract_strided_slice %get3A_689 {offsets = [1], sizes = [1], strides = [1]} : vector<16xi32> to vector<1xi32>
      %squeeze3A_806 = vector.extract %slice3A_805[0] : i32 from vector<1xi32>
      %add3A_807 = arith.constant 8 : i32
      %add3A_808 = arith.addi %add3A_753, %add3A_807 : i32
      %lt3A_809 = arith.constant 512 : i32
      %lt3A_810 = arith.cmpi slt, %add3A_808, %lt3A_809 : i32
      %convert_element_type3A_811 = arith.extui %lt3A_810 : i1 to i32
      %cond3A_812 = arith.constant 0 : i32
      %cond3A_813 = arith.cmpi ne, %convert_element_type3A_811, %cond3A_812 : i32
      scf.if %cond3A_813 {
        %shift_right_arithmetic3A_1204 = arith.constant 7 : i32
        %shift_right_arithmetic3A_1205 = arith.shrsi %squeeze3A_806, %shift_right_arithmetic3A_1204 : i32
        %shift_left3A_1206 = arith.constant 7 : i32
        %shift_left3A_1207 = arith.shli %shift_right_arithmetic3A_1205, %shift_left3A_1206 : i32
        %multiple_of3A_1208 = tpu.assume_multiple %shift_left3A_1207, 128 : i32
        %dma_start3A_1209 = arith.constant 1 : i32
        %dma_start3A_1210 = arith.constant 0 : i32
        %dma_start3A_1211 = arith.constant 0 : i32
        %dma_start3A_1212 = tpu.memref_slice %arg6[%dma_start3A_1209, %dma_start3A_1210, %dma_start3A_1211] : memref<8x64x128xf32, #tpu.memory_space<vmem>> -> memref<1x64x128xf32, #tpu.memory_space<vmem>>
        %dma_start3A_1213 = tpu.memref_squeeze %dma_start3A_1212 : memref<1x64x128xf32, #tpu.memory_space<vmem>> -> memref<64x128xf32, #tpu.memory_space<vmem>>
        %dma_start3A_1214 = arith.constant 0 : i32
        %dma_start3A_1215 = tpu.memref_slice %arg3[%dma_start3A_1214, %multiple_of3A_1208] : memref<64x1000000xf32, #tpu.memory_space<hbm>> -> memref<64x128xf32, #tpu.memory_space<hbm>>
        %dma_start3A_1216 = arith.constant 0 : i32
        %dma_start3A_1217 = arith.constant 0 : i32
        %dma_start3A_1218 = tpu.memref_slice %arg6[%dma_start3A_1209, %dma_start3A_1216, %dma_start3A_1217] : memref<8x64x128xf32, #tpu.memory_space<vmem>> -> memref<1x64x128xf32, #tpu.memory_space<vmem>>
        %dma_start3A_1219 = tpu.memref_squeeze %dma_start3A_1218 : memref<1x64x128xf32, #tpu.memory_space<vmem>> -> memref<64x128xf32, #tpu.memory_space<vmem>>
        %dma_start3A_1220 = arith.constant 0 : i32
        %dma_start3A_1221 = tpu.memref_slice %arg3[%dma_start3A_1220, %multiple_of3A_1208] : memref<64x1000000xf32, #tpu.memory_space<hbm>> -> memref<64x128xf32, #tpu.memory_space<hbm>>
        tpu.enqueue_dma source(%dma_start3A_1221 : memref<64x128xf32, #tpu.memory_space<hbm>>) target(%dma_start3A_1219 : memref<64x128xf32, #tpu.memory_space<vmem>>) target_semaphore(%arg9 : memref<!tpu.dma_semaphore, #tpu.memory_space<semaphore_mem>>)
      } else {
      }
      %mul3A_814 = arith.constant 16 : i32
      %mul3A_815 = arith.muli %add3A_166, %mul3A_814 : i32
      %add3A_816 = arith.constant 10 : i32
      %add3A_817 = arith.addi %mul3A_815, %add3A_816 : i32
      %mul3A_818 = arith.constant 16 : i32
      %mul3A_819 = arith.muli %add3A_166, %mul3A_818 : i32
      %get3A_820 = arith.index_cast %mul3A_819 : i32 to index
      %get3A_821 = tpu.vector_load %arg5[%get3A_820] {strides = array<i32>} : memref<512xi32, #tpu.memory_space<vmem>>, vector<16xi32>,
      %slice3A_822 = vector.extract_strided_slice %get3A_821 {offsets = [10], sizes = [1], strides = [1]} : vector<16xi32> to vector<1xi32>
      %squeeze3A_823 = vector.extract %slice3A_822[0] : i32 from vector<1xi32>
      %dma_wait3A_824 = arith.constant 2 : i32
      %dma_wait3A_825 = arith.constant 0 : i32
      %dma_wait3A_826 = arith.constant 0 : i32
      %dma_wait3A_827 = tpu.memref_slice %arg6[%dma_wait3A_824, %dma_wait3A_825, %dma_wait3A_826] : memref<8x64x128xf32, #tpu.memory_space<vmem>> -> memref<1x64x128xf32, #tpu.memory_space<vmem>>
      %dma_wait3A_828 = tpu.memref_squeeze %dma_wait3A_827 : memref<1x64x128xf32, #tpu.memory_space<vmem>> -> memref<64x128xf32, #tpu.memory_space<vmem>>
      %dma_wait3A_829 = arith.constant 0 : i32
      %dma_wait3A_830 = arith.constant 0 : i32
      %dma_wait3A_831 = tpu.memref_slice %arg3[%dma_wait3A_829, %dma_wait3A_830] : memref<64x1000000xf32, #tpu.memory_space<hbm>> -> memref<64x128xf32, #tpu.memory_space<hbm>>
      %dma_wait3A_832 = arith.constant 0 : i32
      %dma_wait3A_833 = arith.constant 0 : i32
      %dma_wait3A_834 = tpu.memref_slice %arg6[%dma_wait3A_824, %dma_wait3A_832, %dma_wait3A_833] : memref<8x64x128xf32, #tpu.memory_space<vmem>> -> memref<1x64x128xf32, #tpu.memory_space<vmem>>
      %dma_wait3A_835 = tpu.memref_squeeze %dma_wait3A_834 : memref<1x64x128xf32, #tpu.memory_space<vmem>> -> memref<64x128xf32, #tpu.memory_space<vmem>>
      %dma_wait3A_836 = arith.constant 0 : i32
      %dma_wait3A_837 = arith.constant 0 : i32
      %dma_wait3A_838 = tpu.memref_slice %arg3[%dma_wait3A_836, %dma_wait3A_837] : memref<64x1000000xf32, #tpu.memory_space<hbm>> -> memref<64x128xf32, #tpu.memory_space<hbm>>
      tpu.wait_dma2 semaphore(%arg10 : memref<!tpu.dma_semaphore, #tpu.memory_space<semaphore_mem>>) src(%dma_wait3A_838 : memref<64x128xf32, #tpu.memory_space<hbm>>) dst(%dma_wait3A_835 : memref<64x128xf32, #tpu.memory_space<vmem>>)
      %broadcast_in_dim3A_839 = arith.constant 0 : i32
      %broadcast_in_dim3A_840 = vector.broadcast %broadcast_in_dim3A_839 : i32 to vector<16xi32>
      %and3A_841 = arith.constant 127 : i32
      %and3A_842 = arith.andi %squeeze3A_823, %and3A_841 : i32
      %add3A_843 = vector.broadcast %and3A_842 : i32 to vector<16xi32>
      %add3A_844 = arith.addi %broadcast_in_dim3A_840, %add3A_843 : vector<16xi32>
      %broadcast_in_dim3A_845 = arith.constant 0 : i32
      %broadcast_in_dim3A_846 = vector.broadcast %broadcast_in_dim3A_845 : i32 to vector<16xi32>
      %and3A_847 = arith.constant 127 : i32
      %and3A_848 = arith.andi %add3A_817, %and3A_847 : i32
      %add3A_849 = vector.broadcast %and3A_848 : i32 to vector<16xi32>
      %add3A_850 = arith.addi %broadcast_in_dim3A_846, %add3A_849 : vector<16xi32>
      %broadcast_in_dim3A_851 = arith.constant 2 : i32
      %broadcast_in_dim3A_852 = vector.broadcast %broadcast_in_dim3A_851 : i32 to vector<16xi32>
      %add3A_853 = arith.constant 0 : i32
      %add3A_854 = vector.broadcast %add3A_853 : i32 to vector<16xi32>
      %add3A_855 = arith.addi %add3A_854, %iota3A : vector<16xi32>
      %gather3A_856 = tpu.vector_load_idx %arg6[%broadcast_in_dim3A_852, %add3A_855, %add3A_844] : memref<8x64x128xf32, #tpu.memory_space<vmem>>[vector<16xi32>, vector<16xi32>, vector<16xi32>], vector<16xf32>,
      tpu.vector_store_idx %arg7[%add3A_855, %add3A_850], %gather3A_856 : memref<64x128xf32, #tpu.memory_space<vmem>>[vector<16xi32>, vector<16xi32>], vector<16xf32>,
      %add3A_857 = arith.constant 16 : i32
      %add3A_858 = vector.broadcast %add3A_857 : i32 to vector<16xi32>
      %add3A_859 = arith.addi %add3A_858, %iota3A : vector<16xi32>
      %gather3A_860 = tpu.vector_load_idx %arg6[%broadcast_in_dim3A_852, %add3A_859, %add3A_844] : memref<8x64x128xf32, #tpu.memory_space<vmem>>[vector<16xi32>, vector<16xi32>, vector<16xi32>], vector<16xf32>,
      tpu.vector_store_idx %arg7[%add3A_859, %add3A_850], %gather3A_860 : memref<64x128xf32, #tpu.memory_space<vmem>>[vector<16xi32>, vector<16xi32>], vector<16xf32>,
      %add3A_861 = arith.constant 32 : i32
      %add3A_862 = vector.broadcast %add3A_861 : i32 to vector<16xi32>
      %add3A_863 = arith.addi %add3A_862, %iota3A : vector<16xi32>
      %gather3A_864 = tpu.vector_load_idx %arg6[%broadcast_in_dim3A_852, %add3A_863, %add3A_844] : memref<8x64x128xf32, #tpu.memory_space<vmem>>[vector<16xi32>, vector<16xi32>, vector<16xi32>], vector<16xf32>,
      tpu.vector_store_idx %arg7[%add3A_863, %add3A_850], %gather3A_864 : memref<64x128xf32, #tpu.memory_space<vmem>>[vector<16xi32>, vector<16xi32>], vector<16xf32>,
      %add3A_865 = arith.constant 48 : i32
      %add3A_866 = vector.broadcast %add3A_865 : i32 to vector<16xi32>
      %add3A_867 = arith.addi %add3A_866, %iota3A : vector<16xi32>
      %gather3A_868 = tpu.vector_load_idx %arg6[%broadcast_in_dim3A_852, %add3A_867, %add3A_844] : memref<8x64x128xf32, #tpu.memory_space<vmem>>[vector<16xi32>, vector<16xi32>, vector<16xi32>], vector<16xf32>,
      tpu.vector_store_idx %arg7[%add3A_867, %add3A_850], %gather3A_868 : memref<64x128xf32, #tpu.memory_space<vmem>>[vector<16xi32>, vector<16xi32>], vector<16xf32>,
      %slice3A_869 = vector.extract_strided_slice %get3A_689 {offsets = [2], sizes = [1], strides = [1]} : vector<16xi32> to vector<1xi32>
      %squeeze3A_870 = vector.extract %slice3A_869[0] : i32 from vector<1xi32>
      %add3A_871 = arith.constant 8 : i32
      %add3A_872 = arith.addi %add3A_817, %add3A_871 : i32
      %lt3A_873 = arith.constant 512 : i32
      %lt3A_874 = arith.cmpi slt, %add3A_872, %lt3A_873 : i32
      %convert_element_type3A_875 = arith.extui %lt3A_874 : i1 to i32
      %cond3A_876 = arith.constant 0 : i32
      %cond3A_877 = arith.cmpi ne, %convert_element_type3A_875, %cond3A_876 : i32
      scf.if %cond3A_877 {
        %shift_right_arithmetic3A_1204 = arith.constant 7 : i32
        %shift_right_arithmetic3A_1205 = arith.shrsi %squeeze3A_870, %shift_right_arithmetic3A_1204 : i32
        %shift_left3A_1206 = arith.constant 7 : i32
        %shift_left3A_1207 = arith.shli %shift_right_arithmetic3A_1205, %shift_left3A_1206 : i32
        %multiple_of3A_1208 = tpu.assume_multiple %shift_left3A_1207, 128 : i32
        %dma_start3A_1209 = arith.constant 2 : i32
        %dma_start3A_1210 = arith.constant 0 : i32
        %dma_start3A_1211 = arith.constant 0 : i32
        %dma_start3A_1212 = tpu.memref_slice %arg6[%dma_start3A_1209, %dma_start3A_1210, %dma_start3A_1211] : memref<8x64x128xf32, #tpu.memory_space<vmem>> -> memref<1x64x128xf32, #tpu.memory_space<vmem>>
        %dma_start3A_1213 = tpu.memref_squeeze %dma_start3A_1212 : memref<1x64x128xf32, #tpu.memory_space<vmem>> -> memref<64x128xf32, #tpu.memory_space<vmem>>
        %dma_start3A_1214 = arith.constant 0 : i32
        %dma_start3A_1215 = tpu.memref_slice %arg3[%dma_start3A_1214, %multiple_of3A_1208] : memref<64x1000000xf32, #tpu.memory_space<hbm>> -> memref<64x128xf32, #tpu.memory_space<hbm>>
        %dma_start3A_1216 = arith.constant 0 : i32
        %dma_start3A_1217 = arith.constant 0 : i32
        %dma_start3A_1218 = tpu.memref_slice %arg6[%dma_start3A_1209, %dma_start3A_1216, %dma_start3A_1217] : memref<8x64x128xf32, #tpu.memory_space<vmem>> -> memref<1x64x128xf32, #tpu.memory_space<vmem>>
        %dma_start3A_1219 = tpu.memref_squeeze %dma_start3A_1218 : memref<1x64x128xf32, #tpu.memory_space<vmem>> -> memref<64x128xf32, #tpu.memory_space<vmem>>
        %dma_start3A_1220 = arith.constant 0 : i32
        %dma_start3A_1221 = tpu.memref_slice %arg3[%dma_start3A_1220, %multiple_of3A_1208] : memref<64x1000000xf32, #tpu.memory_space<hbm>> -> memref<64x128xf32, #tpu.memory_space<hbm>>
        tpu.enqueue_dma source(%dma_start3A_1221 : memref<64x128xf32, #tpu.memory_space<hbm>>) target(%dma_start3A_1219 : memref<64x128xf32, #tpu.memory_space<vmem>>) target_semaphore(%arg10 : memref<!tpu.dma_semaphore, #tpu.memory_space<semaphore_mem>>)
      } else {
      }
      %mul3A_878 = arith.constant 16 : i32
      %mul3A_879 = arith.muli %add3A_166, %mul3A_878 : i32
      %add3A_880 = arith.constant 11 : i32
      %add3A_881 = arith.addi %mul3A_879, %add3A_880 : i32
      %mul3A_882 = arith.constant 16 : i32
      %mul3A_883 = arith.muli %add3A_166, %mul3A_882 : i32
      %get3A_884 = arith.index_cast %mul3A_883 : i32 to index
      %get3A_885 = tpu.vector_load %arg5[%get3A_884] {strides = array<i32>} : memref<512xi32, #tpu.memory_space<vmem>>, vector<16xi32>,
      %slice3A_886 = vector.extract_strided_slice %get3A_885 {offsets = [11], sizes = [1], strides = [1]} : vector<16xi32> to vector<1xi32>
      %squeeze3A_887 = vector.extract %slice3A_886[0] : i32 from vector<1xi32>
      %dma_wait3A_888 = arith.constant 3 : i32
      %dma_wait3A_889 = arith.constant 0 : i32
      %dma_wait3A_890 = arith.constant 0 : i32
      %dma_wait3A_891 = tpu.memref_slice %arg6[%dma_wait3A_888, %dma_wait3A_889, %dma_wait3A_890] : memref<8x64x128xf32, #tpu.memory_space<vmem>> -> memref<1x64x128xf32, #tpu.memory_space<vmem>>
      %dma_wait3A_892 = tpu.memref_squeeze %dma_wait3A_891 : memref<1x64x128xf32, #tpu.memory_space<vmem>> -> memref<64x128xf32, #tpu.memory_space<vmem>>
      %dma_wait3A_893 = arith.constant 0 : i32
      %dma_wait3A_894 = arith.constant 0 : i32
      %dma_wait3A_895 = tpu.memref_slice %arg3[%dma_wait3A_893, %dma_wait3A_894] : memref<64x1000000xf32, #tpu.memory_space<hbm>> -> memref<64x128xf32, #tpu.memory_space<hbm>>
      %dma_wait3A_896 = arith.constant 0 : i32
      %dma_wait3A_897 = arith.constant 0 : i32
      %dma_wait3A_898 = tpu.memref_slice %arg6[%dma_wait3A_888, %dma_wait3A_896, %dma_wait3A_897] : memref<8x64x128xf32, #tpu.memory_space<vmem>> -> memref<1x64x128xf32, #tpu.memory_space<vmem>>
      %dma_wait3A_899 = tpu.memref_squeeze %dma_wait3A_898 : memref<1x64x128xf32, #tpu.memory_space<vmem>> -> memref<64x128xf32, #tpu.memory_space<vmem>>
      %dma_wait3A_900 = arith.constant 0 : i32
      %dma_wait3A_901 = arith.constant 0 : i32
      %dma_wait3A_902 = tpu.memref_slice %arg3[%dma_wait3A_900, %dma_wait3A_901] : memref<64x1000000xf32, #tpu.memory_space<hbm>> -> memref<64x128xf32, #tpu.memory_space<hbm>>
      tpu.wait_dma2 semaphore(%arg11 : memref<!tpu.dma_semaphore, #tpu.memory_space<semaphore_mem>>) src(%dma_wait3A_902 : memref<64x128xf32, #tpu.memory_space<hbm>>) dst(%dma_wait3A_899 : memref<64x128xf32, #tpu.memory_space<vmem>>)
      %broadcast_in_dim3A_903 = arith.constant 0 : i32
      %broadcast_in_dim3A_904 = vector.broadcast %broadcast_in_dim3A_903 : i32 to vector<16xi32>
      %and3A_905 = arith.constant 127 : i32
      %and3A_906 = arith.andi %squeeze3A_887, %and3A_905 : i32
      %add3A_907 = vector.broadcast %and3A_906 : i32 to vector<16xi32>
      %add3A_908 = arith.addi %broadcast_in_dim3A_904, %add3A_907 : vector<16xi32>
      %broadcast_in_dim3A_909 = arith.constant 0 : i32
      %broadcast_in_dim3A_910 = vector.broadcast %broadcast_in_dim3A_909 : i32 to vector<16xi32>
      %and3A_911 = arith.constant 127 : i32
      %and3A_912 = arith.andi %add3A_881, %and3A_911 : i32
      %add3A_913 = vector.broadcast %and3A_912 : i32 to vector<16xi32>
      %add3A_914 = arith.addi %broadcast_in_dim3A_910, %add3A_913 : vector<16xi32>
      %broadcast_in_dim3A_915 = arith.constant 3 : i32
      %broadcast_in_dim3A_916 = vector.broadcast %broadcast_in_dim3A_915 : i32 to vector<16xi32>
      %add3A_917 = arith.constant 0 : i32
      %add3A_918 = vector.broadcast %add3A_917 : i32 to vector<16xi32>
      %add3A_919 = arith.addi %add3A_918, %iota3A : vector<16xi32>
      %gather3A_920 = tpu.vector_load_idx %arg6[%broadcast_in_dim3A_916, %add3A_919, %add3A_908] : memref<8x64x128xf32, #tpu.memory_space<vmem>>[vector<16xi32>, vector<16xi32>, vector<16xi32>], vector<16xf32>,
      tpu.vector_store_idx %arg7[%add3A_919, %add3A_914], %gather3A_920 : memref<64x128xf32, #tpu.memory_space<vmem>>[vector<16xi32>, vector<16xi32>], vector<16xf32>,
      %add3A_921 = arith.constant 16 : i32
      %add3A_922 = vector.broadcast %add3A_921 : i32 to vector<16xi32>
      %add3A_923 = arith.addi %add3A_922, %iota3A : vector<16xi32>
      %gather3A_924 = tpu.vector_load_idx %arg6[%broadcast_in_dim3A_916, %add3A_923, %add3A_908] : memref<8x64x128xf32, #tpu.memory_space<vmem>>[vector<16xi32>, vector<16xi32>, vector<16xi32>], vector<16xf32>,
      tpu.vector_store_idx %arg7[%add3A_923, %add3A_914], %gather3A_924 : memref<64x128xf32, #tpu.memory_space<vmem>>[vector<16xi32>, vector<16xi32>], vector<16xf32>,
      %add3A_925 = arith.constant 32 : i32
      %add3A_926 = vector.broadcast %add3A_925 : i32 to vector<16xi32>
      %add3A_927 = arith.addi %add3A_926, %iota3A : vector<16xi32>
      %gather3A_928 = tpu.vector_load_idx %arg6[%broadcast_in_dim3A_916, %add3A_927, %add3A_908] : memref<8x64x128xf32, #tpu.memory_space<vmem>>[vector<16xi32>, vector<16xi32>, vector<16xi32>], vector<16xf32>,
      tpu.vector_store_idx %arg7[%add3A_927, %add3A_914], %gather3A_928 : memref<64x128xf32, #tpu.memory_space<vmem>>[vector<16xi32>, vector<16xi32>], vector<16xf32>,
      %add3A_929 = arith.constant 48 : i32
      %add3A_930 = vector.broadcast %add3A_929 : i32 to vector<16xi32>
      %add3A_931 = arith.addi %add3A_930, %iota3A : vector<16xi32>
      %gather3A_932 = tpu.vector_load_idx %arg6[%broadcast_in_dim3A_916, %add3A_931, %add3A_908] : memref<8x64x128xf32, #tpu.memory_space<vmem>>[vector<16xi32>, vector<16xi32>, vector<16xi32>], vector<16xf32>,
      tpu.vector_store_idx %arg7[%add3A_931, %add3A_914], %gather3A_932 : memref<64x128xf32, #tpu.memory_space<vmem>>[vector<16xi32>, vector<16xi32>], vector<16xf32>,
      %slice3A_933 = vector.extract_strided_slice %get3A_689 {offsets = [3], sizes = [1], strides = [1]} : vector<16xi32> to vector<1xi32>
      %squeeze3A_934 = vector.extract %slice3A_933[0] : i32 from vector<1xi32>
      %add3A_935 = arith.constant 8 : i32
      %add3A_936 = arith.addi %add3A_881, %add3A_935 : i32
      %lt3A_937 = arith.constant 512 : i32
      %lt3A_938 = arith.cmpi slt, %add3A_936, %lt3A_937 : i32
      %convert_element_type3A_939 = arith.extui %lt3A_938 : i1 to i32
      %cond3A_940 = arith.constant 0 : i32
      %cond3A_941 = arith.cmpi ne, %convert_element_type3A_939, %cond3A_940 : i32
      scf.if %cond3A_941 {
        %shift_right_arithmetic3A_1204 = arith.constant 7 : i32
        %shift_right_arithmetic3A_1205 = arith.shrsi %squeeze3A_934, %shift_right_arithmetic3A_1204 : i32
        %shift_left3A_1206 = arith.constant 7 : i32
        %shift_left3A_1207 = arith.shli %shift_right_arithmetic3A_1205, %shift_left3A_1206 : i32
        %multiple_of3A_1208 = tpu.assume_multiple %shift_left3A_1207, 128 : i32
        %dma_start3A_1209 = arith.constant 3 : i32
        %dma_start3A_1210 = arith.constant 0 : i32
        %dma_start3A_1211 = arith.constant 0 : i32
        %dma_start3A_1212 = tpu.memref_slice %arg6[%dma_start3A_1209, %dma_start3A_1210, %dma_start3A_1211] : memref<8x64x128xf32, #tpu.memory_space<vmem>> -> memref<1x64x128xf32, #tpu.memory_space<vmem>>
        %dma_start3A_1213 = tpu.memref_squeeze %dma_start3A_1212 : memref<1x64x128xf32, #tpu.memory_space<vmem>> -> memref<64x128xf32, #tpu.memory_space<vmem>>
        %dma_start3A_1214 = arith.constant 0 : i32
        %dma_start3A_1215 = tpu.memref_slice %arg3[%dma_start3A_1214, %multiple_of3A_1208] : memref<64x1000000xf32, #tpu.memory_space<hbm>> -> memref<64x128xf32, #tpu.memory_space<hbm>>
        %dma_start3A_1216 = arith.constant 0 : i32
        %dma_start3A_1217 = arith.constant 0 : i32
        %dma_start3A_1218 = tpu.memref_slice %arg6[%dma_start3A_1209, %dma_start3A_1216, %dma_start3A_1217] : memref<8x64x128xf32, #tpu.memory_space<vmem>> -> memref<1x64x128xf32, #tpu.memory_space<vmem>>
        %dma_start3A_1219 = tpu.memref_squeeze %dma_start3A_1218 : memref<1x64x128xf32, #tpu.memory_space<vmem>> -> memref<64x128xf32, #tpu.memory_space<vmem>>
        %dma_start3A_1220 = arith.constant 0 : i32
        %dma_start3A_1221 = tpu.memref_slice %arg3[%dma_start3A_1220, %multiple_of3A_1208] : memref<64x1000000xf32, #tpu.memory_space<hbm>> -> memref<64x128xf32, #tpu.memory_space<hbm>>
        tpu.enqueue_dma source(%dma_start3A_1221 : memref<64x128xf32, #tpu.memory_space<hbm>>) target(%dma_start3A_1219 : memref<64x128xf32, #tpu.memory_space<vmem>>) target_semaphore(%arg11 : memref<!tpu.dma_semaphore, #tpu.memory_space<semaphore_mem>>)
      } else {
      }
      %mul3A_942 = arith.constant 16 : i32
      %mul3A_943 = arith.muli %add3A_166, %mul3A_942 : i32
      %add3A_944 = arith.constant 12 : i32
      %add3A_945 = arith.addi %mul3A_943, %add3A_944 : i32
      %mul3A_946 = arith.constant 16 : i32
      %mul3A_947 = arith.muli %add3A_166, %mul3A_946 : i32
      %get3A_948 = arith.index_cast %mul3A_947 : i32 to index
      %get3A_949 = tpu.vector_load %arg5[%get3A_948] {strides = array<i32>} : memref<512xi32, #tpu.memory_space<vmem>>, vector<16xi32>,
      %slice3A_950 = vector.extract_strided_slice %get3A_949 {offsets = [12], sizes = [1], strides = [1]} : vector<16xi32> to vector<1xi32>
      %squeeze3A_951 = vector.extract %slice3A_950[0] : i32 from vector<1xi32>
      %dma_wait3A_952 = arith.constant 4 : i32
      %dma_wait3A_953 = arith.constant 0 : i32
      %dma_wait3A_954 = arith.constant 0 : i32
      %dma_wait3A_955 = tpu.memref_slice %arg6[%dma_wait3A_952, %dma_wait3A_953, %dma_wait3A_954] : memref<8x64x128xf32, #tpu.memory_space<vmem>> -> memref<1x64x128xf32, #tpu.memory_space<vmem>>
      %dma_wait3A_956 = tpu.memref_squeeze %dma_wait3A_955 : memref<1x64x128xf32, #tpu.memory_space<vmem>> -> memref<64x128xf32, #tpu.memory_space<vmem>>
      %dma_wait3A_957 = arith.constant 0 : i32
      %dma_wait3A_958 = arith.constant 0 : i32
      %dma_wait3A_959 = tpu.memref_slice %arg3[%dma_wait3A_957, %dma_wait3A_958] : memref<64x1000000xf32, #tpu.memory_space<hbm>> -> memref<64x128xf32, #tpu.memory_space<hbm>>
      %dma_wait3A_960 = arith.constant 0 : i32
      %dma_wait3A_961 = arith.constant 0 : i32
      %dma_wait3A_962 = tpu.memref_slice %arg6[%dma_wait3A_952, %dma_wait3A_960, %dma_wait3A_961] : memref<8x64x128xf32, #tpu.memory_space<vmem>> -> memref<1x64x128xf32, #tpu.memory_space<vmem>>
      %dma_wait3A_963 = tpu.memref_squeeze %dma_wait3A_962 : memref<1x64x128xf32, #tpu.memory_space<vmem>> -> memref<64x128xf32, #tpu.memory_space<vmem>>
      %dma_wait3A_964 = arith.constant 0 : i32
      %dma_wait3A_965 = arith.constant 0 : i32
      %dma_wait3A_966 = tpu.memref_slice %arg3[%dma_wait3A_964, %dma_wait3A_965] : memref<64x1000000xf32, #tpu.memory_space<hbm>> -> memref<64x128xf32, #tpu.memory_space<hbm>>
      tpu.wait_dma2 semaphore(%arg12 : memref<!tpu.dma_semaphore, #tpu.memory_space<semaphore_mem>>) src(%dma_wait3A_966 : memref<64x128xf32, #tpu.memory_space<hbm>>) dst(%dma_wait3A_963 : memref<64x128xf32, #tpu.memory_space<vmem>>)
      %broadcast_in_dim3A_967 = arith.constant 0 : i32
      %broadcast_in_dim3A_968 = vector.broadcast %broadcast_in_dim3A_967 : i32 to vector<16xi32>
      %and3A_969 = arith.constant 127 : i32
      %and3A_970 = arith.andi %squeeze3A_951, %and3A_969 : i32
      %add3A_971 = vector.broadcast %and3A_970 : i32 to vector<16xi32>
      %add3A_972 = arith.addi %broadcast_in_dim3A_968, %add3A_971 : vector<16xi32>
      %broadcast_in_dim3A_973 = arith.constant 0 : i32
      %broadcast_in_dim3A_974 = vector.broadcast %broadcast_in_dim3A_973 : i32 to vector<16xi32>
      %and3A_975 = arith.constant 127 : i32
      %and3A_976 = arith.andi %add3A_945, %and3A_975 : i32
      %add3A_977 = vector.broadcast %and3A_976 : i32 to vector<16xi32>
      %add3A_978 = arith.addi %broadcast_in_dim3A_974, %add3A_977 : vector<16xi32>
      %broadcast_in_dim3A_979 = arith.constant 4 : i32
      %broadcast_in_dim3A_980 = vector.broadcast %broadcast_in_dim3A_979 : i32 to vector<16xi32>
      %add3A_981 = arith.constant 0 : i32
      %add3A_982 = vector.broadcast %add3A_981 : i32 to vector<16xi32>
      %add3A_983 = arith.addi %add3A_982, %iota3A : vector<16xi32>
      %gather3A_984 = tpu.vector_load_idx %arg6[%broadcast_in_dim3A_980, %add3A_983, %add3A_972] : memref<8x64x128xf32, #tpu.memory_space<vmem>>[vector<16xi32>, vector<16xi32>, vector<16xi32>], vector<16xf32>,
      tpu.vector_store_idx %arg7[%add3A_983, %add3A_978], %gather3A_984 : memref<64x128xf32, #tpu.memory_space<vmem>>[vector<16xi32>, vector<16xi32>], vector<16xf32>,
      %add3A_985 = arith.constant 16 : i32
      %add3A_986 = vector.broadcast %add3A_985 : i32 to vector<16xi32>
      %add3A_987 = arith.addi %add3A_986, %iota3A : vector<16xi32>
      %gather3A_988 = tpu.vector_load_idx %arg6[%broadcast_in_dim3A_980, %add3A_987, %add3A_972] : memref<8x64x128xf32, #tpu.memory_space<vmem>>[vector<16xi32>, vector<16xi32>, vector<16xi32>], vector<16xf32>,
      tpu.vector_store_idx %arg7[%add3A_987, %add3A_978], %gather3A_988 : memref<64x128xf32, #tpu.memory_space<vmem>>[vector<16xi32>, vector<16xi32>], vector<16xf32>,
      %add3A_989 = arith.constant 32 : i32
      %add3A_990 = vector.broadcast %add3A_989 : i32 to vector<16xi32>
      %add3A_991 = arith.addi %add3A_990, %iota3A : vector<16xi32>
      %gather3A_992 = tpu.vector_load_idx %arg6[%broadcast_in_dim3A_980, %add3A_991, %add3A_972] : memref<8x64x128xf32, #tpu.memory_space<vmem>>[vector<16xi32>, vector<16xi32>, vector<16xi32>], vector<16xf32>,
      tpu.vector_store_idx %arg7[%add3A_991, %add3A_978], %gather3A_992 : memref<64x128xf32, #tpu.memory_space<vmem>>[vector<16xi32>, vector<16xi32>], vector<16xf32>,
      %add3A_993 = arith.constant 48 : i32
      %add3A_994 = vector.broadcast %add3A_993 : i32 to vector<16xi32>
      %add3A_995 = arith.addi %add3A_994, %iota3A : vector<16xi32>
      %gather3A_996 = tpu.vector_load_idx %arg6[%broadcast_in_dim3A_980, %add3A_995, %add3A_972] : memref<8x64x128xf32, #tpu.memory_space<vmem>>[vector<16xi32>, vector<16xi32>, vector<16xi32>], vector<16xf32>,
      tpu.vector_store_idx %arg7[%add3A_995, %add3A_978], %gather3A_996 : memref<64x128xf32, #tpu.memory_space<vmem>>[vector<16xi32>, vector<16xi32>], vector<16xf32>,
      %slice3A_997 = vector.extract_strided_slice %get3A_689 {offsets = [4], sizes = [1], strides = [1]} : vector<16xi32> to vector<1xi32>
      %squeeze3A_998 = vector.extract %slice3A_997[0] : i32 from vector<1xi32>
      %add3A_999 = arith.constant 8 : i32
      %add3A_1000 = arith.addi %add3A_945, %add3A_999 : i32
      %lt3A_1001 = arith.constant 512 : i32
      %lt3A_1002 = arith.cmpi slt, %add3A_1000, %lt3A_1001 : i32
      %convert_element_type3A_1003 = arith.extui %lt3A_1002 : i1 to i32
      %cond3A_1004 = arith.constant 0 : i32
      %cond3A_1005 = arith.cmpi ne, %convert_element_type3A_1003, %cond3A_1004 : i32
      scf.if %cond3A_1005 {
        %shift_right_arithmetic3A_1204 = arith.constant 7 : i32
        %shift_right_arithmetic3A_1205 = arith.shrsi %squeeze3A_998, %shift_right_arithmetic3A_1204 : i32
        %shift_left3A_1206 = arith.constant 7 : i32
        %shift_left3A_1207 = arith.shli %shift_right_arithmetic3A_1205, %shift_left3A_1206 : i32
        %multiple_of3A_1208 = tpu.assume_multiple %shift_left3A_1207, 128 : i32
        %dma_start3A_1209 = arith.constant 4 : i32
        %dma_start3A_1210 = arith.constant 0 : i32
        %dma_start3A_1211 = arith.constant 0 : i32
        %dma_start3A_1212 = tpu.memref_slice %arg6[%dma_start3A_1209, %dma_start3A_1210, %dma_start3A_1211] : memref<8x64x128xf32, #tpu.memory_space<vmem>> -> memref<1x64x128xf32, #tpu.memory_space<vmem>>
        %dma_start3A_1213 = tpu.memref_squeeze %dma_start3A_1212 : memref<1x64x128xf32, #tpu.memory_space<vmem>> -> memref<64x128xf32, #tpu.memory_space<vmem>>
        %dma_start3A_1214 = arith.constant 0 : i32
        %dma_start3A_1215 = tpu.memref_slice %arg3[%dma_start3A_1214, %multiple_of3A_1208] : memref<64x1000000xf32, #tpu.memory_space<hbm>> -> memref<64x128xf32, #tpu.memory_space<hbm>>
        %dma_start3A_1216 = arith.constant 0 : i32
        %dma_start3A_1217 = arith.constant 0 : i32
        %dma_start3A_1218 = tpu.memref_slice %arg6[%dma_start3A_1209, %dma_start3A_1216, %dma_start3A_1217] : memref<8x64x128xf32, #tpu.memory_space<vmem>> -> memref<1x64x128xf32, #tpu.memory_space<vmem>>
        %dma_start3A_1219 = tpu.memref_squeeze %dma_start3A_1218 : memref<1x64x128xf32, #tpu.memory_space<vmem>> -> memref<64x128xf32, #tpu.memory_space<vmem>>
        %dma_start3A_1220 = arith.constant 0 : i32
        %dma_start3A_1221 = tpu.memref_slice %arg3[%dma_start3A_1220, %multiple_of3A_1208] : memref<64x1000000xf32, #tpu.memory_space<hbm>> -> memref<64x128xf32, #tpu.memory_space<hbm>>
        tpu.enqueue_dma source(%dma_start3A_1221 : memref<64x128xf32, #tpu.memory_space<hbm>>) target(%dma_start3A_1219 : memref<64x128xf32, #tpu.memory_space<vmem>>) target_semaphore(%arg12 : memref<!tpu.dma_semaphore, #tpu.memory_space<semaphore_mem>>)
      } else {
      }
      %mul3A_1006 = arith.constant 16 : i32
      %mul3A_1007 = arith.muli %add3A_166, %mul3A_1006 : i32
      %add3A_1008 = arith.constant 13 : i32
      %add3A_1009 = arith.addi %mul3A_1007, %add3A_1008 : i32
      %mul3A_1010 = arith.constant 16 : i32
      %mul3A_1011 = arith.muli %add3A_166, %mul3A_1010 : i32
      %get3A_1012 = arith.index_cast %mul3A_1011 : i32 to index
      %get3A_1013 = tpu.vector_load %arg5[%get3A_1012] {strides = array<i32>} : memref<512xi32, #tpu.memory_space<vmem>>, vector<16xi32>,
      %slice3A_1014 = vector.extract_strided_slice %get3A_1013 {offsets = [13], sizes = [1], strides = [1]} : vector<16xi32> to vector<1xi32>
      %squeeze3A_1015 = vector.extract %slice3A_1014[0] : i32 from vector<1xi32>
      %dma_wait3A_1016 = arith.constant 5 : i32
      %dma_wait3A_1017 = arith.constant 0 : i32
      %dma_wait3A_1018 = arith.constant 0 : i32
      %dma_wait3A_1019 = tpu.memref_slice %arg6[%dma_wait3A_1016, %dma_wait3A_1017, %dma_wait3A_1018] : memref<8x64x128xf32, #tpu.memory_space<vmem>> -> memref<1x64x128xf32, #tpu.memory_space<vmem>>
      %dma_wait3A_1020 = tpu.memref_squeeze %dma_wait3A_1019 : memref<1x64x128xf32, #tpu.memory_space<vmem>> -> memref<64x128xf32, #tpu.memory_space<vmem>>
      %dma_wait3A_1021 = arith.constant 0 : i32
      %dma_wait3A_1022 = arith.constant 0 : i32
      %dma_wait3A_1023 = tpu.memref_slice %arg3[%dma_wait3A_1021, %dma_wait3A_1022] : memref<64x1000000xf32, #tpu.memory_space<hbm>> -> memref<64x128xf32, #tpu.memory_space<hbm>>
      %dma_wait3A_1024 = arith.constant 0 : i32
      %dma_wait3A_1025 = arith.constant 0 : i32
      %dma_wait3A_1026 = tpu.memref_slice %arg6[%dma_wait3A_1016, %dma_wait3A_1024, %dma_wait3A_1025] : memref<8x64x128xf32, #tpu.memory_space<vmem>> -> memref<1x64x128xf32, #tpu.memory_space<vmem>>
      %dma_wait3A_1027 = tpu.memref_squeeze %dma_wait3A_1026 : memref<1x64x128xf32, #tpu.memory_space<vmem>> -> memref<64x128xf32, #tpu.memory_space<vmem>>
      %dma_wait3A_1028 = arith.constant 0 : i32
      %dma_wait3A_1029 = arith.constant 0 : i32
      %dma_wait3A_1030 = tpu.memref_slice %arg3[%dma_wait3A_1028, %dma_wait3A_1029] : memref<64x1000000xf32, #tpu.memory_space<hbm>> -> memref<64x128xf32, #tpu.memory_space<hbm>>
      tpu.wait_dma2 semaphore(%arg13 : memref<!tpu.dma_semaphore, #tpu.memory_space<semaphore_mem>>) src(%dma_wait3A_1030 : memref<64x128xf32, #tpu.memory_space<hbm>>) dst(%dma_wait3A_1027 : memref<64x128xf32, #tpu.memory_space<vmem>>)
      %broadcast_in_dim3A_1031 = arith.constant 0 : i32
      %broadcast_in_dim3A_1032 = vector.broadcast %broadcast_in_dim3A_1031 : i32 to vector<16xi32>
      %and3A_1033 = arith.constant 127 : i32
      %and3A_1034 = arith.andi %squeeze3A_1015, %and3A_1033 : i32
      %add3A_1035 = vector.broadcast %and3A_1034 : i32 to vector<16xi32>
      %add3A_1036 = arith.addi %broadcast_in_dim3A_1032, %add3A_1035 : vector<16xi32>
      %broadcast_in_dim3A_1037 = arith.constant 0 : i32
      %broadcast_in_dim3A_1038 = vector.broadcast %broadcast_in_dim3A_1037 : i32 to vector<16xi32>
      %and3A_1039 = arith.constant 127 : i32
      %and3A_1040 = arith.andi %add3A_1009, %and3A_1039 : i32
      %add3A_1041 = vector.broadcast %and3A_1040 : i32 to vector<16xi32>
      %add3A_1042 = arith.addi %broadcast_in_dim3A_1038, %add3A_1041 : vector<16xi32>
      %broadcast_in_dim3A_1043 = arith.constant 5 : i32
      %broadcast_in_dim3A_1044 = vector.broadcast %broadcast_in_dim3A_1043 : i32 to vector<16xi32>
      %add3A_1045 = arith.constant 0 : i32
      %add3A_1046 = vector.broadcast %add3A_1045 : i32 to vector<16xi32>
      %add3A_1047 = arith.addi %add3A_1046, %iota3A : vector<16xi32>
      %gather3A_1048 = tpu.vector_load_idx %arg6[%broadcast_in_dim3A_1044, %add3A_1047, %add3A_1036] : memref<8x64x128xf32, #tpu.memory_space<vmem>>[vector<16xi32>, vector<16xi32>, vector<16xi32>], vector<16xf32>,
      tpu.vector_store_idx %arg7[%add3A_1047, %add3A_1042], %gather3A_1048 : memref<64x128xf32, #tpu.memory_space<vmem>>[vector<16xi32>, vector<16xi32>], vector<16xf32>,
      %add3A_1049 = arith.constant 16 : i32
      %add3A_1050 = vector.broadcast %add3A_1049 : i32 to vector<16xi32>
      %add3A_1051 = arith.addi %add3A_1050, %iota3A : vector<16xi32>
      %gather3A_1052 = tpu.vector_load_idx %arg6[%broadcast_in_dim3A_1044, %add3A_1051, %add3A_1036] : memref<8x64x128xf32, #tpu.memory_space<vmem>>[vector<16xi32>, vector<16xi32>, vector<16xi32>], vector<16xf32>,
      tpu.vector_store_idx %arg7[%add3A_1051, %add3A_1042], %gather3A_1052 : memref<64x128xf32, #tpu.memory_space<vmem>>[vector<16xi32>, vector<16xi32>], vector<16xf32>,
      %add3A_1053 = arith.constant 32 : i32
      %add3A_1054 = vector.broadcast %add3A_1053 : i32 to vector<16xi32>
      %add3A_1055 = arith.addi %add3A_1054, %iota3A : vector<16xi32>
      %gather3A_1056 = tpu.vector_load_idx %arg6[%broadcast_in_dim3A_1044, %add3A_1055, %add3A_1036] : memref<8x64x128xf32, #tpu.memory_space<vmem>>[vector<16xi32>, vector<16xi32>, vector<16xi32>], vector<16xf32>,
      tpu.vector_store_idx %arg7[%add3A_1055, %add3A_1042], %gather3A_1056 : memref<64x128xf32, #tpu.memory_space<vmem>>[vector<16xi32>, vector<16xi32>], vector<16xf32>,
      %add3A_1057 = arith.constant 48 : i32
      %add3A_1058 = vector.broadcast %add3A_1057 : i32 to vector<16xi32>
      %add3A_1059 = arith.addi %add3A_1058, %iota3A : vector<16xi32>
      %gather3A_1060 = tpu.vector_load_idx %arg6[%broadcast_in_dim3A_1044, %add3A_1059, %add3A_1036] : memref<8x64x128xf32, #tpu.memory_space<vmem>>[vector<16xi32>, vector<16xi32>, vector<16xi32>], vector<16xf32>,
      tpu.vector_store_idx %arg7[%add3A_1059, %add3A_1042], %gather3A_1060 : memref<64x128xf32, #tpu.memory_space<vmem>>[vector<16xi32>, vector<16xi32>], vector<16xf32>,
      %slice3A_1061 = vector.extract_strided_slice %get3A_689 {offsets = [5], sizes = [1], strides = [1]} : vector<16xi32> to vector<1xi32>
      %squeeze3A_1062 = vector.extract %slice3A_1061[0] : i32 from vector<1xi32>
      %add3A_1063 = arith.constant 8 : i32
      %add3A_1064 = arith.addi %add3A_1009, %add3A_1063 : i32
      %lt3A_1065 = arith.constant 512 : i32
      %lt3A_1066 = arith.cmpi slt, %add3A_1064, %lt3A_1065 : i32
      %convert_element_type3A_1067 = arith.extui %lt3A_1066 : i1 to i32
      %cond3A_1068 = arith.constant 0 : i32
      %cond3A_1069 = arith.cmpi ne, %convert_element_type3A_1067, %cond3A_1068 : i32
      scf.if %cond3A_1069 {
        %shift_right_arithmetic3A_1204 = arith.constant 7 : i32
        %shift_right_arithmetic3A_1205 = arith.shrsi %squeeze3A_1062, %shift_right_arithmetic3A_1204 : i32
        %shift_left3A_1206 = arith.constant 7 : i32
        %shift_left3A_1207 = arith.shli %shift_right_arithmetic3A_1205, %shift_left3A_1206 : i32
        %multiple_of3A_1208 = tpu.assume_multiple %shift_left3A_1207, 128 : i32
        %dma_start3A_1209 = arith.constant 5 : i32
        %dma_start3A_1210 = arith.constant 0 : i32
        %dma_start3A_1211 = arith.constant 0 : i32
        %dma_start3A_1212 = tpu.memref_slice %arg6[%dma_start3A_1209, %dma_start3A_1210, %dma_start3A_1211] : memref<8x64x128xf32, #tpu.memory_space<vmem>> -> memref<1x64x128xf32, #tpu.memory_space<vmem>>
        %dma_start3A_1213 = tpu.memref_squeeze %dma_start3A_1212 : memref<1x64x128xf32, #tpu.memory_space<vmem>> -> memref<64x128xf32, #tpu.memory_space<vmem>>
        %dma_start3A_1214 = arith.constant 0 : i32
        %dma_start3A_1215 = tpu.memref_slice %arg3[%dma_start3A_1214, %multiple_of3A_1208] : memref<64x1000000xf32, #tpu.memory_space<hbm>> -> memref<64x128xf32, #tpu.memory_space<hbm>>
        %dma_start3A_1216 = arith.constant 0 : i32
        %dma_start3A_1217 = arith.constant 0 : i32
        %dma_start3A_1218 = tpu.memref_slice %arg6[%dma_start3A_1209, %dma_start3A_1216, %dma_start3A_1217] : memref<8x64x128xf32, #tpu.memory_space<vmem>> -> memref<1x64x128xf32, #tpu.memory_space<vmem>>
        %dma_start3A_1219 = tpu.memref_squeeze %dma_start3A_1218 : memref<1x64x128xf32, #tpu.memory_space<vmem>> -> memref<64x128xf32, #tpu.memory_space<vmem>>
        %dma_start3A_1220 = arith.constant 0 : i32
        %dma_start3A_1221 = tpu.memref_slice %arg3[%dma_start3A_1220, %multiple_of3A_1208] : memref<64x1000000xf32, #tpu.memory_space<hbm>> -> memref<64x128xf32, #tpu.memory_space<hbm>>
        tpu.enqueue_dma source(%dma_start3A_1221 : memref<64x128xf32, #tpu.memory_space<hbm>>) target(%dma_start3A_1219 : memref<64x128xf32, #tpu.memory_space<vmem>>) target_semaphore(%arg13 : memref<!tpu.dma_semaphore, #tpu.memory_space<semaphore_mem>>)
      } else {
      }
      %mul3A_1070 = arith.constant 16 : i32
      %mul3A_1071 = arith.muli %add3A_166, %mul3A_1070 : i32
      %add3A_1072 = arith.constant 14 : i32
      %add3A_1073 = arith.addi %mul3A_1071, %add3A_1072 : i32
      %mul3A_1074 = arith.constant 16 : i32
      %mul3A_1075 = arith.muli %add3A_166, %mul3A_1074 : i32
      %get3A_1076 = arith.index_cast %mul3A_1075 : i32 to index
      %get3A_1077 = tpu.vector_load %arg5[%get3A_1076] {strides = array<i32>} : memref<512xi32, #tpu.memory_space<vmem>>, vector<16xi32>,
      %slice3A_1078 = vector.extract_strided_slice %get3A_1077 {offsets = [14], sizes = [1], strides = [1]} : vector<16xi32> to vector<1xi32>
      %squeeze3A_1079 = vector.extract %slice3A_1078[0] : i32 from vector<1xi32>
      %dma_wait3A_1080 = arith.constant 6 : i32
      %dma_wait3A_1081 = arith.constant 0 : i32
      %dma_wait3A_1082 = arith.constant 0 : i32
      %dma_wait3A_1083 = tpu.memref_slice %arg6[%dma_wait3A_1080, %dma_wait3A_1081, %dma_wait3A_1082] : memref<8x64x128xf32, #tpu.memory_space<vmem>> -> memref<1x64x128xf32, #tpu.memory_space<vmem>>
      %dma_wait3A_1084 = tpu.memref_squeeze %dma_wait3A_1083 : memref<1x64x128xf32, #tpu.memory_space<vmem>> -> memref<64x128xf32, #tpu.memory_space<vmem>>
      %dma_wait3A_1085 = arith.constant 0 : i32
      %dma_wait3A_1086 = arith.constant 0 : i32
      %dma_wait3A_1087 = tpu.memref_slice %arg3[%dma_wait3A_1085, %dma_wait3A_1086] : memref<64x1000000xf32, #tpu.memory_space<hbm>> -> memref<64x128xf32, #tpu.memory_space<hbm>>
      %dma_wait3A_1088 = arith.constant 0 : i32
      %dma_wait3A_1089 = arith.constant 0 : i32
      %dma_wait3A_1090 = tpu.memref_slice %arg6[%dma_wait3A_1080, %dma_wait3A_1088, %dma_wait3A_1089] : memref<8x64x128xf32, #tpu.memory_space<vmem>> -> memref<1x64x128xf32, #tpu.memory_space<vmem>>
      %dma_wait3A_1091 = tpu.memref_squeeze %dma_wait3A_1090 : memref<1x64x128xf32, #tpu.memory_space<vmem>> -> memref<64x128xf32, #tpu.memory_space<vmem>>
      %dma_wait3A_1092 = arith.constant 0 : i32
      %dma_wait3A_1093 = arith.constant 0 : i32
      %dma_wait3A_1094 = tpu.memref_slice %arg3[%dma_wait3A_1092, %dma_wait3A_1093] : memref<64x1000000xf32, #tpu.memory_space<hbm>> -> memref<64x128xf32, #tpu.memory_space<hbm>>
      tpu.wait_dma2 semaphore(%arg14 : memref<!tpu.dma_semaphore, #tpu.memory_space<semaphore_mem>>) src(%dma_wait3A_1094 : memref<64x128xf32, #tpu.memory_space<hbm>>) dst(%dma_wait3A_1091 : memref<64x128xf32, #tpu.memory_space<vmem>>)
      %broadcast_in_dim3A_1095 = arith.constant 0 : i32
      %broadcast_in_dim3A_1096 = vector.broadcast %broadcast_in_dim3A_1095 : i32 to vector<16xi32>
      %and3A_1097 = arith.constant 127 : i32
      %and3A_1098 = arith.andi %squeeze3A_1079, %and3A_1097 : i32
      %add3A_1099 = vector.broadcast %and3A_1098 : i32 to vector<16xi32>
      %add3A_1100 = arith.addi %broadcast_in_dim3A_1096, %add3A_1099 : vector<16xi32>
      %broadcast_in_dim3A_1101 = arith.constant 0 : i32
      %broadcast_in_dim3A_1102 = vector.broadcast %broadcast_in_dim3A_1101 : i32 to vector<16xi32>
      %and3A_1103 = arith.constant 127 : i32
      %and3A_1104 = arith.andi %add3A_1073, %and3A_1103 : i32
      %add3A_1105 = vector.broadcast %and3A_1104 : i32 to vector<16xi32>
      %add3A_1106 = arith.addi %broadcast_in_dim3A_1102, %add3A_1105 : vector<16xi32>
      %broadcast_in_dim3A_1107 = arith.constant 6 : i32
      %broadcast_in_dim3A_1108 = vector.broadcast %broadcast_in_dim3A_1107 : i32 to vector<16xi32>
      %add3A_1109 = arith.constant 0 : i32
      %add3A_1110 = vector.broadcast %add3A_1109 : i32 to vector<16xi32>
      %add3A_1111 = arith.addi %add3A_1110, %iota3A : vector<16xi32>
      %gather3A_1112 = tpu.vector_load_idx %arg6[%broadcast_in_dim3A_1108, %add3A_1111, %add3A_1100] : memref<8x64x128xf32, #tpu.memory_space<vmem>>[vector<16xi32>, vector<16xi32>, vector<16xi32>], vector<16xf32>,
      tpu.vector_store_idx %arg7[%add3A_1111, %add3A_1106], %gather3A_1112 : memref<64x128xf32, #tpu.memory_space<vmem>>[vector<16xi32>, vector<16xi32>], vector<16xf32>,
      %add3A_1113 = arith.constant 16 : i32
      %add3A_1114 = vector.broadcast %add3A_1113 : i32 to vector<16xi32>
      %add3A_1115 = arith.addi %add3A_1114, %iota3A : vector<16xi32>
      %gather3A_1116 = tpu.vector_load_idx %arg6[%broadcast_in_dim3A_1108, %add3A_1115, %add3A_1100] : memref<8x64x128xf32, #tpu.memory_space<vmem>>[vector<16xi32>, vector<16xi32>, vector<16xi32>], vector<16xf32>,
      tpu.vector_store_idx %arg7[%add3A_1115, %add3A_1106], %gather3A_1116 : memref<64x128xf32, #tpu.memory_space<vmem>>[vector<16xi32>, vector<16xi32>], vector<16xf32>,
      %add3A_1117 = arith.constant 32 : i32
      %add3A_1118 = vector.broadcast %add3A_1117 : i32 to vector<16xi32>
      %add3A_1119 = arith.addi %add3A_1118, %iota3A : vector<16xi32>
      %gather3A_1120 = tpu.vector_load_idx %arg6[%broadcast_in_dim3A_1108, %add3A_1119, %add3A_1100] : memref<8x64x128xf32, #tpu.memory_space<vmem>>[vector<16xi32>, vector<16xi32>, vector<16xi32>], vector<16xf32>,
      tpu.vector_store_idx %arg7[%add3A_1119, %add3A_1106], %gather3A_1120 : memref<64x128xf32, #tpu.memory_space<vmem>>[vector<16xi32>, vector<16xi32>], vector<16xf32>,
      %add3A_1121 = arith.constant 48 : i32
      %add3A_1122 = vector.broadcast %add3A_1121 : i32 to vector<16xi32>
      %add3A_1123 = arith.addi %add3A_1122, %iota3A : vector<16xi32>
      %gather3A_1124 = tpu.vector_load_idx %arg6[%broadcast_in_dim3A_1108, %add3A_1123, %add3A_1100] : memref<8x64x128xf32, #tpu.memory_space<vmem>>[vector<16xi32>, vector<16xi32>, vector<16xi32>], vector<16xf32>,
      tpu.vector_store_idx %arg7[%add3A_1123, %add3A_1106], %gather3A_1124 : memref<64x128xf32, #tpu.memory_space<vmem>>[vector<16xi32>, vector<16xi32>], vector<16xf32>,
      %slice3A_1125 = vector.extract_strided_slice %get3A_689 {offsets = [6], sizes = [1], strides = [1]} : vector<16xi32> to vector<1xi32>
      %squeeze3A_1126 = vector.extract %slice3A_1125[0] : i32 from vector<1xi32>
      %add3A_1127 = arith.constant 8 : i32
      %add3A_1128 = arith.addi %add3A_1073, %add3A_1127 : i32
      %lt3A_1129 = arith.constant 512 : i32
      %lt3A_1130 = arith.cmpi slt, %add3A_1128, %lt3A_1129 : i32
      %convert_element_type3A_1131 = arith.extui %lt3A_1130 : i1 to i32
      %cond3A_1132 = arith.constant 0 : i32
      %cond3A_1133 = arith.cmpi ne, %convert_element_type3A_1131, %cond3A_1132 : i32
      scf.if %cond3A_1133 {
        %shift_right_arithmetic3A_1204 = arith.constant 7 : i32
        %shift_right_arithmetic3A_1205 = arith.shrsi %squeeze3A_1126, %shift_right_arithmetic3A_1204 : i32
        %shift_left3A_1206 = arith.constant 7 : i32
        %shift_left3A_1207 = arith.shli %shift_right_arithmetic3A_1205, %shift_left3A_1206 : i32
        %multiple_of3A_1208 = tpu.assume_multiple %shift_left3A_1207, 128 : i32
        %dma_start3A_1209 = arith.constant 6 : i32
        %dma_start3A_1210 = arith.constant 0 : i32
        %dma_start3A_1211 = arith.constant 0 : i32
        %dma_start3A_1212 = tpu.memref_slice %arg6[%dma_start3A_1209, %dma_start3A_1210, %dma_start3A_1211] : memref<8x64x128xf32, #tpu.memory_space<vmem>> -> memref<1x64x128xf32, #tpu.memory_space<vmem>>
        %dma_start3A_1213 = tpu.memref_squeeze %dma_start3A_1212 : memref<1x64x128xf32, #tpu.memory_space<vmem>> -> memref<64x128xf32, #tpu.memory_space<vmem>>
        %dma_start3A_1214 = arith.constant 0 : i32
        %dma_start3A_1215 = tpu.memref_slice %arg3[%dma_start3A_1214, %multiple_of3A_1208] : memref<64x1000000xf32, #tpu.memory_space<hbm>> -> memref<64x128xf32, #tpu.memory_space<hbm>>
        %dma_start3A_1216 = arith.constant 0 : i32
        %dma_start3A_1217 = arith.constant 0 : i32
        %dma_start3A_1218 = tpu.memref_slice %arg6[%dma_start3A_1209, %dma_start3A_1216, %dma_start3A_1217] : memref<8x64x128xf32, #tpu.memory_space<vmem>> -> memref<1x64x128xf32, #tpu.memory_space<vmem>>
        %dma_start3A_1219 = tpu.memref_squeeze %dma_start3A_1218 : memref<1x64x128xf32, #tpu.memory_space<vmem>> -> memref<64x128xf32, #tpu.memory_space<vmem>>
        %dma_start3A_1220 = arith.constant 0 : i32
        %dma_start3A_1221 = tpu.memref_slice %arg3[%dma_start3A_1220, %multiple_of3A_1208] : memref<64x1000000xf32, #tpu.memory_space<hbm>> -> memref<64x128xf32, #tpu.memory_space<hbm>>
        tpu.enqueue_dma source(%dma_start3A_1221 : memref<64x128xf32, #tpu.memory_space<hbm>>) target(%dma_start3A_1219 : memref<64x128xf32, #tpu.memory_space<vmem>>) target_semaphore(%arg14 : memref<!tpu.dma_semaphore, #tpu.memory_space<semaphore_mem>>)
      } else {
      }
      %mul3A_1134 = arith.constant 16 : i32
      %mul3A_1135 = arith.muli %add3A_166, %mul3A_1134 : i32
      %add3A_1136 = arith.constant 15 : i32
      %add3A_1137 = arith.addi %mul3A_1135, %add3A_1136 : i32
      %mul3A_1138 = arith.constant 16 : i32
      %mul3A_1139 = arith.muli %add3A_166, %mul3A_1138 : i32
      %get3A_1140 = arith.index_cast %mul3A_1139 : i32 to index
      %get3A_1141 = tpu.vector_load %arg5[%get3A_1140] {strides = array<i32>} : memref<512xi32, #tpu.memory_space<vmem>>, vector<16xi32>,
      %slice3A_1142 = vector.extract_strided_slice %get3A_1141 {offsets = [15], sizes = [1], strides = [1]} : vector<16xi32> to vector<1xi32>
      %squeeze3A_1143 = vector.extract %slice3A_1142[0] : i32 from vector<1xi32>
      %dma_wait3A_1144 = arith.constant 7 : i32
      %dma_wait3A_1145 = arith.constant 0 : i32
      %dma_wait3A_1146 = arith.constant 0 : i32
      %dma_wait3A_1147 = tpu.memref_slice %arg6[%dma_wait3A_1144, %dma_wait3A_1145, %dma_wait3A_1146] : memref<8x64x128xf32, #tpu.memory_space<vmem>> -> memref<1x64x128xf32, #tpu.memory_space<vmem>>
      %dma_wait3A_1148 = tpu.memref_squeeze %dma_wait3A_1147 : memref<1x64x128xf32, #tpu.memory_space<vmem>> -> memref<64x128xf32, #tpu.memory_space<vmem>>
      %dma_wait3A_1149 = arith.constant 0 : i32
      %dma_wait3A_1150 = arith.constant 0 : i32
      %dma_wait3A_1151 = tpu.memref_slice %arg3[%dma_wait3A_1149, %dma_wait3A_1150] : memref<64x1000000xf32, #tpu.memory_space<hbm>> -> memref<64x128xf32, #tpu.memory_space<hbm>>
      %dma_wait3A_1152 = arith.constant 0 : i32
      %dma_wait3A_1153 = arith.constant 0 : i32
      %dma_wait3A_1154 = tpu.memref_slice %arg6[%dma_wait3A_1144, %dma_wait3A_1152, %dma_wait3A_1153] : memref<8x64x128xf32, #tpu.memory_space<vmem>> -> memref<1x64x128xf32, #tpu.memory_space<vmem>>
      %dma_wait3A_1155 = tpu.memref_squeeze %dma_wait3A_1154 : memref<1x64x128xf32, #tpu.memory_space<vmem>> -> memref<64x128xf32, #tpu.memory_space<vmem>>
      %dma_wait3A_1156 = arith.constant 0 : i32
      %dma_wait3A_1157 = arith.constant 0 : i32
      %dma_wait3A_1158 = tpu.memref_slice %arg3[%dma_wait3A_1156, %dma_wait3A_1157] : memref<64x1000000xf32, #tpu.memory_space<hbm>> -> memref<64x128xf32, #tpu.memory_space<hbm>>
      tpu.wait_dma2 semaphore(%arg15 : memref<!tpu.dma_semaphore, #tpu.memory_space<semaphore_mem>>) src(%dma_wait3A_1158 : memref<64x128xf32, #tpu.memory_space<hbm>>) dst(%dma_wait3A_1155 : memref<64x128xf32, #tpu.memory_space<vmem>>)
      %broadcast_in_dim3A_1159 = arith.constant 0 : i32
      %broadcast_in_dim3A_1160 = vector.broadcast %broadcast_in_dim3A_1159 : i32 to vector<16xi32>
      %and3A_1161 = arith.constant 127 : i32
      %and3A_1162 = arith.andi %squeeze3A_1143, %and3A_1161 : i32
      %add3A_1163 = vector.broadcast %and3A_1162 : i32 to vector<16xi32>
      %add3A_1164 = arith.addi %broadcast_in_dim3A_1160, %add3A_1163 : vector<16xi32>
      %broadcast_in_dim3A_1165 = arith.constant 0 : i32
      %broadcast_in_dim3A_1166 = vector.broadcast %broadcast_in_dim3A_1165 : i32 to vector<16xi32>
      %and3A_1167 = arith.constant 127 : i32
      %and3A_1168 = arith.andi %add3A_1137, %and3A_1167 : i32
      %add3A_1169 = vector.broadcast %and3A_1168 : i32 to vector<16xi32>
      %add3A_1170 = arith.addi %broadcast_in_dim3A_1166, %add3A_1169 : vector<16xi32>
      %broadcast_in_dim3A_1171 = arith.constant 7 : i32
      %broadcast_in_dim3A_1172 = vector.broadcast %broadcast_in_dim3A_1171 : i32 to vector<16xi32>
      %add3A_1173 = arith.constant 0 : i32
      %add3A_1174 = vector.broadcast %add3A_1173 : i32 to vector<16xi32>
      %add3A_1175 = arith.addi %add3A_1174, %iota3A : vector<16xi32>
      %gather3A_1176 = tpu.vector_load_idx %arg6[%broadcast_in_dim3A_1172, %add3A_1175, %add3A_1164] : memref<8x64x128xf32, #tpu.memory_space<vmem>>[vector<16xi32>, vector<16xi32>, vector<16xi32>], vector<16xf32>,
      tpu.vector_store_idx %arg7[%add3A_1175, %add3A_1170], %gather3A_1176 : memref<64x128xf32, #tpu.memory_space<vmem>>[vector<16xi32>, vector<16xi32>], vector<16xf32>,
      %add3A_1177 = arith.constant 16 : i32
      %add3A_1178 = vector.broadcast %add3A_1177 : i32 to vector<16xi32>
      %add3A_1179 = arith.addi %add3A_1178, %iota3A : vector<16xi32>
      %gather3A_1180 = tpu.vector_load_idx %arg6[%broadcast_in_dim3A_1172, %add3A_1179, %add3A_1164] : memref<8x64x128xf32, #tpu.memory_space<vmem>>[vector<16xi32>, vector<16xi32>, vector<16xi32>], vector<16xf32>,
      tpu.vector_store_idx %arg7[%add3A_1179, %add3A_1170], %gather3A_1180 : memref<64x128xf32, #tpu.memory_space<vmem>>[vector<16xi32>, vector<16xi32>], vector<16xf32>,
      %add3A_1181 = arith.constant 32 : i32
      %add3A_1182 = vector.broadcast %add3A_1181 : i32 to vector<16xi32>
      %add3A_1183 = arith.addi %add3A_1182, %iota3A : vector<16xi32>
      %gather3A_1184 = tpu.vector_load_idx %arg6[%broadcast_in_dim3A_1172, %add3A_1183, %add3A_1164] : memref<8x64x128xf32, #tpu.memory_space<vmem>>[vector<16xi32>, vector<16xi32>, vector<16xi32>], vector<16xf32>,
      tpu.vector_store_idx %arg7[%add3A_1183, %add3A_1170], %gather3A_1184 : memref<64x128xf32, #tpu.memory_space<vmem>>[vector<16xi32>, vector<16xi32>], vector<16xf32>,
      %add3A_1185 = arith.constant 48 : i32
      %add3A_1186 = vector.broadcast %add3A_1185 : i32 to vector<16xi32>
      %add3A_1187 = arith.addi %add3A_1186, %iota3A : vector<16xi32>
      %gather3A_1188 = tpu.vector_load_idx %arg6[%broadcast_in_dim3A_1172, %add3A_1187, %add3A_1164] : memref<8x64x128xf32, #tpu.memory_space<vmem>>[vector<16xi32>, vector<16xi32>, vector<16xi32>], vector<16xf32>,
      tpu.vector_store_idx %arg7[%add3A_1187, %add3A_1170], %gather3A_1188 : memref<64x128xf32, #tpu.memory_space<vmem>>[vector<16xi32>, vector<16xi32>], vector<16xf32>,
      %slice3A_1189 = vector.extract_strided_slice %get3A_689 {offsets = [7], sizes = [1], strides = [1]} : vector<16xi32> to vector<1xi32>
      %squeeze3A_1190 = vector.extract %slice3A_1189[0] : i32 from vector<1xi32>
      %add3A_1191 = arith.constant 8 : i32
      %add3A_1192 = arith.addi %add3A_1137, %add3A_1191 : i32
      %lt3A_1193 = arith.constant 512 : i32
      %lt3A_1194 = arith.cmpi slt, %add3A_1192, %lt3A_1193 : i32
      %convert_element_type3A_1195 = arith.extui %lt3A_1194 : i1 to i32
      %cond3A_1196 = arith.constant 0 : i32
      %cond3A_1197 = arith.cmpi ne, %convert_element_type3A_1195, %cond3A_1196 : i32
      scf.if %cond3A_1197 {
        %shift_right_arithmetic3A_1204 = arith.constant 7 : i32
        %shift_right_arithmetic3A_1205 = arith.shrsi %squeeze3A_1190, %shift_right_arithmetic3A_1204 : i32
        %shift_left3A_1206 = arith.constant 7 : i32
        %shift_left3A_1207 = arith.shli %shift_right_arithmetic3A_1205, %shift_left3A_1206 : i32
        %multiple_of3A_1208 = tpu.assume_multiple %shift_left3A_1207, 128 : i32
        %dma_start3A_1209 = arith.constant 7 : i32
        %dma_start3A_1210 = arith.constant 0 : i32
        %dma_start3A_1211 = arith.constant 0 : i32
        %dma_start3A_1212 = tpu.memref_slice %arg6[%dma_start3A_1209, %dma_start3A_1210, %dma_start3A_1211] : memref<8x64x128xf32, #tpu.memory_space<vmem>> -> memref<1x64x128xf32, #tpu.memory_space<vmem>>
        %dma_start3A_1213 = tpu.memref_squeeze %dma_start3A_1212 : memref<1x64x128xf32, #tpu.memory_space<vmem>> -> memref<64x128xf32, #tpu.memory_space<vmem>>
        %dma_start3A_1214 = arith.constant 0 : i32
        %dma_start3A_1215 = tpu.memref_slice %arg3[%dma_start3A_1214, %multiple_of3A_1208] : memref<64x1000000xf32, #tpu.memory_space<hbm>> -> memref<64x128xf32, #tpu.memory_space<hbm>>
        %dma_start3A_1216 = arith.constant 0 : i32
        %dma_start3A_1217 = arith.constant 0 : i32
        %dma_start3A_1218 = tpu.memref_slice %arg6[%dma_start3A_1209, %dma_start3A_1216, %dma_start3A_1217] : memref<8x64x128xf32, #tpu.memory_space<vmem>> -> memref<1x64x128xf32, #tpu.memory_space<vmem>>
        %dma_start3A_1219 = tpu.memref_squeeze %dma_start3A_1218 : memref<1x64x128xf32, #tpu.memory_space<vmem>> -> memref<64x128xf32, #tpu.memory_space<vmem>>
        %dma_start3A_1220 = arith.constant 0 : i32
        %dma_start3A_1221 = tpu.memref_slice %arg3[%dma_start3A_1220, %multiple_of3A_1208] : memref<64x1000000xf32, #tpu.memory_space<hbm>> -> memref<64x128xf32, #tpu.memory_space<hbm>>
        tpu.enqueue_dma source(%dma_start3A_1221 : memref<64x128xf32, #tpu.memory_space<hbm>>) target(%dma_start3A_1219 : memref<64x128xf32, #tpu.memory_space<vmem>>) target_semaphore(%arg15 : memref<!tpu.dma_semaphore, #tpu.memory_space<semaphore_mem>>)
      } else {
      }
      %and3A_1198 = arith.constant 7 : i32
      %and3A_1199 = arith.andi %add3A_166, %and3A_1198 : i32
      %eq3A = arith.constant 7 : i32
      %eq3A_1200 = arith.cmpi eq, %and3A_1199, %eq3A : i32
      %convert_element_type3A_1201 = arith.extui %eq3A_1200 : i1 to i32
      %cond3A_1202 = arith.constant 0 : i32
      %cond3A_1203 = arith.cmpi ne, %convert_element_type3A_1201, %cond3A_1202 : i32
      scf.if %cond3A_1203 {
        %shift_right_arithmetic3A_1204 = arith.constant 3 : i32
        %shift_right_arithmetic3A_1205 = arith.shrsi %add3A_166, %shift_right_arithmetic3A_1204 : i32
        %shift_left3A_1206 = arith.constant 7 : i32
        %shift_left3A_1207 = arith.shli %shift_right_arithmetic3A_1205, %shift_left3A_1206 : i32
        %multiple_of3A_1208 = tpu.assume_multiple %shift_left3A_1207, 128 : i32
        %add3A_1209 = arith.addi %mul3A_2, %multiple_of3A_1208 : i32
        "tpu.region"() ({
          %run_scoped3A = tpu.sem_alloc : memref<!tpu.dma_semaphore, #tpu.memory_space<semaphore_mem>>
          %dma_start3A_1210 = arith.constant 0 : i32
          %dma_start3A_1211 = tpu.memref_slice %arg4[%dma_start3A_1210, %add3A_1209] : memref<64x16384xf32, #tpu.memory_space<hbm>> -> memref<64x128xf32, #tpu.memory_space<hbm>>
          %dma_start3A_1212 = arith.constant 0 : i32
          %dma_start3A_1213 = tpu.memref_slice %arg4[%dma_start3A_1212, %add3A_1209] : memref<64x16384xf32, #tpu.memory_space<hbm>> -> memref<64x128xf32, #tpu.memory_space<hbm>>
          tpu.enqueue_dma source(%arg7 : memref<64x128xf32, #tpu.memory_space<vmem>>) target(%dma_start3A_1213 : memref<64x128xf32, #tpu.memory_space<hbm>>) target_semaphore(%run_scoped3A : memref<!tpu.dma_semaphore, #tpu.memory_space<semaphore_mem>>)
          %dma_wait3A_1214 = arith.constant 0 : i32
          %dma_wait3A_1215 = tpu.memref_slice %arg4[%dma_wait3A_1214, %add3A_1209] : memref<64x16384xf32, #tpu.memory_space<hbm>> -> memref<64x128xf32, #tpu.memory_space<hbm>>
          %dma_wait3A_1216 = arith.constant 0 : i32
          %dma_wait3A_1217 = tpu.memref_slice %arg4[%dma_wait3A_1216, %add3A_1209] : memref<64x16384xf32, #tpu.memory_space<hbm>> -> memref<64x128xf32, #tpu.memory_space<hbm>>
          tpu.wait_dma2 semaphore(%run_scoped3A : memref<!tpu.dma_semaphore, #tpu.memory_space<semaphore_mem>>) src(%arg7 : memref<64x128xf32, #tpu.memory_space<vmem>>) dst(%dma_wait3A_1217 : memref<64x128xf32, #tpu.memory_space<hbm>>)
          tpu.yield
        }) : () -> ()
      } else {
      }
    }
    %scan3A_161 = arith.constant 32 : i32
    return
  }
}

module attributes {stable_mosaic.version = 14 : i64} {
  func.func @_mlp_body(%arg0: i32, %arg1: memref<64x2048xf32, #tpu.memory_space<vmem>>, %arg2: memref<64x2048xf32, #tpu.memory_space<vmem>>, %arg3: memref<2048x384xf32, #tpu.memory_space<vmem>>, %arg4: memref<512x128xf32, #tpu.memory_space<vmem>>, %arg5: memref<1x128xf32, #tpu.memory_space<vmem>>, %arg6: memref<1x128xf32, #tpu.memory_space<vmem>>, %arg7: memref<1x1xf32, #tpu.memory_space<vmem>>, %arg8: memref<2048x1xf32, #tpu.memory_space<vmem>>) attributes {dimension_semantics = [#tpu.dimension_semantics<arbitrary>], iteration_bounds = array<i64: 8>, scalar_prefetch = 0 : i64, scratch_operands = 0 : i64, tpu.core_type = #tpu.core_type<tc>, window_params = [{transform_indices = @transform_0, window_bounds = array<i64: 64, 2048>}, {transform_indices = @transform_1, window_bounds = array<i64: 64, 2048>}, {transform_indices = @transform_2, window_bounds = array<i64: 2048, 384>}, {pipeline_mode = #tpu.pipeline_mode<synchronous>, transform_indices = @transform_3, window_bounds = array<i64: 512, 128>}, {pipeline_mode = #tpu.pipeline_mode<synchronous>, transform_indices = @transform_4, window_bounds = array<i64: 1, 128>}, {pipeline_mode = #tpu.pipeline_mode<synchronous>, transform_indices = @transform_5, window_bounds = array<i64: 1, 128>}, {pipeline_mode = #tpu.pipeline_mode<synchronous>, transform_indices = @transform_6, window_bounds = array<i64: 1, 1>}, {transform_indices = @transform_7, window_bounds = array<i64: 2048, 1>}]} {
    %get3A = arith.constant 0 : index
    %get3A_0 = arith.constant 0 : index
    %get3A_1 = vector.load %arg1[%get3A, %get3A_0] : memref<64x2048xf32, #tpu.memory_space<vmem>>, vector<64x2048xf32>
    %get3A_2 = arith.constant 0 : index
    %get3A_3 = arith.constant 0 : index
    %get3A_4 = vector.load %arg4[%get3A_2, %get3A_3] : memref<512x128xf32, #tpu.memory_space<vmem>>, vector<64x128xf32>
    %dot_general3A = arith.constant dense<0.000000e+00> : vector<2048x128xf32>
    %dot_general3A_5 = tpu.matmul %get3A_1, %get3A_4, %dot_general3A {dimension_numbers = #tpu.dot_dimension_numbers<[0], [0], [1], [1], [0, 1, 1, 1], [], []>, transpose_lhs_hint = false} : vector<64x2048xf32>, vector<64x128xf32>, vector<2048x128xf32> -> vector<2048x128xf32>
    %get3A_6 = arith.constant 0 : index
    %get3A_7 = arith.constant 0 : index
    %get3A_8 = vector.load %arg2[%get3A_6, %get3A_7] : memref<64x2048xf32, #tpu.memory_space<vmem>>, vector<64x2048xf32>
    %get3A_9 = arith.constant 64 : index
    %get3A_10 = arith.constant 0 : index
    %get3A_11 = vector.load %arg4[%get3A_9, %get3A_10] : memref<512x128xf32, #tpu.memory_space<vmem>>, vector<64x128xf32>
    %dot_general3A_12 = arith.constant dense<0.000000e+00> : vector<2048x128xf32>
    %dot_general3A_13 = tpu.matmul %get3A_8, %get3A_11, %dot_general3A_12 {dimension_numbers = #tpu.dot_dimension_numbers<[0], [0], [1], [1], [0, 1, 1, 1], [], []>, transpose_lhs_hint = false} : vector<64x2048xf32>, vector<64x128xf32>, vector<2048x128xf32> -> vector<2048x128xf32>
    %add3A = arith.addf %dot_general3A_5, %dot_general3A_13 : vector<2048x128xf32>
    %get3A_14 = arith.constant 0 : index
    %get3A_15 = arith.constant 0 : index
    %get3A_16 = vector.load %arg3[%get3A_14, %get3A_15] : memref<2048x384xf32, #tpu.memory_space<vmem>>, vector<2048x384xf32>
    %get3A_17 = arith.constant 128 : index
    %get3A_18 = arith.constant 0 : index
    %get3A_19 = vector.load %arg4[%get3A_17, %get3A_18] : memref<512x128xf32, #tpu.memory_space<vmem>>, vector<384x128xf32>
    %dot_general3A_20 = arith.constant dense<0.000000e+00> : vector<2048x128xf32>
    %dot_general3A_21 = tpu.matmul %get3A_16, %get3A_19, %dot_general3A_20 {dimension_numbers = #tpu.dot_dimension_numbers<[1], [0], [0], [1], [0, 0, 1, 1], [], []>, transpose_lhs_hint = false} : vector<2048x384xf32>, vector<384x128xf32>, vector<2048x128xf32> -> vector<2048x128xf32>
    %add3A_22 = arith.addf %add3A, %dot_general3A_21 : vector<2048x128xf32>
    %get3A_23 = arith.constant 0 : index
    %get3A_24 = arith.constant 0 : index
    %get3A_25 = vector.load %arg5[%get3A_23, %get3A_24] : memref<1x128xf32, #tpu.memory_space<vmem>>, vector<1x128xf32>
    %add3A_26 = vector.broadcast %get3A_25 : vector<1x128xf32> to vector<2048x128xf32>
    %add3A_27 = arith.addf %add3A_22, %add3A_26 : vector<2048x128xf32>
    %max3A = arith.constant 0.000000e+00 : f32
    %max3A_28 = vector.broadcast %max3A : f32 to vector<2048x128xf32>
    %max3A_29 = arith.maximumf %add3A_27, %max3A_28 : vector<2048x128xf32>
    %get3A_30 = arith.constant 0 : index
    %get3A_31 = arith.constant 0 : index
    %get3A_32 = vector.load %arg6[%get3A_30, %get3A_31] : memref<1x128xf32, #tpu.memory_space<vmem>>, vector<1x128xf32>
    %mul3A = vector.broadcast %get3A_32 : vector<1x128xf32> to vector<2048x128xf32>
    %mul3A_33 = arith.mulf %max3A_29, %mul3A : vector<2048x128xf32>
    %reduce_sum3A = arith.constant dense<0.000000e+00> : vector<2048xf32>
    %reduce_sum3A_34 = vector.multi_reduction <add>, %mul3A_33, %reduce_sum3A [1] : vector<2048x128xf32> to vector<2048xf32>
    %broadcast_in_dim3A = vector.shape_cast %reduce_sum3A_34 : vector<2048xf32> to vector<2048x1xf32>
    %get3A_35 = arith.constant 0 : index
    %get3A_36 = arith.constant 0 : index
    %get3A_37 = vector.load %arg7[%get3A_35, %get3A_36] : memref<1x1xf32, #tpu.memory_space<vmem>>, vector<1x1xf32>
    %add3A_38 = vector.broadcast %get3A_37 : vector<1x1xf32> to vector<2048x1xf32>
    %add3A_39 = arith.addf %broadcast_in_dim3A, %add3A_38 : vector<2048x1xf32>
    %swap3A = arith.constant 0 : index
    %swap3A_40 = arith.constant 0 : index
    %swap3A_41 = vector.load %arg8[%swap3A, %swap3A_40] : memref<2048x1xf32, #tpu.memory_space<vmem>>, vector<2048x1xf32>
    tpu.vector_store %arg8[%swap3A, %swap3A_40], %add3A_39 {strides = array<i32>} : memref<2048x1xf32, #tpu.memory_space<vmem>>, vector<2048x1xf32>,
    return
  }
  func.func @transform_0(%arg0: i32) -> (i32, i32) {
    %c0_i32 = arith.constant 0 : i32
    %c0_i32_0 = arith.constant 0 : i32
    return %c0_i32, %arg0 : i32, i32
  }
  func.func @transform_1(%arg0: i32) -> (i32, i32) {
    %c0_i32 = arith.constant 0 : i32
    %c0_i32_0 = arith.constant 0 : i32
    return %c0_i32, %arg0 : i32, i32
  }
  func.func @transform_2(%arg0: i32) -> (i32, i32) {
    %c0_i32 = arith.constant 0 : i32
    %c0_i32_0 = arith.constant 0 : i32
    return %arg0, %c0_i32 : i32, i32
  }
  func.func @transform_3(%arg0: i32) -> (i32, i32) {
    %c0_i32 = arith.constant 0 : i32
    %c0_i32_0 = arith.constant 0 : i32
    %c0_i32_1 = arith.constant 0 : i32
    return %c0_i32, %c0_i32_0 : i32, i32
  }
  func.func @transform_4(%arg0: i32) -> (i32, i32) {
    %c0_i32 = arith.constant 0 : i32
    %c0_i32_0 = arith.constant 0 : i32
    %c0_i32_1 = arith.constant 0 : i32
    return %c0_i32, %c0_i32_0 : i32, i32
  }
  func.func @transform_5(%arg0: i32) -> (i32, i32) {
    %c0_i32 = arith.constant 0 : i32
    %c0_i32_0 = arith.constant 0 : i32
    %c0_i32_1 = arith.constant 0 : i32
    return %c0_i32, %c0_i32_0 : i32, i32
  }
  func.func @transform_6(%arg0: i32) -> (i32, i32) {
    %c0_i32 = arith.constant 0 : i32
    %c0_i32_0 = arith.constant 0 : i32
    %c0_i32_1 = arith.constant 0 : i32
    return %c0_i32, %c0_i32_0 : i32, i32
  }
  func.func @transform_7(%arg0: i32) -> (i32, i32) {
    %c0_i32 = arith.constant 0 : i32
    %c0_i32_0 = arith.constant 0 : i32
    return %arg0, %c0_i32 : i32, i32
  }
}

</mosaic_0001>

<sc_bundles>
// kernel: kernel.5.cloned.1.call-start
scs
__scs_entry_jumppad:
0x0: {  	(pc) =	sbr.rel $0x88, $3  }
0x1: {  	(tag) =	ssettag $0x0;
	lr =	simm.s32 $0x1  }
0x2: {  	[smem:$0x3F98] =	sst lr;
	_ =	strace $0xD0000000  }
0x3: {  	_ = 	snop  }
0x4: {  	_ = 	snop  }
0x5: {  	_ = 	snop  }
0x6: {  	_ = 	snop  }
0x7: {  	_ = 	snop  }
__scs_overlays_trampoline_lowered:
0x8: {  	[smem:$0x3FA7] =	sst s0  }
0x9: {  	[smem:$0x3FA8] =	sst s1  }
0xa: {  	[smem:$0x3FA9] =	sst s2  }
0xb: {  	[smem:$0x3FAA] =	sst s3  }
0xc: {  	[smem:$0x3FAB] =	sst s4  }
0xd: {  	[smem:$0x3FAC] =	sst s5  }
0xe: {  	[smem:$0x3FAD] =	sst s6  }
0xf: {  	[smem:$0x3FAE] =	sst s7  }
0x10: {  	[smem:$0x3FAF] =	sst s8  }
0x11: {  	[smem:$0x3FB0] =	sst s9;
	s0 =	simm.s32 @!p0 $0x0  }
0x12: {  	s1 =	sld [smem:$0x3F96];
	s0 =	simm.s32 @p0 $0x1  }
0x13: {  	[smem:$0x3FB1] =	sst s0;
	s0 =	simm.s32 @!p1 $0x0  }
0x14: {  	s2 =	sld [smem:$0x3F95];
	s0 =	simm.s32 @p1 $0x1  }
0x15: {  	[smem:$0x3FB2] =	sst s0;
	s0 =	simm.s32 @!p2 $0x0  }
0x16: {  	s3 =	sld [smem:$0x3FDB];
	s0 =	simm.s32 @p2 $0x1  }
0x17: {  	s4 =	simm.s32 $0x1BF5;
	[smem:$0x3FB4] =	sst s0  }
0x18: {  	s0 =	sld [smem:$0x3F97];
	_ =	swait.ge [sflag:s4], $0x0  }
0x19: {  	s7 =	sld [smem:$0x3F98]  }
0x1a: {  	s8 =	sadd.s32 $0xFFFFE003, lr  }
0x1b: {  	s9 =	sadd.s32 $0xFFFFFEF7, lr;
	s5 =	simm.s32 $0xFFFFFFFF;
	p2 =	slt.u32 s8, $0xFFFFF086  }
0x1c: {  	p1 =	slt.u32 s9, $0xF7A;
	s5 =	simm.s32 @!p2 $0x0  }
0x1d: {  	s5 =	simm.s32 @p1 $0x1;
	p0 =	seq.s32 s7, s2  }
0x1e: {  	s7 =	smul.u32 @!p0 $0xF7A, s2;
	p2 =	seq.s32 @!p0 s5, $0x0  }
0x1f: {  	s9 =	smul.u32 $0xF7A, s1;
	s8 =	simm.s32 @!p0 $0x1BF5;
	p2 =	por !p2, p0  }
0x20: {  	[sflag:s8] =	ssyncset.s32 @!p0 $0xFFFFF086;
	s6 =	sadd.s32 @!p0 s3, s7;
	s7 =	simm.s32 @!p0 $0x108  }
0x21: {  	s3 =	sadd.s32 s3, s9;
	s6 =	sadd.s32 @!p0 $0x88, s6;
	s7 =	simm.s32 @p2 $0x1082  }
0x22: {  	[simem:s7], [sflag:s8] =	dma.local @!p0 [hbm:s6], $0xF7A  }
0x23: {  	s9 =	sor.u32 $0xD0000000, s2;
	s6 =	simm.s32 $0x108;
	_ =	swait.ge @!p0 [sflag:s8], $0x0  }
0x24: {  	s3 =	sadd.s32 $0x88, s3;
	s6 =	simm.s32 @!p1 $0x1082;
	[sflag:s4] =	ssyncset.s32 $0xFFFFF086  }
0x25: {  	[simem:s6], [sflag:s4] =	dma.local [hbm:s3], $0xF7A  }
0x26: {  	[smem:$0x3F98] =	sst s1;
	(tag) =	ssettag s2;
	_ =	strace s9  }
0x27: {  	s1 =	sld [smem:$0x3FA8]  }
0x28: {  	s2 =	sld [smem:$0x3FA9]  }
0x29: {  	s4 =	sld [smem:$0x3FAB]  }
0x2a: {  	p0 =	seq.s32 s5, $0x0;
	s5 =	sld [smem:$0x3FAC]  }
0x2b: {  	s6 =	sld [smem:$0x3FAD]  }
0x2c: {  	s7 =	sld [smem:$0x3FAE]  }
0x2d: {  	s3 =	simm.s32 $0x108;
	s8 =	sld [smem:$0x3FAF]  }
0x2e: {  	s3 =	simm.s32 @!p0 $0x1082;
	s9 =	sld [smem:$0x3FB0]  }
0x2f: {  	lr =	sadd.s32 s0, s3;
	s0 =	sld [smem:$0x3FA7]  }
0x30: {  	s3 =	sld [smem:$0x3FAA]  }
0x31: {  	[smem:$0x3FB3] =	sst s10  }
0x32: {  	s10 =	sld [smem:$0x3FB1];
	_ =	sdelay $0x3  }
0x33: {  	p0 =	seq.s32 s10, $0x1;
	s10 =	sld [smem:$0x3FB3];
	_ =	sdelay $0x3  }
0x34: {  	[smem:$0x3FB3] =	sst s10  }
0x35: {  	s10 =	sld [smem:$0x3FB2];
	_ =	sdelay $0x3  }
0x36: {  	p1 =	seq.s32 s10, $0x1;
	s10 =	sld [smem:$0x3FB3];
	_ =	sdelay $0x3  }
0x37: {  	[smem:$0x3FB3] =	sst s10  }
0x38: {  	s10 =	sld [smem:$0x3FB4]  }
0x39: {  	_ = 	snop;
	(pc) =	sbr.ind lr, $3  }
0x3a: {  	_ = 	snop  }
0x3b: {  	_ = 	snop  }
0x3c: {  	p2 =	seq.s32 s10, $0x1;
	s10 =	sld [smem:$0x3FB3]  }
0x3d: {  	_ =	shalt  }
0x3e: {  	_ =	shalt  }
0x3f: {  	_ =	shalt  }
0x40: {  	_ =	shalt  }
0x41: {  	_ =	shalt  }
0x42: {  	_ =	shalt  }
0x43: {  	_ =	shalt  }
0x44: {  	_ =	shalt  }
0x45: {  	_ =	shalt  }
0x46: {  	_ =	shalt  }
0x47: {  	_ =	shalt  }
0x48: {  	_ =	shalt  }
0x49: {  	_ =	shalt  }
0x4a: {  	_ =	shalt  }
0x4b: {  	_ =	shalt  }
0x4c: {  	_ =	shalt  }
0x4d: {  	_ =	shalt  }
0x4e: {  	_ =	shalt  }
0x4f: {  	_ =	shalt  }
0x50: {  	_ =	shalt  }
0x51: {  	_ =	shalt  }
0x52: {  	_ =	shalt  }
0x53: {  	_ =	shalt  }
0x54: {  	_ =	shalt  }
0x55: {  	_ =	shalt  }
0x56: {  	_ =	shalt  }
0x57: {  	_ =	shalt  }
0x58: {  	_ =	shalt  }
0x59: {  	_ =	shalt  }
0x5a: {  	_ =	shalt  }
0x5b: {  	_ =	shalt  }
0x5c: {  	_ =	shalt  }
0x5d: {  	_ =	shalt  }
0x5e: {  	_ =	shalt  }
0x5f: {  	_ =	shalt  }
0x60: {  	_ =	shalt  }
0x61: {  	_ =	shalt  }
0x62: {  	_ =	shalt  }
0x63: {  	_ =	shalt  }
0x64: {  	_ =	shalt  }
0x65: {  	_ =	shalt  }
0x66: {  	_ =	shalt  }
0x67: {  	_ =	shalt  }
0x68: {  	_ =	shalt  }
0x69: {  	_ =	shalt  }
0x6a: {  	_ =	shalt  }
0x6b: {  	_ =	shalt  }
0x6c: {  	_ =	shalt  }
0x6d: {  	_ =	shalt  }
0x6e: {  	_ =	shalt  }
0x6f: {  	_ =	shalt  }
0x70: {  	_ =	shalt  }
0x71: {  	_ =	shalt  }
0x72: {  	_ =	shalt  }
0x73: {  	_ =	shalt  }
0x74: {  	_ =	shalt  }
0x75: {  	_ =	shalt  }
0x76: {  	_ =	shalt  }
0x77: {  	_ =	shalt  }
0x78: {  	_ =	shalt  }
0x79: {  	_ =	shalt  }
0x7a: {  	_ =	shalt  }
0x7b: {  	_ =	shalt  }
0x7c: {  	_ =	shalt  }
0x7d: {  	_ =	shalt  }
0x7e: {  	_ =	shalt  }
0x7f: {  	_ =	shalt  }
0x80: {  	_ =	shalt  }
0x81: {  	_ =	shalt  }
0x82: {  	_ =	shalt  }
0x83: {  	_ =	shalt  }
0x84: {  	_ =	shalt  }
0x85: {  	_ =	shalt  }
0x86: {  	_ =	shalt  }
0x87: {  	_ =	shalt  }
.Lfunc_end0:
.L_simem_size_0:
called_computation_lowered:
.L_overlay_start_0:
0x88: {  	s2 =	sld [smem:$0x3FD9]  }
0x89: {  	s3 =	sld [smem:$0x3FFE];
	_ =	sdelay $0x1  }
0x8a: {  	s1 =	srdreg.scid  }
0x8b: {  	s0 =	sand.u32 $0x1, s1  }
0x8c: {  	s17 =	sshll.u32 s0, $0xA;
	s2 =	sadd.s32 s3, s2  }
0x8d: {  	s2 =	sadd.s32 s2, s17  }
0x8e: {  	[smem:$0x3FBF] =	sst s2  }
0x8f: {  	_ = 	snop  }
0x90: {  	s2 =	sld [smem:$0x3FC9]  }
0x91: {  	s18 =	sld [smem:$0x3FC6];
	(tm) =	ssettm $0x1  }
0x92: {  	s4 =	sld [smem:$0x3FFB];
	_ =	sdelay $0x3  }
0x93: {  	_ =	strace s4  }
0x94: {  	s4 =	sld [smem:$0x3FFC];
	_ =	sdelay $0x3  }
0x95: {  	_ =	strace s4  }
0x96: {  	s4 =	sld [smem:$0x3FFD];
	_ =	sdelay $0x3  }
0x97: {  	_ =	strace s4  }
0x98: {  	_ =	strace $0x8FFFFFFF  }
0x99: {  	s19 =	sld [smem:$0x3FDB];
	_ =	sdelay $0x1  }
0x9a: {  	s5 =	simm.s32 $_scs_section_size  }
0x9b: {  	s6 =	simm.s32 $_size__tile_overlayer_lowered;
	s7 =	simm.s32 $_tile_overlayer_lowered  }
0x9c: {  	s22 =	simm.s32 $0x1BFF;
	s21 =	sshll.u32 s7, $0x1;
	s4 =	sadd.s32 s5, s19  }
0x9d: {  	s8 =	simm.s32 $0x0;
	s20 =	sshll.u32 s6, $0x1;
	s6 =	sadd.s32 s21, s4  }
0x9e: {  	[timem:s8], [sflag:s22] =	dma.local [hbm:s6], s20  }
0x9f: {  	_ =	swait.ge [sflag:s22], s20  }
0xa0: {  	s5 =	ssub.s32 $0x0, s20;
	[sflag:s22] =	ssyncset.done $0x0  }
0xa1: {  	[sflag:s22] =	ssyncadd.s32 s5;
	_ =	sdelay $0x1  }
0xa2: {  	s23 =	simm.s32 $0x1B8B  }
0xa3: {  	_ =	swait.ge [sflag:s23], $0x1  }
0xa4: {  	[sflag:s23] =	ssyncset.done $0x0  }
0xa5: {  	s25 =	simm.s32 $0x1B8E;
	s24 =	sld [smem:$0x3FFE];
	[sflag:s23] =	ssyncadd.s32 $0xFFFFFFFF  }
0xa6: {  	s26 =	simm.s32 $execute0_lowered;
	[smem:$0x3FD2] =	sst s25  }
0xa7: {  	s6 =	sshll.u32 s26, $0x1;
	_ =	strace $0x80000046;
	[dreg:$0x1] =	wrdreg $0xFFFFFFFF  }
0xa8: {  	s28 =	simm.s32 $_size_execute0_lowered;
	s4 =	sadd.s32 s4, s6;
	[dreg:$0x0] =	wrdreg $0x0  }
0xa9: {  	s6 =	sshll.u32 s28, $0x1;
	[dreg:$0x2] =	wrdreg s4  }
0xaa: {  	[dreg:$0x3] =	wrdreg s6  }
0xab: {  	[dreg:$0x4] =	wrdreg $0xC0  }
0xac: {  	_ =	task [dreg:s8], $0x5FFFF  }
0xad: {  	[dreg:$0x1] =	wrdreg $0xFFFFFFFF  }
0xae: {  	[dreg:$0x0] =	wrdreg $0x60  }
0xaf: {  	[dreg:$0x2] =	wrdreg s2  }
0xb0: {  	[dreg:$0x3] =	wrdreg s18  }
0xb1: {  	[dreg:$0x4] =	wrdreg s24  }
0xb2: {  	[dreg:$0x5] =	wrdreg $0x9  }
0xb3: {  	_ =	task.clear_ibuf [dreg:s8], $0x6FFFF;
	_ =	strace $0x90000046  }
0xb4: {  	s29 =	simm.s32 $0x9;
	_ =	strace $0x80000048  }
0xb5: {  	_ =	swait.ge [sflag:s29], $0x1  }
0xb6: {  	[sflag:s29] =	ssyncadd.s32 $0xFFFFFFFF  }
0xb7: {  	_ =	strace $0x90000048  }
0xb8: {  	_ =	sfence  }
0xb9: {  	s30 =	sld [smem:$0x0];
	_ =	sdelay $0x2  }
0xba: {  	s31 =	sshll.u32 s1, $0xD;
	s1 =	sshrl.u32 s1, $0x2  }
0xbb: {  	s3 =	sand.u32 $0x4000, s31;
	s1 =	sadd.s32 s1, s30  }
0xbc: {  	s0 =	sor.u32 s3, s0;
	s1 =	sshll.u32 s1, $0x11  }
0xbd: {  	s0 =	sor.u32 s1, s0  }
0xbe: {  	s0 =	sadd.s32 $0x8F2B, s0  }
0xbf: {  	[sflag:s0] =	ssyncadd.remote.s32 $0x1  }
0xc0: {  	_ =	sfence.sel $0xFFFF  }
0xc1: {  	[dreg:$0x0] =	wrdreg $0xFFFFFFFF;
	(pc) =	sbr.abs _section_cstart, $3  }
0xc2: {  	[dreg:$0x1] =	wrdreg $0xFFFFFFFF  }
0xc3: {  	_ =	task.clear_ibuf [dreg:s8], $0x2FFFF;
	_ =	strace $0x9FFFFFFF  }
0xc4: {  	(tm) =	ssettm $0x7FFFFFFF  }
0xc5: {  	_ =	shalt  }
tec
execute0_lowered:
.L_overlay_start_1:
0x0: {  	(tag) =	ssettag $0x1  }
0x1: {  	s0 =	rddreg [dreg:$0x0]  }
0x2: {  	s1 =	rddreg [dreg:$0x1]  }
0x3: {  	s2 =	rddreg [dreg:$0x2];
	s3 =	srdreg.scid;
	v0 =	vlaneseq.u32  }
0x4: {  	s4 =	stileid.u32;
	s6 =	simm.s32 $0x0;
	s7 =	simm.s32 $0x400;
	v0 =	vmul.u32 $0x80, v0  }
0x5: {  	s9 =	simm.s32 $0x7A1400;
	s10 =	simm.s32 $0x200;
	s11 =	simm.s32 $0x2200  }
0x6: {  	s12 =	simm.s32 $0x4200;
	s13 =	simm.s32 $0x6200;
	s14 =	simm.s32 $0x8200;
	v1 =	vor.u32 $0x800, v0  }
0x7: {  	s15 =	simm.s32 $0xA200;
	s16 =	simm.s32 $0xC200;
	s17 =	simm.s32 $0xE200;
	v2 =	vor.u32 $0x1000, v0;
	v3 =	vor.u32 $0x1800, v0;
	v4 =	vor.u32 $0x2000, v0  }
0x8: {  	s18 =	simm.s32 $0x1;
	s19 =	simm.s32 $0x10200;
	s20 =	simm.s32 $0x2;
	v5 =	vor.u32 $0x2800, v0;
	v6 =	vor.u32 $0x3000, v0;
	v7 =	vor.u32 $0x3800, v0  }
0x9: {  	s21 =	simm.s32 $0x3;
	s22 =	simm.s32 $0x4;
	s23 =	simm.s32 $0x5;
	v8 =	vor.u32 $0x4000, v0;
	v9 =	vor.u32 $0x4800, v0;
	v10 =	vor.u32 $0x5000, v0  }
0xa: {  	s24 =	simm.s32 $0x6;
	s25 =	simm.s32 $0x7;
	s3 =	sand.u32 $0x1, s3;
	v11 =	vor.u32 $0x5800, v0;
	v12 =	vor.u32 $0x6000, v0;
	v13 =	vor.u32 $0x6800, v0  }
0xb: {  	s26 =	simm.s32 $0x8;
	s4 =	sshll.u32 s4, $0xA;
	s5 =	sshll.u32 s3, $0x9;
	v14 =	vor.u32 $0x7000, v0;
	v15 =	vor.u32 $0x7800, v0;
	v16 =	vor.u32 $0x8000, v0  }
0xc: {  	[smem:$0x7FF] =	sst s6;
	s3 =	ssub.s32 $0x2, s3;
	s4 =	sor.u32 s5, s4;
	v17 =	vor.u32 $0x8800, v0;
	v18 =	vor.u32 $0x9000, v0;
	v19 =	vor.u32 $0x9800, v0  }
0xd: {  	s6 =	simm.s32 $0x9;
	s29 =	sshrl.u32 s3, $0x1;
	v20 =	vor.u32 $0xA000, v0;
	v21 =	vor.u32 $0xA800, v0;
	v22 =	vor.u32 $0xB000, v0;
	s30 =	sshrl.u32 s4, $0x3  }
0xe: {  	_ =	strace $0x80000047;
	v23 =	vor.u32 $0xB800, v0;
	v24 =	vor.u32 $0xC000, v0;
	v25 =	vor.u32 $0xC800, v0;
	s3 =	ssub.s32 s3, s29;
	s0 =	sadd.s32 s0, s30  }
0xf: {  	v26 =	vor.u32 $0xD000, v0;
	v27 =	vor.u32 $0xD800, v0;
	v28 =	vor.u32 $0xE000, v0;
	s2 =	sadd.s32 s4, s2;
	s31 =	smax.u32 s3, $0x1;
	[dreg:$0x4] =	wrdreg s0  }
0x10: {  	v29 =	vor.u32 $0xE800, v0;
	v30 =	vor.u32 $0xF000, v0;
	v31 =	vor.u32 $0xF800, v0;
	s5 =	sadd.s32 $0x1200, s2;
	s2 =	simm.s32 $0x0;
	[dreg:$0x5] =	wrdreg s31  }
.LBB2_1:
0x11: {  	[dreg:$0x6] =	wrdreg s2  }
0x12: {  	s0 =	simm.s32 $0x0;
	s29 =	rddreg [dreg:$0x4]  }
0x13: {  	[tilespmem:s0], [sflag:$0x9] =	stream.linear.gather [hbm4b:s29+s0], $0x200, $0x38;
	[tilespmem:$0x12200] =	vst v63  }
0x14: {  	_ =	swait.ge [sflag:s6], $0x200  }
0x15: {  	[sflag:s6] =	ssyncset.done $0x0  }
0x16: {  	[sflag:s6] =	ssyncadd.s32 $0xFFFFFE00  }
0x17: {  	v32 =	vld [tilespmem:$0x0];
	_ =	sdelay $0x4  }
0x18: {  	(v2sf) =	vpush v32, $0x0  }
0x19: {  	(v2sf) =	vpush v32, $0x1;
	_ =	sdelay $0x1  }
0x1a: {  	(v2sf) =	vpush v32, $0x2;
	_ =	sdelay $0x4  }
0x1b: {  	(v2sf) =	vpush v32, $0x3  }
0x1c: {  	(v2sf) =	vpush v32, $0x4;
	_ =	sdelay $0x5  }
0x1d: {  	s2 =	spop (v2sf);
	(v2sf) =	vpush v32, $0x5  }
0x1e: {  	s3 =	spop (v2sf);
	(v2sf) =	vpush v32, $0x6  }
0x1f: {  	s0 =	sand.u32 $0xFFFFF80, s2  }
0x20: {  	s0 =	sadd.s32 s1, s0;
	s4 =	spop (v2sf)  }
0x21: {  	(v2sf) =	vpush v32, $0x7;
	[tilespmem:s10], [sflag:$0x1] =	stream.strided.gather [hbm4b:s0+s7], $0x2000, s9, s7, $0x38;
	[tilespmem:$0x12200] =	vst v63  }
0x22: {  	s0 =	sand.u32 $0xFFFFF80, s3  }
0x23: {  	s0 =	sadd.s32 s1, s0  }
0x24: {  	[tilespmem:s11], [sflag:$0x2] =	stream.strided.gather [hbm4b:s0+s7], $0x2000, s9, s7, $0x38;
	[tilespmem:$0x12200] =	vst v63  }
0x25: {  	s8 =	spop (v2sf);
	s0 =	sand.u32 $0xFFFFF80, s4  }
0x26: {  	s28 =	sand.u32 $0xFFFFF80, s8;
	s29 =	spop (v2sf);
	s0 =	sadd.s32 s1, s0  }
0x27: {  	[tilespmem:s12], [sflag:$0x3] =	stream.strided.gather [hbm4b:s0+s7], $0x2000, s9, s7, $0x38;
	[tilespmem:$0x12200] =	vst v63  }
0x28: {  	s2 =	sand.u32 $0xFFFFF80, s29;
	s0 =	sadd.s32 s1, s28  }
0x29: {  	[tilespmem:s13], [sflag:$0x4] =	stream.strided.gather [hbm4b:s0+s7], $0x2000, s9, s7, $0x38;
	[tilespmem:$0x12200] =	vst v63  }
0x2a: {  	s0 =	sadd.s32 s1, s2  }
0x2b: {  	[tilespmem:s14], [sflag:$0x5] =	stream.strided.gather [hbm4b:s0+s7], $0x2000, s9, s7, $0x38;
	[tilespmem:$0x12200] =	vst v63  }
0x2c: {  	s3 =	spop (v2sf)  }
0x2d: {  	s4 =	sand.u32 $0xFFFFF80, s3;
	s8 =	spop (v2sf)  }
0x2e: {  	s0 =	sadd.s32 s1, s4;
	s28 =	sand.u32 $0xFFFFF80, s8  }
0x2f: {  	[tilespmem:s15], [sflag:$0x6] =	stream.strided.gather [hbm4b:s0+s7], $0x2000, s9, s7, $0x38;
	[tilespmem:$0x12200] =	vst v63  }
0x30: {  	s29 =	spop (v2sf);
	s0 =	sadd.s32 s1, s28  }
0x31: {  	[tilespmem:s16], [sflag:$0x7] =	stream.strided.gather [hbm4b:s0+s7], $0x2000, s9, s7, $0x38;
	[tilespmem:$0x12200] =	vst v63  }
0x32: {  	s0 =	sand.u32 $0xFFFFF80, s29  }
0x33: {  	s0 =	sadd.s32 s1, s0  }
0x34: {  	[tilespmem:s17], [sflag:$0x8] =	stream.strided.gather [hbm4b:s0+s7], $0x2000, s9, s7, $0x38;
	[tilespmem:$0x12200] =	vst v63  }
0x35: {  	s30 =	simm.s32 $0x10;
	s31 =	simm.s32 $0x0;
	s0 =	simm.s32 $0x0  }
.LBB2_2:
0x36: {  	v32 =	vld [tilespmem:s31+$0x0];
	_ =	sdelay $0x4  }
0x37: {  	(v2sf) =	vpush v32, $0x0;
	_ =	sdelay $0xe  }
0x38: {  	s2 =	spop (v2sf)  }
0x39: {  	s4 =	sand.u32 $0x7F, s2  }
0x3a: {  	v33 =	vor.u32 s4, v0;
	_ =	sdelay $0x1  }
0x3b: {  	_ =	swait.ge [sflag:s18], $0x2000  }
0x3c: {  	s2 =	sadd.s32 $0xFFFFFFF0, s30;
	[sflag:s18] =	ssyncset.done $0x0  }
0x3d: {  	s3 =	sand.u32 $0x70, s2;
	[sflag:s18] =	ssyncadd.s32 $0xFFFFE000  }
0x3e: {  	v34 =	vor.u32 s3, v0;
	v33 =	vld.idx.msk [tilespmem:v33+s10+$0x0], $0xffff  }
0x3f: {  	v35 =	vor.u32 s4, v1;
	_ =	sdelay $0x3  }
0x40: {  	[tilespmem:v34+s19+$0x0] =	vst.idx.msk $0xffff, v33  }
0x41: {  	(v2sf) =	vpush v32, $0x8;
	v51 =	vor.u32 s3, v1;
	v33 =	vld.idx.msk [tilespmem:v35+s10+$0x0], $0xffff  }
0x42: {  	v52 =	vor.u32 s4, v2;
	_ =	sdelay $0x3  }
0x43: {  	[tilespmem:v51+s19+$0x0] =	vst.idx.msk $0xffff, v33  }
0x44: {  	v53 =	vor.u32 s3, v2;
	v33 =	vld.idx.msk [tilespmem:v52+s10+$0x0], $0xffff  }
0x45: {  	v54 =	vor.u32 s4, v3;
	_ =	sdelay $0x3  }
0x46: {  	[tilespmem:v53+s19+$0x0] =	vst.idx.msk $0xffff, v33  }
0x47: {  	v55 =	vor.u32 s3, v3;
	v33 =	vld.idx.msk [tilespmem:v54+s10+$0x0], $0xffff;
	_ =	sdelay $0x2  }
0x48: {  	s28 =	spop (v2sf)  }
0x49: {  	s4 =	sand.u32 $0xFFFFF80, s28  }
0x4a: {  	s4 =	sadd.s32 s1, s4;
	[tilespmem:v55+s19+$0x0] =	vst.idx.msk $0xffff, v33  }
0x4b: {  	[tilespmem:s10], [sflag:$0x1] =	stream.strided.gather [hbm4b:s4+s7], $0x2000, s9, s7, $0x38;
	[tilespmem:$0x12200] =	vst v63  }
0x4c: {  	v33 =	vld [tilespmem:s31+$0x0];
	_ =	sdelay $0x4  }
0x4d: {  	(v2sf) =	vpush v33, $0x1;
	_ =	sdelay $0xe  }
0x4e: {  	s29 =	spop (v2sf)  }
0x4f: {  	s4 =	sand.u32 $0x7F, s29  }
0x50: {  	v56 =	vor.u32 s4, v4;
	_ =	sdelay $0x1  }
0x51: {  	_ =	swait.ge [sflag:s20], $0x2000  }
0x52: {  	[sflag:s20] =	ssyncset.done $0x0  }
0x53: {  	s8 =	sor.u32 $0x1, s3;
	[sflag:s20] =	ssyncadd.s32 $0xFFFFE000  }
0x54: {  	v57 =	vor.u32 s8, v0;
	v33 =	vld.idx.msk [tilespmem:v56+s10+$0x0], $0xffff  }
0x55: {  	v58 =	vor.u32 s4, v5;
	_ =	sdelay $0x3  }
0x56: {  	[tilespmem:v57+s19+$0x0] =	vst.idx.msk $0xffff, v33  }
0x57: {  	v59 =	vor.u32 s8, v1;
	(v2sf) =	vpush v32, $0x9;
	v33 =	vld.idx.msk [tilespmem:v58+s10+$0x0], $0xffff  }
0x58: {  	v60 =	vor.u32 s4, v6;
	_ =	sdelay $0x3  }
0x59: {  	[tilespmem:v59+s19+$0x0] =	vst.idx.msk $0xffff, v33  }
0x5a: {  	v61 =	vor.u32 s8, v2;
	v33 =	vld.idx.msk [tilespmem:v60+s10+$0x0], $0xffff  }
0x5b: {  	v62 =	vor.u32 s4, v7;
	_ =	sdelay $0x3  }
0x5c: {  	[tilespmem:v61+s19+$0x0] =	vst.idx.msk $0xffff, v33  }
0x5d: {  	v63 =	vor.u32 s8, v3;
	v33 =	vld.idx.msk [tilespmem:v62+s10+$0x0], $0xffff;
	_ =	sdelay $0x2  }
0x5e: {  	s8 =	spop (v2sf)  }
0x5f: {  	s4 =	sand.u32 $0xFFFFF80, s8  }
0x60: {  	s4 =	sadd.s32 s1, s4;
	[tilespmem:v63+s19+$0x0] =	vst.idx.msk $0xffff, v33  }
0x61: {  	[tilespmem:s11], [sflag:$0x2] =	stream.strided.gather [hbm4b:s4+s7], $0x2000, s9, s7, $0x38;
	[tilespmem:$0x12200] =	vst v63  }
0x62: {  	v33 =	vld [tilespmem:s31+$0x0];
	_ =	sdelay $0x4  }
0x63: {  	(v2sf) =	vpush v33, $0x2;
	_ =	sdelay $0xe  }
0x64: {  	s28 =	spop (v2sf)  }
0x65: {  	s4 =	sand.u32 $0x7F, s28  }
0x66: {  	v36 =	vor.u32 s4, v8;
	_ =	sdelay $0x1  }
0x67: {  	_ =	swait.ge [sflag:s21], $0x2000  }
0x68: {  	[sflag:s21] =	ssyncset.done $0x0  }
0x69: {  	s29 =	sor.u32 $0x2, s3;
	[sflag:s21] =	ssyncadd.s32 $0xFFFFE000  }
0x6a: {  	v37 =	vor.u32 s29, v0;
	v33 =	vld.idx.msk [tilespmem:v36+s10+$0x0], $0xffff  }
0x6b: {  	v38 =	vor.u32 s4, v9;
	_ =	sdelay $0x3  }
0x6c: {  	[tilespmem:v37+s19+$0x0] =	vst.idx.msk $0xffff, v33  }
0x6d: {  	v39 =	vor.u32 s29, v1;
	(v2sf) =	vpush v32, $0xA;
	v33 =	vld.idx.msk [tilespmem:v38+s10+$0x0], $0xffff  }
0x6e: {  	v40 =	vor.u32 s4, v10;
	_ =	sdelay $0x3  }
0x6f: {  	[tilespmem:v39+s19+$0x0] =	vst.idx.msk $0xffff, v33  }
0x70: {  	v41 =	vor.u32 s29, v2;
	v33 =	vld.idx.msk [tilespmem:v40+s10+$0x0], $0xffff  }
0x71: {  	v42 =	vor.u32 s4, v11;
	_ =	sdelay $0x3  }
0x72: {  	[tilespmem:v41+s19+$0x0] =	vst.idx.msk $0xffff, v33  }
0x73: {  	v43 =	vor.u32 s29, v3;
	v33 =	vld.idx.msk [tilespmem:v42+s10+$0x0], $0xffff;
	_ =	sdelay $0x2  }
0x74: {  	s8 =	spop (v2sf)  }
0x75: {  	s4 =	sand.u32 $0xFFFFF80, s8  }
0x76: {  	s4 =	sadd.s32 s1, s4;
	[tilespmem:v43+s19+$0x0] =	vst.idx.msk $0xffff, v33  }
0x77: {  	[tilespmem:s12], [sflag:$0x3] =	stream.strided.gather [hbm4b:s4+s7], $0x2000, s9, s7, $0x38;
	[tilespmem:$0x12200] =	vst v63  }
0x78: {  	v33 =	vld [tilespmem:s31+$0x0];
	_ =	sdelay $0x4  }
0x79: {  	(v2sf) =	vpush v33, $0x3;
	_ =	sdelay $0xe  }
0x7a: {  	s28 =	spop (v2sf)  }
0x7b: {  	s4 =	sand.u32 $0x7F, s28  }
0x7c: {  	v44 =	vor.u32 s4, v12;
	_ =	sdelay $0x1  }
0x7d: {  	_ =	swait.ge [sflag:s22], $0x2000  }
0x7e: {  	[sflag:s22] =	ssyncset.done $0x0  }
0x7f: {  	s29 =	sor.u32 $0x3, s3;
	[sflag:s22] =	ssyncadd.s32 $0xFFFFE000  }
0x80: {  	v45 =	vor.u32 s29, v0;
	v33 =	vld.idx.msk [tilespmem:v44+s10+$0x0], $0xffff  }
0x81: {  	v46 =	vor.u32 s4, v13;
	_ =	sdelay $0x3  }
0x82: {  	[tilespmem:v45+s19+$0x0] =	vst.idx.msk $0xffff, v33  }
0x83: {  	v47 =	vor.u32 s29, v1;
	(v2sf) =	vpush v32, $0xB;
	v33 =	vld.idx.msk [tilespmem:v46+s10+$0x0], $0xffff  }
0x84: {  	v48 =	vor.u32 s4, v14;
	_ =	sdelay $0x3  }
0x85: {  	[tilespmem:v47+s19+$0x0] =	vst.idx.msk $0xffff, v33  }
0x86: {  	v49 =	vor.u32 s29, v2;
	v33 =	vld.idx.msk [tilespmem:v48+s10+$0x0], $0xffff  }
0x87: {  	v50 =	vor.u32 s4, v15;
	_ =	sdelay $0x3  }
0x88: {  	[tilespmem:v49+s19+$0x0] =	vst.idx.msk $0xffff, v33  }
0x89: {  	v51 =	vor.u32 s29, v3;
	v33 =	vld.idx.msk [tilespmem:v50+s10+$0x0], $0xffff;
	_ =	sdelay $0x2  }
0x8a: {  	s8 =	spop (v2sf)  }
0x8b: {  	s4 =	sand.u32 $0xFFFFF80, s8  }
0x8c: {  	s4 =	sadd.s32 s1, s4;
	[tilespmem:v51+s19+$0x0] =	vst.idx.msk $0xffff, v33  }
0x8d: {  	[tilespmem:s13], [sflag:$0x4] =	stream.strided.gather [hbm4b:s4+s7], $0x2000, s9, s7, $0x38;
	[tilespmem:$0x12200] =	vst v63  }
0x8e: {  	v33 =	vld [tilespmem:s31+$0x0];
	_ =	sdelay $0x4  }
0x8f: {  	(v2sf) =	vpush v33, $0x4;
	_ =	sdelay $0xe  }
0x90: {  	s28 =	spop (v2sf)  }
0x91: {  	s4 =	sand.u32 $0x7F, s28  }
0x92: {  	v52 =	vor.u32 s4, v16;
	_ =	sdelay $0x1  }
0x93: {  	_ =	swait.ge [sflag:s23], $0x2000  }
0x94: {  	[sflag:s23] =	ssyncset.done $0x0  }
0x95: {  	s29 =	sor.u32 $0x4, s3;
	[sflag:s23] =	ssyncadd.s32 $0xFFFFE000  }
0x96: {  	v53 =	vor.u32 s29, v0;
	v33 =	vld.idx.msk [tilespmem:v52+s10+$0x0], $0xffff  }
0x97: {  	v54 =	vor.u32 s4, v17;
	_ =	sdelay $0x3  }
0x98: {  	[tilespmem:v53+s19+$0x0] =	vst.idx.msk $0xffff, v33  }
0x99: {  	v55 =	vor.u32 s29, v1;
	(v2sf) =	vpush v32, $0xC;
	v33 =	vld.idx.msk [tilespmem:v54+s10+$0x0], $0xffff  }
0x9a: {  	v56 =	vor.u32 s4, v18;
	_ =	sdelay $0x3  }
0x9b: {  	[tilespmem:v55+s19+$0x0] =	vst.idx.msk $0xffff, v33  }
0x9c: {  	v57 =	vor.u32 s29, v2;
	v33 =	vld.idx.msk [tilespmem:v56+s10+$0x0], $0xffff  }
0x9d: {  	v58 =	vor.u32 s4, v19;
	_ =	sdelay $0x3  }
0x9e: {  	[tilespmem:v57+s19+$0x0] =	vst.idx.msk $0xffff, v33  }
0x9f: {  	v59 =	vor.u32 s29, v3;
	v33 =	vld.idx.msk [tilespmem:v58+s10+$0x0], $0xffff;
	_ =	sdelay $0x2  }
0xa0: {  	s8 =	spop (v2sf)  }
0xa1: {  	s4 =	sand.u32 $0xFFFFF80, s8  }
0xa2: {  	s4 =	sadd.s32 s1, s4;
	[tilespmem:v59+s19+$0x0] =	vst.idx.msk $0xffff, v33  }
0xa3: {  	[tilespmem:s14], [sflag:$0x5] =	stream.strided.gather [hbm4b:s4+s7], $0x2000, s9, s7, $0x38;
	[tilespmem:$0x12200] =	vst v63  }
0xa4: {  	v33 =	vld [tilespmem:s31+$0x0];
	_ =	sdelay $0x4  }
0xa5: {  	(v2sf) =	vpush v33, $0x5;
	_ =	sdelay $0xe  }
0xa6: {  	s28 =	spop (v2sf)  }
0xa7: {  	s4 =	sand.u32 $0x7F, s28  }
0xa8: {  	v60 =	vor.u32 s4, v20;
	_ =	sdelay $0x1  }
0xa9: {  	_ =	swait.ge [sflag:s24], $0x2000  }
0xaa: {  	[sflag:s24] =	ssyncset.done $0x0  }
0xab: {  	s29 =	sor.u32 $0x5, s3;
	[sflag:s24] =	ssyncadd.s32 $0xFFFFE000  }
0xac: {  	v61 =	vor.u32 s29, v0;
	v33 =	vld.idx.msk [tilespmem:v60+s10+$0x0], $0xffff  }
0xad: {  	v62 =	vor.u32 s4, v21;
	_ =	sdelay $0x3  }
0xae: {  	[tilespmem:v61+s19+$0x0] =	vst.idx.msk $0xffff, v33  }
0xaf: {  	v63 =	vor.u32 s29, v1;
	(v2sf) =	vpush v32, $0xD;
	v33 =	vld.idx.msk [tilespmem:v62+s10+$0x0], $0xffff  }
0xb0: {  	v36 =	vor.u32 s4, v22;
	_ =	sdelay $0x3  }
0xb1: {  	[tilespmem:v63+s19+$0x0] =	vst.idx.msk $0xffff, v33  }
0xb2: {  	v37 =	vor.u32 s29, v2;
	v33 =	vld.idx.msk [tilespmem:v36+s10+$0x0], $0xffff  }
0xb3: {  	v38 =	vor.u32 s4, v23;
	_ =	sdelay $0x3  }
0xb4: {  	[tilespmem:v37+s19+$0x0] =	vst.idx.msk $0xffff, v33  }
0xb5: {  	v39 =	vor.u32 s29, v3;
	v33 =	vld.idx.msk [tilespmem:v38+s10+$0x0], $0xffff;
	_ =	sdelay $0x2  }
0xb6: {  	s8 =	spop (v2sf)  }
0xb7: {  	s4 =	sand.u32 $0xFFFFF80, s8  }
0xb8: {  	s4 =	sadd.s32 s1, s4;
	[tilespmem:v39+s19+$0x0] =	vst.idx.msk $0xffff, v33  }
0xb9: {  	[tilespmem:s15], [sflag:$0x6] =	stream.strided.gather [hbm4b:s4+s7], $0x2000, s9, s7, $0x38;
	[tilespmem:$0x12200] =	vst v63  }
0xba: {  	v33 =	vld [tilespmem:s31+$0x0];
	_ =	sdelay $0x4  }
0xbb: {  	(v2sf) =	vpush v33, $0x6;
	_ =	sdelay $0xe  }
0xbc: {  	s28 =	spop (v2sf)  }
0xbd: {  	s4 =	sand.u32 $0x7F, s28  }
0xbe: {  	v40 =	vor.u32 s4, v24;
	_ =	sdelay $0x1  }
0xbf: {  	_ =	swait.ge [sflag:s25], $0x2000  }
0xc0: {  	[sflag:s25] =	ssyncset.done $0x0  }
0xc1: {  	s29 =	sor.u32 $0x6, s3;
	[sflag:s25] =	ssyncadd.s32 $0xFFFFE000  }
0xc2: {  	v41 =	vor.u32 s29, v0;
	v33 =	vld.idx.msk [tilespmem:v40+s10+$0x0], $0xffff  }
0xc3: {  	v42 =	vor.u32 s4, v25;
	_ =	sdelay $0x3  }
0xc4: {  	[tilespmem:v41+s19+$0x0] =	vst.idx.msk $0xffff, v33  }
0xc5: {  	v43 =	vor.u32 s29, v1;
	(v2sf) =	vpush v32, $0xE;
	v33 =	vld.idx.msk [tilespmem:v42+s10+$0x0], $0xffff  }
0xc6: {  	v44 =	vor.u32 s4, v26;
	_ =	sdelay $0x3  }
0xc7: {  	[tilespmem:v43+s19+$0x0] =	vst.idx.msk $0xffff, v33  }
0xc8: {  	v45 =	vor.u32 s29, v2;
	v33 =	vld.idx.msk [tilespmem:v44+s10+$0x0], $0xffff  }
0xc9: {  	v46 =	vor.u32 s4, v27;
	_ =	sdelay $0x3  }
0xca: {  	[tilespmem:v45+s19+$0x0] =	vst.idx.msk $0xffff, v33  }
0xcb: {  	v47 =	vor.u32 s29, v3;
	v33 =	vld.idx.msk [tilespmem:v46+s10+$0x0], $0xffff;
	_ =	sdelay $0x2  }
0xcc: {  	s8 =	spop (v2sf)  }
0xcd: {  	s4 =	sand.u32 $0xFFFFF80, s8  }
0xce: {  	s4 =	sadd.s32 s1, s4;
	[tilespmem:v47+s19+$0x0] =	vst.idx.msk $0xffff, v33  }
0xcf: {  	[tilespmem:s16], [sflag:$0x7] =	stream.strided.gather [hbm4b:s4+s7], $0x2000, s9, s7, $0x38;
	[tilespmem:$0x12200] =	vst v63  }
0xd0: {  	v33 =	vld [tilespmem:s31+$0x0];
	_ =	sdelay $0x4  }
0xd1: {  	(v2sf) =	vpush v33, $0x7;
	_ =	sdelay $0xe  }
0xd2: {  	s28 =	spop (v2sf)  }
0xd3: {  	s4 =	sand.u32 $0x7F, s28  }
0xd4: {  	v48 =	vor.u32 s4, v28;
	_ =	sdelay $0x1  }
0xd5: {  	_ =	swait.ge [sflag:s26], $0x2000  }
0xd6: {  	[sflag:s26] =	ssyncset.done $0x0  }
0xd7: {  	s29 =	sor.u32 $0x7, s3;
	[sflag:s26] =	ssyncadd.s32 $0xFFFFE000  }
0xd8: {  	v49 =	vor.u32 s29, v0;
	v33 =	vld.idx.msk [tilespmem:v48+s10+$0x0], $0xffff  }
0xd9: {  	v50 =	vor.u32 s4, v29;
	_ =	sdelay $0x3  }
0xda: {  	[tilespmem:v49+s19+$0x0] =	vst.idx.msk $0xffff, v33  }
0xdb: {  	v51 =	vor.u32 s29, v1;
	(v2sf) =	vpush v32, $0xF;
	v33 =	vld.idx.msk [tilespmem:v50+s10+$0x0], $0xffff  }
0xdc: {  	v52 =	vor.u32 s4, v30;
	_ =	sdelay $0x3  }
0xdd: {  	[tilespmem:v51+s19+$0x0] =	vst.idx.msk $0xffff, v33  }
0xde: {  	v53 =	vor.u32 s29, v2;
	v32 =	vld.idx.msk [tilespmem:v52+s10+$0x0], $0xffff  }
0xdf: {  	v54 =	vor.u32 s4, v31;
	_ =	sdelay $0x3  }
0xe0: {  	[tilespmem:v53+s19+$0x0] =	vst.idx.msk $0xffff, v32  }
0xe1: {  	v55 =	vor.u32 s29, v3;
	v32 =	vld.idx.msk [tilespmem:v54+s10+$0x0], $0xffff;
	_ =	sdelay $0x2  }
0xe2: {  	s28 =	spop (v2sf)  }
0xe3: {  	s4 =	sand.u32 $0xFFFFF80, s28  }
0xe4: {  	s4 =	sadd.s32 s1, s4;
	[tilespmem:v55+s19+$0x0] =	vst.idx.msk $0xffff, v32  }
0xe5: {  	[tilespmem:s17], [sflag:$0x8] =	stream.strided.gather [hbm4b:s4+s7], $0x2000, s9, s7, $0x38;
	[tilespmem:$0x12200] =	vst v63  }
0xe6: {  	v32 =	vld [tilespmem:s31+$0x0];
	_ =	sdelay $0x4  }
0xe7: {  	(v2sf) =	vpush v32, $0x8;
	_ =	sdelay $0xe  }
0xe8: {  	s29 =	spop (v2sf)  }
0xe9: {  	s4 =	sand.u32 $0x7F, s29  }
0xea: {  	p0 =	seq.s32 s0, $0x1F;
	s8 =	smov.u32 s30;
	v56 =	vor.u32 s4, v0  }
0xeb: {  	s8 =	simm.s32 @p0 $0x0  }
0xec: {  	v32 =	vld [tilespmem:s8+$0x0];
	_ =	swait.ge [sflag:s18], $0x2000  }
0xed: {  	[sflag:s18] =	ssyncset.done $0x0  }
0xee: {  	s28 =	sor.u32 $0x8, s3;
	[sflag:s18] =	ssyncadd.s32 $0xFFFFE000  }
0xef: {  	v57 =	vor.u32 s28, v0;
	v33 =	vld.idx.msk [tilespmem:v56+s10+$0x0], $0xffff  }
0xf0: {  	v58 =	vor.u32 s4, v1;
	_ =	sdelay $0x3  }
0xf1: {  	[tilespmem:v57+s19+$0x0] =	vst.idx.msk $0xffff, v33  }
0xf2: {  	v59 =	vor.u32 s28, v1;
	(v2sf) =	vpush @!p0 v32, $0x0;
	v33 =	vld.idx.msk [tilespmem:v58+s10+$0x0], $0xffff  }
0xf3: {  	v60 =	vor.u32 s4, v2;
	_ =	sdelay $0x3  }
0xf4: {  	[tilespmem:v59+s19+$0x0] =	vst.idx.msk $0xffff, v33  }
0xf5: {  	v61 =	vor.u32 s28, v2;
	v33 =	vld.idx.msk [tilespmem:v60+s10+$0x0], $0xffff  }
0xf6: {  	v62 =	vor.u32 s4, v3;
	_ =	sdelay $0x3  }
0xf7: {  	[tilespmem:v61+s19+$0x0] =	vst.idx.msk $0xffff, v33  }
0xf8: {  	v63 =	vor.u32 s28, v3;
	v33 =	vld.idx.msk [tilespmem:v62+s10+$0x0], $0xffff;
	_ =	sdelay $0x2  }
0xf9: {  	s4 =	spop @!p0 (v2sf)  }
0xfa: {  	s28 =	simm.s32 @!p0 $0x200;
	s4 =	sand.u32 @!p0 $0xFFFFF80, s4  }
0xfb: {  	s8 =	simm.s32 @!p0 $0x7A1400;
	s29 =	sadd.s32 @!p0 s1, s4;
	s4 =	simm.s32 @!p0 $0x400;
	[tilespmem:v63+s19+$0x0] =	vst.idx.msk $0xffff, v33  }
0xfc: {  	[tilespmem:s28], [sflag:$0x1] =	stream.strided.gather @!p0 [hbm4b:s29+s4], $0x2000, s8, s4, $0x38;
	[tilespmem:$0x12200] =	vst v63  }
0xfd: {  	v33 =	vld [tilespmem:s31+$0x0];
	_ =	sdelay $0x4  }
0xfe: {  	(v2sf) =	vpush v33, $0x9;
	_ =	sdelay $0xe  }
0xff: {  	s29 =	spop (v2sf)  }
0x100: {  	s28 =	sand.u32 $0x7F, s29  }
0x101: {  	v36 =	vor.u32 s28, v4;
	_ =	sdelay $0x1  }
0x102: {  	_ =	swait.ge [sflag:s20], $0x2000  }
0x103: {  	[sflag:s20] =	ssyncset.done $0x0  }
0x104: {  	s29 =	sor.u32 $0x9, s3;
	[sflag:s20] =	ssyncadd.s32 $0xFFFFE000  }
0x105: {  	v37 =	vor.u32 s29, v0;
	v33 =	vld.idx.msk [tilespmem:v36+s10+$0x0], $0xffff  }
0x106: {  	v38 =	vor.u32 s28, v5;
	_ =	sdelay $0x3  }
0x107: {  	[tilespmem:v37+s19+$0x0] =	vst.idx.msk $0xffff, v33  }
0x108: {  	v39 =	vor.u32 s29, v1;
	(v2sf) =	vpush @!p0 v32, $0x1;
	v33 =	vld.idx.msk [tilespmem:v38+s10+$0x0], $0xffff  }
0x109: {  	v40 =	vor.u32 s28, v6;
	_ =	sdelay $0x3  }
0x10a: {  	[tilespmem:v39+s19+$0x0] =	vst.idx.msk $0xffff, v33  }
0x10b: {  	v41 =	vor.u32 s29, v2;
	v33 =	vld.idx.msk [tilespmem:v40+s10+$0x0], $0xffff  }
0x10c: {  	v42 =	vor.u32 s28, v7;
	_ =	sdelay $0x3  }
0x10d: {  	[tilespmem:v41+s19+$0x0] =	vst.idx.msk $0xffff, v33  }
0x10e: {  	v43 =	vor.u32 s29, v3;
	v33 =	vld.idx.msk [tilespmem:v42+s10+$0x0], $0xffff;
	_ =	sdelay $0x2  }
0x10f: {  	s28 =	spop @!p0 (v2sf)  }
0x110: {  	s28 =	sand.u32 @!p0 $0xFFFFF80, s28  }
0x111: {  	s29 =	simm.s32 @!p0 $0x2200;
	s28 =	sadd.s32 @!p0 s1, s28;
	[tilespmem:v43+s19+$0x0] =	vst.idx.msk $0xffff, v33  }
0x112: {  	[tilespmem:s29], [sflag:$0x2] =	stream.strided.gather @!p0 [hbm4b:s28+s4], $0x2000, s8, s4, $0x38;
	[tilespmem:$0x12200] =	vst v63  }
0x113: {  	v33 =	vld [tilespmem:s31+$0x0];
	_ =	sdelay $0x4  }
0x114: {  	(v2sf) =	vpush v33, $0xA;
	_ =	sdelay $0xe  }
0x115: {  	s29 =	spop (v2sf)  }
0x116: {  	s28 =	sand.u32 $0x7F, s29  }
0x117: {  	v44 =	vor.u32 s28, v8;
	_ =	sdelay $0x1  }
0x118: {  	_ =	swait.ge [sflag:s21], $0x2000  }
0x119: {  	[sflag:s21] =	ssyncset.done $0x0  }
0x11a: {  	s29 =	sor.u32 $0xA, s3;
	[sflag:s21] =	ssyncadd.s32 $0xFFFFE000  }
0x11b: {  	v45 =	vor.u32 s29, v0;
	v33 =	vld.idx.msk [tilespmem:v44+s10+$0x0], $0xffff  }
0x11c: {  	v46 =	vor.u32 s28, v9;
	_ =	sdelay $0x3  }
0x11d: {  	[tilespmem:v45+s19+$0x0] =	vst.idx.msk $0xffff, v33  }
0x11e: {  	v47 =	vor.u32 s29, v1;
	(v2sf) =	vpush @!p0 v32, $0x2;
	v33 =	vld.idx.msk [tilespmem:v46+s10+$0x0], $0xffff  }
0x11f: {  	v48 =	vor.u32 s28, v10;
	_ =	sdelay $0x3  }
0x120: {  	[tilespmem:v47+s19+$0x0] =	vst.idx.msk $0xffff, v33  }
0x121: {  	v49 =	vor.u32 s29, v2;
	v33 =	vld.idx.msk [tilespmem:v48+s10+$0x0], $0xffff  }
0x122: {  	v50 =	vor.u32 s28, v11;
	_ =	sdelay $0x3  }
0x123: {  	[tilespmem:v49+s19+$0x0] =	vst.idx.msk $0xffff, v33  }
0x124: {  	v51 =	vor.u32 s29, v3;
	v33 =	vld.idx.msk [tilespmem:v50+s10+$0x0], $0xffff;
	_ =	sdelay $0x2  }
0x125: {  	s28 =	spop @!p0 (v2sf)  }
0x126: {  	s28 =	sand.u32 @!p0 $0xFFFFF80, s28  }
0x127: {  	s29 =	simm.s32 @!p0 $0x4200;
	s28 =	sadd.s32 @!p0 s1, s28;
	[tilespmem:v51+s19+$0x0] =	vst.idx.msk $0xffff, v33  }
0x128: {  	[tilespmem:s29], [sflag:$0x3] =	stream.strided.gather @!p0 [hbm4b:s28+s4], $0x2000, s8, s4, $0x38;
	[tilespmem:$0x12200] =	vst v63  }
0x129: {  	v33 =	vld [tilespmem:s31+$0x0];
	_ =	sdelay $0x4  }
0x12a: {  	(v2sf) =	vpush v33, $0xB;
	_ =	sdelay $0xe  }
0x12b: {  	s29 =	spop (v2sf)  }
0x12c: {  	s28 =	sand.u32 $0x7F, s29  }
0x12d: {  	v52 =	vor.u32 s28, v12;
	_ =	sdelay $0x1  }
0x12e: {  	_ =	swait.ge [sflag:s22], $0x2000  }
0x12f: {  	[sflag:s22] =	ssyncset.done $0x0  }
0x130: {  	s29 =	sor.u32 $0xB, s3;
	[sflag:s22] =	ssyncadd.s32 $0xFFFFE000  }
0x131: {  	v53 =	vor.u32 s29, v0;
	v33 =	vld.idx.msk [tilespmem:v52+s10+$0x0], $0xffff  }
0x132: {  	v54 =	vor.u32 s28, v13;
	_ =	sdelay $0x3  }
0x133: {  	[tilespmem:v53+s19+$0x0] =	vst.idx.msk $0xffff, v33  }
0x134: {  	v55 =	vor.u32 s29, v1;
	(v2sf) =	vpush @!p0 v32, $0x3;
	v33 =	vld.idx.msk [tilespmem:v54+s10+$0x0], $0xffff  }
0x135: {  	v56 =	vor.u32 s28, v14;
	_ =	sdelay $0x3  }
0x136: {  	[tilespmem:v55+s19+$0x0] =	vst.idx.msk $0xffff, v33  }
0x137: {  	v57 =	vor.u32 s29, v2;
	v33 =	vld.idx.msk [tilespmem:v56+s10+$0x0], $0xffff  }
0x138: {  	v58 =	vor.u32 s28, v15;
	_ =	sdelay $0x3  }
0x139: {  	[tilespmem:v57+s19+$0x0] =	vst.idx.msk $0xffff, v33  }
0x13a: {  	v59 =	vor.u32 s29, v3;
	v33 =	vld.idx.msk [tilespmem:v58+s10+$0x0], $0xffff;
	_ =	sdelay $0x2  }
0x13b: {  	s28 =	spop @!p0 (v2sf)  }
0x13c: {  	s28 =	sand.u32 @!p0 $0xFFFFF80, s28  }
0x13d: {  	s29 =	simm.s32 @!p0 $0x6200;
	s28 =	sadd.s32 @!p0 s1, s28;
	[tilespmem:v59+s19+$0x0] =	vst.idx.msk $0xffff, v33  }
0x13e: {  	[tilespmem:s29], [sflag:$0x4] =	stream.strided.gather @!p0 [hbm4b:s28+s4], $0x2000, s8, s4, $0x38;
	[tilespmem:$0x12200] =	vst v63  }
0x13f: {  	v33 =	vld [tilespmem:s31+$0x0];
	_ =	sdelay $0x4  }
0x140: {  	(v2sf) =	vpush v33, $0xC;
	_ =	sdelay $0xe  }
0x141: {  	s29 =	spop (v2sf)  }
0x142: {  	s28 =	sand.u32 $0x7F, s29  }
0x143: {  	v60 =	vor.u32 s28, v16;
	_ =	sdelay $0x1  }
0x144: {  	_ =	swait.ge [sflag:s23], $0x2000  }
0x145: {  	[sflag:s23] =	ssyncset.done $0x0  }
0x146: {  	s29 =	sor.u32 $0xC, s3;
	[sflag:s23] =	ssyncadd.s32 $0xFFFFE000  }
0x147: {  	v61 =	vor.u32 s29, v0;
	v33 =	vld.idx.msk [tilespmem:v60+s10+$0x0], $0xffff  }
0x148: {  	v62 =	vor.u32 s28, v17;
	_ =	sdelay $0x3  }
0x149: {  	[tilespmem:v61+s19+$0x0] =	vst.idx.msk $0xffff, v33  }
0x14a: {  	v63 =	vor.u32 s29, v1;
	(v2sf) =	vpush @!p0 v32, $0x4;
	v33 =	vld.idx.msk [tilespmem:v62+s10+$0x0], $0xffff  }
0x14b: {  	v36 =	vor.u32 s28, v18;
	_ =	sdelay $0x3  }
0x14c: {  	[tilespmem:v63+s19+$0x0] =	vst.idx.msk $0xffff, v33  }
0x14d: {  	v37 =	vor.u32 s29, v2;
	v33 =	vld.idx.msk [tilespmem:v36+s10+$0x0], $0xffff  }
0x14e: {  	v38 =	vor.u32 s28, v19;
	_ =	sdelay $0x3  }
0x14f: {  	[tilespmem:v37+s19+$0x0] =	vst.idx.msk $0xffff, v33  }
0x150: {  	v39 =	vor.u32 s29, v3;
	v33 =	vld.idx.msk [tilespmem:v38+s10+$0x0], $0xffff;
	_ =	sdelay $0x2  }
0x151: {  	s28 =	spop @!p0 (v2sf)  }
0x152: {  	s28 =	sand.u32 @!p0 $0xFFFFF80, s28  }
0x153: {  	s29 =	simm.s32 @!p0 $0x8200;
	s28 =	sadd.s32 @!p0 s1, s28;
	[tilespmem:v39+s19+$0x0] =	vst.idx.msk $0xffff, v33  }
0x154: {  	[tilespmem:s29], [sflag:$0x5] =	stream.strided.gather @!p0 [hbm4b:s28+s4], $0x2000, s8, s4, $0x38;
	[tilespmem:$0x12200] =	vst v63  }
0x155: {  	v33 =	vld [tilespmem:s31+$0x0];
	_ =	sdelay $0x4  }
0x156: {  	(v2sf) =	vpush v33, $0xD;
	_ =	sdelay $0xe  }
0x157: {  	s29 =	spop (v2sf)  }
0x158: {  	s28 =	sand.u32 $0x7F, s29  }
0x159: {  	v40 =	vor.u32 s28, v20;
	_ =	sdelay $0x1  }
0x15a: {  	_ =	swait.ge [sflag:s24], $0x2000  }
0x15b: {  	[sflag:s24] =	ssyncset.done $0x0  }
0x15c: {  	s29 =	sor.u32 $0xD, s3;
	[sflag:s24] =	ssyncadd.s32 $0xFFFFE000  }
0x15d: {  	v41 =	vor.u32 s29, v0;
	v33 =	vld.idx.msk [tilespmem:v40+s10+$0x0], $0xffff  }
0x15e: {  	v42 =	vor.u32 s28, v21;
	_ =	sdelay $0x3  }
0x15f: {  	[tilespmem:v41+s19+$0x0] =	vst.idx.msk $0xffff, v33  }
0x160: {  	v43 =	vor.u32 s29, v1;
	(v2sf) =	vpush @!p0 v32, $0x5;
	v33 =	vld.idx.msk [tilespmem:v42+s10+$0x0], $0xffff  }
0x161: {  	v44 =	vor.u32 s28, v22;
	_ =	sdelay $0x3  }
0x162: {  	[tilespmem:v43+s19+$0x0] =	vst.idx.msk $0xffff, v33  }
0x163: {  	v45 =	vor.u32 s29, v2;
	v33 =	vld.idx.msk [tilespmem:v44+s10+$0x0], $0xffff  }
0x164: {  	v46 =	vor.u32 s28, v23;
	_ =	sdelay $0x3  }
0x165: {  	[tilespmem:v45+s19+$0x0] =	vst.idx.msk $0xffff, v33  }
0x166: {  	v47 =	vor.u32 s29, v3;
	v33 =	vld.idx.msk [tilespmem:v46+s10+$0x0], $0xffff;
	_ =	sdelay $0x2  }
0x167: {  	s28 =	spop @!p0 (v2sf)  }
0x168: {  	s28 =	sand.u32 @!p0 $0xFFFFF80, s28  }
0x169: {  	s29 =	simm.s32 @!p0 $0xA200;
	s28 =	sadd.s32 @!p0 s1, s28;
	[tilespmem:v47+s19+$0x0] =	vst.idx.msk $0xffff, v33  }
0x16a: {  	[tilespmem:s29], [sflag:$0x6] =	stream.strided.gather @!p0 [hbm4b:s28+s4], $0x2000, s8, s4, $0x38;
	[tilespmem:$0x12200] =	vst v63  }
0x16b: {  	v33 =	vld [tilespmem:s31+$0x0];
	_ =	sdelay $0x4  }
0x16c: {  	(v2sf) =	vpush v33, $0xE;
	_ =	sdelay $0xe  }
0x16d: {  	s29 =	spop (v2sf)  }
0x16e: {  	s28 =	sand.u32 $0x7F, s29  }
0x16f: {  	v48 =	vor.u32 s28, v24;
	_ =	sdelay $0x1  }
0x170: {  	_ =	swait.ge [sflag:s25], $0x2000  }
0x171: {  	[sflag:s25] =	ssyncset.done $0x0  }
0x172: {  	s29 =	sor.u32 $0xE, s3;
	[sflag:s25] =	ssyncadd.s32 $0xFFFFE000  }
0x173: {  	v49 =	vor.u32 s29, v0;
	v33 =	vld.idx.msk [tilespmem:v48+s10+$0x0], $0xffff  }
0x174: {  	v50 =	vor.u32 s28, v25;
	_ =	sdelay $0x3  }
0x175: {  	[tilespmem:v49+s19+$0x0] =	vst.idx.msk $0xffff, v33  }
0x176: {  	v51 =	vor.u32 s29, v1;
	(v2sf) =	vpush @!p0 v32, $0x6;
	v33 =	vld.idx.msk [tilespmem:v50+s10+$0x0], $0xffff  }
0x177: {  	v52 =	vor.u32 s28, v26;
	_ =	sdelay $0x3  }
0x178: {  	[tilespmem:v51+s19+$0x0] =	vst.idx.msk $0xffff, v33  }
0x179: {  	v53 =	vor.u32 s29, v2;
	v33 =	vld.idx.msk [tilespmem:v52+s10+$0x0], $0xffff  }
0x17a: {  	v54 =	vor.u32 s28, v27;
	_ =	sdelay $0x3  }
0x17b: {  	[tilespmem:v53+s19+$0x0] =	vst.idx.msk $0xffff, v33  }
0x17c: {  	v55 =	vor.u32 s29, v3;
	v33 =	vld.idx.msk [tilespmem:v54+s10+$0x0], $0xffff;
	_ =	sdelay $0x2  }
0x17d: {  	s28 =	spop @!p0 (v2sf)  }
0x17e: {  	s28 =	sand.u32 @!p0 $0xFFFFF80, s28  }
0x17f: {  	s29 =	simm.s32 @!p0 $0xC200;
	s28 =	sadd.s32 @!p0 s1, s28;
	[tilespmem:v55+s19+$0x0] =	vst.idx.msk $0xffff, v33  }
0x180: {  	[tilespmem:s29], [sflag:$0x7] =	stream.strided.gather @!p0 [hbm4b:s28+s4], $0x2000, s8, s4, $0x38;
	[tilespmem:$0x12200] =	vst v63  }
0x181: {  	v33 =	vld [tilespmem:s31+$0x0];
	_ =	sdelay $0x4  }
0x182: {  	(v2sf) =	vpush v33, $0xF;
	_ =	sdelay $0xe  }
0x183: {  	s29 =	spop (v2sf)  }
0x184: {  	s28 =	sand.u32 $0x7F, s29  }
0x185: {  	v56 =	vor.u32 s28, v28;
	_ =	sdelay $0x1  }
0x186: {  	_ =	swait.ge [sflag:s26], $0x2000  }
0x187: {  	[sflag:s26] =	ssyncset.done $0x0  }
0x188: {  	s3 =	sor.u32 $0xF, s3;
	[sflag:s26] =	ssyncadd.s32 $0xFFFFE000  }
0x189: {  	v57 =	vor.u32 s3, v0;
	v33 =	vld.idx.msk [tilespmem:v56+s10+$0x0], $0xffff  }
0x18a: {  	v58 =	vor.u32 s28, v29;
	_ =	sdelay $0x3  }
0x18b: {  	[tilespmem:v57+s19+$0x0] =	vst.idx.msk $0xffff, v33  }
0x18c: {  	v59 =	vor.u32 s3, v1;
	(v2sf) =	vpush @!p0 v32, $0x7;
	v33 =	vld.idx.msk [tilespmem:v58+s10+$0x0], $0xffff  }
0x18d: {  	v60 =	vor.u32 s28, v30;
	_ =	sdelay $0x3  }
0x18e: {  	[tilespmem:v59+s19+$0x0] =	vst.idx.msk $0xffff, v33  }
0x18f: {  	v61 =	vor.u32 s3, v2;
	v32 =	vld.idx.msk [tilespmem:v60+s10+$0x0], $0xffff  }
0x190: {  	v62 =	vor.u32 s28, v31;
	_ =	sdelay $0x3  }
0x191: {  	[tilespmem:v61+s19+$0x0] =	vst.idx.msk $0xffff, v32  }
0x192: {  	v63 =	vor.u32 s3, v3;
	v32 =	vld.idx.msk [tilespmem:v62+s10+$0x0], $0xffff;
	_ =	sdelay $0x2  }
0x193: {  	s3 =	spop @!p0 (v2sf)  }
0x194: {  	s3 =	sand.u32 @!p0 $0xFFFFF80, s3  }
0x195: {  	s28 =	simm.s32 @!p0 $0xE200;
	s3 =	sadd.s32 @!p0 s1, s3;
	[tilespmem:v63+s19+$0x0] =	vst.idx.msk $0xffff, v32  }
0x196: {  	[tilespmem:s28], [sflag:$0x8] =	stream.strided.gather @!p0 [hbm4b:s3+s4], $0x2000, s8, s4, $0x38;
	[tilespmem:$0x12200] =	vst v63  }
0x197: {  	s3 =	sand.u32 @!p0 $0x7, s0  }
0x198: {  	p1 =	sne.s32 @!p0 s3, $0x7  }
0x199: {  	p0 =	por p0, !p1  }
0x19a: {  	s2 =	sand.u32 @p0 $0x180, s2  }
0x19b: {  	s3 =	simm.s32 @p0 $0x20000;
	s2 =	sadd.s32 @p0 s2, s5  }
0x19c: {  	[hbm4b:s2+s7] =	stream.strided.scatter @p0 [tilespmem:s19], [sflag:$0x9], $0x2000, s3, s7, $0x38;
	[tilespmem:$0x12200] =	vst v63  }
0x19d: {  	_ =	swait.ge @p0 [sflag:s6], $0x2000  }
0x19e: {  	s0 =	sadd.s32 $0x1, s0;
	[sflag:s6] =	ssyncset.done @p0 $0x0  }
0x19f: {  	[sflag:s6] =	ssyncadd.s32 @p0 $0xFFFFE000;
	p0 =	sne.s32 s0, $0x20  }
.Ltmp0:
0x1a0: {  	_ = 	snop;
	(pc) =	sbr.rel @p0 .LBB2_2-.Ltmp0, $2  }
0x1a1: {  	_ =	sdelay $0x2  }
0x1a2: {  	s30 =	sadd.s32 $0x10, s30;
	s31 =	sadd.s32 $0x10, s31  }
0x1a3: {  	s2 =	rddreg [dreg:$0x6]  }
0x1a4: {  	s0 =	rddreg [dreg:$0x5];
	s2 =	sadd.s32 $0x1, s2  }
0x1a5: {  	p0 =	sne.s32 s2, s0  }
.Ltmp1:
0x1a6: {  	_ = 	snop;
	(pc) =	sbr.rel @p0 .LBB2_1-.Ltmp1, $1  }
0x1a7: {  	_ =	sdelay $0x3  }
0x1a8: {  	_ =	sfence.sel $0x180000  }
0x1a9: {  	[bflag:$0x0] =	sbarrier.arrive $0xFFFF  }
0x1aa: {  	_ =	strace $0x90000047  }
0x1ab: {  	s0 =	stileid.u32;
	[bflag:$0x2] =	sbarrier.arrive $0xFFFF  }
0x1ac: {  	p0 =	sne.s32 s0, $0x0;
	s0 =	rddreg [dreg:$0x3]  }
0x1ad: {  	s0 =	sadd.s32 @!p0 $0x100000, s0  }
0x1ae: {  	[sflag:s0] =	ssyncadd.tile.s32 @!p0 $0x1;
	_ =	shalt  }
.Lfunc_end2:
_tile_overlayer_lowered:
.L_overlay_start_2:
0x1af: {  	(tag) =	ssettag $0x2  }
0x1b0: {  	s0 =	rddreg [dreg:$0x0];
	s2 =	stileid.u32  }
0x1b1: {  	s1 =	rddreg [dreg:$0x1];
	p0 =	sne.s32 s2, $0x0  }
0x1b2: {  	s3 =	rddreg [dreg:$0x2];
	[bflag:$0x3] =	sbarrier.arrive $0xFFFF;
	s2 =	simm.s32 @!p0 $0x1C09  }
0x1b3: {  	[timem:s3], [sflag:s2] =	dma.local @!p0 [hbm:s0], s1  }
0x1b4: {  	s0 =	simm.s32 @!p0 $0x9  }
0x1b5: {  	_ =	swait.ge @!p0 [sflag:s0], s1  }
0x1b6: {  	s1 =	ssub.s32 @!p0 $0x0, s1;
	[sflag:s0] =	ssyncset.done @!p0 $0x0  }
0x1b7: {  	[sflag:s0] =	ssyncadd.s32 @!p0 s1  }
0x1b8: {  	[bflag:$0x3] =	sbarrier.arrive $0xFFFF  }
0x1b9: {  	_ =	shalt  }

// kernel: kernel.8.cloned.1.call-start
scs
__scs_entry_jumppad:
0x0: {  	(pc) =	sbr.rel $0x88, $3  }
0x1: {  	(tag) =	ssettag $0x0;
	lr =	simm.s32 $0x1  }
0x2: {  	[smem:$0x3F98] =	sst lr;
	_ =	strace $0xD0000000  }
0x3: {  	_ = 	snop  }
0x4: {  	_ = 	snop  }
0x5: {  	_ = 	snop  }
0x6: {  	_ = 	snop  }
0x7: {  	_ = 	snop  }
__scs_overlays_trampoline_lowered:
0x8: {  	[smem:$0x3FA7] =	sst s0  }
0x9: {  	[smem:$0x3FA8] =	sst s1  }
0xa: {  	[smem:$0x3FA9] =	sst s2  }
0xb: {  	[smem:$0x3FAA] =	sst s3  }
0xc: {  	[smem:$0x3FAB] =	sst s4  }
0xd: {  	[smem:$0x3FAC] =	sst s5  }
0xe: {  	[smem:$0x3FAD] =	sst s6  }
0xf: {  	[smem:$0x3FAE] =	sst s7  }
0x10: {  	[smem:$0x3FAF] =	sst s8  }
0x11: {  	[smem:$0x3FB0] =	sst s9;
	s0 =	simm.s32 @!p0 $0x0  }
0x12: {  	s1 =	sld [smem:$0x3F96];
	s0 =	simm.s32 @p0 $0x1  }
0x13: {  	[smem:$0x3FB1] =	sst s0;
	s0 =	simm.s32 @!p1 $0x0  }
0x14: {  	s2 =	sld [smem:$0x3F95];
	s0 =	simm.s32 @p1 $0x1  }
0x15: {  	[smem:$0x3FB2] =	sst s0;
	s0 =	simm.s32 @!p2 $0x0  }
0x16: {  	s3 =	sld [smem:$0x3FDB];
	s0 =	simm.s32 @p2 $0x1  }
0x17: {  	s4 =	simm.s32 $0x1BF5;
	[smem:$0x3FB4] =	sst s0  }
0x18: {  	s0 =	sld [smem:$0x3F97];
	_ =	swait.ge [sflag:s4], $0x0  }
0x19: {  	s7 =	sld [smem:$0x3F98]  }
0x1a: {  	s8 =	sadd.s32 $0xFFFFE003, lr  }
0x1b: {  	s9 =	sadd.s32 $0xFFFFFEF7, lr;
	s5 =	simm.s32 $0xFFFFFFFF;
	p2 =	slt.u32 s8, $0xFFFFF086  }
0x1c: {  	p1 =	slt.u32 s9, $0xF7A;
	s5 =	simm.s32 @!p2 $0x0  }
0x1d: {  	s5 =	simm.s32 @p1 $0x1;
	p0 =	seq.s32 s7, s2  }
0x1e: {  	s7 =	smul.u32 @!p0 $0xF7A, s2;
	p2 =	seq.s32 @!p0 s5, $0x0  }
0x1f: {  	s9 =	smul.u32 $0xF7A, s1;
	s8 =	simm.s32 @!p0 $0x1BF5;
	p2 =	por !p2, p0  }
0x20: {  	[sflag:s8] =	ssyncset.s32 @!p0 $0xFFFFF086;
	s6 =	sadd.s32 @!p0 s3, s7;
	s7 =	simm.s32 @!p0 $0x108  }
0x21: {  	s3 =	sadd.s32 s3, s9;
	s6 =	sadd.s32 @!p0 $0x88, s6;
	s7 =	simm.s32 @p2 $0x1082  }
0x22: {  	[simem:s7], [sflag:s8] =	dma.local @!p0 [hbm:s6], $0xF7A  }
0x23: {  	s9 =	sor.u32 $0xD0000000, s2;
	s6 =	simm.s32 $0x108;
	_ =	swait.ge @!p0 [sflag:s8], $0x0  }
0x24: {  	s3 =	sadd.s32 $0x88, s3;
	s6 =	simm.s32 @!p1 $0x1082;
	[sflag:s4] =	ssyncset.s32 $0xFFFFF086  }
0x25: {  	[simem:s6], [sflag:s4] =	dma.local [hbm:s3], $0xF7A  }
0x26: {  	[smem:$0x3F98] =	sst s1;
	(tag) =	ssettag s2;
	_ =	strace s9  }
0x27: {  	s1 =	sld [smem:$0x3FA8]  }
0x28: {  	s2 =	sld [smem:$0x3FA9]  }
0x29: {  	s4 =	sld [smem:$0x3FAB]  }
0x2a: {  	p0 =	seq.s32 s5, $0x0;
	s5 =	sld [smem:$0x3FAC]  }
0x2b: {  	s6 =	sld [smem:$0x3FAD]  }
0x2c: {  	s7 =	sld [smem:$0x3FAE]  }
0x2d: {  	s3 =	simm.s32 $0x108;
	s8 =	sld [smem:$0x3FAF]  }
0x2e: {  	s3 =	simm.s32 @!p0 $0x1082;
	s9 =	sld [smem:$0x3FB0]  }
0x2f: {  	lr =	sadd.s32 s0, s3;
	s0 =	sld [smem:$0x3FA7]  }
0x30: {  	s3 =	sld [smem:$0x3FAA]  }
0x31: {  	[smem:$0x3FB3] =	sst s10  }
0x32: {  	s10 =	sld [smem:$0x3FB1];
	_ =	sdelay $0x3  }
0x33: {  	p0 =	seq.s32 s10, $0x1;
	s10 =	sld [smem:$0x3FB3];
	_ =	sdelay $0x3  }
0x34: {  	[smem:$0x3FB3] =	sst s10  }
0x35: {  	s10 =	sld [smem:$0x3FB2];
	_ =	sdelay $0x3  }
0x36: {  	p1 =	seq.s32 s10, $0x1;
	s10 =	sld [smem:$0x3FB3];
	_ =	sdelay $0x3  }
0x37: {  	[smem:$0x3FB3] =	sst s10  }
0x38: {  	s10 =	sld [smem:$0x3FB4]  }
0x39: {  	_ = 	snop;
	(pc) =	sbr.ind lr, $3  }
0x3a: {  	_ = 	snop  }
0x3b: {  	_ = 	snop  }
0x3c: {  	p2 =	seq.s32 s10, $0x1;
	s10 =	sld [smem:$0x3FB3]  }
0x3d: {  	_ =	shalt  }
0x3e: {  	_ =	shalt  }
0x3f: {  	_ =	shalt  }
0x40: {  	_ =	shalt  }
0x41: {  	_ =	shalt  }
0x42: {  	_ =	shalt  }
0x43: {  	_ =	shalt  }
0x44: {  	_ =	shalt  }
0x45: {  	_ =	shalt  }
0x46: {  	_ =	shalt  }
0x47: {  	_ =	shalt  }
0x48: {  	_ =	shalt  }
0x49: {  	_ =	shalt  }
0x4a: {  	_ =	shalt  }
0x4b: {  	_ =	shalt  }
0x4c: {  	_ =	shalt  }
0x4d: {  	_ =	shalt  }
0x4e: {  	_ =	shalt  }
0x4f: {  	_ =	shalt  }
0x50: {  	_ =	shalt  }
0x51: {  	_ =	shalt  }
0x52: {  	_ =	shalt  }
0x53: {  	_ =	shalt  }
0x54: {  	_ =	shalt  }
0x55: {  	_ =	shalt  }
0x56: {  	_ =	shalt  }
0x57: {  	_ =	shalt  }
0x58: {  	_ =	shalt  }
0x59: {  	_ =	shalt  }
0x5a: {  	_ =	shalt  }
0x5b: {  	_ =	shalt  }
0x5c: {  	_ =	shalt  }
0x5d: {  	_ =	shalt  }
0x5e: {  	_ =	shalt  }
0x5f: {  	_ =	shalt  }
0x60: {  	_ =	shalt  }
0x61: {  	_ =	shalt  }
0x62: {  	_ =	shalt  }
0x63: {  	_ =	shalt  }
0x64: {  	_ =	shalt  }
0x65: {  	_ =	shalt  }
0x66: {  	_ =	shalt  }
0x67: {  	_ =	shalt  }
0x68: {  	_ =	shalt  }
0x69: {  	_ =	shalt  }
0x6a: {  	_ =	shalt  }
0x6b: {  	_ =	shalt  }
0x6c: {  	_ =	shalt  }
0x6d: {  	_ =	shalt  }
0x6e: {  	_ =	shalt  }
0x6f: {  	_ =	shalt  }
0x70: {  	_ =	shalt  }
0x71: {  	_ =	shalt  }
0x72: {  	_ =	shalt  }
0x73: {  	_ =	shalt  }
0x74: {  	_ =	shalt  }
0x75: {  	_ =	shalt  }
0x76: {  	_ =	shalt  }
0x77: {  	_ =	shalt  }
0x78: {  	_ =	shalt  }
0x79: {  	_ =	shalt  }
0x7a: {  	_ =	shalt  }
0x7b: {  	_ =	shalt  }
0x7c: {  	_ =	shalt  }
0x7d: {  	_ =	shalt  }
0x7e: {  	_ =	shalt  }
0x7f: {  	_ =	shalt  }
0x80: {  	_ =	shalt  }
0x81: {  	_ =	shalt  }
0x82: {  	_ =	shalt  }
0x83: {  	_ =	shalt  }
0x84: {  	_ =	shalt  }
0x85: {  	_ =	shalt  }
0x86: {  	_ =	shalt  }
0x87: {  	_ =	shalt  }
.Lfunc_end0:
.L_simem_size_0:
called_computation.1_lowered:
.L_overlay_start_0:
0x88: {  	s2 =	sld [smem:$0x3FD9]  }
0x89: {  	s3 =	sld [smem:$0x3FFE];
	_ =	sdelay $0x1  }
0x8a: {  	s1 =	srdreg.scid  }
0x8b: {  	s0 =	sand.u32 $0x1, s1  }
0x8c: {  	s17 =	sshll.u32 s0, $0xA;
	s2 =	sadd.s32 s3, s2  }
0x8d: {  	s2 =	sadd.s32 s2, s17  }
0x8e: {  	[smem:$0x3FBF] =	sst s2  }
0x8f: {  	_ = 	snop  }
0x90: {  	s18 =	sld [smem:$0x3FC8]  }
0x91: {  	s4 =	sld [smem:$0x3FC5];
	(tm) =	ssettm $0x1  }
0x92: {  	s19 =	sld [smem:$0x3FFB];
	_ =	sdelay $0x3  }
0x93: {  	_ =	strace s19  }
0x94: {  	s2 =	sld [smem:$0x3FFC];
	_ =	sdelay $0x3  }
0x95: {  	_ =	strace s2  }
0x96: {  	s2 =	sld [smem:$0x3FFD];
	_ =	sdelay $0x3  }
0x97: {  	_ =	strace s2  }
0x98: {  	_ =	strace $0x8FFFFFFF  }
0x99: {  	s20 =	sld [smem:$0x3FDB];
	_ =	sdelay $0x1  }
0x9a: {  	s5 =	simm.s32 $_scs_section_size  }
0x9b: {  	s6 =	simm.s32 $_size__tile_overlayer_lowered;
	s7 =	simm.s32 $_tile_overlayer_lowered  }
0x9c: {  	s8 =	simm.s32 $0x1BFF;
	s21 =	sshll.u32 s7, $0x1;
	s5 =	sadd.s32 s5, s20  }
0x9d: {  	s22 =	simm.s32 $0x0;
	s6 =	sshll.u32 s6, $0x1;
	s7 =	sadd.s32 s21, s5  }
0x9e: {  	[timem:s22], [sflag:s8] =	dma.local [hbm:s7], s6  }
0x9f: {  	_ =	swait.ge [sflag:s8], s6  }
0xa0: {  	s6 =	ssub.s32 $0x0, s6;
	[sflag:s8] =	ssyncset.done $0x0  }
0xa1: {  	[sflag:s8] =	ssyncadd.s32 s6;
	_ =	sdelay $0x1  }
0xa2: {  	s23 =	simm.s32 $0x1B8B  }
0xa3: {  	_ =	swait.ge [sflag:s23], $0x1  }
0xa4: {  	[sflag:s23] =	ssyncset.done $0x0  }
0xa5: {  	[sflag:s23] =	ssyncadd.s32 $0xFFFFFFFF  }
0xa6: {  	s6 =	sld [smem:$0x0]  }
0xa7: {  	s7 =	sand.u32 $0xFFFFFFFE, s1  }
0xa8: {  	p0 =	sne.s32 s1, s7  }
0xa9: {  	s7 =	sshll.u32 @p0 s7, $0xE  }
0xaa: {  	s7 =	sadd.s32 @p0 $0x11B8D, s7;
	s8 =	sshll.u32 @p0 s6, $0x11  }
0xab: {  	s7 =	sor.u32 @p0 s8, s7  }
0xac: {  	[sflag:s7] =	ssyncadd.remote.s32 @p0 $0x1;
	_ =	sdelay $0x1  }
0xad: {  	s7 =	simm.s32 @p0 $0x1B8D  }
0xae: {  	_ =	swait.eq @p0 [sflag:s7], $0x1  }
0xaf: {  	[sflag:s7] =	ssyncadd.s32 @p0 $0xFFFFFFFF  }
0xb0: {  	s8 =	sshll.u32 @!p0 s1, $0xE  }
0xb1: {  	s8 =	sor.u32 @!p0 $0x4000, s8;
	s7 =	simm.s32 @!p0 $0x1B8D  }
0xb2: {  	s6 =	sshll.u32 @!p0 s6, $0x11;
	s8 =	sadd.s32 @!p0 $0x11B8D, s8;
	_ =	swait.eq @!p0 [sflag:s7], $0x1  }
0xb3: {  	s6 =	sor.u32 @!p0 s6, s8;
	[sflag:s7] =	ssyncadd.s32 @!p0 $0xFFFFFFFF  }
0xb4: {  	s25 =	simm.s32 $0x1B8E;
	s24 =	sld [smem:$0x3FFE];
	[sflag:s6] =	ssyncadd.remote.s32 @!p0 $0x1  }
0xb5: {  	s26 =	simm.s32 $execute0_lowered;
	[smem:$0x3FD2] =	sst s25  }
0xb6: {  	s7 =	sshll.u32 s26, $0x1;
	_ =	strace $0x80000049;
	[dreg:$0x1] =	wrdreg $0xFFFFFFFF  }
0xb7: {  	s28 =	simm.s32 $_size_execute0_lowered;
	s5 =	sadd.s32 s5, s7;
	[dreg:$0x0] =	wrdreg $0x0  }
0xb8: {  	s7 =	sshll.u32 s28, $0x1;
	[dreg:$0x2] =	wrdreg s5  }
0xb9: {  	[dreg:$0x3] =	wrdreg s7  }
0xba: {  	[dreg:$0x4] =	wrdreg $0xC0  }
0xbb: {  	_ =	task [dreg:s22], $0x5FFFF  }
0xbc: {  	[dreg:$0x1] =	wrdreg $0xFFFFFFFF  }
0xbd: {  	[dreg:$0x0] =	wrdreg $0x60  }
0xbe: {  	[dreg:$0x2] =	wrdreg s18  }
0xbf: {  	[dreg:$0x3] =	wrdreg s4  }
0xc0: {  	[dreg:$0x4] =	wrdreg s24  }
0xc1: {  	[dreg:$0x5] =	wrdreg $0xA  }
0xc2: {  	_ =	task.clear_ibuf [dreg:s22], $0x6FFFF;
	_ =	strace $0x90000049  }
0xc3: {  	s29 =	simm.s32 $0xA;
	_ =	strace $0x8000004B  }
0xc4: {  	_ =	swait.ge [sflag:s29], $0x1  }
0xc5: {  	[sflag:s29] =	ssyncadd.s32 $0xFFFFFFFF  }
0xc6: {  	_ =	strace $0x9000004B  }
0xc7: {  	_ =	sfence  }
0xc8: {  	s30 =	sld [smem:$0x0];
	_ =	sdelay $0x2  }
0xc9: {  	s31 =	sshll.u32 s1, $0xD;
	s1 =	sshrl.u32 s1, $0x2  }
0xca: {  	s4 =	sand.u32 $0x4000, s31;
	s1 =	sadd.s32 s1, s30  }
0xcb: {  	s0 =	sor.u32 s4, s0;
	s1 =	sshll.u32 s1, $0x11  }
0xcc: {  	s0 =	sor.u32 s1, s0  }
0xcd: {  	s0 =	sadd.s32 $0x8F2B, s0  }
0xce: {  	[sflag:s0] =	ssyncadd.remote.s32 $0x1  }
0xcf: {  	_ =	sfence.sel $0xFFFF  }
0xd0: {  	[dreg:$0x0] =	wrdreg $0xFFFFFFFF;
	(pc) =	sbr.abs _section_cstart, $3  }
0xd1: {  	[dreg:$0x1] =	wrdreg $0xFFFFFFFF  }
0xd2: {  	_ =	task.clear_ibuf [dreg:s22], $0x2FFFF;
	_ =	strace $0x9FFFFFFF  }
0xd3: {  	(tm) =	ssettm $0x7FFFFFFF  }
tec
execute0_lowered:
.L_overlay_start_1:
0x0: {  	(tag) =	ssettag $0x1  }
0x1: {  	s0 =	rddreg [dreg:$0x0]  }
0x2: {  	s1 =	rddreg [dreg:$0x1]  }
0x3: {  	s2 =	rddreg [dreg:$0x2];
	s3 =	srdreg.scid;
	v0 =	vlaneseq.u32  }
0x4: {  	s4 =	stileid.u32;
	s6 =	simm.s32 $0x0;
	s7 =	simm.s32 $0x400;
	v0 =	vmul.u32 $0x80, v0  }
0x5: {  	s9 =	simm.s32 $0x7A1400;
	s10 =	simm.s32 $0x200;
	s11 =	simm.s32 $0x2200  }
0x6: {  	s12 =	simm.s32 $0x4200;
	s13 =	simm.s32 $0x6200;
	s14 =	simm.s32 $0x8200;
	v1 =	vor.u32 $0x800, v0  }
0x7: {  	s15 =	simm.s32 $0xA200;
	s16 =	simm.s32 $0xC200;
	s17 =	simm.s32 $0xE200;
	v2 =	vor.u32 $0x1000, v0;
	v3 =	vor.u32 $0x1800, v0;
	v4 =	vor.u32 $0x2000, v0  }
0x8: {  	s18 =	simm.s32 $0x1;
	s19 =	simm.s32 $0x10200;
	s20 =	simm.s32 $0x2;
	v5 =	vor.u32 $0x2800, v0;
	v6 =	vor.u32 $0x3000, v0;
	v7 =	vor.u32 $0x3800, v0  }
0x9: {  	s21 =	simm.s32 $0x3;
	s22 =	simm.s32 $0x4;
	s23 =	simm.s32 $0x5;
	v8 =	vor.u32 $0x4000, v0;
	v9 =	vor.u32 $0x4800, v0;
	v10 =	vor.u32 $0x5000, v0  }
0xa: {  	s24 =	simm.s32 $0x6;
	s25 =	simm.s32 $0x7;
	s3 =	sand.u32 $0x1, s3;
	v11 =	vor.u32 $0x5800, v0;
	v12 =	vor.u32 $0x6000, v0;
	v13 =	vor.u32 $0x6800, v0  }
0xb: {  	s26 =	simm.s32 $0x8;
	s4 =	sshll.u32 s4, $0xA;
	s5 =	sshll.u32 s3, $0x9;
	v14 =	vor.u32 $0x7000, v0;
	v15 =	vor.u32 $0x7800, v0;
	v16 =	vor.u32 $0x8000, v0  }
0xc: {  	[smem:$0x7FF] =	sst s6;
	s3 =	ssub.s32 $0x2, s3;
	s4 =	sor.u32 s5, s4;
	v17 =	vor.u32 $0x8800, v0;
	v18 =	vor.u32 $0x9000, v0;
	v19 =	vor.u32 $0x9800, v0  }
0xd: {  	s6 =	simm.s32 $0x9;
	s29 =	sshrl.u32 s3, $0x1;
	v20 =	vor.u32 $0xA000, v0;
	v21 =	vor.u32 $0xA800, v0;
	v22 =	vor.u32 $0xB000, v0;
	s30 =	sshrl.u32 s4, $0x3  }
0xe: {  	_ =	strace $0x8000004A;
	v23 =	vor.u32 $0xB800, v0;
	v24 =	vor.u32 $0xC000, v0;
	v25 =	vor.u32 $0xC800, v0;
	s3 =	ssub.s32 s3, s29;
	s0 =	sadd.s32 s0, s30  }
0xf: {  	v26 =	vor.u32 $0xD000, v0;
	v27 =	vor.u32 $0xD800, v0;
	v28 =	vor.u32 $0xE000, v0;
	s2 =	sadd.s32 s4, s2;
	s31 =	smax.u32 s3, $0x1;
	[dreg:$0x4] =	wrdreg s0  }
0x10: {  	v29 =	vor.u32 $0xE800, v0;
	v30 =	vor.u32 $0xF000, v0;
	v31 =	vor.u32 $0xF800, v0;
	s5 =	sadd.s32 $0x21200, s2;
	s2 =	simm.s32 $0x0;
	[dreg:$0x5] =	wrdreg s31  }
.LBB2_1:
0x11: {  	[dreg:$0x6] =	wrdreg s2  }
0x12: {  	s0 =	simm.s32 $0x0;
	s29 =	rddreg [dreg:$0x4]  }
0x13: {  	[tilespmem:s0], [sflag:$0x9] =	stream.linear.gather [hbm4b:s29+s0], $0x200, $0x38;
	[tilespmem:$0x12200] =	vst v63  }
0x14: {  	_ =	swait.ge [sflag:s6], $0x200  }
0x15: {  	[sflag:s6] =	ssyncset.done $0x0  }
0x16: {  	[sflag:s6] =	ssyncadd.s32 $0xFFFFFE00  }
0x17: {  	v32 =	vld [tilespmem:$0x0];
	_ =	sdelay $0x4  }
0x18: {  	(v2sf) =	vpush v32, $0x0  }
0x19: {  	(v2sf) =	vpush v32, $0x1;
	_ =	sdelay $0x1  }
0x1a: {  	(v2sf) =	vpush v32, $0x2;
	_ =	sdelay $0x4  }
0x1b: {  	(v2sf) =	vpush v32, $0x3  }
0x1c: {  	(v2sf) =	vpush v32, $0x4;
	_ =	sdelay $0x5  }
0x1d: {  	s2 =	spop (v2sf);
	(v2sf) =	vpush v32, $0x5  }
0x1e: {  	s3 =	spop (v2sf);
	(v2sf) =	vpush v32, $0x6  }
0x1f: {  	s0 =	sand.u32 $0xFFFFF80, s2  }
0x20: {  	s0 =	sadd.s32 s1, s0;
	s4 =	spop (v2sf)  }
0x21: {  	(v2sf) =	vpush v32, $0x7;
	[tilespmem:s10], [sflag:$0x1] =	stream.strided.gather [hbm4b:s0+s7], $0x2000, s9, s7, $0x38;
	[tilespmem:$0x12200] =	vst v63  }
0x22: {  	s0 =	sand.u32 $0xFFFFF80, s3  }
0x23: {  	s0 =	sadd.s32 s1, s0  }
0x24: {  	[tilespmem:s11], [sflag:$0x2] =	stream.strided.gather [hbm4b:s0+s7], $0x2000, s9, s7, $0x38;
	[tilespmem:$0x12200] =	vst v63  }
0x25: {  	s8 =	spop (v2sf);
	s0 =	sand.u32 $0xFFFFF80, s4  }
0x26: {  	s28 =	sand.u32 $0xFFFFF80, s8;
	s29 =	spop (v2sf);
	s0 =	sadd.s32 s1, s0  }
0x27: {  	[tilespmem:s12], [sflag:$0x3] =	stream.strided.gather [hbm4b:s0+s7], $0x2000, s9, s7, $0x38;
	[tilespmem:$0x12200] =	vst v63  }
0x28: {  	s2 =	sand.u32 $0xFFFFF80, s29;
	s0 =	sadd.s32 s1, s28  }
0x29: {  	[tilespmem:s13], [sflag:$0x4] =	stream.strided.gather [hbm4b:s0+s7], $0x2000, s9, s7, $0x38;
	[tilespmem:$0x12200] =	vst v63  }
0x2a: {  	s0 =	sadd.s32 s1, s2  }
0x2b: {  	[tilespmem:s14], [sflag:$0x5] =	stream.strided.gather [hbm4b:s0+s7], $0x2000, s9, s7, $0x38;
	[tilespmem:$0x12200] =	vst v63  }
0x2c: {  	s3 =	spop (v2sf)  }
0x2d: {  	s4 =	sand.u32 $0xFFFFF80, s3;
	s8 =	spop (v2sf)  }
0x2e: {  	s0 =	sadd.s32 s1, s4;
	s28 =	sand.u32 $0xFFFFF80, s8  }
0x2f: {  	[tilespmem:s15], [sflag:$0x6] =	stream.strided.gather [hbm4b:s0+s7], $0x2000, s9, s7, $0x38;
	[tilespmem:$0x12200] =	vst v63  }
0x30: {  	s29 =	spop (v2sf);
	s0 =	sadd.s32 s1, s28  }
0x31: {  	[tilespmem:s16], [sflag:$0x7] =	stream.strided.gather [hbm4b:s0+s7], $0x2000, s9, s7, $0x38;
	[tilespmem:$0x12200] =	vst v63  }
0x32: {  	s0 =	sand.u32 $0xFFFFF80, s29  }
0x33: {  	s0 =	sadd.s32 s1, s0  }
0x34: {  	[tilespmem:s17], [sflag:$0x8] =	stream.strided.gather [hbm4b:s0+s7], $0x2000, s9, s7, $0x38;
	[tilespmem:$0x12200] =	vst v63  }
0x35: {  	s30 =	simm.s32 $0x10;
	s31 =	simm.s32 $0x0;
	s0 =	simm.s32 $0x0  }
.LBB2_2:
0x36: {  	v32 =	vld [tilespmem:s31+$0x0];
	_ =	sdelay $0x4  }
0x37: {  	(v2sf) =	vpush v32, $0x0;
	_ =	sdelay $0xe  }
0x38: {  	s2 =	spop (v2sf)  }
0x39: {  	s4 =	sand.u32 $0x7F, s2  }
0x3a: {  	v33 =	vor.u32 s4, v0;
	_ =	sdelay $0x1  }
0x3b: {  	_ =	swait.ge [sflag:s18], $0x2000  }
0x3c: {  	s2 =	sadd.s32 $0xFFFFFFF0, s30;
	[sflag:s18] =	ssyncset.done $0x0  }
0x3d: {  	s3 =	sand.u32 $0x70, s2;
	[sflag:s18] =	ssyncadd.s32 $0xFFFFE000  }
0x3e: {  	v34 =	vor.u32 s3, v0;
	v33 =	vld.idx.msk [tilespmem:v33+s10+$0x0], $0xffff  }
0x3f: {  	v35 =	vor.u32 s4, v1;
	_ =	sdelay $0x3  }
0x40: {  	[tilespmem:v34+s19+$0x0] =	vst.idx.msk $0xffff, v33  }
0x41: {  	(v2sf) =	vpush v32, $0x8;
	v51 =	vor.u32 s3, v1;
	v33 =	vld.idx.msk [tilespmem:v35+s10+$0x0], $0xffff  }
0x42: {  	v52 =	vor.u32 s4, v2;
	_ =	sdelay $0x3  }
0x43: {  	[tilespmem:v51+s19+$0x0] =	vst.idx.msk $0xffff, v33  }
0x44: {  	v53 =	vor.u32 s3, v2;
	v33 =	vld.idx.msk [tilespmem:v52+s10+$0x0], $0xffff  }
0x45: {  	v54 =	vor.u32 s4, v3;
	_ =	sdelay $0x3  }
0x46: {  	[tilespmem:v53+s19+$0x0] =	vst.idx.msk $0xffff, v33  }
0x47: {  	v55 =	vor.u32 s3, v3;
	v33 =	vld.idx.msk [tilespmem:v54+s10+$0x0], $0xffff;
	_ =	sdelay $0x2  }
0x48: {  	s28 =	spop (v2sf)  }
0x49: {  	s4 =	sand.u32 $0xFFFFF80, s28  }
0x4a: {  	s4 =	sadd.s32 s1, s4;
	[tilespmem:v55+s19+$0x0] =	vst.idx.msk $0xffff, v33  }
0x4b: {  	[tilespmem:s10], [sflag:$0x1] =	stream.strided.gather [hbm4b:s4+s7], $0x2000, s9, s7, $0x38;
	[tilespmem:$0x12200] =	vst v63  }
0x4c: {  	v33 =	vld [tilespmem:s31+$0x0];
	_ =	sdelay $0x4  }
0x4d: {  	(v2sf) =	vpush v33, $0x1;
	_ =	sdelay $0xe  }
0x4e: {  	s29 =	spop (v2sf)  }
0x4f: {  	s4 =	sand.u32 $0x7F, s29  }
0x50: {  	v56 =	vor.u32 s4, v4;
	_ =	sdelay $0x1  }
0x51: {  	_ =	swait.ge [sflag:s20], $0x2000  }
0x52: {  	[sflag:s20] =	ssyncset.done $0x0  }
0x53: {  	s8 =	sor.u32 $0x1, s3;
	[sflag:s20] =	ssyncadd.s32 $0xFFFFE000  }
0x54: {  	v57 =	vor.u32 s8, v0;
	v33 =	vld.idx.msk [tilespmem:v56+s10+$0x0], $0xffff  }
0x55: {  	v58 =	vor.u32 s4, v5;
	_ =	sdelay $0x3  }
0x56: {  	[tilespmem:v57+s19+$0x0] =	vst.idx.msk $0xffff, v33  }
0x57: {  	v59 =	vor.u32 s8, v1;
	(v2sf) =	vpush v32, $0x9;
	v33 =	vld.idx.msk [tilespmem:v58+s10+$0x0], $0xffff  }
0x58: {  	v60 =	vor.u32 s4, v6;
	_ =	sdelay $0x3  }
0x59: {  	[tilespmem:v59+s19+$0x0] =	vst.idx.msk $0xffff, v33  }
0x5a: {  	v61 =	vor.u32 s8, v2;
	v33 =	vld.idx.msk [tilespmem:v60+s10+$0x0], $0xffff  }
0x5b: {  	v62 =	vor.u32 s4, v7;
	_ =	sdelay $0x3  }
0x5c: {  	[tilespmem:v61+s19+$0x0] =	vst.idx.msk $0xffff, v33  }
0x5d: {  	v63 =	vor.u32 s8, v3;
	v33 =	vld.idx.msk [tilespmem:v62+s10+$0x0], $0xffff;
	_ =	sdelay $0x2  }
0x5e: {  	s8 =	spop (v2sf)  }
0x5f: {  	s4 =	sand.u32 $0xFFFFF80, s8  }
0x60: {  	s4 =	sadd.s32 s1, s4;
	[tilespmem:v63+s19+$0x0] =	vst.idx.msk $0xffff, v33  }
0x61: {  	[tilespmem:s11], [sflag:$0x2] =	stream.strided.gather [hbm4b:s4+s7], $0x2000, s9, s7, $0x38;
	[tilespmem:$0x12200] =	vst v63  }
0x62: {  	v33 =	vld [tilespmem:s31+$0x0];
	_ =	sdelay $0x4  }
0x63: {  	(v2sf) =	vpush v33, $0x2;
	_ =	sdelay $0xe  }
0x64: {  	s28 =	spop (v2sf)  }
0x65: {  	s4 =	sand.u32 $0x7F, s28  }
0x66: {  	v36 =	vor.u32 s4, v8;
	_ =	sdelay $0x1  }
0x67: {  	_ =	swait.ge [sflag:s21], $0x2000  }
0x68: {  	[sflag:s21] =	ssyncset.done $0x0  }
0x69: {  	s29 =	sor.u32 $0x2, s3;
	[sflag:s21] =	ssyncadd.s32 $0xFFFFE000  }
0x6a: {  	v37 =	vor.u32 s29, v0;
	v33 =	vld.idx.msk [tilespmem:v36+s10+$0x0], $0xffff  }
0x6b: {  	v38 =	vor.u32 s4, v9;
	_ =	sdelay $0x3  }
0x6c: {  	[tilespmem:v37+s19+$0x0] =	vst.idx.msk $0xffff, v33  }
0x6d: {  	v39 =	vor.u32 s29, v1;
	(v2sf) =	vpush v32, $0xA;
	v33 =	vld.idx.msk [tilespmem:v38+s10+$0x0], $0xffff  }
0x6e: {  	v40 =	vor.u32 s4, v10;
	_ =	sdelay $0x3  }
0x6f: {  	[tilespmem:v39+s19+$0x0] =	vst.idx.msk $0xffff, v33  }
0x70: {  	v41 =	vor.u32 s29, v2;
	v33 =	vld.idx.msk [tilespmem:v40+s10+$0x0], $0xffff  }
0x71: {  	v42 =	vor.u32 s4, v11;
	_ =	sdelay $0x3  }
0x72: {  	[tilespmem:v41+s19+$0x0] =	vst.idx.msk $0xffff, v33  }
0x73: {  	v43 =	vor.u32 s29, v3;
	v33 =	vld.idx.msk [tilespmem:v42+s10+$0x0], $0xffff;
	_ =	sdelay $0x2  }
0x74: {  	s8 =	spop (v2sf)  }
0x75: {  	s4 =	sand.u32 $0xFFFFF80, s8  }
0x76: {  	s4 =	sadd.s32 s1, s4;
	[tilespmem:v43+s19+$0x0] =	vst.idx.msk $0xffff, v33  }
0x77: {  	[tilespmem:s12], [sflag:$0x3] =	stream.strided.gather [hbm4b:s4+s7], $0x2000, s9, s7, $0x38;
	[tilespmem:$0x12200] =	vst v63  }
0x78: {  	v33 =	vld [tilespmem:s31+$0x0];
	_ =	sdelay $0x4  }
0x79: {  	(v2sf) =	vpush v33, $0x3;
	_ =	sdelay $0xe  }
0x7a: {  	s28 =	spop (v2sf)  }
0x7b: {  	s4 =	sand.u32 $0x7F, s28  }
0x7c: {  	v44 =	vor.u32 s4, v12;
	_ =	sdelay $0x1  }
0x7d: {  	_ =	swait.ge [sflag:s22], $0x2000  }
0x7e: {  	[sflag:s22] =	ssyncset.done $0x0  }
0x7f: {  	s29 =	sor.u32 $0x3, s3;
	[sflag:s22] =	ssyncadd.s32 $0xFFFFE000  }
0x80: {  	v45 =	vor.u32 s29, v0;
	v33 =	vld.idx.msk [tilespmem:v44+s10+$0x0], $0xffff  }
0x81: {  	v46 =	vor.u32 s4, v13;
	_ =	sdelay $0x3  }
0x82: {  	[tilespmem:v45+s19+$0x0] =	vst.idx.msk $0xffff, v33  }
0x83: {  	v47 =	vor.u32 s29, v1;
	(v2sf) =	vpush v32, $0xB;
	v33 =	vld.idx.msk [tilespmem:v46+s10+$0x0], $0xffff  }
0x84: {  	v48 =	vor.u32 s4, v14;
	_ =	sdelay $0x3  }
0x85: {  	[tilespmem:v47+s19+$0x0] =	vst.idx.msk $0xffff, v33  }
0x86: {  	v49 =	vor.u32 s29, v2;
	v33 =	vld.idx.msk [tilespmem:v48+s10+$0x0], $0xffff  }
0x87: {  	v50 =	vor.u32 s4, v15;
	_ =	sdelay $0x3  }
0x88: {  	[tilespmem:v49+s19+$0x0] =	vst.idx.msk $0xffff, v33  }
0x89: {  	v51 =	vor.u32 s29, v3;
	v33 =	vld.idx.msk [tilespmem:v50+s10+$0x0], $0xffff;
	_ =	sdelay $0x2  }
0x8a: {  	s8 =	spop (v2sf)  }
0x8b: {  	s4 =	sand.u32 $0xFFFFF80, s8  }
0x8c: {  	s4 =	sadd.s32 s1, s4;
	[tilespmem:v51+s19+$0x0] =	vst.idx.msk $0xffff, v33  }
0x8d: {  	[tilespmem:s13], [sflag:$0x4] =	stream.strided.gather [hbm4b:s4+s7], $0x2000, s9, s7, $0x38;
	[tilespmem:$0x12200] =	vst v63  }
0x8e: {  	v33 =	vld [tilespmem:s31+$0x0];
	_ =	sdelay $0x4  }
0x8f: {  	(v2sf) =	vpush v33, $0x4;
	_ =	sdelay $0xe  }
0x90: {  	s28 =	spop (v2sf)  }
0x91: {  	s4 =	sand.u32 $0x7F, s28  }
0x92: {  	v52 =	vor.u32 s4, v16;
	_ =	sdelay $0x1  }
0x93: {  	_ =	swait.ge [sflag:s23], $0x2000  }
0x94: {  	[sflag:s23] =	ssyncset.done $0x0  }
0x95: {  	s29 =	sor.u32 $0x4, s3;
	[sflag:s23] =	ssyncadd.s32 $0xFFFFE000  }
0x96: {  	v53 =	vor.u32 s29, v0;
	v33 =	vld.idx.msk [tilespmem:v52+s10+$0x0], $0xffff  }
0x97: {  	v54 =	vor.u32 s4, v17;
	_ =	sdelay $0x3  }
0x98: {  	[tilespmem:v53+s19+$0x0] =	vst.idx.msk $0xffff, v33  }
0x99: {  	v55 =	vor.u32 s29, v1;
	(v2sf) =	vpush v32, $0xC;
	v33 =	vld.idx.msk [tilespmem:v54+s10+$0x0], $0xffff  }
0x9a: {  	v56 =	vor.u32 s4, v18;
	_ =	sdelay $0x3  }
0x9b: {  	[tilespmem:v55+s19+$0x0] =	vst.idx.msk $0xffff, v33  }
0x9c: {  	v57 =	vor.u32 s29, v2;
	v33 =	vld.idx.msk [tilespmem:v56+s10+$0x0], $0xffff  }
0x9d: {  	v58 =	vor.u32 s4, v19;
	_ =	sdelay $0x3  }
0x9e: {  	[tilespmem:v57+s19+$0x0] =	vst.idx.msk $0xffff, v33  }
0x9f: {  	v59 =	vor.u32 s29, v3;
	v33 =	vld.idx.msk [tilespmem:v58+s10+$0x0], $0xffff;
	_ =	sdelay $0x2  }
0xa0: {  	s8 =	spop (v2sf)  }
0xa1: {  	s4 =	sand.u32 $0xFFFFF80, s8  }
0xa2: {  	s4 =	sadd.s32 s1, s4;
	[tilespmem:v59+s19+$0x0] =	vst.idx.msk $0xffff, v33  }
0xa3: {  	[tilespmem:s14], [sflag:$0x5] =	stream.strided.gather [hbm4b:s4+s7], $0x2000, s9, s7, $0x38;
	[tilespmem:$0x12200] =	vst v63  }
0xa4: {  	v33 =	vld [tilespmem:s31+$0x0];
	_ =	sdelay $0x4  }
0xa5: {  	(v2sf) =	vpush v33, $0x5;
	_ =	sdelay $0xe  }
0xa6: {  	s28 =	spop (v2sf)  }
0xa7: {  	s4 =	sand.u32 $0x7F, s28  }
0xa8: {  	v60 =	vor.u32 s4, v20;
	_ =	sdelay $0x1  }
0xa9: {  	_ =	swait.ge [sflag:s24], $0x2000  }
0xaa: {  	[sflag:s24] =	ssyncset.done $0x0  }
0xab: {  	s29 =	sor.u32 $0x5, s3;
	[sflag:s24] =	ssyncadd.s32 $0xFFFFE000  }
0xac: {  	v61 =	vor.u32 s29, v0;
	v33 =	vld.idx.msk [tilespmem:v60+s10+$0x0], $0xffff  }
0xad: {  	v62 =	vor.u32 s4, v21;
	_ =	sdelay $0x3  }
0xae: {  	[tilespmem:v61+s19+$0x0] =	vst.idx.msk $0xffff, v33  }
0xaf: {  	v63 =	vor.u32 s29, v1;
	(v2sf) =	vpush v32, $0xD;
	v33 =	vld.idx.msk [tilespmem:v62+s10+$0x0], $0xffff  }
0xb0: {  	v36 =	vor.u32 s4, v22;
	_ =	sdelay $0x3  }
0xb1: {  	[tilespmem:v63+s19+$0x0] =	vst.idx.msk $0xffff, v33  }
0xb2: {  	v37 =	vor.u32 s29, v2;
	v33 =	vld.idx.msk [tilespmem:v36+s10+$0x0], $0xffff  }
0xb3: {  	v38 =	vor.u32 s4, v23;
	_ =	sdelay $0x3  }
0xb4: {  	[tilespmem:v37+s19+$0x0] =	vst.idx.msk $0xffff, v33  }
0xb5: {  	v39 =	vor.u32 s29, v3;
	v33 =	vld.idx.msk [tilespmem:v38+s10+$0x0], $0xffff;
	_ =	sdelay $0x2  }
0xb6: {  	s8 =	spop (v2sf)  }
0xb7: {  	s4 =	sand.u32 $0xFFFFF80, s8  }
0xb8: {  	s4 =	sadd.s32 s1, s4;
	[tilespmem:v39+s19+$0x0] =	vst.idx.msk $0xffff, v33  }
0xb9: {  	[tilespmem:s15], [sflag:$0x6] =	stream.strided.gather [hbm4b:s4+s7], $0x2000, s9, s7, $0x38;
	[tilespmem:$0x12200] =	vst v63  }
0xba: {  	v33 =	vld [tilespmem:s31+$0x0];
	_ =	sdelay $0x4  }
0xbb: {  	(v2sf) =	vpush v33, $0x6;
	_ =	sdelay $0xe  }
0xbc: {  	s28 =	spop (v2sf)  }
0xbd: {  	s4 =	sand.u32 $0x7F, s28  }
0xbe: {  	v40 =	vor.u32 s4, v24;
	_ =	sdelay $0x1  }
0xbf: {  	_ =	swait.ge [sflag:s25], $0x2000  }
0xc0: {  	[sflag:s25] =	ssyncset.done $0x0  }
0xc1: {  	s29 =	sor.u32 $0x6, s3;
	[sflag:s25] =	ssyncadd.s32 $0xFFFFE000  }
0xc2: {  	v41 =	vor.u32 s29, v0;
	v33 =	vld.idx.msk [tilespmem:v40+s10+$0x0], $0xffff  }
0xc3: {  	v42 =	vor.u32 s4, v25;
	_ =	sdelay $0x3  }
0xc4: {  	[tilespmem:v41+s19+$0x0] =	vst.idx.msk $0xffff, v33  }
0xc5: {  	v43 =	vor.u32 s29, v1;
	(v2sf) =	vpush v32, $0xE;
	v33 =	vld.idx.msk [tilespmem:v42+s10+$0x0], $0xffff  }
0xc6: {  	v44 =	vor.u32 s4, v26;
	_ =	sdelay $0x3  }
0xc7: {  	[tilespmem:v43+s19+$0x0] =	vst.idx.msk $0xffff, v33  }
0xc8: {  	v45 =	vor.u32 s29, v2;
	v33 =	vld.idx.msk [tilespmem:v44+s10+$0x0], $0xffff  }
0xc9: {  	v46 =	vor.u32 s4, v27;
	_ =	sdelay $0x3  }
0xca: {  	[tilespmem:v45+s19+$0x0] =	vst.idx.msk $0xffff, v33  }
0xcb: {  	v47 =	vor.u32 s29, v3;
	v33 =	vld.idx.msk [tilespmem:v46+s10+$0x0], $0xffff;
	_ =	sdelay $0x2  }
0xcc: {  	s8 =	spop (v2sf)  }
0xcd: {  	s4 =	sand.u32 $0xFFFFF80, s8  }
0xce: {  	s4 =	sadd.s32 s1, s4;
	[tilespmem:v47+s19+$0x0] =	vst.idx.msk $0xffff, v33  }
0xcf: {  	[tilespmem:s16], [sflag:$0x7] =	stream.strided.gather [hbm4b:s4+s7], $0x2000, s9, s7, $0x38;
	[tilespmem:$0x12200] =	vst v63  }
0xd0: {  	v33 =	vld [tilespmem:s31+$0x0];
	_ =	sdelay $0x4  }
0xd1: {  	(v2sf) =	vpush v33, $0x7;
	_ =	sdelay $0xe  }
0xd2: {  	s28 =	spop (v2sf)  }
0xd3: {  	s4 =	sand.u32 $0x7F, s28  }
0xd4: {  	v48 =	vor.u32 s4, v28;
	_ =	sdelay $0x1  }
0xd5: {  	_ =	swait.ge [sflag:s26], $0x2000  }
0xd6: {  	[sflag:s26] =	ssyncset.done $0x0  }
0xd7: {  	s29 =	sor.u32 $0x7, s3;
	[sflag:s26] =	ssyncadd.s32 $0xFFFFE000  }
0xd8: {  	v49 =	vor.u32 s29, v0;
	v33 =	vld.idx.msk [tilespmem:v48+s10+$0x0], $0xffff  }
0xd9: {  	v50 =	vor.u32 s4, v29;
	_ =	sdelay $0x3  }
0xda: {  	[tilespmem:v49+s19+$0x0] =	vst.idx.msk $0xffff, v33  }
0xdb: {  	v51 =	vor.u32 s29, v1;
	(v2sf) =	vpush v32, $0xF;
	v33 =	vld.idx.msk [tilespmem:v50+s10+$0x0], $0xffff  }
0xdc: {  	v52 =	vor.u32 s4, v30;
	_ =	sdelay $0x3  }
0xdd: {  	[tilespmem:v51+s19+$0x0] =	vst.idx.msk $0xffff, v33  }
0xde: {  	v53 =	vor.u32 s29, v2;
	v32 =	vld.idx.msk [tilespmem:v52+s10+$0x0], $0xffff  }
0xdf: {  	v54 =	vor.u32 s4, v31;
	_ =	sdelay $0x3  }
0xe0: {  	[tilespmem:v53+s19+$0x0] =	vst.idx.msk $0xffff, v32  }
0xe1: {  	v55 =	vor.u32 s29, v3;
	v32 =	vld.idx.msk [tilespmem:v54+s10+$0x0], $0xffff;
	_ =	sdelay $0x2  }
0xe2: {  	s28 =	spop (v2sf)  }
0xe3: {  	s4 =	sand.u32 $0xFFFFF80, s28  }
0xe4: {  	s4 =	sadd.s32 s1, s4;
	[tilespmem:v55+s19+$0x0] =	vst.idx.msk $0xffff, v32  }
0xe5: {  	[tilespmem:s17], [sflag:$0x8] =	stream.strided.gather [hbm4b:s4+s7], $0x2000, s9, s7, $0x38;
	[tilespmem:$0x12200] =	vst v63  }
0xe6: {  	v32 =	vld [tilespmem:s31+$0x0];
	_ =	sdelay $0x4  }
0xe7: {  	(v2sf) =	vpush v32, $0x8;
	_ =	sdelay $0xe  }
0xe8: {  	s29 =	spop (v2sf)  }
0xe9: {  	s4 =	sand.u32 $0x7F, s29  }
0xea: {  	p0 =	seq.s32 s0, $0x1F;
	s8 =	smov.u32 s30;
	v56 =	vor.u32 s4, v0  }
0xeb: {  	s8 =	simm.s32 @p0 $0x0  }
0xec: {  	v32 =	vld [tilespmem:s8+$0x0];
	_ =	swait.ge [sflag:s18], $0x2000  }
0xed: {  	[sflag:s18] =	ssyncset.done $0x0  }
0xee: {  	s28 =	sor.u32 $0x8, s3;
	[sflag:s18] =	ssyncadd.s32 $0xFFFFE000  }
0xef: {  	v57 =	vor.u32 s28, v0;
	v33 =	vld.idx.msk [tilespmem:v56+s10+$0x0], $0xffff  }
0xf0: {  	v58 =	vor.u32 s4, v1;
	_ =	sdelay $0x3  }
0xf1: {  	[tilespmem:v57+s19+$0x0] =	vst.idx.msk $0xffff, v33  }
0xf2: {  	v59 =	vor.u32 s28, v1;
	(v2sf) =	vpush @!p0 v32, $0x0;
	v33 =	vld.idx.msk [tilespmem:v58+s10+$0x0], $0xffff  }
0xf3: {  	v60 =	vor.u32 s4, v2;
	_ =	sdelay $0x3  }
0xf4: {  	[tilespmem:v59+s19+$0x0] =	vst.idx.msk $0xffff, v33  }
0xf5: {  	v61 =	vor.u32 s28, v2;
	v33 =	vld.idx.msk [tilespmem:v60+s10+$0x0], $0xffff  }
0xf6: {  	v62 =	vor.u32 s4, v3;
	_ =	sdelay $0x3  }
0xf7: {  	[tilespmem:v61+s19+$0x0] =	vst.idx.msk $0xffff, v33  }
0xf8: {  	v63 =	vor.u32 s28, v3;
	v33 =	vld.idx.msk [tilespmem:v62+s10+$0x0], $0xffff;
	_ =	sdelay $0x2  }
0xf9: {  	s4 =	spop @!p0 (v2sf)  }
0xfa: {  	s28 =	simm.s32 @!p0 $0x200;
	s4 =	sand.u32 @!p0 $0xFFFFF80, s4  }
0xfb: {  	s8 =	simm.s32 @!p0 $0x7A1400;
	s29 =	sadd.s32 @!p0 s1, s4;
	s4 =	simm.s32 @!p0 $0x400;
	[tilespmem:v63+s19+$0x0] =	vst.idx.msk $0xffff, v33  }
0xfc: {  	[tilespmem:s28], [sflag:$0x1] =	stream.strided.gather @!p0 [hbm4b:s29+s4], $0x2000, s8, s4, $0x38;
	[tilespmem:$0x12200] =	vst v63  }
0xfd: {  	v33 =	vld [tilespmem:s31+$0x0];
	_ =	sdelay $0x4  }
0xfe: {  	(v2sf) =	vpush v33, $0x9;
	_ =	sdelay $0xe  }
0xff: {  	s29 =	spop (v2sf)  }
0x100: {  	s28 =	sand.u32 $0x7F, s29  }
0x101: {  	v36 =	vor.u32 s28, v4;
	_ =	sdelay $0x1  }
0x102: {  	_ =	swait.ge [sflag:s20], $0x2000  }
0x103: {  	[sflag:s20] =	ssyncset.done $0x0  }
0x104: {  	s29 =	sor.u32 $0x9, s3;
	[sflag:s20] =	ssyncadd.s32 $0xFFFFE000  }
0x105: {  	v37 =	vor.u32 s29, v0;
	v33 =	vld.idx.msk [tilespmem:v36+s10+$0x0], $0xffff  }
0x106: {  	v38 =	vor.u32 s28, v5;
	_ =	sdelay $0x3  }
0x107: {  	[tilespmem:v37+s19+$0x0] =	vst.idx.msk $0xffff, v33  }
0x108: {  	v39 =	vor.u32 s29, v1;
	(v2sf) =	vpush @!p0 v32, $0x1;
	v33 =	vld.idx.msk [tilespmem:v38+s10+$0x0], $0xffff  }
0x109: {  	v40 =	vor.u32 s28, v6;
	_ =	sdelay $0x3  }
0x10a: {  	[tilespmem:v39+s19+$0x0] =	vst.idx.msk $0xffff, v33  }
0x10b: {  	v41 =	vor.u32 s29, v2;
	v33 =	vld.idx.msk [tilespmem:v40+s10+$0x0], $0xffff  }
0x10c: {  	v42 =	vor.u32 s28, v7;
	_ =	sdelay $0x3  }
0x10d: {  	[tilespmem:v41+s19+$0x0] =	vst.idx.msk $0xffff, v33  }
0x10e: {  	v43 =	vor.u32 s29, v3;
	v33 =	vld.idx.msk [tilespmem:v42+s10+$0x0], $0xffff;
	_ =	sdelay $0x2  }
0x10f: {  	s28 =	spop @!p0 (v2sf)  }
0x110: {  	s28 =	sand.u32 @!p0 $0xFFFFF80, s28  }
0x111: {  	s29 =	simm.s32 @!p0 $0x2200;
	s28 =	sadd.s32 @!p0 s1, s28;
	[tilespmem:v43+s19+$0x0] =	vst.idx.msk $0xffff, v33  }
0x112: {  	[tilespmem:s29], [sflag:$0x2] =	stream.strided.gather @!p0 [hbm4b:s28+s4], $0x2000, s8, s4, $0x38;
	[tilespmem:$0x12200] =	vst v63  }
0x113: {  	v33 =	vld [tilespmem:s31+$0x0];
	_ =	sdelay $0x4  }
0x114: {  	(v2sf) =	vpush v33, $0xA;
	_ =	sdelay $0xe  }
0x115: {  	s29 =	spop (v2sf)  }
0x116: {  	s28 =	sand.u32 $0x7F, s29  }
0x117: {  	v44 =	vor.u32 s28, v8;
	_ =	sdelay $0x1  }
0x118: {  	_ =	swait.ge [sflag:s21], $0x2000  }
0x119: {  	[sflag:s21] =	ssyncset.done $0x0  }
0x11a: {  	s29 =	sor.u32 $0xA, s3;
	[sflag:s21] =	ssyncadd.s32 $0xFFFFE000  }
0x11b: {  	v45 =	vor.u32 s29, v0;
	v33 =	vld.idx.msk [tilespmem:v44+s10+$0x0], $0xffff  }
0x11c: {  	v46 =	vor.u32 s28, v9;
	_ =	sdelay $0x3  }
0x11d: {  	[tilespmem:v45+s19+$0x0] =	vst.idx.msk $0xffff, v33  }
0x11e: {  	v47 =	vor.u32 s29, v1;
	(v2sf) =	vpush @!p0 v32, $0x2;
	v33 =	vld.idx.msk [tilespmem:v46+s10+$0x0], $0xffff  }
0x11f: {  	v48 =	vor.u32 s28, v10;
	_ =	sdelay $0x3  }
0x120: {  	[tilespmem:v47+s19+$0x0] =	vst.idx.msk $0xffff, v33  }
0x121: {  	v49 =	vor.u32 s29, v2;
	v33 =	vld.idx.msk [tilespmem:v48+s10+$0x0], $0xffff  }
0x122: {  	v50 =	vor.u32 s28, v11;
	_ =	sdelay $0x3  }
0x123: {  	[tilespmem:v49+s19+$0x0] =	vst.idx.msk $0xffff, v33  }
0x124: {  	v51 =	vor.u32 s29, v3;
	v33 =	vld.idx.msk [tilespmem:v50+s10+$0x0], $0xffff;
	_ =	sdelay $0x2  }
0x125: {  	s28 =	spop @!p0 (v2sf)  }
0x126: {  	s28 =	sand.u32 @!p0 $0xFFFFF80, s28  }
0x127: {  	s29 =	simm.s32 @!p0 $0x4200;
	s28 =	sadd.s32 @!p0 s1, s28;
	[tilespmem:v51+s19+$0x0] =	vst.idx.msk $0xffff, v33  }
0x128: {  	[tilespmem:s29], [sflag:$0x3] =	stream.strided.gather @!p0 [hbm4b:s28+s4], $0x2000, s8, s4, $0x38;
	[tilespmem:$0x12200] =	vst v63  }
0x129: {  	v33 =	vld [tilespmem:s31+$0x0];
	_ =	sdelay $0x4  }
0x12a: {  	(v2sf) =	vpush v33, $0xB;
	_ =	sdelay $0xe  }
0x12b: {  	s29 =	spop (v2sf)  }
0x12c: {  	s28 =	sand.u32 $0x7F, s29  }
0x12d: {  	v52 =	vor.u32 s28, v12;
	_ =	sdelay $0x1  }
0x12e: {  	_ =	swait.ge [sflag:s22], $0x2000  }
0x12f: {  	[sflag:s22] =	ssyncset.done $0x0  }
0x130: {  	s29 =	sor.u32 $0xB, s3;
	[sflag:s22] =	ssyncadd.s32 $0xFFFFE000  }
0x131: {  	v53 =	vor.u32 s29, v0;
	v33 =	vld.idx.msk [tilespmem:v52+s10+$0x0], $0xffff  }
0x132: {  	v54 =	vor.u32 s28, v13;
	_ =	sdelay $0x3  }
0x133: {  	[tilespmem:v53+s19+$0x0] =	vst.idx.msk $0xffff, v33  }
0x134: {  	v55 =	vor.u32 s29, v1;
	(v2sf) =	vpush @!p0 v32, $0x3;
	v33 =	vld.idx.msk [tilespmem:v54+s10+$0x0], $0xffff  }
0x135: {  	v56 =	vor.u32 s28, v14;
	_ =	sdelay $0x3  }
0x136: {  	[tilespmem:v55+s19+$0x0] =	vst.idx.msk $0xffff, v33  }
0x137: {  	v57 =	vor.u32 s29, v2;
	v33 =	vld.idx.msk [tilespmem:v56+s10+$0x0], $0xffff  }
0x138: {  	v58 =	vor.u32 s28, v15;
	_ =	sdelay $0x3  }
0x139: {  	[tilespmem:v57+s19+$0x0] =	vst.idx.msk $0xffff, v33  }
0x13a: {  	v59 =	vor.u32 s29, v3;
	v33 =	vld.idx.msk [tilespmem:v58+s10+$0x0], $0xffff;
	_ =	sdelay $0x2  }
0x13b: {  	s28 =	spop @!p0 (v2sf)  }
0x13c: {  	s28 =	sand.u32 @!p0 $0xFFFFF80, s28  }
0x13d: {  	s29 =	simm.s32 @!p0 $0x6200;
	s28 =	sadd.s32 @!p0 s1, s28;
	[tilespmem:v59+s19+$0x0] =	vst.idx.msk $0xffff, v33  }
0x13e: {  	[tilespmem:s29], [sflag:$0x4] =	stream.strided.gather @!p0 [hbm4b:s28+s4], $0x2000, s8, s4, $0x38;
	[tilespmem:$0x12200] =	vst v63  }
0x13f: {  	v33 =	vld [tilespmem:s31+$0x0];
	_ =	sdelay $0x4  }
0x140: {  	(v2sf) =	vpush v33, $0xC;
	_ =	sdelay $0xe  }
0x141: {  	s29 =	spop (v2sf)  }
0x142: {  	s28 =	sand.u32 $0x7F, s29  }
0x143: {  	v60 =	vor.u32 s28, v16;
	_ =	sdelay $0x1  }
0x144: {  	_ =	swait.ge [sflag:s23], $0x2000  }
0x145: {  	[sflag:s23] =	ssyncset.done $0x0  }
0x146: {  	s29 =	sor.u32 $0xC, s3;
	[sflag:s23] =	ssyncadd.s32 $0xFFFFE000  }
0x147: {  	v61 =	vor.u32 s29, v0;
	v33 =	vld.idx.msk [tilespmem:v60+s10+$0x0], $0xffff  }
0x148: {  	v62 =	vor.u32 s28, v17;
	_ =	sdelay $0x3  }
0x149: {  	[tilespmem:v61+s19+$0x0] =	vst.idx.msk $0xffff, v33  }
0x14a: {  	v63 =	vor.u32 s29, v1;
	(v2sf) =	vpush @!p0 v32, $0x4;
	v33 =	vld.idx.msk [tilespmem:v62+s10+$0x0], $0xffff  }
0x14b: {  	v36 =	vor.u32 s28, v18;
	_ =	sdelay $0x3  }
0x14c: {  	[tilespmem:v63+s19+$0x0] =	vst.idx.msk $0xffff, v33  }
0x14d: {  	v37 =	vor.u32 s29, v2;
	v33 =	vld.idx.msk [tilespmem:v36+s10+$0x0], $0xffff  }
0x14e: {  	v38 =	vor.u32 s28, v19;
	_ =	sdelay $0x3  }
0x14f: {  	[tilespmem:v37+s19+$0x0] =	vst.idx.msk $0xffff, v33  }
0x150: {  	v39 =	vor.u32 s29, v3;
	v33 =	vld.idx.msk [tilespmem:v38+s10+$0x0], $0xffff;
	_ =	sdelay $0x2  }
0x151: {  	s28 =	spop @!p0 (v2sf)  }
0x152: {  	s28 =	sand.u32 @!p0 $0xFFFFF80, s28  }
0x153: {  	s29 =	simm.s32 @!p0 $0x8200;
	s28 =	sadd.s32 @!p0 s1, s28;
	[tilespmem:v39+s19+$0x0] =	vst.idx.msk $0xffff, v33  }
0x154: {  	[tilespmem:s29], [sflag:$0x5] =	stream.strided.gather @!p0 [hbm4b:s28+s4], $0x2000, s8, s4, $0x38;
	[tilespmem:$0x12200] =	vst v63  }
0x155: {  	v33 =	vld [tilespmem:s31+$0x0];
	_ =	sdelay $0x4  }
0x156: {  	(v2sf) =	vpush v33, $0xD;
	_ =	sdelay $0xe  }
0x157: {  	s29 =	spop (v2sf)  }
0x158: {  	s28 =	sand.u32 $0x7F, s29  }
0x159: {  	v40 =	vor.u32 s28, v20;
	_ =	sdelay $0x1  }
0x15a: {  	_ =	swait.ge [sflag:s24], $0x2000  }
0x15b: {  	[sflag:s24] =	ssyncset.done $0x0  }
0x15c: {  	s29 =	sor.u32 $0xD, s3;
	[sflag:s24] =	ssyncadd.s32 $0xFFFFE000  }
0x15d: {  	v41 =	vor.u32 s29, v0;
	v33 =	vld.idx.msk [tilespmem:v40+s10+$0x0], $0xffff  }
0x15e: {  	v42 =	vor.u32 s28, v21;
	_ =	sdelay $0x3  }
0x15f: {  	[tilespmem:v41+s19+$0x0] =	vst.idx.msk $0xffff, v33  }
0x160: {  	v43 =	vor.u32 s29, v1;
	(v2sf) =	vpush @!p0 v32, $0x5;
	v33 =	vld.idx.msk [tilespmem:v42+s10+$0x0], $0xffff  }
0x161: {  	v44 =	vor.u32 s28, v22;
	_ =	sdelay $0x3  }
0x162: {  	[tilespmem:v43+s19+$0x0] =	vst.idx.msk $0xffff, v33  }
0x163: {  	v45 =	vor.u32 s29, v2;
	v33 =	vld.idx.msk [tilespmem:v44+s10+$0x0], $0xffff  }
0x164: {  	v46 =	vor.u32 s28, v23;
	_ =	sdelay $0x3  }
0x165: {  	[tilespmem:v45+s19+$0x0] =	vst.idx.msk $0xffff, v33  }
0x166: {  	v47 =	vor.u32 s29, v3;
	v33 =	vld.idx.msk [tilespmem:v46+s10+$0x0], $0xffff;
	_ =	sdelay $0x2  }
0x167: {  	s28 =	spop @!p0 (v2sf)  }
0x168: {  	s28 =	sand.u32 @!p0 $0xFFFFF80, s28  }
0x169: {  	s29 =	simm.s32 @!p0 $0xA200;
	s28 =	sadd.s32 @!p0 s1, s28;
	[tilespmem:v47+s19+$0x0] =	vst.idx.msk $0xffff, v33  }
0x16a: {  	[tilespmem:s29], [sflag:$0x6] =	stream.strided.gather @!p0 [hbm4b:s28+s4], $0x2000, s8, s4, $0x38;
	[tilespmem:$0x12200] =	vst v63  }
0x16b: {  	v33 =	vld [tilespmem:s31+$0x0];
	_ =	sdelay $0x4  }
0x16c: {  	(v2sf) =	vpush v33, $0xE;
	_ =	sdelay $0xe  }
0x16d: {  	s29 =	spop (v2sf)  }
0x16e: {  	s28 =	sand.u32 $0x7F, s29  }
0x16f: {  	v48 =	vor.u32 s28, v24;
	_ =	sdelay $0x1  }
0x170: {  	_ =	swait.ge [sflag:s25], $0x2000  }
0x171: {  	[sflag:s25] =	ssyncset.done $0x0  }
0x172: {  	s29 =	sor.u32 $0xE, s3;
	[sflag:s25] =	ssyncadd.s32 $0xFFFFE000  }
0x173: {  	v49 =	vor.u32 s29, v0;
	v33 =	vld.idx.msk [tilespmem:v48+s10+$0x0], $0xffff  }
0x174: {  	v50 =	vor.u32 s28, v25;
	_ =	sdelay $0x3  }
0x175: {  	[tilespmem:v49+s19+$0x0] =	vst.idx.msk $0xffff, v33  }
0x176: {  	v51 =	vor.u32 s29, v1;
	(v2sf) =	vpush @!p0 v32, $0x6;
	v33 =	vld.idx.msk [tilespmem:v50+s10+$0x0], $0xffff  }
0x177: {  	v52 =	vor.u32 s28, v26;
	_ =	sdelay $0x3  }
0x178: {  	[tilespmem:v51+s19+$0x0] =	vst.idx.msk $0xffff, v33  }
0x179: {  	v53 =	vor.u32 s29, v2;
	v33 =	vld.idx.msk [tilespmem:v52+s10+$0x0], $0xffff  }
0x17a: {  	v54 =	vor.u32 s28, v27;
	_ =	sdelay $0x3  }
0x17b: {  	[tilespmem:v53+s19+$0x0] =	vst.idx.msk $0xffff, v33  }
0x17c: {  	v55 =	vor.u32 s29, v3;
	v33 =	vld.idx.msk [tilespmem:v54+s10+$0x0], $0xffff;
	_ =	sdelay $0x2  }
0x17d: {  	s28 =	spop @!p0 (v2sf)  }
0x17e: {  	s28 =	sand.u32 @!p0 $0xFFFFF80, s28  }
0x17f: {  	s29 =	simm.s32 @!p0 $0xC200;
	s28 =	sadd.s32 @!p0 s1, s28;
	[tilespmem:v55+s19+$0x0] =	vst.idx.msk $0xffff, v33  }
0x180: {  	[tilespmem:s29], [sflag:$0x7] =	stream.strided.gather @!p0 [hbm4b:s28+s4], $0x2000, s8, s4, $0x38;
	[tilespmem:$0x12200] =	vst v63  }
0x181: {  	v33 =	vld [tilespmem:s31+$0x0];
	_ =	sdelay $0x4  }
0x182: {  	(v2sf) =	vpush v33, $0xF;
	_ =	sdelay $0xe  }
0x183: {  	s29 =	spop (v2sf)  }
0x184: {  	s28 =	sand.u32 $0x7F, s29  }
0x185: {  	v56 =	vor.u32 s28, v28;
	_ =	sdelay $0x1  }
0x186: {  	_ =	swait.ge [sflag:s26], $0x2000  }
0x187: {  	[sflag:s26] =	ssyncset.done $0x0  }
0x188: {  	s3 =	sor.u32 $0xF, s3;
	[sflag:s26] =	ssyncadd.s32 $0xFFFFE000  }
0x189: {  	v57 =	vor.u32 s3, v0;
	v33 =	vld.idx.msk [tilespmem:v56+s10+$0x0], $0xffff  }
0x18a: {  	v58 =	vor.u32 s28, v29;
	_ =	sdelay $0x3  }
0x18b: {  	[tilespmem:v57+s19+$0x0] =	vst.idx.msk $0xffff, v33  }
0x18c: {  	v59 =	vor.u32 s3, v1;
	(v2sf) =	vpush @!p0 v32, $0x7;
	v33 =	vld.idx.msk [tilespmem:v58+s10+$0x0], $0xffff  }
0x18d: {  	v60 =	vor.u32 s28, v30;
	_ =	sdelay $0x3  }
0x18e: {  	[tilespmem:v59+s19+$0x0] =	vst.idx.msk $0xffff, v33  }
0x18f: {  	v61 =	vor.u32 s3, v2;
	v32 =	vld.idx.msk [tilespmem:v60+s10+$0x0], $0xffff  }
0x190: {  	v62 =	vor.u32 s28, v31;
	_ =	sdelay $0x3  }
0x191: {  	[tilespmem:v61+s19+$0x0] =	vst.idx.msk $0xffff, v32  }
0x192: {  	v63 =	vor.u32 s3, v3;
	v32 =	vld.idx.msk [tilespmem:v62+s10+$0x0], $0xffff;
	_ =	sdelay $0x2  }
0x193: {  	s3 =	spop @!p0 (v2sf)  }
0x194: {  	s3 =	sand.u32 @!p0 $0xFFFFF80, s3  }
0x195: {  	s28 =	simm.s32 @!p0 $0xE200;
	s3 =	sadd.s32 @!p0 s1, s3;
	[tilespmem:v63+s19+$0x0] =	vst.idx.msk $0xffff, v32  }
0x196: {  	[tilespmem:s28], [sflag:$0x8] =	stream.strided.gather @!p0 [hbm4b:s3+s4], $0x2000, s8, s4, $0x38;
	[tilespmem:$0x12200] =	vst v63  }
0x197: {  	s3 =	sand.u32 @!p0 $0x7, s0  }
0x198: {  	p1 =	sne.s32 @!p0 s3, $0x7  }
0x199: {  	p0 =	por p0, !p1  }
0x19a: {  	s2 =	sand.u32 @p0 $0x180, s2  }
0x19b: {  	s3 =	simm.s32 @p0 $0x20000;
	s2 =	sadd.s32 @p0 s2, s5  }
0x19c: {  	[hbm4b:s2+s7] =	stream.strided.scatter @p0 [tilespmem:s19], [sflag:$0x9], $0x2000, s3, s7, $0x38;
	[tilespmem:$0x12200] =	vst v63  }
0x19d: {  	_ =	swait.ge @p0 [sflag:s6], $0x2000  }
0x19e: {  	s0 =	sadd.s32 $0x1, s0;
	[sflag:s6] =	ssyncset.done @p0 $0x0  }
0x19f: {  	[sflag:s6] =	ssyncadd.s32 @p0 $0xFFFFE000;
	p0 =	sne.s32 s0, $0x20  }
.Ltmp0:
0x1a0: {  	_ = 	snop;
	(pc) =	sbr.rel @p0 .LBB2_2-.Ltmp0, $2  }
0x1a1: {  	_ =	sdelay $0x2  }
0x1a2: {  	s30 =	sadd.s32 $0x10, s30;
	s31 =	sadd.s32 $0x10, s31  }
0x1a3: {  	s2 =	rddreg [dreg:$0x6]  }
0x1a4: {  	s0 =	rddreg [dreg:$0x5];
	s2 =	sadd.s32 $0x1, s2  }
0x1a5: {  	p0 =	sne.s32 s2, s0  }
.Ltmp1:
0x1a6: {  	_ = 	snop;
	(pc) =	sbr.rel @p0 .LBB2_1-.Ltmp1, $1  }
0x1a7: {  	_ =	sdelay $0x3  }
0x1a8: {  	_ =	sfence.sel $0x180000  }
0x1a9: {  	[bflag:$0x0] =	sbarrier.arrive $0xFFFF  }
0x1aa: {  	_ =	strace $0x9000004A  }
0x1ab: {  	s0 =	stileid.u32;
	[bflag:$0x2] =	sbarrier.arrive $0xFFFF  }
0x1ac: {  	p0 =	sne.s32 s0, $0x0;
	s0 =	rddreg [dreg:$0x3]  }
0x1ad: {  	s0 =	sadd.s32 @!p0 $0x100000, s0  }
0x1ae: {  	[sflag:s0] =	ssyncadd.tile.s32 @!p0 $0x1;
	_ =	shalt  }
.Lfunc_end2:
_tile_overlayer_lowered:
.L_overlay_start_2:
0x1af: {  	(tag) =	ssettag $0x2  }
0x1b0: {  	s0 =	rddreg [dreg:$0x0];
	s2 =	stileid.u32  }
0x1b1: {  	s1 =	rddreg [dreg:$0x1];
	p0 =	sne.s32 s2, $0x0  }
0x1b2: {  	s3 =	rddreg [dreg:$0x2];
	[bflag:$0x3] =	sbarrier.arrive $0xFFFF;
	s2 =	simm.s32 @!p0 $0x1C09  }
0x1b3: {  	[timem:s3], [sflag:s2] =	dma.local @!p0 [hbm:s0], s1  }
0x1b4: {  	s0 =	simm.s32 @!p0 $0x9  }
0x1b5: {  	_ =	swait.ge @!p0 [sflag:s0], s1  }
0x1b6: {  	s1 =	ssub.s32 @!p0 $0x0, s1;
	[sflag:s0] =	ssyncset.done @!p0 $0x0  }
0x1b7: {  	[sflag:s0] =	ssyncadd.s32 @!p0 s1  }
0x1b8: {  	[bflag:$0x3] =	sbarrier.arrive $0xFFFF  }
0x1b9: {  	_ =	shalt  }

</sc_bundles>
